<compile_context>
chip_gen: v7x
topology: tpu7x:2x2x1
jax: 0.10.2.dev20260603
libtpu: 0.0.44.dev20260713+nightly
codegen_flags: <defaults>
</compile_context>

<pallas_src>
import jax
import jax.numpy as jnp
from jax import lax
from jax.experimental import pallas as pl
from jax.experimental.pallas import tpu as pltpu
from jax.experimental.pallas import tpu_sc as plsc

_N_HEADS = 8
_EMBED = 256
_HEAD_DIM = 32
_B = 16
_LQ = 300
_LV = 8500
_BQ = _B * _LQ
_ROWS = _BQ * _N_HEADS

_NW = 32
_BQ_PER_W = _BQ // _NW
_ROW0_STEP = _BQ_PER_W * _N_HEADS


def _mm_kernel(x_ref, w_ref, b_ref, o_ref):
    o_ref[...] = (
        jnp.dot(x_ref[...], w_ref[...], preferred_element_type=jnp.float32)
        + b_ref[...]
    )


def _mm2_kernel(x_ref, w_ref, b_ref, o1_ref, o2_ref):
    res = (
        jnp.dot(x_ref[...], w_ref[...], preferred_element_type=jnp.float32,
                precision=lax.Precision.DEFAULT)
        + b_ref[...]
    )
    o1_ref[...] = res[:, :128]
    o2_ref[...] = res[:, 128:]


def _matmul_bias_split(x, w, b, bm):
    m, k = x.shape
    n = w.shape[1]
    out1, out2 = pl.pallas_call(
        _mm2_kernel,
        grid=(m // bm,),
        in_specs=[
            pl.BlockSpec((bm, k), lambda i: (i, 0)),
            pl.BlockSpec((k, n), lambda i: (0, 0)),
            pl.BlockSpec((1, n), lambda i: (0, 0)),
        ],
        out_specs=[
            pl.BlockSpec((bm, 128), lambda i: (i, 0)),
            pl.BlockSpec((bm, 128), lambda i: (i, 0)),
        ],
        out_shape=[
            jax.ShapeDtypeStruct((m, 128), jnp.float32),
            jax.ShapeDtypeStruct((m, 128), jnp.float32),
        ],
    )(x, w, b.reshape(1, n))
    return out1, out2


def _matmul_bias(x, w, b, bm):
    m, k = x.shape
    n = w.shape[1]
    return pl.pallas_call(
        _mm_kernel,
        grid=(m // bm,),
        in_specs=[
            pl.BlockSpec((bm, k), lambda i: (i, 0)),
            pl.BlockSpec((k, n), lambda i: (0, 0)),
            pl.BlockSpec((1, n), lambda i: (0, 0)),
        ],
        out_specs=pl.BlockSpec((bm, n), lambda i: (i, 0)),
        out_shape=jax.ShapeDtypeStruct((m, n), jnp.float32),
    )(x, w, b.reshape(1, n))


def _splat(val):
    return jnp.full((16,), val)


def _sc_body(s_hbm, rp_hbm, ve_hbm, vo_hbm, out_hbm, s_buf, rp_buf, idx_buf,
             w_buf, g_buf, out_buf, gsem, ssem, osem):
    nc = 2
    wid = lax.axis_index("s") * nc + lax.axis_index("c")
    b = wid // 2
    vbase = b * 4

    iota = lax.iota(jnp.int32, 16)
    level = lax.shift_right_logical(iota, 2)
    wpi = lax.shift_right_logical(jnp.full((16,), 80, jnp.int32), level)
    offp = jnp.where(
        level == 0, 0,
        jnp.where(level == 1, 6400, jnp.where(level == 2, 8000, 8400)))
    wp = wpi.astype(jnp.float32)
    hp = wp
    wm1 = wpi - 1
    hm1 = wm1

    bq0 = wid * _BQ_PER_W
    pltpu.async_copy(s_hbm.at[bq0], s_buf.at[0], ssem.at[0])
    pltpu.async_copy(rp_hbm.at[bq0 // 4], rp_buf.at[0], ssem.at[0])

    def body(i, carry):
        par = lax.rem(i, 2)

        @pl.when(i < _BQ_PER_W)
        def _produce():
            bq = wid * _BQ_PER_W + i
            bqn = wid * _BQ_PER_W + jnp.minimum(i + 1, _BQ_PER_W - 1)
            pltpu.async_copy(s_hbm.at[bqn], s_buf.at[1 - par],
                             ssem.at[1 - par])
            pltpu.async_copy(rp_hbm.at[bqn // 4], rp_buf.at[1 - par],
                             ssem.at[1 - par])
            pltpu.make_async_copy(
                s_hbm.at[bq], s_buf.at[par], ssem.at[par]).wait()
            pltpu.make_async_copy(
                rp_hbm.at[bq // 4], rp_buf.at[par], ssem.at[par]).wait()
            u = (bq % 4) * 4
            rx = plsc.load_gather(rp_buf, [_splat(par), _splat(u)])
            ry = plsc.load_gather(rp_buf, [_splat(par), _splat(u + 1)])
            rw = plsc.load_gather(rp_buf, [_splat(par), _splat(u + 2)])
            rh = plsc.load_gather(rp_buf, [_splat(par), _splat(u + 3)])
            sclx = rw * 0.125
            scly = rh * 0.125

            for h in range(_N_HEADS):
                logits = s_buf[par, pl.ds(_EMBED + h * 16, 16)]
                mx = jnp.max(logits)
                e = jnp.exp(logits - mx)
                p = e / jnp.full((16,), jnp.sum(e))

                sx = plsc.load_gather(
                    s_buf, [_splat(par), iota * 2 + (h * 32)])
                sy = plsc.load_gather(
                    s_buf, [_splat(par), iota * 2 + (h * 32 + 1)])
                x = (rx + sx * sclx) * wp - 0.5
                y = (ry + sy * scly) * hp - 0.5
                xi = x.astype(jnp.int32)
                xf = xi.astype(jnp.float32)
                x0i = jnp.where(xf > x, xi - 1, xi)
                fx = x - jnp.where(xf > x, xf - 1.0, xf)
                yi = y.astype(jnp.int32)
                yf = yi.astype(jnp.float32)
                y0i = jnp.where(yf > y, yi - 1, yi)
                fy = y - jnp.where(yf > y, yf - 1.0, yf)
                gx = 1.0 - fx
                gy = 1.0 - fy
                x1i = x0i + 1
                y1i = y0i + 1
                vx0 = (x0i >= 0) & (x0i <= wm1)
                vx1 = (x1i >= 0) & (x1i <= wm1)
                vy0 = (y0i >= 0) & (y0i <= hm1)
                vy1 = (y1i >= 0) & (y1i <= hm1)
                cx0 = jnp.clip(x0i, 0, wm1)
                cx1 = jnp.clip(x1i, 0, wm1)
                cy0 = jnp.clip(y0i, 0, hm1)
                cy1 = jnp.clip(y1i, 0, hm1)
                r0 = offp + cy0 * wpi
                r1 = offp + cy1 * wpi
                base = vbase + (h & 3)
                corners = (
                    (r0 + cx0, gx * gy * (vx0 & vy0).astype(jnp.float32)),
                    (r0 + cx1, fx * gy * (vx1 & vy0).astype(jnp.float32)),
                    (r1 + cx0, gx * fy * (vx0 & vy1).astype(jnp.float32)),
                    (r1 + cx1, fx * fy * (vx1 & vy1).astype(jnp.float32)),
                )
                for c, (ridx, wgt) in enumerate(corners):
                    flat = h * 64 + c * 16
                    idx_buf[par, flat >> 7, pl.ds(flat & 127, 16)] = (
                        ridx * 64 + base)
                    w_buf[par, pl.ds(flat, 16)] = wgt * p

            for j in range(4):
                tbl = ve_hbm if j < 2 else vo_hbm
                pltpu.async_copy(
                    tbl.at[idx_buf.at[par, j]],
                    g_buf.at[par, pl.ds(j * 128, 128)],
                    gsem.at[par],
                )


        @pl.when(i > 0)
        def _consume():
            i1 = i - 1
            par1 = lax.rem(i1, 2)
            for _ in range(4):
                pltpu.make_async_copy(
                    ve_hbm.at[idx_buf.at[par1, 0]],
                    g_buf.at[par1, pl.ds(0, 128)],
                    gsem.at[par1],
                ).wait()

            row0 = wid * _ROW0_STEP + i1 * _N_HEADS

            @pl.when(i1 >= 2)
            def _drain_out():
                pltpu.make_async_copy(
                    out_buf.at[par1],
                    out_hbm.at[pl.ds(row0, _N_HEADS)],
                    osem.at[par1]).wait()

            def acc_row(r, carry2):
                acc0 = jnp.zeros((16,), jnp.float32)
                acc1 = jnp.zeros((16,), jnp.float32)
                for j in range(64):
                    n_ = r * 64 + j
                    wj = plsc.load_gather(
                        w_buf, [_splat(par1), _splat(n_)])
                    acc0 = acc0 + wj * g_buf[par1, n_, pl.ds(0, 16)]
                    acc1 = acc1 + wj * g_buf[par1, n_, pl.ds(16, 16)]
                out_buf[par1, r, pl.ds(0, 16)] = acc0
                out_buf[par1, r, pl.ds(16, 16)] = acc1
                return carry2

            lax.fori_loop(0, _N_HEADS, acc_row, 0)

            pltpu.async_copy(
                out_buf.at[par1],
                out_hbm.at[pl.ds(row0, _N_HEADS)],
                osem.at[par1])

        return carry

    lax.fori_loop(0, _BQ_PER_W + 1, body, 0)

    for parf in range(2):
        pltpu.make_async_copy(
            out_buf.at[parf],
            out_hbm.at[pl.ds(wid * _ROW0_STEP, _N_HEADS)],
            osem.at[parf]).wait()


def _sc_sample(s_all, rp16, veven, vodd):
    mesh = plsc.VectorSubcoreMesh(core_axis_name="c", subcore_axis_name="s")
    f = pl.kernel(
        _sc_body,
        out_type=jax.ShapeDtypeStruct((_ROWS, _HEAD_DIM), jnp.float32),
        mesh=mesh,
        compiler_params=pltpu.CompilerParams(
            needs_layout_passes=False, use_tc_tiling_on_sc=False),
        scratch_types=[
            pltpu.VMEM((2, 384), jnp.float32),
            pltpu.VMEM((2, 16), jnp.float32),
            pltpu.VMEM((2, 4, 128), jnp.int32),
            pltpu.VMEM((2, 512), jnp.float32),
            pltpu.VMEM((2, 512, _HEAD_DIM), jnp.float32),
            pltpu.VMEM((2, _N_HEADS, _HEAD_DIM), jnp.float32),
            pltpu.SemaphoreType.DMA((2,)),
            pltpu.SemaphoreType.DMA((2,)),
            pltpu.SemaphoreType.DMA((2,)),
        ],
    )
    return f(s_all, rp16, veven, vodd)


def kernel(query, reference_points, value, Wv, bv, Ws, bs_, Wa, ba, Wo, bo):
    q2 = query.reshape(_BQ, _EMBED)
    v2 = value.transpose(1, 0, 2).reshape(_LV * _B, _EMBED)

    ve, vo = _matmul_bias_split(v2, Wv, bv, bm=1088)
    wsa = jnp.concatenate([Ws, Wa], axis=1)
    bsa = jnp.concatenate([bs_, ba])
    s_all = _matmul_bias(q2, wsa, bsa, bm=600)

    rp16 = reference_points.reshape(_BQ // 4, 16)
    veven = ve.reshape(_LV * _B * 4, _HEAD_DIM)
    vodd = vo.reshape(_LV * _B * 4, _HEAD_DIM)
    sampled = _sc_sample(s_all, rp16, veven, vodd)

    out = _matmul_bias(sampled.reshape(_BQ, _EMBED), Wo, bo, bm=600)
    return out.reshape(_B, _LQ, _EMBED)

# --- scband reference (transcript-rebuilt; emitter-appended) ---
"""Pipeline reference for scband-msdeformable-attention-14860586844346 (READ-ONLY COPY).

The authoritative reference and input builder live on the scoring server;
editing this copy changes nothing except your own understanding.
"""

import jax, jax.numpy as jnp
import numpy as np
import math

SPATIAL_SHAPES = [(80, 80), (40, 40), (20, 20), (10, 10)]
NUM_POINTS_LIST = [4, 4, 4, 4]
N_HEADS = 8
N_LEVELS = 4
EMBED_DIM = 256
OFFSET_SCALE = 0.5
HEAD_DIM = EMBED_DIM // N_HEADS
SUM_POINTS = sum(NUM_POINTS_LIST)
TOTAL_POINTS = N_HEADS * SUM_POINTS
NUM_POINTS_SCALE = np.array([1.0 / n for n in NUM_POINTS_LIST for _ in range(n)], dtype=np.float32)


def _grid_init_bias():
    thetas = np.arange(N_HEADS, dtype=np.float32) * (2.0 * math.pi / N_HEADS)
    grid = np.stack([np.cos(thetas), np.sin(thetas)], -1)
    grid = grid / np.abs(grid).max(-1, keepdims=True)
    grid = np.tile(grid.reshape(N_HEADS, 1, 2), (1, SUM_POINTS, 1))
    scaling = np.concatenate([np.arange(1, n + 1) for n in NUM_POINTS_LIST]).reshape(1, -1, 1).astype(np.float32)
    grid = grid * scaling
    return grid.reshape(-1).astype(np.float32)


def setup_inputs(seed: int = 0):
    key = jax.random.key(seed)
    ks = jax.random.split(key, 10)
    B, Lq = 16, 300
    Lv = sum(h * w for h, w in SPATIAL_SHAPES)
    query = jax.random.normal(ks[0], (B, Lq, EMBED_DIM), dtype=jnp.float32)
    reference_points = jax.random.uniform(ks[1], (B, Lq, 1, 4), dtype=jnp.float32)
    value = jax.random.normal(ks[2], (B, Lv, EMBED_DIM), dtype=jnp.float32)
    s = 1.0 / math.sqrt(EMBED_DIM)
    Wv = jax.random.normal(ks[3], (EMBED_DIM, EMBED_DIM), dtype=jnp.float32) * s
    bv = jnp.zeros((EMBED_DIM,), dtype=jnp.float32)
    Ws = jax.random.normal(ks[4], (EMBED_DIM, TOTAL_POINTS * 2), dtype=jnp.float32) * 0.01
    bs_ = jnp.asarray(_grid_init_bias())
    Wa = jax.random.normal(ks[5], (EMBED_DIM, TOTAL_POINTS), dtype=jnp.float32) * 0.01
    ba = jnp.zeros((TOTAL_POINTS,), dtype=jnp.float32)
    Wo = jax.random.normal(ks[6], (EMBED_DIM, EMBED_DIM), dtype=jnp.float32) * s
    bo = jnp.zeros((EMBED_DIM,), dtype=jnp.float32)
    return {"query": query, "reference_points": reference_points, "value": value,
            "Wv": Wv, "bv": bv, "Ws": Ws, "bs_": bs_, "Wa": Wa, "ba": ba, "Wo": Wo, "bo": bo}


def _grid_sample_bilinear_zeros(img, grid):
    # img: [N, C, H, W]; grid: [N, Hg, Wg, 2] in [-1, 1]; bilinear, zeros padding, align_corners=False
    N, C, H, W = img.shape
    x = (grid[..., 0] + 1.0) * (W / 2.0) - 0.5
    y = (grid[..., 1] + 1.0) * (H / 2.0) - 0.5
    x0 = jnp.floor(x)
    y0 = jnp.floor(y)
    x1 = x0 + 1.0
    y1 = y0 + 1.0
    wx1 = x - x0
    wx0 = 1.0 - wx1
    wy1 = y - y0
    wy0 = 1.0 - wy1
    flat = img.reshape(N, C, H * W)

    def gather(ix, iy):
        valid = (ix >= 0) & (ix <= W - 1) & (iy >= 0) & (iy <= H - 1)
        ixc = jnp.clip(ix, 0, W - 1).astype(jnp.int32)
        iyc = jnp.clip(iy, 0, H - 1).astype(jnp.int32)
        idx = (iyc * W + ixc).reshape(N, 1, -1)
        vals = jnp.take_along_axis(flat, idx, axis=2).reshape(N, C, ix.shape[1], ix.shape[2])
        return vals * valid[:, None, :, :].astype(img.dtype)

    v00 = gather(x0, y0)
    v10 = gather(x1, y0)
    v01 = gather(x0, y1)
    v11 = gather(x1, y1)
    out = (v00 * (wx0 * wy0)[:, None] + v10 * (wx1 * wy0)[:, None]
           + v01 * (wx0 * wy1)[:, None] + v11 * (wx1 * wy1)[:, None])
    return out


def _forward(query, reference_points, value, Wv, bv, Ws, bs_, Wa, ba, Wo, bo):
    B, Lq, C = query.shape
    Lv = value.shape[1]
    v = value @ Wv + bv
    v = v.reshape(B, Lv, N_HEADS, HEAD_DIM)
    so = (query @ Ws + bs_).reshape(B, Lq, N_HEADS, SUM_POINTS, 2)
    aw = (query @ Wa + ba).reshape(B, Lq, N_HEADS, SUM_POINTS)
    aw = jax.nn.softmax(aw, axis=-1)
    nps = jnp.asarray(NUM_POINTS_SCALE)[:, None]
    offset = so * nps * reference_points[:, :, None, :, 2:] * OFFSET_SCALE
    sampling_locations = reference_points[:, :, None, :, :2] + offset  # [B, Lq, H, SUM_POINTS, 2]
    grids = 2.0 * sampling_locations - 1.0
    grids = grids.transpose(0, 2, 1, 3, 4).reshape(B * N_HEADS, Lq, SUM_POINTS, 2)
    vperm = v.transpose(0, 2, 3, 1).reshape(B * N_HEADS, HEAD_DIM, Lv)
    sampled = []
    start = 0
    gstart = 0
    for (h, w), npts in zip(SPATIAL_SHAPES, NUM_POINTS_LIST):
        vl = vperm[:, :, start:start + h * w].reshape(B * N_HEADS, HEAD_DIM, h, w)
        gl = grids[:, :, gstart:gstart + npts, :]
        sampled.append(_grid_sample_bilinear_zeros(vl, gl))
        start += h * w
        gstart += npts
    sampled = jnp.concatenate(sampled, axis=-1)  # [B*H, head_dim, Lq, SUM_POINTS]
    attn = aw.transpose(0, 2, 1, 3).reshape(B * N_HEADS, 1, Lq, SUM_POINTS)
    out = (sampled * attn).sum(-1).reshape(B, N_HEADS, HEAD_DIM, Lq)
    out = out.transpose(0, 3, 1, 2).reshape(B, Lq, C)
    return out @ Wo + bo


def reference(query, reference_points, value, Wv, bv, Ws, bs_, Wa, ba, Wo, bo):
    return _forward(query, reference_points, value, Wv, bv, Ws, bs_, Wa, ba, Wo, bo)

if __name__ == "__main__":
    import jax
    _d = setup_inputs()
    print(jax.jit(kernel)(*tuple(_d.values())))

</pallas_src>

<mosaic_0001>
#map = affine_map<(d0, d1) -> (0, 0)>
module attributes {stable_mosaic.version = 14 : i64} {
  func.func @_sc_body(%arg0: i32, %arg1: i32, %arg2: memref<4800x384xf32, #tpu.memory_space<hbm>>, %arg3: memref<1200x16xf32, #tpu.memory_space<hbm>>, %arg4: memref<544000x32xf32, #tpu.memory_space<hbm>>, %arg5: memref<544000x32xf32, #tpu.memory_space<hbm>>, %arg6: memref<38400x32xf32, #tpu.memory_space<hbm>>, %arg7: memref<2x384xf32, #tpu.memory_space<vmem>>, %arg8: memref<2x16xf32, #tpu.memory_space<vmem>>, %arg9: memref<2x4x128xi32, #tpu.memory_space<vmem>>, %arg10: memref<2x512xf32, #tpu.memory_space<vmem>>, %arg11: memref<2x512x32xf32, #tpu.memory_space<vmem>>, %arg12: memref<2x8x32xf32, #tpu.memory_space<vmem>>, %arg13: memref<2x!tpu.dma_semaphore, #tpu.memory_space<semaphore_mem>>, %arg14: memref<2x!tpu.dma_semaphore, #tpu.memory_space<semaphore_mem>>, %arg15: memref<2x!tpu.dma_semaphore, #tpu.memory_space<semaphore_mem>>) attributes {dimension_semantics = [#tpu.dimension_semantics<core_parallel>, #tpu.dimension_semantics<subcore_parallel>], iteration_bounds = array<i64: 2, 16>, scalar_prefetch = 0 : i64, scratch_operands = 9 : i64, tpu.core_type = #tpu.core_type<sc_vector_subcore>, window_params = [{transform_indices = #map}, {transform_indices = #map}, {transform_indices = #map}, {transform_indices = #map}, {transform_indices = #map}]} {
    %mul3A = arith.constant 2 : i32
    %mul3A_0 = arith.muli %arg1, %mul3A : i32
    %add3A = arith.addi %mul3A_0, %arg0 : i32
    %jit3A = arith.constant 2 : i32
    %div3A = arith.divsi %add3A, %jit3A : i32
    %sign3A = arith.constant 0 : i32
    %sign3A_1 = arith.cmpi sgt, %add3A, %sign3A : i32
    %sign3A_2 = arith.extui %sign3A_1 : i1 to i32
    %sign3A_3 = arith.constant 0 : i32
    %sign3A_4 = arith.cmpi slt, %add3A, %sign3A_3 : i32
    %sign3A_5 = arith.extui %sign3A_4 : i1 to i32
    %sign3A_6 = arith.subi %sign3A_2, %sign3A_5 : i32
    %sign3A_7 = arith.constant 0 : i32
    %sign3A_8 = arith.cmpi sgt, %jit3A, %sign3A_7 : i32
    %sign3A_9 = arith.extui %sign3A_8 : i1 to i32
    %sign3A_10 = arith.constant 0 : i32
    %sign3A_11 = arith.cmpi slt, %jit3A, %sign3A_10 : i32
    %sign3A_12 = arith.extui %sign3A_11 : i1 to i32
    %sign3A_13 = arith.subi %sign3A_9, %sign3A_12 : i32
    %ne3A = arith.cmpi ne, %sign3A_6, %sign3A_13 : i32
    %rem3A = arith.remsi %add3A, %jit3A : i32
    %ne3A_14 = arith.constant 0 : i32
    %ne3A_15 = arith.cmpi ne, %rem3A, %ne3A_14 : i32
    %and3A = arith.andi %ne3A, %ne3A_15 : i1
    %sub3A = arith.constant 1 : i32
    %sub3A_16 = arith.subi %div3A, %sub3A : i32
    %select_n3A = arith.select %and3A, %sub3A_16, %div3A : i32
    %mul3A_17 = arith.constant 4 : i32
    %mul3A_18 = arith.muli %select_n3A, %mul3A_17 : i32
    %iota3A = tpu.iota {dimensions = array<i32: 0>} : vector<16xi32>
    %shift_right_logical3A = arith.constant 2 : i32
    %shift_right_logical3A_19 = vector.broadcast %shift_right_logical3A : i32 to vector<16xi32>
    %shift_right_logical3A_20 = arith.shrui %iota3A, %shift_right_logical3A_19 : vector<16xi32>
    %broadcast_in_dim3A = arith.constant 80 : i32
    %broadcast_in_dim3A_21 = vector.broadcast %broadcast_in_dim3A : i32 to vector<16xi32>
    %shift_right_logical3A_22 = arith.shrui %broadcast_in_dim3A_21, %shift_right_logical3A_20 : vector<16xi32>
    %eq3A = arith.constant 0 : i32
    %eq3A_23 = vector.broadcast %eq3A : i32 to vector<16xi32>
    %eq3A_24 = arith.cmpi eq, %shift_right_logical3A_20, %eq3A_23 : vector<16xi32>
    %eq3A_25 = arith.constant 1 : i32
    %eq3A_26 = vector.broadcast %eq3A_25 : i32 to vector<16xi32>
    %eq3A_27 = arith.cmpi eq, %shift_right_logical3A_20, %eq3A_26 : vector<16xi32>
    %eq3A_28 = arith.constant 2 : i32
    %eq3A_29 = vector.broadcast %eq3A_28 : i32 to vector<16xi32>
    %eq3A_30 = arith.cmpi eq, %shift_right_logical3A_20, %eq3A_29 : vector<16xi32>
    %jit3A_31 = arith.constant 8000 : i32
    %jit3A_32 = arith.constant 8400 : i32
    %broadcast_in_dim3A_33 = vector.broadcast %jit3A_31 : i32 to vector<16xi32>
    %broadcast_in_dim3A_34 = vector.broadcast %jit3A_32 : i32 to vector<16xi32>
    %select_n3A_35 = arith.select %eq3A_30, %broadcast_in_dim3A_33, %broadcast_in_dim3A_34 : vector<16xi1>, vector<16xi32>
    %jit3A_36 = arith.constant 6400 : i32
    %broadcast_in_dim3A_37 = vector.broadcast %jit3A_36 : i32 to vector<16xi32>
    %select_n3A_38 = arith.select %eq3A_27, %broadcast_in_dim3A_37, %select_n3A_35 : vector<16xi1>, vector<16xi32>
    %jit3A_39 = arith.constant 0 : i32
    %broadcast_in_dim3A_40 = vector.broadcast %jit3A_39 : i32 to vector<16xi32>
    %select_n3A_41 = arith.select %eq3A_24, %broadcast_in_dim3A_40, %select_n3A_38 : vector<16xi1>, vector<16xi32>
    %convert_element_type3A = arith.sitofp %shift_right_logical3A_22 : vector<16xi32> to vector<16xf32>
    %sub3A_42 = arith.constant 1 : i32
    %sub3A_43 = vector.broadcast %sub3A_42 : i32 to vector<16xi32>
    %sub3A_44 = arith.subi %shift_right_logical3A_22, %sub3A_43 : vector<16xi32>
    %mul3A_45 = arith.constant 150 : i32
    %mul3A_46 = arith.muli %add3A, %mul3A_45 : i32
    %dma_start3A = arith.constant 0 : i32
    %dma_start3A_47 = arith.constant 0 : i32
    %dma_start3A_48 = arith.constant 0 : i32
    %dma_start3A_49 = tpu.memref_slice %arg7[%dma_start3A, %dma_start3A_48] : memref<2x384xf32, #tpu.memory_space<vmem>> -> memref<1x384xf32, #tpu.memory_space<vmem>>
    %dma_start3A_50 = tpu.memref_squeeze %dma_start3A_49 : memref<1x384xf32, #tpu.memory_space<vmem>> -> memref<384xf32, #tpu.memory_space<vmem>>
    %dma_start3A_51 = arith.constant 0 : i32
    %dma_start3A_52 = tpu.memref_slice %arg2[%mul3A_46, %dma_start3A_51] : memref<4800x384xf32, #tpu.memory_space<hbm>> -> memref<1x384xf32, #tpu.memory_space<hbm>>
    %dma_start3A_53 = tpu.memref_squeeze %dma_start3A_52 : memref<1x384xf32, #tpu.memory_space<hbm>> -> memref<384xf32, #tpu.memory_space<hbm>>
    %dma_start3A_54 = tpu.memref_slice %arg14[%dma_start3A_47] : memref<2x!tpu.dma_semaphore, #tpu.memory_space<semaphore_mem>> -> memref<1x!tpu.dma_semaphore, #tpu.memory_space<semaphore_mem>>
    %dma_start3A_55 = tpu.memref_squeeze %dma_start3A_54 : memref<1x!tpu.dma_semaphore, #tpu.memory_space<semaphore_mem>> -> memref<!tpu.dma_semaphore, #tpu.memory_space<semaphore_mem>>
    %dma_start3A_56 = arith.constant 0 : i32
    %dma_start3A_57 = tpu.memref_slice %arg7[%dma_start3A, %dma_start3A_56] : memref<2x384xf32, #tpu.memory_space<vmem>> -> memref<1x384xf32, #tpu.memory_space<vmem>>
    %dma_start3A_58 = tpu.memref_squeeze %dma_start3A_57 : memref<1x384xf32, #tpu.memory_space<vmem>> -> memref<384xf32, #tpu.memory_space<vmem>>
    %dma_start3A_59 = arith.constant 0 : i32
    %dma_start3A_60 = tpu.memref_slice %arg2[%mul3A_46, %dma_start3A_59] : memref<4800x384xf32, #tpu.memory_space<hbm>> -> memref<1x384xf32, #tpu.memory_space<hbm>>
    %dma_start3A_61 = tpu.memref_squeeze %dma_start3A_60 : memref<1x384xf32, #tpu.memory_space<hbm>> -> memref<384xf32, #tpu.memory_space<hbm>>
    tpu.enqueue_dma source(%dma_start3A_61 : memref<384xf32, #tpu.memory_space<hbm>>) target(%dma_start3A_58 : memref<384xf32, #tpu.memory_space<vmem>>) target_semaphore(%dma_start3A_55 : memref<!tpu.dma_semaphore, #tpu.memory_space<semaphore_mem>>)
    %jit3A_62 = arith.constant 4 : i32
    %div3A_63 = arith.divsi %mul3A_46, %jit3A_62 : i32
    %sign3A_64 = arith.constant 0 : i32
    %sign3A_65 = arith.cmpi sgt, %mul3A_46, %sign3A_64 : i32
    %sign3A_66 = arith.extui %sign3A_65 : i1 to i32
    %sign3A_67 = arith.constant 0 : i32
    %sign3A_68 = arith.cmpi slt, %mul3A_46, %sign3A_67 : i32
    %sign3A_69 = arith.extui %sign3A_68 : i1 to i32
    %sign3A_70 = arith.subi %sign3A_66, %sign3A_69 : i32
    %sign3A_71 = arith.constant 0 : i32
    %sign3A_72 = arith.cmpi sgt, %jit3A_62, %sign3A_71 : i32
    %sign3A_73 = arith.extui %sign3A_72 : i1 to i32
    %sign3A_74 = arith.constant 0 : i32
    %sign3A_75 = arith.cmpi slt, %jit3A_62, %sign3A_74 : i32
    %sign3A_76 = arith.extui %sign3A_75 : i1 to i32
    %sign3A_77 = arith.subi %sign3A_73, %sign3A_76 : i32
    %ne3A_78 = arith.cmpi ne, %sign3A_70, %sign3A_77 : i32
    %rem3A_79 = arith.remsi %mul3A_46, %jit3A_62 : i32
    %ne3A_80 = arith.constant 0 : i32
    %ne3A_81 = arith.cmpi ne, %rem3A_79, %ne3A_80 : i32
    %and3A_82 = arith.andi %ne3A_78, %ne3A_81 : i1
    %sub3A_83 = arith.constant 1 : i32
    %sub3A_84 = arith.subi %div3A_63, %sub3A_83 : i32
    %select_n3A_85 = arith.select %and3A_82, %sub3A_84, %div3A_63 : i32
    %dma_start3A_86 = arith.constant 0 : i32
    %dma_start3A_87 = arith.constant 0 : i32
    %dma_start3A_88 = arith.constant 0 : i32
    %dma_start3A_89 = tpu.memref_slice %arg8[%dma_start3A_86, %dma_start3A_88] : memref<2x16xf32, #tpu.memory_space<vmem>> -> memref<1x16xf32, #tpu.memory_space<vmem>>
    %dma_start3A_90 = tpu.memref_squeeze %dma_start3A_89 : memref<1x16xf32, #tpu.memory_space<vmem>> -> memref<16xf32, #tpu.memory_space<vmem>>
    %dma_start3A_91 = arith.constant 0 : i32
    %dma_start3A_92 = tpu.memref_slice %arg3[%select_n3A_85, %dma_start3A_91] : memref<1200x16xf32, #tpu.memory_space<hbm>> -> memref<1x16xf32, #tpu.memory_space<hbm>>
    %dma_start3A_93 = tpu.memref_squeeze %dma_start3A_92 : memref<1x16xf32, #tpu.memory_space<hbm>> -> memref<16xf32, #tpu.memory_space<hbm>>
    %dma_start3A_94 = tpu.memref_slice %arg14[%dma_start3A_87] : memref<2x!tpu.dma_semaphore, #tpu.memory_space<semaphore_mem>> -> memref<1x!tpu.dma_semaphore, #tpu.memory_space<semaphore_mem>>
    %dma_start3A_95 = tpu.memref_squeeze %dma_start3A_94 : memref<1x!tpu.dma_semaphore, #tpu.memory_space<semaphore_mem>> -> memref<!tpu.dma_semaphore, #tpu.memory_space<semaphore_mem>>
    %dma_start3A_96 = arith.constant 0 : i32
    %dma_start3A_97 = tpu.memref_slice %arg8[%dma_start3A_86, %dma_start3A_96] : memref<2x16xf32, #tpu.memory_space<vmem>> -> memref<1x16xf32, #tpu.memory_space<vmem>>
    %dma_start3A_98 = tpu.memref_squeeze %dma_start3A_97 : memref<1x16xf32, #tpu.memory_space<vmem>> -> memref<16xf32, #tpu.memory_space<vmem>>
    %dma_start3A_99 = arith.constant 0 : i32
    %dma_start3A_100 = tpu.memref_slice %arg3[%select_n3A_85, %dma_start3A_99] : memref<1200x16xf32, #tpu.memory_space<hbm>> -> memref<1x16xf32, #tpu.memory_space<hbm>>
    %dma_start3A_101 = tpu.memref_squeeze %dma_start3A_100 : memref<1x16xf32, #tpu.memory_space<hbm>> -> memref<16xf32, #tpu.memory_space<hbm>>
    tpu.enqueue_dma source(%dma_start3A_101 : memref<16xf32, #tpu.memory_space<hbm>>) target(%dma_start3A_98 : memref<16xf32, #tpu.memory_space<vmem>>) target_semaphore(%dma_start3A_95 : memref<!tpu.dma_semaphore, #tpu.memory_space<semaphore_mem>>)
    %scan3A = arith.constant 0 : i32
    %scan3A_102 = arith.constant 0 : i32
    %scan3A_103 = arith.constant 151 : i32
    %scan3A_104 = arith.addi %scan3A_102, %scan3A_103 : i32
    %scan3A_105 = arith.constant 1 : i32
    scf.for %scan3A_142 = %scan3A_102 to %scan3A_104 step %scan3A_105  : i32 {
      %rem3A_143 = arith.constant 2 : i32
      %rem3A_144 = arith.remsi %scan3A_142, %rem3A_143 : i32
      %lt3A = arith.constant 150 : i32
      %lt3A_145 = arith.cmpi slt, %scan3A_142, %lt3A : i32
      %convert_element_type3A_146 = arith.extui %lt3A_145 : i1 to i32
      %cond3A = arith.constant 0 : i32
      %cond3A_147 = arith.cmpi ne, %convert_element_type3A_146, %cond3A : i32
      scf.if %cond3A_147 {
        %mul3A_152 = arith.constant 150 : i32
        %mul3A_153 = arith.muli %add3A, %mul3A_152 : i32
        %add3A_154 = arith.addi %mul3A_153, %scan3A_142 : i32
        %mul3A_155 = arith.constant 150 : i32
        %mul3A_156 = arith.muli %add3A, %mul3A_155 : i32
        %add3A_157 = arith.constant 1 : i32
        %add3A_158 = arith.addi %scan3A_142, %add3A_157 : i32
        %min3A = arith.constant 149 : i32
        %min3A_159 = arith.minsi %add3A_158, %min3A : i32
        %add3A_160 = arith.addi %mul3A_156, %min3A_159 : i32
        %sub3A_161 = arith.constant 1 : i32
        %sub3A_162 = arith.subi %sub3A_161, %rem3A_144 : i32
        %sub3A_163 = arith.constant 1 : i32
        %sub3A_164 = arith.subi %sub3A_163, %rem3A_144 : i32
        %dma_start3A_165 = arith.constant 0 : i32
        %dma_start3A_166 = tpu.memref_slice %arg7[%sub3A_162, %dma_start3A_165] : memref<2x384xf32, #tpu.memory_space<vmem>> -> memref<1x384xf32, #tpu.memory_space<vmem>>
        %dma_start3A_167 = tpu.memref_squeeze %dma_start3A_166 : memref<1x384xf32, #tpu.memory_space<vmem>> -> memref<384xf32, #tpu.memory_space<vmem>>
        %dma_start3A_168 = arith.constant 0 : i32
        %dma_start3A_169 = tpu.memref_slice %arg2[%add3A_160, %dma_start3A_168] : memref<4800x384xf32, #tpu.memory_space<hbm>> -> memref<1x384xf32, #tpu.memory_space<hbm>>
        %dma_start3A_170 = tpu.memref_squeeze %dma_start3A_169 : memref<1x384xf32, #tpu.memory_space<hbm>> -> memref<384xf32, #tpu.memory_space<hbm>>
        %dma_start3A_171 = tpu.memref_slice %arg14[%sub3A_164] : memref<2x!tpu.dma_semaphore, #tpu.memory_space<semaphore_mem>> -> memref<1x!tpu.dma_semaphore, #tpu.memory_space<semaphore_mem>>
        %dma_start3A_172 = tpu.memref_squeeze %dma_start3A_171 : memref<1x!tpu.dma_semaphore, #tpu.memory_space<semaphore_mem>> -> memref<!tpu.dma_semaphore, #tpu.memory_space<semaphore_mem>>
        %dma_start3A_173 = arith.constant 0 : i32
        %dma_start3A_174 = tpu.memref_slice %arg7[%sub3A_162, %dma_start3A_173] : memref<2x384xf32, #tpu.memory_space<vmem>> -> memref<1x384xf32, #tpu.memory_space<vmem>>
        %dma_start3A_175 = tpu.memref_squeeze %dma_start3A_174 : memref<1x384xf32, #tpu.memory_space<vmem>> -> memref<384xf32, #tpu.memory_space<vmem>>
        %dma_start3A_176 = arith.constant 0 : i32
        %dma_start3A_177 = tpu.memref_slice %arg2[%add3A_160, %dma_start3A_176] : memref<4800x384xf32, #tpu.memory_space<hbm>> -> memref<1x384xf32, #tpu.memory_space<hbm>>
        %dma_start3A_178 = tpu.memref_squeeze %dma_start3A_177 : memref<1x384xf32, #tpu.memory_space<hbm>> -> memref<384xf32, #tpu.memory_space<hbm>>
        tpu.enqueue_dma source(%dma_start3A_178 : memref<384xf32, #tpu.memory_space<hbm>>) target(%dma_start3A_175 : memref<384xf32, #tpu.memory_space<vmem>>) target_semaphore(%dma_start3A_172 : memref<!tpu.dma_semaphore, #tpu.memory_space<semaphore_mem>>)
        %jit3A_179 = arith.constant 4 : i32
        %div3A_180 = arith.divsi %add3A_160, %jit3A_179 : i32
        %sign3A_181 = arith.constant 0 : i32
        %sign3A_182 = arith.cmpi sgt, %add3A_160, %sign3A_181 : i32
        %sign3A_183 = arith.extui %sign3A_182 : i1 to i32
        %sign3A_184 = arith.constant 0 : i32
        %sign3A_185 = arith.cmpi slt, %add3A_160, %sign3A_184 : i32
        %sign3A_186 = arith.extui %sign3A_185 : i1 to i32
        %sign3A_187 = arith.subi %sign3A_183, %sign3A_186 : i32
        %sign3A_188 = arith.constant 0 : i32
        %sign3A_189 = arith.cmpi sgt, %jit3A_179, %sign3A_188 : i32
        %sign3A_190 = arith.extui %sign3A_189 : i1 to i32
        %sign3A_191 = arith.constant 0 : i32
        %sign3A_192 = arith.cmpi slt, %jit3A_179, %sign3A_191 : i32
        %sign3A_193 = arith.extui %sign3A_192 : i1 to i32
        %sign3A_194 = arith.subi %sign3A_190, %sign3A_193 : i32
        %ne3A_195 = arith.cmpi ne, %sign3A_187, %sign3A_194 : i32
        %rem3A_196 = arith.remsi %add3A_160, %jit3A_179 : i32
        %ne3A_197 = arith.constant 0 : i32
        %ne3A_198 = arith.cmpi ne, %rem3A_196, %ne3A_197 : i32
        %and3A_199 = arith.andi %ne3A_195, %ne3A_198 : i1
        %sub3A_200 = arith.constant 1 : i32
        %sub3A_201 = arith.subi %div3A_180, %sub3A_200 : i32
        %select_n3A_202 = arith.select %and3A_199, %sub3A_201, %div3A_180 : i32
        %sub3A_203 = arith.constant 1 : i32
        %sub3A_204 = arith.subi %sub3A_203, %rem3A_144 : i32
        %sub3A_205 = arith.constant 1 : i32
        %sub3A_206 = arith.subi %sub3A_205, %rem3A_144 : i32
        %dma_start3A_207 = arith.constant 0 : i32
        %dma_start3A_208 = tpu.memref_slice %arg8[%sub3A_204, %dma_start3A_207] : memref<2x16xf32, #tpu.memory_space<vmem>> -> memref<1x16xf32, #tpu.memory_space<vmem>>
        %dma_start3A_209 = tpu.memref_squeeze %dma_start3A_208 : memref<1x16xf32, #tpu.memory_space<vmem>> -> memref<16xf32, #tpu.memory_space<vmem>>
        %dma_start3A_210 = arith.constant 0 : i32
        %dma_start3A_211 = tpu.memref_slice %arg3[%select_n3A_202, %dma_start3A_210] : memref<1200x16xf32, #tpu.memory_space<hbm>> -> memref<1x16xf32, #tpu.memory_space<hbm>>
        %dma_start3A_212 = tpu.memref_squeeze %dma_start3A_211 : memref<1x16xf32, #tpu.memory_space<hbm>> -> memref<16xf32, #tpu.memory_space<hbm>>
        %dma_start3A_213 = tpu.memref_slice %arg14[%sub3A_206] : memref<2x!tpu.dma_semaphore, #tpu.memory_space<semaphore_mem>> -> memref<1x!tpu.dma_semaphore, #tpu.memory_space<semaphore_mem>>
        %dma_start3A_214 = tpu.memref_squeeze %dma_start3A_213 : memref<1x!tpu.dma_semaphore, #tpu.memory_space<semaphore_mem>> -> memref<!tpu.dma_semaphore, #tpu.memory_space<semaphore_mem>>
        %dma_start3A_215 = arith.constant 0 : i32
        %dma_start3A_216 = tpu.memref_slice %arg8[%sub3A_204, %dma_start3A_215] : memref<2x16xf32, #tpu.memory_space<vmem>> -> memref<1x16xf32, #tpu.memory_space<vmem>>
        %dma_start3A_217 = tpu.memref_squeeze %dma_start3A_216 : memref<1x16xf32, #tpu.memory_space<vmem>> -> memref<16xf32, #tpu.memory_space<vmem>>
        %dma_start3A_218 = arith.constant 0 : i32
        %dma_start3A_219 = tpu.memref_slice %arg3[%select_n3A_202, %dma_start3A_218] : memref<1200x16xf32, #tpu.memory_space<hbm>> -> memref<1x16xf32, #tpu.memory_space<hbm>>
        %dma_start3A_220 = tpu.memref_squeeze %dma_start3A_219 : memref<1x16xf32, #tpu.memory_space<hbm>> -> memref<16xf32, #tpu.memory_space<hbm>>
        tpu.enqueue_dma source(%dma_start3A_220 : memref<16xf32, #tpu.memory_space<hbm>>) target(%dma_start3A_217 : memref<16xf32, #tpu.memory_space<vmem>>) target_semaphore(%dma_start3A_214 : memref<!tpu.dma_semaphore, #tpu.memory_space<semaphore_mem>>)
        %dma_wait3A_221 = arith.constant 0 : i32
        %dma_wait3A_222 = tpu.memref_slice %arg7[%rem3A_144, %dma_wait3A_221] : memref<2x384xf32, #tpu.memory_space<vmem>> -> memref<1x384xf32, #tpu.memory_space<vmem>>
        %dma_wait3A_223 = tpu.memref_squeeze %dma_wait3A_222 : memref<1x384xf32, #tpu.memory_space<vmem>> -> memref<384xf32, #tpu.memory_space<vmem>>
        %dma_wait3A_224 = arith.constant 0 : i32
        %dma_wait3A_225 = tpu.memref_slice %arg2[%add3A_154, %dma_wait3A_224] : memref<4800x384xf32, #tpu.memory_space<hbm>> -> memref<1x384xf32, #tpu.memory_space<hbm>>
        %dma_wait3A_226 = tpu.memref_squeeze %dma_wait3A_225 : memref<1x384xf32, #tpu.memory_space<hbm>> -> memref<384xf32, #tpu.memory_space<hbm>>
        %dma_wait3A_227 = tpu.memref_slice %arg14[%rem3A_144] : memref<2x!tpu.dma_semaphore, #tpu.memory_space<semaphore_mem>> -> memref<1x!tpu.dma_semaphore, #tpu.memory_space<semaphore_mem>>
        %dma_wait3A_228 = tpu.memref_squeeze %dma_wait3A_227 : memref<1x!tpu.dma_semaphore, #tpu.memory_space<semaphore_mem>> -> memref<!tpu.dma_semaphore, #tpu.memory_space<semaphore_mem>>
        %dma_wait3A_229 = arith.constant 0 : i32
        %dma_wait3A_230 = tpu.memref_slice %arg7[%rem3A_144, %dma_wait3A_229] : memref<2x384xf32, #tpu.memory_space<vmem>> -> memref<1x384xf32, #tpu.memory_space<vmem>>
        %dma_wait3A_231 = tpu.memref_squeeze %dma_wait3A_230 : memref<1x384xf32, #tpu.memory_space<vmem>> -> memref<384xf32, #tpu.memory_space<vmem>>
        %dma_wait3A_232 = arith.constant 0 : i32
        %dma_wait3A_233 = tpu.memref_slice %arg2[%add3A_154, %dma_wait3A_232] : memref<4800x384xf32, #tpu.memory_space<hbm>> -> memref<1x384xf32, #tpu.memory_space<hbm>>
        %dma_wait3A_234 = tpu.memref_squeeze %dma_wait3A_233 : memref<1x384xf32, #tpu.memory_space<hbm>> -> memref<384xf32, #tpu.memory_space<hbm>>
        tpu.wait_dma2 semaphore(%dma_wait3A_228 : memref<!tpu.dma_semaphore, #tpu.memory_space<semaphore_mem>>) src(%dma_wait3A_234 : memref<384xf32, #tpu.memory_space<hbm>>) dst(%dma_wait3A_231 : memref<384xf32, #tpu.memory_space<vmem>>)
        %jit3A_235 = arith.constant 4 : i32
        %div3A_236 = arith.divsi %add3A_154, %jit3A_235 : i32
        %sign3A_237 = arith.constant 0 : i32
        %sign3A_238 = arith.cmpi sgt, %add3A_154, %sign3A_237 : i32
        %sign3A_239 = arith.extui %sign3A_238 : i1 to i32
        %sign3A_240 = arith.constant 0 : i32
        %sign3A_241 = arith.cmpi slt, %add3A_154, %sign3A_240 : i32
        %sign3A_242 = arith.extui %sign3A_241 : i1 to i32
        %sign3A_243 = arith.subi %sign3A_239, %sign3A_242 : i32
        %sign3A_244 = arith.constant 0 : i32
        %sign3A_245 = arith.cmpi sgt, %jit3A_235, %sign3A_244 : i32
        %sign3A_246 = arith.extui %sign3A_245 : i1 to i32
        %sign3A_247 = arith.constant 0 : i32
        %sign3A_248 = arith.cmpi slt, %jit3A_235, %sign3A_247 : i32
        %sign3A_249 = arith.extui %sign3A_248 : i1 to i32
        %sign3A_250 = arith.subi %sign3A_246, %sign3A_249 : i32
        %ne3A_251 = arith.cmpi ne, %sign3A_243, %sign3A_250 : i32
        %rem3A_252 = arith.remsi %add3A_154, %jit3A_235 : i32
        %ne3A_253 = arith.constant 0 : i32
        %ne3A_254 = arith.cmpi ne, %rem3A_252, %ne3A_253 : i32
        %and3A_255 = arith.andi %ne3A_251, %ne3A_254 : i1
        %sub3A_256 = arith.constant 1 : i32
        %sub3A_257 = arith.subi %div3A_236, %sub3A_256 : i32
        %select_n3A_258 = arith.select %and3A_255, %sub3A_257, %div3A_236 : i32
        %dma_wait3A_259 = arith.constant 0 : i32
        %dma_wait3A_260 = tpu.memref_slice %arg8[%rem3A_144, %dma_wait3A_259] : memref<2x16xf32, #tpu.memory_space<vmem>> -> memref<1x16xf32, #tpu.memory_space<vmem>>
        %dma_wait3A_261 = tpu.memref_squeeze %dma_wait3A_260 : memref<1x16xf32, #tpu.memory_space<vmem>> -> memref<16xf32, #tpu.memory_space<vmem>>
        %dma_wait3A_262 = arith.constant 0 : i32
        %dma_wait3A_263 = tpu.memref_slice %arg3[%select_n3A_258, %dma_wait3A_262] : memref<1200x16xf32, #tpu.memory_space<hbm>> -> memref<1x16xf32, #tpu.memory_space<hbm>>
        %dma_wait3A_264 = tpu.memref_squeeze %dma_wait3A_263 : memref<1x16xf32, #tpu.memory_space<hbm>> -> memref<16xf32, #tpu.memory_space<hbm>>
        %dma_wait3A_265 = tpu.memref_slice %arg14[%rem3A_144] : memref<2x!tpu.dma_semaphore, #tpu.memory_space<semaphore_mem>> -> memref<1x!tpu.dma_semaphore, #tpu.memory_space<semaphore_mem>>
        %dma_wait3A_266 = tpu.memref_squeeze %dma_wait3A_265 : memref<1x!tpu.dma_semaphore, #tpu.memory_space<semaphore_mem>> -> memref<!tpu.dma_semaphore, #tpu.memory_space<semaphore_mem>>
        %dma_wait3A_267 = arith.constant 0 : i32
        %dma_wait3A_268 = tpu.memref_slice %arg8[%rem3A_144, %dma_wait3A_267] : memref<2x16xf32, #tpu.memory_space<vmem>> -> memref<1x16xf32, #tpu.memory_space<vmem>>
        %dma_wait3A_269 = tpu.memref_squeeze %dma_wait3A_268 : memref<1x16xf32, #tpu.memory_space<vmem>> -> memref<16xf32, #tpu.memory_space<vmem>>
        %dma_wait3A_270 = arith.constant 0 : i32
        %dma_wait3A_271 = tpu.memref_slice %arg3[%select_n3A_258, %dma_wait3A_270] : memref<1200x16xf32, #tpu.memory_space<hbm>> -> memref<1x16xf32, #tpu.memory_space<hbm>>
        %dma_wait3A_272 = tpu.memref_squeeze %dma_wait3A_271 : memref<1x16xf32, #tpu.memory_space<hbm>> -> memref<16xf32, #tpu.memory_space<hbm>>
        tpu.wait_dma2 semaphore(%dma_wait3A_266 : memref<!tpu.dma_semaphore, #tpu.memory_space<semaphore_mem>>) src(%dma_wait3A_272 : memref<16xf32, #tpu.memory_space<hbm>>) dst(%dma_wait3A_269 : memref<16xf32, #tpu.memory_space<vmem>>)
        %jit3A_273 = arith.constant 4 : i32
        %eq3A_274 = arith.constant 0 : i32
        %eq3A_275 = arith.cmpi eq, %jit3A_273, %eq3A_274 : i32
        %jit3A_276 = arith.constant 1 : i32
        %select_n3A_277 = arith.select %eq3A_275, %jit3A_276, %jit3A_273 : i32
        %rem3A_278 = arith.remsi %add3A_154, %select_n3A_277 : i32
        %ne3A_279 = arith.constant 0 : i32
        %ne3A_280 = arith.cmpi ne, %rem3A_278, %ne3A_279 : i32
        %lt3A_281 = arith.constant 0 : i32
        %lt3A_282 = arith.cmpi slt, %rem3A_278, %lt3A_281 : i32
        %lt3A_283 = arith.constant 0 : i32
        %lt3A_284 = arith.cmpi slt, %select_n3A_277, %lt3A_283 : i32
        %ne3A_285 = arith.xori %lt3A_282, %lt3A_284 : i1
        %and3A_286 = arith.andi %ne3A_285, %ne3A_280 : i1
        %add3A_287 = arith.addi %rem3A_278, %select_n3A_277 : i32
        %select_n3A_288 = arith.select %and3A_286, %add3A_287, %rem3A_278 : i32
        %mul3A_289 = arith.constant 4 : i32
        %mul3A_290 = arith.muli %select_n3A_288, %mul3A_289 : i32
        %broadcast_in_dim3A_291 = vector.broadcast %rem3A_144 : i32 to vector<16xi32>
        %broadcast_in_dim3A_292 = vector.broadcast %mul3A_290 : i32 to vector<16xi32>
        %gather3A = tpu.vector_load_idx %arg8[%broadcast_in_dim3A_291, %broadcast_in_dim3A_292] : memref<2x16xf32, #tpu.memory_space<vmem>>[vector<16xi32>, vector<16xi32>], vector<16xf32>,
        %broadcast_in_dim3A_293 = vector.broadcast %rem3A_144 : i32 to vector<16xi32>
        %add3A_294 = arith.constant 1 : i32
        %add3A_295 = arith.addi %mul3A_290, %add3A_294 : i32
        %broadcast_in_dim3A_296 = vector.broadcast %add3A_295 : i32 to vector<16xi32>
        %gather3A_297 = tpu.vector_load_idx %arg8[%broadcast_in_dim3A_293, %broadcast_in_dim3A_296] : memref<2x16xf32, #tpu.memory_space<vmem>>[vector<16xi32>, vector<16xi32>], vector<16xf32>,
        %broadcast_in_dim3A_298 = vector.broadcast %rem3A_144 : i32 to vector<16xi32>
        %add3A_299 = arith.constant 2 : i32
        %add3A_300 = arith.addi %mul3A_290, %add3A_299 : i32
        %broadcast_in_dim3A_301 = vector.broadcast %add3A_300 : i32 to vector<16xi32>
        %gather3A_302 = tpu.vector_load_idx %arg8[%broadcast_in_dim3A_298, %broadcast_in_dim3A_301] : memref<2x16xf32, #tpu.memory_space<vmem>>[vector<16xi32>, vector<16xi32>], vector<16xf32>,
        %broadcast_in_dim3A_303 = vector.broadcast %rem3A_144 : i32 to vector<16xi32>
        %add3A_304 = arith.constant 3 : i32
        %add3A_305 = arith.addi %mul3A_290, %add3A_304 : i32
        %broadcast_in_dim3A_306 = vector.broadcast %add3A_305 : i32 to vector<16xi32>
        %gather3A_307 = tpu.vector_load_idx %arg8[%broadcast_in_dim3A_303, %broadcast_in_dim3A_306] : memref<2x16xf32, #tpu.memory_space<vmem>>[vector<16xi32>, vector<16xi32>], vector<16xf32>,
        %mul3A_308 = arith.constant 1.250000e-01 : f32
        %mul3A_309 = vector.broadcast %mul3A_308 : f32 to vector<16xf32>
        %mul3A_310 = arith.mulf %gather3A_302, %mul3A_309 : vector<16xf32>
        %mul3A_311 = arith.constant 1.250000e-01 : f32
        %mul3A_312 = vector.broadcast %mul3A_311 : f32 to vector<16xf32>
        %mul3A_313 = arith.mulf %gather3A_307, %mul3A_312 : vector<16xf32>
        %get3A = arith.index_cast %rem3A_144 : i32 to index
        %get3A_314 = arith.constant 256 : index
        %get3A_315 = tpu.vector_load %arg7[%get3A, %get3A_314] {strides = array<i32>} : memref<2x384xf32, #tpu.memory_space<vmem>>, vector<16xf32>,
        %reduce_max3A = arith.constant true
        %reduce_max3A_316 = vector.broadcast %reduce_max3A : i1 to vector<16xi1>
        %reduce_max3A_317 = tpu.scan <max>, %get3A_315 masked %reduce_max3A_316 : vector<16xf32>, vector<16xi1> -> vector<16xf32>
        %reduce_max3A_318 = vector.extract %reduce_max3A_317[15] : f32 from vector<16xf32>
        %sub3A_319 = vector.broadcast %reduce_max3A_318 : f32 to vector<16xf32>
        %sub3A_320 = arith.subf %get3A_315, %sub3A_319 : vector<16xf32>
        %exp3A = math.exp %sub3A_320 : vector<16xf32>
        %reduce_sum3A = arith.constant true
        %reduce_sum3A_321 = vector.broadcast %reduce_sum3A : i1 to vector<16xi1>
        %reduce_sum3A_322 = tpu.scan <sum>, %exp3A masked %reduce_sum3A_321 : vector<16xf32>, vector<16xi1> -> vector<16xf32>
        %reduce_sum3A_323 = vector.extract %reduce_sum3A_322[15] : f32 from vector<16xf32>
        %broadcast_in_dim3A_324 = vector.broadcast %reduce_sum3A_323 : f32 to vector<16xf32>
        %div3A_325 = arith.divf %exp3A, %broadcast_in_dim3A_324 : vector<16xf32>
        %broadcast_in_dim3A_326 = vector.broadcast %rem3A_144 : i32 to vector<16xi32>
        %mul3A_327 = arith.constant 2 : i32
        %mul3A_328 = vector.broadcast %mul3A_327 : i32 to vector<16xi32>
        %mul3A_329 = arith.muli %iota3A, %mul3A_328 : vector<16xi32>
        %add3A_330 = arith.constant 0 : i32
        %add3A_331 = vector.broadcast %add3A_330 : i32 to vector<16xi32>
        %add3A_332 = arith.addi %mul3A_329, %add3A_331 : vector<16xi32>
        %gather3A_333 = tpu.vector_load_idx %arg7[%broadcast_in_dim3A_326, %add3A_332] : memref<2x384xf32, #tpu.memory_space<vmem>>[vector<16xi32>, vector<16xi32>], vector<16xf32>,
        %broadcast_in_dim3A_334 = vector.broadcast %rem3A_144 : i32 to vector<16xi32>
        %mul3A_335 = arith.constant 2 : i32
        %mul3A_336 = vector.broadcast %mul3A_335 : i32 to vector<16xi32>
        %mul3A_337 = arith.muli %iota3A, %mul3A_336 : vector<16xi32>
        %add3A_338 = arith.constant 1 : i32
        %add3A_339 = vector.broadcast %add3A_338 : i32 to vector<16xi32>
        %add3A_340 = arith.addi %mul3A_337, %add3A_339 : vector<16xi32>
        %gather3A_341 = tpu.vector_load_idx %arg7[%broadcast_in_dim3A_334, %add3A_340] : memref<2x384xf32, #tpu.memory_space<vmem>>[vector<16xi32>, vector<16xi32>], vector<16xf32>,
        %mul3A_342 = arith.mulf %gather3A_333, %mul3A_310 : vector<16xf32>
        %add3A_343 = arith.addf %gather3A, %mul3A_342 : vector<16xf32>
        %mul3A_344 = arith.mulf %add3A_343, %convert_element_type3A : vector<16xf32>
        %sub3A_345 = arith.constant 5.000000e-01 : f32
        %sub3A_346 = vector.broadcast %sub3A_345 : f32 to vector<16xf32>
        %sub3A_347 = arith.subf %mul3A_344, %sub3A_346 : vector<16xf32>
        %mul3A_348 = arith.mulf %gather3A_341, %mul3A_313 : vector<16xf32>
        %add3A_349 = arith.addf %gather3A_297, %mul3A_348 : vector<16xf32>
        %mul3A_350 = arith.mulf %add3A_349, %convert_element_type3A : vector<16xf32>
        %sub3A_351 = arith.constant 5.000000e-01 : f32
        %sub3A_352 = vector.broadcast %sub3A_351 : f32 to vector<16xf32>
        %sub3A_353 = arith.subf %mul3A_350, %sub3A_352 : vector<16xf32>
        %convert_element_type3A_354 = arith.fptosi %sub3A_347 : vector<16xf32> to vector<16xi32>
        %convert_element_type3A_355 = arith.sitofp %convert_element_type3A_354 : vector<16xi32> to vector<16xf32>
        %gt3A_356 = arith.cmpf ogt, %convert_element_type3A_355, %sub3A_347 : vector<16xf32>
        %sub3A_357 = arith.constant 1 : i32
        %sub3A_358 = vector.broadcast %sub3A_357 : i32 to vector<16xi32>
        %sub3A_359 = arith.subi %convert_element_type3A_354, %sub3A_358 : vector<16xi32>
        %select_n3A_360 = arith.select %gt3A_356, %sub3A_359, %convert_element_type3A_354 : vector<16xi1>, vector<16xi32>
        %gt3A_361 = arith.cmpf ogt, %convert_element_type3A_355, %sub3A_347 : vector<16xf32>
        %sub3A_362 = arith.constant 1.000000e+00 : f32
        %sub3A_363 = vector.broadcast %sub3A_362 : f32 to vector<16xf32>
        %sub3A_364 = arith.subf %convert_element_type3A_355, %sub3A_363 : vector<16xf32>
        %select_n3A_365 = arith.select %gt3A_361, %sub3A_364, %convert_element_type3A_355 : vector<16xi1>, vector<16xf32>
        %sub3A_366 = arith.subf %sub3A_347, %select_n3A_365 : vector<16xf32>
        %convert_element_type3A_367 = arith.fptosi %sub3A_353 : vector<16xf32> to vector<16xi32>
        %convert_element_type3A_368 = arith.sitofp %convert_element_type3A_367 : vector<16xi32> to vector<16xf32>
        %gt3A_369 = arith.cmpf ogt, %convert_element_type3A_368, %sub3A_353 : vector<16xf32>
        %sub3A_370 = arith.constant 1 : i32
        %sub3A_371 = vector.broadcast %sub3A_370 : i32 to vector<16xi32>
        %sub3A_372 = arith.subi %convert_element_type3A_367, %sub3A_371 : vector<16xi32>
        %select_n3A_373 = arith.select %gt3A_369, %sub3A_372, %convert_element_type3A_367 : vector<16xi1>, vector<16xi32>
        %gt3A_374 = arith.cmpf ogt, %convert_element_type3A_368, %sub3A_353 : vector<16xf32>
        %sub3A_375 = arith.constant 1.000000e+00 : f32
        %sub3A_376 = vector.broadcast %sub3A_375 : f32 to vector<16xf32>
        %sub3A_377 = arith.subf %convert_element_type3A_368, %sub3A_376 : vector<16xf32>
        %select_n3A_378 = arith.select %gt3A_374, %sub3A_377, %convert_element_type3A_368 : vector<16xi1>, vector<16xf32>
        %sub3A_379 = arith.subf %sub3A_353, %select_n3A_378 : vector<16xf32>
        %sub3A_380 = arith.constant 1.000000e+00 : f32
        %sub3A_381 = vector.broadcast %sub3A_380 : f32 to vector<16xf32>
        %sub3A_382 = arith.subf %sub3A_381, %sub3A_366 : vector<16xf32>
        %sub3A_383 = arith.constant 1.000000e+00 : f32
        %sub3A_384 = vector.broadcast %sub3A_383 : f32 to vector<16xf32>
        %sub3A_385 = arith.subf %sub3A_384, %sub3A_379 : vector<16xf32>
        %add3A_386 = arith.constant 1 : i32
        %add3A_387 = vector.broadcast %add3A_386 : i32 to vector<16xi32>
        %add3A_388 = arith.addi %select_n3A_360, %add3A_387 : vector<16xi32>
        %add3A_389 = arith.constant 1 : i32
        %add3A_390 = vector.broadcast %add3A_389 : i32 to vector<16xi32>
        %add3A_391 = arith.addi %select_n3A_373, %add3A_390 : vector<16xi32>
        %ge3A = arith.constant 0 : i32
        %ge3A_392 = vector.broadcast %ge3A : i32 to vector<16xi32>
        %ge3A_393 = arith.cmpi sge, %select_n3A_360, %ge3A_392 : vector<16xi32>
        %le3A = arith.cmpi sle, %select_n3A_360, %sub3A_44 : vector<16xi32>
        %and3A_394 = arith.andi %ge3A_393, %le3A : vector<16xi1>
        %ge3A_395 = arith.constant 0 : i32
        %ge3A_396 = vector.broadcast %ge3A_395 : i32 to vector<16xi32>
        %ge3A_397 = arith.cmpi sge, %add3A_388, %ge3A_396 : vector<16xi32>
        %le3A_398 = arith.cmpi sle, %add3A_388, %sub3A_44 : vector<16xi32>
        %and3A_399 = arith.andi %ge3A_397, %le3A_398 : vector<16xi1>
        %ge3A_400 = arith.constant 0 : i32
        %ge3A_401 = vector.broadcast %ge3A_400 : i32 to vector<16xi32>
        %ge3A_402 = arith.cmpi sge, %select_n3A_373, %ge3A_401 : vector<16xi32>
        %le3A_403 = arith.cmpi sle, %select_n3A_373, %sub3A_44 : vector<16xi32>
        %and3A_404 = arith.andi %ge3A_402, %le3A_403 : vector<16xi1>
        %ge3A_405 = arith.constant 0 : i32
        %ge3A_406 = vector.broadcast %ge3A_405 : i32 to vector<16xi32>
        %ge3A_407 = arith.cmpi sge, %add3A_391, %ge3A_406 : vector<16xi32>
        %le3A_408 = arith.cmpi sle, %add3A_391, %sub3A_44 : vector<16xi32>
        %and3A_409 = arith.andi %ge3A_407, %le3A_408 : vector<16xi1>
        %jit3A_410 = arith.constant 0 : i32
        %max3A = vector.broadcast %jit3A_410 : i32 to vector<16xi32>
        %max3A_411 = arith.maxsi %max3A, %select_n3A_360 : vector<16xi32>
        %min3A_412 = arith.minsi %sub3A_44, %max3A_411 : vector<16xi32>
        %jit3A_413 = arith.constant 0 : i32
        %max3A_414 = vector.broadcast %jit3A_413 : i32 to vector<16xi32>
        %max3A_415 = arith.maxsi %max3A_414, %add3A_388 : vector<16xi32>
        %min3A_416 = arith.minsi %sub3A_44, %max3A_415 : vector<16xi32>
        %jit3A_417 = arith.constant 0 : i32
        %max3A_418 = vector.broadcast %jit3A_417 : i32 to vector<16xi32>
        %max3A_419 = arith.maxsi %max3A_418, %select_n3A_373 : vector<16xi32>
        %min3A_420 = arith.minsi %sub3A_44, %max3A_419 : vector<16xi32>
        %jit3A_421 = arith.constant 0 : i32
        %max3A_422 = vector.broadcast %jit3A_421 : i32 to vector<16xi32>
        %max3A_423 = arith.maxsi %max3A_422, %add3A_391 : vector<16xi32>
        %min3A_424 = arith.minsi %sub3A_44, %max3A_423 : vector<16xi32>
        %mul3A_425 = arith.muli %min3A_420, %shift_right_logical3A_22 : vector<16xi32>
        %add3A_426 = arith.addi %select_n3A_41, %mul3A_425 : vector<16xi32>
        %mul3A_427 = arith.muli %min3A_424, %shift_right_logical3A_22 : vector<16xi32>
        %add3A_428 = arith.addi %select_n3A_41, %mul3A_427 : vector<16xi32>
        %add3A_429 = arith.constant 0 : i32
        %add3A_430 = arith.addi %mul3A_18, %add3A_429 : i32
        %add3A_431 = arith.addi %add3A_426, %min3A_412 : vector<16xi32>
        %mul3A_432 = arith.mulf %sub3A_382, %sub3A_385 : vector<16xf32>
        %and3A_433 = arith.andi %and3A_394, %and3A_404 : vector<16xi1>
        %convert_element_type3A_434 = arith.extui %and3A_433 : vector<16xi1> to vector<16xi32>
        %convert_element_type3A_435 = arith.sitofp %convert_element_type3A_434 : vector<16xi32> to vector<16xf32>
        %mul3A_436 = arith.mulf %mul3A_432, %convert_element_type3A_435 : vector<16xf32>
        %add3A_437 = arith.addi %add3A_426, %min3A_416 : vector<16xi32>
        %mul3A_438 = arith.mulf %sub3A_366, %sub3A_385 : vector<16xf32>
        %and3A_439 = arith.andi %and3A_399, %and3A_404 : vector<16xi1>
        %convert_element_type3A_440 = arith.extui %and3A_439 : vector<16xi1> to vector<16xi32>
        %convert_element_type3A_441 = arith.sitofp %convert_element_type3A_440 : vector<16xi32> to vector<16xf32>
        %mul3A_442 = arith.mulf %mul3A_438, %convert_element_type3A_441 : vector<16xf32>
        %add3A_443 = arith.addi %add3A_428, %min3A_412 : vector<16xi32>
        %mul3A_444 = arith.mulf %sub3A_382, %sub3A_379 : vector<16xf32>
        %and3A_445 = arith.andi %and3A_394, %and3A_409 : vector<16xi1>
        %convert_element_type3A_446 = arith.extui %and3A_445 : vector<16xi1> to vector<16xi32>
        %convert_element_type3A_447 = arith.sitofp %convert_element_type3A_446 : vector<16xi32> to vector<16xf32>
        %mul3A_448 = arith.mulf %mul3A_444, %convert_element_type3A_447 : vector<16xf32>
        %add3A_449 = arith.addi %add3A_428, %min3A_416 : vector<16xi32>
        %mul3A_450 = arith.mulf %sub3A_366, %sub3A_379 : vector<16xf32>
        %and3A_451 = arith.andi %and3A_399, %and3A_409 : vector<16xi1>
        %convert_element_type3A_452 = arith.extui %and3A_451 : vector<16xi1> to vector<16xi32>
        %convert_element_type3A_453 = arith.sitofp %convert_element_type3A_452 : vector<16xi32> to vector<16xf32>
        %mul3A_454 = arith.mulf %mul3A_450, %convert_element_type3A_453 : vector<16xf32>
        %mul3A_455 = arith.constant 64 : i32
        %mul3A_456 = vector.broadcast %mul3A_455 : i32 to vector<16xi32>
        %mul3A_457 = arith.muli %add3A_431, %mul3A_456 : vector<16xi32>
        %add3A_458 = vector.broadcast %add3A_430 : i32 to vector<16xi32>
        %add3A_459 = arith.addi %mul3A_457, %add3A_458 : vector<16xi32>
        %swap3A = arith.constant 0 : i32
        %swap3A_460 = arith.index_cast %rem3A_144 : i32 to index
        %swap3A_461 = arith.index_cast %swap3A : i32 to index
        %swap3A_462 = arith.constant 0 : index
        %swap3A_463 = tpu.vector_load %arg9[%swap3A_460, %swap3A_461, %swap3A_462] {strides = array<i32>} : memref<2x4x128xi32, #tpu.memory_space<vmem>>, vector<16xi32>,
        tpu.vector_store %arg9[%swap3A_460, %swap3A_461, %swap3A_462], %add3A_459 {strides = array<i32>} : memref<2x4x128xi32, #tpu.memory_space<vmem>>, vector<16xi32>,
        %mul3A_464 = arith.mulf %mul3A_436, %div3A_325 : vector<16xf32>
        %swap3A_465 = arith.index_cast %rem3A_144 : i32 to index
        %swap3A_466 = arith.constant 0 : index
        %swap3A_467 = tpu.vector_load %arg10[%swap3A_465, %swap3A_466] {strides = array<i32>} : memref<2x512xf32, #tpu.memory_space<vmem>>, vector<16xf32>,
        tpu.vector_store %arg10[%swap3A_465, %swap3A_466], %mul3A_464 {strides = array<i32>} : memref<2x512xf32, #tpu.memory_space<vmem>>, vector<16xf32>,
        %mul3A_468 = arith.constant 64 : i32
        %mul3A_469 = vector.broadcast %mul3A_468 : i32 to vector<16xi32>
        %mul3A_470 = arith.muli %add3A_437, %mul3A_469 : vector<16xi32>
        %add3A_471 = vector.broadcast %add3A_430 : i32 to vector<16xi32>
        %add3A_472 = arith.addi %mul3A_470, %add3A_471 : vector<16xi32>
        %swap3A_473 = arith.constant 0 : i32
        %swap3A_474 = arith.index_cast %rem3A_144 : i32 to index
        %swap3A_475 = arith.index_cast %swap3A_473 : i32 to index
        %swap3A_476 = arith.constant 16 : index
        %swap3A_477 = tpu.vector_load %arg9[%swap3A_474, %swap3A_475, %swap3A_476] {strides = array<i32>} : memref<2x4x128xi32, #tpu.memory_space<vmem>>, vector<16xi32>,
        tpu.vector_store %arg9[%swap3A_474, %swap3A_475, %swap3A_476], %add3A_472 {strides = array<i32>} : memref<2x4x128xi32, #tpu.memory_space<vmem>>, vector<16xi32>,
        %mul3A_478 = arith.mulf %mul3A_442, %div3A_325 : vector<16xf32>
        %swap3A_479 = arith.index_cast %rem3A_144 : i32 to index
        %swap3A_480 = arith.constant 16 : index
        %swap3A_481 = tpu.vector_load %arg10[%swap3A_479, %swap3A_480] {strides = array<i32>} : memref<2x512xf32, #tpu.memory_space<vmem>>, vector<16xf32>,
        tpu.vector_store %arg10[%swap3A_479, %swap3A_480], %mul3A_478 {strides = array<i32>} : memref<2x512xf32, #tpu.memory_space<vmem>>, vector<16xf32>,
        %mul3A_482 = arith.constant 64 : i32
        %mul3A_483 = vector.broadcast %mul3A_482 : i32 to vector<16xi32>
        %mul3A_484 = arith.muli %add3A_443, %mul3A_483 : vector<16xi32>
        %add3A_485 = vector.broadcast %add3A_430 : i32 to vector<16xi32>
        %add3A_486 = arith.addi %mul3A_484, %add3A_485 : vector<16xi32>
        %swap3A_487 = arith.constant 0 : i32
        %swap3A_488 = arith.index_cast %rem3A_144 : i32 to index
        %swap3A_489 = arith.index_cast %swap3A_487 : i32 to index
        %swap3A_490 = arith.constant 32 : index
        %swap3A_491 = tpu.vector_load %arg9[%swap3A_488, %swap3A_489, %swap3A_490] {strides = array<i32>} : memref<2x4x128xi32, #tpu.memory_space<vmem>>, vector<16xi32>,
        tpu.vector_store %arg9[%swap3A_488, %swap3A_489, %swap3A_490], %add3A_486 {strides = array<i32>} : memref<2x4x128xi32, #tpu.memory_space<vmem>>, vector<16xi32>,
        %mul3A_492 = arith.mulf %mul3A_448, %div3A_325 : vector<16xf32>
        %swap3A_493 = arith.index_cast %rem3A_144 : i32 to index
        %swap3A_494 = arith.constant 32 : index
        %swap3A_495 = tpu.vector_load %arg10[%swap3A_493, %swap3A_494] {strides = array<i32>} : memref<2x512xf32, #tpu.memory_space<vmem>>, vector<16xf32>,
        tpu.vector_store %arg10[%swap3A_493, %swap3A_494], %mul3A_492 {strides = array<i32>} : memref<2x512xf32, #tpu.memory_space<vmem>>, vector<16xf32>,
        %mul3A_496 = arith.constant 64 : i32
        %mul3A_497 = vector.broadcast %mul3A_496 : i32 to vector<16xi32>
        %mul3A_498 = arith.muli %add3A_449, %mul3A_497 : vector<16xi32>
        %add3A_499 = vector.broadcast %add3A_430 : i32 to vector<16xi32>
        %add3A_500 = arith.addi %mul3A_498, %add3A_499 : vector<16xi32>
        %swap3A_501 = arith.constant 0 : i32
        %swap3A_502 = arith.index_cast %rem3A_144 : i32 to index
        %swap3A_503 = arith.index_cast %swap3A_501 : i32 to index
        %swap3A_504 = arith.constant 48 : index
        %swap3A_505 = tpu.vector_load %arg9[%swap3A_502, %swap3A_503, %swap3A_504] {strides = array<i32>} : memref<2x4x128xi32, #tpu.memory_space<vmem>>, vector<16xi32>,
        tpu.vector_store %arg9[%swap3A_502, %swap3A_503, %swap3A_504], %add3A_500 {strides = array<i32>} : memref<2x4x128xi32, #tpu.memory_space<vmem>>, vector<16xi32>,
        %mul3A_506 = arith.mulf %mul3A_454, %div3A_325 : vector<16xf32>
        %swap3A_507 = arith.index_cast %rem3A_144 : i32 to index
        %swap3A_508 = arith.constant 48 : index
        %swap3A_509 = tpu.vector_load %arg10[%swap3A_507, %swap3A_508] {strides = array<i32>} : memref<2x512xf32, #tpu.memory_space<vmem>>, vector<16xf32>,
        tpu.vector_store %arg10[%swap3A_507, %swap3A_508], %mul3A_506 {strides = array<i32>} : memref<2x512xf32, #tpu.memory_space<vmem>>, vector<16xf32>,
        %get3A_510 = arith.index_cast %rem3A_144 : i32 to index
        %get3A_511 = arith.constant 272 : index
        %get3A_512 = tpu.vector_load %arg7[%get3A_510, %get3A_511] {strides = array<i32>} : memref<2x384xf32, #tpu.memory_space<vmem>>, vector<16xf32>,
        %reduce_max3A_513 = arith.constant true
        %reduce_max3A_514 = vector.broadcast %reduce_max3A_513 : i1 to vector<16xi1>
        %reduce_max3A_515 = tpu.scan <max>, %get3A_512 masked %reduce_max3A_514 : vector<16xf32>, vector<16xi1> -> vector<16xf32>
        %reduce_max3A_516 = vector.extract %reduce_max3A_515[15] : f32 from vector<16xf32>
        %sub3A_517 = vector.broadcast %reduce_max3A_516 : f32 to vector<16xf32>
        %sub3A_518 = arith.subf %get3A_512, %sub3A_517 : vector<16xf32>
        %exp3A_519 = math.exp %sub3A_518 : vector<16xf32>
        %reduce_sum3A_520 = arith.constant true
        %reduce_sum3A_521 = vector.broadcast %reduce_sum3A_520 : i1 to vector<16xi1>
        %reduce_sum3A_522 = tpu.scan <sum>, %exp3A_519 masked %reduce_sum3A_521 : vector<16xf32>, vector<16xi1> -> vector<16xf32>
        %reduce_sum3A_523 = vector.extract %reduce_sum3A_522[15] : f32 from vector<16xf32>
        %broadcast_in_dim3A_524 = vector.broadcast %reduce_sum3A_523 : f32 to vector<16xf32>
        %div3A_525 = arith.divf %exp3A_519, %broadcast_in_dim3A_524 : vector<16xf32>
        %broadcast_in_dim3A_526 = vector.broadcast %rem3A_144 : i32 to vector<16xi32>
        %mul3A_527 = arith.constant 2 : i32
        %mul3A_528 = vector.broadcast %mul3A_527 : i32 to vector<16xi32>
        %mul3A_529 = arith.muli %iota3A, %mul3A_528 : vector<16xi32>
        %add3A_530 = arith.constant 32 : i32
        %add3A_531 = vector.broadcast %add3A_530 : i32 to vector<16xi32>
        %add3A_532 = arith.addi %mul3A_529, %add3A_531 : vector<16xi32>
        %gather3A_533 = tpu.vector_load_idx %arg7[%broadcast_in_dim3A_526, %add3A_532] : memref<2x384xf32, #tpu.memory_space<vmem>>[vector<16xi32>, vector<16xi32>], vector<16xf32>,
        %broadcast_in_dim3A_534 = vector.broadcast %rem3A_144 : i32 to vector<16xi32>
        %mul3A_535 = arith.constant 2 : i32
        %mul3A_536 = vector.broadcast %mul3A_535 : i32 to vector<16xi32>
        %mul3A_537 = arith.muli %iota3A, %mul3A_536 : vector<16xi32>
        %add3A_538 = arith.constant 33 : i32
        %add3A_539 = vector.broadcast %add3A_538 : i32 to vector<16xi32>
        %add3A_540 = arith.addi %mul3A_537, %add3A_539 : vector<16xi32>
        %gather3A_541 = tpu.vector_load_idx %arg7[%broadcast_in_dim3A_534, %add3A_540] : memref<2x384xf32, #tpu.memory_space<vmem>>[vector<16xi32>, vector<16xi32>], vector<16xf32>,
        %mul3A_542 = arith.mulf %gather3A_533, %mul3A_310 : vector<16xf32>
        %add3A_543 = arith.addf %gather3A, %mul3A_542 : vector<16xf32>
        %mul3A_544 = arith.mulf %add3A_543, %convert_element_type3A : vector<16xf32>
        %sub3A_545 = arith.constant 5.000000e-01 : f32
        %sub3A_546 = vector.broadcast %sub3A_545 : f32 to vector<16xf32>
        %sub3A_547 = arith.subf %mul3A_544, %sub3A_546 : vector<16xf32>
        %mul3A_548 = arith.mulf %gather3A_541, %mul3A_313 : vector<16xf32>
        %add3A_549 = arith.addf %gather3A_297, %mul3A_548 : vector<16xf32>
        %mul3A_550 = arith.mulf %add3A_549, %convert_element_type3A : vector<16xf32>
        %sub3A_551 = arith.constant 5.000000e-01 : f32
        %sub3A_552 = vector.broadcast %sub3A_551 : f32 to vector<16xf32>
        %sub3A_553 = arith.subf %mul3A_550, %sub3A_552 : vector<16xf32>
        %convert_element_type3A_554 = arith.fptosi %sub3A_547 : vector<16xf32> to vector<16xi32>
        %convert_element_type3A_555 = arith.sitofp %convert_element_type3A_554 : vector<16xi32> to vector<16xf32>
        %gt3A_556 = arith.cmpf ogt, %convert_element_type3A_555, %sub3A_547 : vector<16xf32>
        %sub3A_557 = arith.constant 1 : i32
        %sub3A_558 = vector.broadcast %sub3A_557 : i32 to vector<16xi32>
        %sub3A_559 = arith.subi %convert_element_type3A_554, %sub3A_558 : vector<16xi32>
        %select_n3A_560 = arith.select %gt3A_556, %sub3A_559, %convert_element_type3A_554 : vector<16xi1>, vector<16xi32>
        %gt3A_561 = arith.cmpf ogt, %convert_element_type3A_555, %sub3A_547 : vector<16xf32>
        %sub3A_562 = arith.constant 1.000000e+00 : f32
        %sub3A_563 = vector.broadcast %sub3A_562 : f32 to vector<16xf32>
        %sub3A_564 = arith.subf %convert_element_type3A_555, %sub3A_563 : vector<16xf32>
        %select_n3A_565 = arith.select %gt3A_561, %sub3A_564, %convert_element_type3A_555 : vector<16xi1>, vector<16xf32>
        %sub3A_566 = arith.subf %sub3A_547, %select_n3A_565 : vector<16xf32>
        %convert_element_type3A_567 = arith.fptosi %sub3A_553 : vector<16xf32> to vector<16xi32>
        %convert_element_type3A_568 = arith.sitofp %convert_element_type3A_567 : vector<16xi32> to vector<16xf32>
        %gt3A_569 = arith.cmpf ogt, %convert_element_type3A_568, %sub3A_553 : vector<16xf32>
        %sub3A_570 = arith.constant 1 : i32
        %sub3A_571 = vector.broadcast %sub3A_570 : i32 to vector<16xi32>
        %sub3A_572 = arith.subi %convert_element_type3A_567, %sub3A_571 : vector<16xi32>
        %select_n3A_573 = arith.select %gt3A_569, %sub3A_572, %convert_element_type3A_567 : vector<16xi1>, vector<16xi32>
        %gt3A_574 = arith.cmpf ogt, %convert_element_type3A_568, %sub3A_553 : vector<16xf32>
        %sub3A_575 = arith.constant 1.000000e+00 : f32
        %sub3A_576 = vector.broadcast %sub3A_575 : f32 to vector<16xf32>
        %sub3A_577 = arith.subf %convert_element_type3A_568, %sub3A_576 : vector<16xf32>
        %select_n3A_578 = arith.select %gt3A_574, %sub3A_577, %convert_element_type3A_568 : vector<16xi1>, vector<16xf32>
        %sub3A_579 = arith.subf %sub3A_553, %select_n3A_578 : vector<16xf32>
        %sub3A_580 = arith.constant 1.000000e+00 : f32
        %sub3A_581 = vector.broadcast %sub3A_580 : f32 to vector<16xf32>
        %sub3A_582 = arith.subf %sub3A_581, %sub3A_566 : vector<16xf32>
        %sub3A_583 = arith.constant 1.000000e+00 : f32
        %sub3A_584 = vector.broadcast %sub3A_583 : f32 to vector<16xf32>
        %sub3A_585 = arith.subf %sub3A_584, %sub3A_579 : vector<16xf32>
        %add3A_586 = arith.constant 1 : i32
        %add3A_587 = vector.broadcast %add3A_586 : i32 to vector<16xi32>
        %add3A_588 = arith.addi %select_n3A_560, %add3A_587 : vector<16xi32>
        %add3A_589 = arith.constant 1 : i32
        %add3A_590 = vector.broadcast %add3A_589 : i32 to vector<16xi32>
        %add3A_591 = arith.addi %select_n3A_573, %add3A_590 : vector<16xi32>
        %ge3A_592 = arith.constant 0 : i32
        %ge3A_593 = vector.broadcast %ge3A_592 : i32 to vector<16xi32>
        %ge3A_594 = arith.cmpi sge, %select_n3A_560, %ge3A_593 : vector<16xi32>
        %le3A_595 = arith.cmpi sle, %select_n3A_560, %sub3A_44 : vector<16xi32>
        %and3A_596 = arith.andi %ge3A_594, %le3A_595 : vector<16xi1>
        %ge3A_597 = arith.constant 0 : i32
        %ge3A_598 = vector.broadcast %ge3A_597 : i32 to vector<16xi32>
        %ge3A_599 = arith.cmpi sge, %add3A_588, %ge3A_598 : vector<16xi32>
        %le3A_600 = arith.cmpi sle, %add3A_588, %sub3A_44 : vector<16xi32>
        %and3A_601 = arith.andi %ge3A_599, %le3A_600 : vector<16xi1>
        %ge3A_602 = arith.constant 0 : i32
        %ge3A_603 = vector.broadcast %ge3A_602 : i32 to vector<16xi32>
        %ge3A_604 = arith.cmpi sge, %select_n3A_573, %ge3A_603 : vector<16xi32>
        %le3A_605 = arith.cmpi sle, %select_n3A_573, %sub3A_44 : vector<16xi32>
        %and3A_606 = arith.andi %ge3A_604, %le3A_605 : vector<16xi1>
        %ge3A_607 = arith.constant 0 : i32
        %ge3A_608 = vector.broadcast %ge3A_607 : i32 to vector<16xi32>
        %ge3A_609 = arith.cmpi sge, %add3A_591, %ge3A_608 : vector<16xi32>
        %le3A_610 = arith.cmpi sle, %add3A_591, %sub3A_44 : vector<16xi32>
        %and3A_611 = arith.andi %ge3A_609, %le3A_610 : vector<16xi1>
        %jit3A_612 = arith.constant 0 : i32
        %max3A_613 = vector.broadcast %jit3A_612 : i32 to vector<16xi32>
        %max3A_614 = arith.maxsi %max3A_613, %select_n3A_560 : vector<16xi32>
        %min3A_615 = arith.minsi %sub3A_44, %max3A_614 : vector<16xi32>
        %jit3A_616 = arith.constant 0 : i32
        %max3A_617 = vector.broadcast %jit3A_616 : i32 to vector<16xi32>
        %max3A_618 = arith.maxsi %max3A_617, %add3A_588 : vector<16xi32>
        %min3A_619 = arith.minsi %sub3A_44, %max3A_618 : vector<16xi32>
        %jit3A_620 = arith.constant 0 : i32
        %max3A_621 = vector.broadcast %jit3A_620 : i32 to vector<16xi32>
        %max3A_622 = arith.maxsi %max3A_621, %select_n3A_573 : vector<16xi32>
        %min3A_623 = arith.minsi %sub3A_44, %max3A_622 : vector<16xi32>
        %jit3A_624 = arith.constant 0 : i32
        %max3A_625 = vector.broadcast %jit3A_624 : i32 to vector<16xi32>
        %max3A_626 = arith.maxsi %max3A_625, %add3A_591 : vector<16xi32>
        %min3A_627 = arith.minsi %sub3A_44, %max3A_626 : vector<16xi32>
        %mul3A_628 = arith.muli %min3A_623, %shift_right_logical3A_22 : vector<16xi32>
        %add3A_629 = arith.addi %select_n3A_41, %mul3A_628 : vector<16xi32>
        %mul3A_630 = arith.muli %min3A_627, %shift_right_logical3A_22 : vector<16xi32>
        %add3A_631 = arith.addi %select_n3A_41, %mul3A_630 : vector<16xi32>
        %add3A_632 = arith.constant 1 : i32
        %add3A_633 = arith.addi %mul3A_18, %add3A_632 : i32
        %add3A_634 = arith.addi %add3A_629, %min3A_615 : vector<16xi32>
        %mul3A_635 = arith.mulf %sub3A_582, %sub3A_585 : vector<16xf32>
        %and3A_636 = arith.andi %and3A_596, %and3A_606 : vector<16xi1>
        %convert_element_type3A_637 = arith.extui %and3A_636 : vector<16xi1> to vector<16xi32>
        %convert_element_type3A_638 = arith.sitofp %convert_element_type3A_637 : vector<16xi32> to vector<16xf32>
        %mul3A_639 = arith.mulf %mul3A_635, %convert_element_type3A_638 : vector<16xf32>
        %add3A_640 = arith.addi %add3A_629, %min3A_619 : vector<16xi32>
        %mul3A_641 = arith.mulf %sub3A_566, %sub3A_585 : vector<16xf32>
        %and3A_642 = arith.andi %and3A_601, %and3A_606 : vector<16xi1>
        %convert_element_type3A_643 = arith.extui %and3A_642 : vector<16xi1> to vector<16xi32>
        %convert_element_type3A_644 = arith.sitofp %convert_element_type3A_643 : vector<16xi32> to vector<16xf32>
        %mul3A_645 = arith.mulf %mul3A_641, %convert_element_type3A_644 : vector<16xf32>
        %add3A_646 = arith.addi %add3A_631, %min3A_615 : vector<16xi32>
        %mul3A_647 = arith.mulf %sub3A_582, %sub3A_579 : vector<16xf32>
        %and3A_648 = arith.andi %and3A_596, %and3A_611 : vector<16xi1>
        %convert_element_type3A_649 = arith.extui %and3A_648 : vector<16xi1> to vector<16xi32>
        %convert_element_type3A_650 = arith.sitofp %convert_element_type3A_649 : vector<16xi32> to vector<16xf32>
        %mul3A_651 = arith.mulf %mul3A_647, %convert_element_type3A_650 : vector<16xf32>
        %add3A_652 = arith.addi %add3A_631, %min3A_619 : vector<16xi32>
        %mul3A_653 = arith.mulf %sub3A_566, %sub3A_579 : vector<16xf32>
        %and3A_654 = arith.andi %and3A_601, %and3A_611 : vector<16xi1>
        %convert_element_type3A_655 = arith.extui %and3A_654 : vector<16xi1> to vector<16xi32>
        %convert_element_type3A_656 = arith.sitofp %convert_element_type3A_655 : vector<16xi32> to vector<16xf32>
        %mul3A_657 = arith.mulf %mul3A_653, %convert_element_type3A_656 : vector<16xf32>
        %mul3A_658 = arith.constant 64 : i32
        %mul3A_659 = vector.broadcast %mul3A_658 : i32 to vector<16xi32>
        %mul3A_660 = arith.muli %add3A_634, %mul3A_659 : vector<16xi32>
        %add3A_661 = vector.broadcast %add3A_633 : i32 to vector<16xi32>
        %add3A_662 = arith.addi %mul3A_660, %add3A_661 : vector<16xi32>
        %swap3A_663 = arith.constant 0 : i32
        %swap3A_664 = arith.index_cast %rem3A_144 : i32 to index
        %swap3A_665 = arith.index_cast %swap3A_663 : i32 to index
        %swap3A_666 = arith.constant 64 : index
        %swap3A_667 = tpu.vector_load %arg9[%swap3A_664, %swap3A_665, %swap3A_666] {strides = array<i32>} : memref<2x4x128xi32, #tpu.memory_space<vmem>>, vector<16xi32>,
        tpu.vector_store %arg9[%swap3A_664, %swap3A_665, %swap3A_666], %add3A_662 {strides = array<i32>} : memref<2x4x128xi32, #tpu.memory_space<vmem>>, vector<16xi32>,
        %mul3A_668 = arith.mulf %mul3A_639, %div3A_525 : vector<16xf32>
        %swap3A_669 = arith.index_cast %rem3A_144 : i32 to index
        %swap3A_670 = arith.constant 64 : index
        %swap3A_671 = tpu.vector_load %arg10[%swap3A_669, %swap3A_670] {strides = array<i32>} : memref<2x512xf32, #tpu.memory_space<vmem>>, vector<16xf32>,
        tpu.vector_store %arg10[%swap3A_669, %swap3A_670], %mul3A_668 {strides = array<i32>} : memref<2x512xf32, #tpu.memory_space<vmem>>, vector<16xf32>,
        %mul3A_672 = arith.constant 64 : i32
        %mul3A_673 = vector.broadcast %mul3A_672 : i32 to vector<16xi32>
        %mul3A_674 = arith.muli %add3A_640, %mul3A_673 : vector<16xi32>
        %add3A_675 = vector.broadcast %add3A_633 : i32 to vector<16xi32>
        %add3A_676 = arith.addi %mul3A_674, %add3A_675 : vector<16xi32>
        %swap3A_677 = arith.constant 0 : i32
        %swap3A_678 = arith.index_cast %rem3A_144 : i32 to index
        %swap3A_679 = arith.index_cast %swap3A_677 : i32 to index
        %swap3A_680 = arith.constant 80 : index
        %swap3A_681 = tpu.vector_load %arg9[%swap3A_678, %swap3A_679, %swap3A_680] {strides = array<i32>} : memref<2x4x128xi32, #tpu.memory_space<vmem>>, vector<16xi32>,
        tpu.vector_store %arg9[%swap3A_678, %swap3A_679, %swap3A_680], %add3A_676 {strides = array<i32>} : memref<2x4x128xi32, #tpu.memory_space<vmem>>, vector<16xi32>,
        %mul3A_682 = arith.mulf %mul3A_645, %div3A_525 : vector<16xf32>
        %swap3A_683 = arith.index_cast %rem3A_144 : i32 to index
        %swap3A_684 = arith.constant 80 : index
        %swap3A_685 = tpu.vector_load %arg10[%swap3A_683, %swap3A_684] {strides = array<i32>} : memref<2x512xf32, #tpu.memory_space<vmem>>, vector<16xf32>,
        tpu.vector_store %arg10[%swap3A_683, %swap3A_684], %mul3A_682 {strides = array<i32>} : memref<2x512xf32, #tpu.memory_space<vmem>>, vector<16xf32>,
        %mul3A_686 = arith.constant 64 : i32
        %mul3A_687 = vector.broadcast %mul3A_686 : i32 to vector<16xi32>
        %mul3A_688 = arith.muli %add3A_646, %mul3A_687 : vector<16xi32>
        %add3A_689 = vector.broadcast %add3A_633 : i32 to vector<16xi32>
        %add3A_690 = arith.addi %mul3A_688, %add3A_689 : vector<16xi32>
        %swap3A_691 = arith.constant 0 : i32
        %swap3A_692 = arith.index_cast %rem3A_144 : i32 to index
        %swap3A_693 = arith.index_cast %swap3A_691 : i32 to index
        %swap3A_694 = arith.constant 96 : index
        %swap3A_695 = tpu.vector_load %arg9[%swap3A_692, %swap3A_693, %swap3A_694] {strides = array<i32>} : memref<2x4x128xi32, #tpu.memory_space<vmem>>, vector<16xi32>,
        tpu.vector_store %arg9[%swap3A_692, %swap3A_693, %swap3A_694], %add3A_690 {strides = array<i32>} : memref<2x4x128xi32, #tpu.memory_space<vmem>>, vector<16xi32>,
        %mul3A_696 = arith.mulf %mul3A_651, %div3A_525 : vector<16xf32>
        %swap3A_697 = arith.index_cast %rem3A_144 : i32 to index
        %swap3A_698 = arith.constant 96 : index
        %swap3A_699 = tpu.vector_load %arg10[%swap3A_697, %swap3A_698] {strides = array<i32>} : memref<2x512xf32, #tpu.memory_space<vmem>>, vector<16xf32>,
        tpu.vector_store %arg10[%swap3A_697, %swap3A_698], %mul3A_696 {strides = array<i32>} : memref<2x512xf32, #tpu.memory_space<vmem>>, vector<16xf32>,
        %mul3A_700 = arith.constant 64 : i32
        %mul3A_701 = vector.broadcast %mul3A_700 : i32 to vector<16xi32>
        %mul3A_702 = arith.muli %add3A_652, %mul3A_701 : vector<16xi32>
        %add3A_703 = vector.broadcast %add3A_633 : i32 to vector<16xi32>
        %add3A_704 = arith.addi %mul3A_702, %add3A_703 : vector<16xi32>
        %swap3A_705 = arith.constant 0 : i32
        %swap3A_706 = arith.index_cast %rem3A_144 : i32 to index
        %swap3A_707 = arith.index_cast %swap3A_705 : i32 to index
        %swap3A_708 = arith.constant 112 : index
        %swap3A_709 = tpu.vector_load %arg9[%swap3A_706, %swap3A_707, %swap3A_708] {strides = array<i32>} : memref<2x4x128xi32, #tpu.memory_space<vmem>>, vector<16xi32>,
        tpu.vector_store %arg9[%swap3A_706, %swap3A_707, %swap3A_708], %add3A_704 {strides = array<i32>} : memref<2x4x128xi32, #tpu.memory_space<vmem>>, vector<16xi32>,
        %mul3A_710 = arith.mulf %mul3A_657, %div3A_525 : vector<16xf32>
        %swap3A_711 = arith.index_cast %rem3A_144 : i32 to index
        %swap3A_712 = arith.constant 112 : index
        %swap3A_713 = tpu.vector_load %arg10[%swap3A_711, %swap3A_712] {strides = array<i32>} : memref<2x512xf32, #tpu.memory_space<vmem>>, vector<16xf32>,
        tpu.vector_store %arg10[%swap3A_711, %swap3A_712], %mul3A_710 {strides = array<i32>} : memref<2x512xf32, #tpu.memory_space<vmem>>, vector<16xf32>,
        %get3A_714 = arith.index_cast %rem3A_144 : i32 to index
        %get3A_715 = arith.constant 288 : index
        %get3A_716 = tpu.vector_load %arg7[%get3A_714, %get3A_715] {strides = array<i32>} : memref<2x384xf32, #tpu.memory_space<vmem>>, vector<16xf32>,
        %reduce_max3A_717 = arith.constant true
        %reduce_max3A_718 = vector.broadcast %reduce_max3A_717 : i1 to vector<16xi1>
        %reduce_max3A_719 = tpu.scan <max>, %get3A_716 masked %reduce_max3A_718 : vector<16xf32>, vector<16xi1> -> vector<16xf32>
        %reduce_max3A_720 = vector.extract %reduce_max3A_719[15] : f32 from vector<16xf32>
        %sub3A_721 = vector.broadcast %reduce_max3A_720 : f32 to vector<16xf32>
        %sub3A_722 = arith.subf %get3A_716, %sub3A_721 : vector<16xf32>
        %exp3A_723 = math.exp %sub3A_722 : vector<16xf32>
        %reduce_sum3A_724 = arith.constant true
        %reduce_sum3A_725 = vector.broadcast %reduce_sum3A_724 : i1 to vector<16xi1>
        %reduce_sum3A_726 = tpu.scan <sum>, %exp3A_723 masked %reduce_sum3A_725 : vector<16xf32>, vector<16xi1> -> vector<16xf32>
        %reduce_sum3A_727 = vector.extract %reduce_sum3A_726[15] : f32 from vector<16xf32>
        %broadcast_in_dim3A_728 = vector.broadcast %reduce_sum3A_727 : f32 to vector<16xf32>
        %div3A_729 = arith.divf %exp3A_723, %broadcast_in_dim3A_728 : vector<16xf32>
        %broadcast_in_dim3A_730 = vector.broadcast %rem3A_144 : i32 to vector<16xi32>
        %mul3A_731 = arith.constant 2 : i32
        %mul3A_732 = vector.broadcast %mul3A_731 : i32 to vector<16xi32>
        %mul3A_733 = arith.muli %iota3A, %mul3A_732 : vector<16xi32>
        %add3A_734 = arith.constant 64 : i32
        %add3A_735 = vector.broadcast %add3A_734 : i32 to vector<16xi32>
        %add3A_736 = arith.addi %mul3A_733, %add3A_735 : vector<16xi32>
        %gather3A_737 = tpu.vector_load_idx %arg7[%broadcast_in_dim3A_730, %add3A_736] : memref<2x384xf32, #tpu.memory_space<vmem>>[vector<16xi32>, vector<16xi32>], vector<16xf32>,
        %broadcast_in_dim3A_738 = vector.broadcast %rem3A_144 : i32 to vector<16xi32>
        %mul3A_739 = arith.constant 2 : i32
        %mul3A_740 = vector.broadcast %mul3A_739 : i32 to vector<16xi32>
        %mul3A_741 = arith.muli %iota3A, %mul3A_740 : vector<16xi32>
        %add3A_742 = arith.constant 65 : i32
        %add3A_743 = vector.broadcast %add3A_742 : i32 to vector<16xi32>
        %add3A_744 = arith.addi %mul3A_741, %add3A_743 : vector<16xi32>
        %gather3A_745 = tpu.vector_load_idx %arg7[%broadcast_in_dim3A_738, %add3A_744] : memref<2x384xf32, #tpu.memory_space<vmem>>[vector<16xi32>, vector<16xi32>], vector<16xf32>,
        %mul3A_746 = arith.mulf %gather3A_737, %mul3A_310 : vector<16xf32>
        %add3A_747 = arith.addf %gather3A, %mul3A_746 : vector<16xf32>
        %mul3A_748 = arith.mulf %add3A_747, %convert_element_type3A : vector<16xf32>
        %sub3A_749 = arith.constant 5.000000e-01 : f32
        %sub3A_750 = vector.broadcast %sub3A_749 : f32 to vector<16xf32>
        %sub3A_751 = arith.subf %mul3A_748, %sub3A_750 : vector<16xf32>
        %mul3A_752 = arith.mulf %gather3A_745, %mul3A_313 : vector<16xf32>
        %add3A_753 = arith.addf %gather3A_297, %mul3A_752 : vector<16xf32>
        %mul3A_754 = arith.mulf %add3A_753, %convert_element_type3A : vector<16xf32>
        %sub3A_755 = arith.constant 5.000000e-01 : f32
        %sub3A_756 = vector.broadcast %sub3A_755 : f32 to vector<16xf32>
        %sub3A_757 = arith.subf %mul3A_754, %sub3A_756 : vector<16xf32>
        %convert_element_type3A_758 = arith.fptosi %sub3A_751 : vector<16xf32> to vector<16xi32>
        %convert_element_type3A_759 = arith.sitofp %convert_element_type3A_758 : vector<16xi32> to vector<16xf32>
        %gt3A_760 = arith.cmpf ogt, %convert_element_type3A_759, %sub3A_751 : vector<16xf32>
        %sub3A_761 = arith.constant 1 : i32
        %sub3A_762 = vector.broadcast %sub3A_761 : i32 to vector<16xi32>
        %sub3A_763 = arith.subi %convert_element_type3A_758, %sub3A_762 : vector<16xi32>
        %select_n3A_764 = arith.select %gt3A_760, %sub3A_763, %convert_element_type3A_758 : vector<16xi1>, vector<16xi32>
        %gt3A_765 = arith.cmpf ogt, %convert_element_type3A_759, %sub3A_751 : vector<16xf32>
        %sub3A_766 = arith.constant 1.000000e+00 : f32
        %sub3A_767 = vector.broadcast %sub3A_766 : f32 to vector<16xf32>
        %sub3A_768 = arith.subf %convert_element_type3A_759, %sub3A_767 : vector<16xf32>
        %select_n3A_769 = arith.select %gt3A_765, %sub3A_768, %convert_element_type3A_759 : vector<16xi1>, vector<16xf32>
        %sub3A_770 = arith.subf %sub3A_751, %select_n3A_769 : vector<16xf32>
        %convert_element_type3A_771 = arith.fptosi %sub3A_757 : vector<16xf32> to vector<16xi32>
        %convert_element_type3A_772 = arith.sitofp %convert_element_type3A_771 : vector<16xi32> to vector<16xf32>
        %gt3A_773 = arith.cmpf ogt, %convert_element_type3A_772, %sub3A_757 : vector<16xf32>
        %sub3A_774 = arith.constant 1 : i32
        %sub3A_775 = vector.broadcast %sub3A_774 : i32 to vector<16xi32>
        %sub3A_776 = arith.subi %convert_element_type3A_771, %sub3A_775 : vector<16xi32>
        %select_n3A_777 = arith.select %gt3A_773, %sub3A_776, %convert_element_type3A_771 : vector<16xi1>, vector<16xi32>
        %gt3A_778 = arith.cmpf ogt, %convert_element_type3A_772, %sub3A_757 : vector<16xf32>
        %sub3A_779 = arith.constant 1.000000e+00 : f32
        %sub3A_780 = vector.broadcast %sub3A_779 : f32 to vector<16xf32>
        %sub3A_781 = arith.subf %convert_element_type3A_772, %sub3A_780 : vector<16xf32>
        %select_n3A_782 = arith.select %gt3A_778, %sub3A_781, %convert_element_type3A_772 : vector<16xi1>, vector<16xf32>
        %sub3A_783 = arith.subf %sub3A_757, %select_n3A_782 : vector<16xf32>
        %sub3A_784 = arith.constant 1.000000e+00 : f32
        %sub3A_785 = vector.broadcast %sub3A_784 : f32 to vector<16xf32>
        %sub3A_786 = arith.subf %sub3A_785, %sub3A_770 : vector<16xf32>
        %sub3A_787 = arith.constant 1.000000e+00 : f32
        %sub3A_788 = vector.broadcast %sub3A_787 : f32 to vector<16xf32>
        %sub3A_789 = arith.subf %sub3A_788, %sub3A_783 : vector<16xf32>
        %add3A_790 = arith.constant 1 : i32
        %add3A_791 = vector.broadcast %add3A_790 : i32 to vector<16xi32>
        %add3A_792 = arith.addi %select_n3A_764, %add3A_791 : vector<16xi32>
        %add3A_793 = arith.constant 1 : i32
        %add3A_794 = vector.broadcast %add3A_793 : i32 to vector<16xi32>
        %add3A_795 = arith.addi %select_n3A_777, %add3A_794 : vector<16xi32>
        %ge3A_796 = arith.constant 0 : i32
        %ge3A_797 = vector.broadcast %ge3A_796 : i32 to vector<16xi32>
        %ge3A_798 = arith.cmpi sge, %select_n3A_764, %ge3A_797 : vector<16xi32>
        %le3A_799 = arith.cmpi sle, %select_n3A_764, %sub3A_44 : vector<16xi32>
        %and3A_800 = arith.andi %ge3A_798, %le3A_799 : vector<16xi1>
        %ge3A_801 = arith.constant 0 : i32
        %ge3A_802 = vector.broadcast %ge3A_801 : i32 to vector<16xi32>
        %ge3A_803 = arith.cmpi sge, %add3A_792, %ge3A_802 : vector<16xi32>
        %le3A_804 = arith.cmpi sle, %add3A_792, %sub3A_44 : vector<16xi32>
        %and3A_805 = arith.andi %ge3A_803, %le3A_804 : vector<16xi1>
        %ge3A_806 = arith.constant 0 : i32
        %ge3A_807 = vector.broadcast %ge3A_806 : i32 to vector<16xi32>
        %ge3A_808 = arith.cmpi sge, %select_n3A_777, %ge3A_807 : vector<16xi32>
        %le3A_809 = arith.cmpi sle, %select_n3A_777, %sub3A_44 : vector<16xi32>
        %and3A_810 = arith.andi %ge3A_808, %le3A_809 : vector<16xi1>
        %ge3A_811 = arith.constant 0 : i32
        %ge3A_812 = vector.broadcast %ge3A_811 : i32 to vector<16xi32>
        %ge3A_813 = arith.cmpi sge, %add3A_795, %ge3A_812 : vector<16xi32>
        %le3A_814 = arith.cmpi sle, %add3A_795, %sub3A_44 : vector<16xi32>
        %and3A_815 = arith.andi %ge3A_813, %le3A_814 : vector<16xi1>
        %jit3A_816 = arith.constant 0 : i32
        %max3A_817 = vector.broadcast %jit3A_816 : i32 to vector<16xi32>
        %max3A_818 = arith.maxsi %max3A_817, %select_n3A_764 : vector<16xi32>
        %min3A_819 = arith.minsi %sub3A_44, %max3A_818 : vector<16xi32>
        %jit3A_820 = arith.constant 0 : i32
        %max3A_821 = vector.broadcast %jit3A_820 : i32 to vector<16xi32>
        %max3A_822 = arith.maxsi %max3A_821, %add3A_792 : vector<16xi32>
        %min3A_823 = arith.minsi %sub3A_44, %max3A_822 : vector<16xi32>
        %jit3A_824 = arith.constant 0 : i32
        %max3A_825 = vector.broadcast %jit3A_824 : i32 to vector<16xi32>
        %max3A_826 = arith.maxsi %max3A_825, %select_n3A_777 : vector<16xi32>
        %min3A_827 = arith.minsi %sub3A_44, %max3A_826 : vector<16xi32>
        %jit3A_828 = arith.constant 0 : i32
        %max3A_829 = vector.broadcast %jit3A_828 : i32 to vector<16xi32>
        %max3A_830 = arith.maxsi %max3A_829, %add3A_795 : vector<16xi32>
        %min3A_831 = arith.minsi %sub3A_44, %max3A_830 : vector<16xi32>
        %mul3A_832 = arith.muli %min3A_827, %shift_right_logical3A_22 : vector<16xi32>
        %add3A_833 = arith.addi %select_n3A_41, %mul3A_832 : vector<16xi32>
        %mul3A_834 = arith.muli %min3A_831, %shift_right_logical3A_22 : vector<16xi32>
        %add3A_835 = arith.addi %select_n3A_41, %mul3A_834 : vector<16xi32>
        %add3A_836 = arith.constant 2 : i32
        %add3A_837 = arith.addi %mul3A_18, %add3A_836 : i32
        %add3A_838 = arith.addi %add3A_833, %min3A_819 : vector<16xi32>
        %mul3A_839 = arith.mulf %sub3A_786, %sub3A_789 : vector<16xf32>
        %and3A_840 = arith.andi %and3A_800, %and3A_810 : vector<16xi1>
        %convert_element_type3A_841 = arith.extui %and3A_840 : vector<16xi1> to vector<16xi32>
        %convert_element_type3A_842 = arith.sitofp %convert_element_type3A_841 : vector<16xi32> to vector<16xf32>
        %mul3A_843 = arith.mulf %mul3A_839, %convert_element_type3A_842 : vector<16xf32>
        %add3A_844 = arith.addi %add3A_833, %min3A_823 : vector<16xi32>
        %mul3A_845 = arith.mulf %sub3A_770, %sub3A_789 : vector<16xf32>
        %and3A_846 = arith.andi %and3A_805, %and3A_810 : vector<16xi1>
        %convert_element_type3A_847 = arith.extui %and3A_846 : vector<16xi1> to vector<16xi32>
        %convert_element_type3A_848 = arith.sitofp %convert_element_type3A_847 : vector<16xi32> to vector<16xf32>
        %mul3A_849 = arith.mulf %mul3A_845, %convert_element_type3A_848 : vector<16xf32>
        %add3A_850 = arith.addi %add3A_835, %min3A_819 : vector<16xi32>
        %mul3A_851 = arith.mulf %sub3A_786, %sub3A_783 : vector<16xf32>
        %and3A_852 = arith.andi %and3A_800, %and3A_815 : vector<16xi1>
        %convert_element_type3A_853 = arith.extui %and3A_852 : vector<16xi1> to vector<16xi32>
        %convert_element_type3A_854 = arith.sitofp %convert_element_type3A_853 : vector<16xi32> to vector<16xf32>
        %mul3A_855 = arith.mulf %mul3A_851, %convert_element_type3A_854 : vector<16xf32>
        %add3A_856 = arith.addi %add3A_835, %min3A_823 : vector<16xi32>
        %mul3A_857 = arith.mulf %sub3A_770, %sub3A_783 : vector<16xf32>
        %and3A_858 = arith.andi %and3A_805, %and3A_815 : vector<16xi1>
        %convert_element_type3A_859 = arith.extui %and3A_858 : vector<16xi1> to vector<16xi32>
        %convert_element_type3A_860 = arith.sitofp %convert_element_type3A_859 : vector<16xi32> to vector<16xf32>
        %mul3A_861 = arith.mulf %mul3A_857, %convert_element_type3A_860 : vector<16xf32>
        %mul3A_862 = arith.constant 64 : i32
        %mul3A_863 = vector.broadcast %mul3A_862 : i32 to vector<16xi32>
        %mul3A_864 = arith.muli %add3A_838, %mul3A_863 : vector<16xi32>
        %add3A_865 = vector.broadcast %add3A_837 : i32 to vector<16xi32>
        %add3A_866 = arith.addi %mul3A_864, %add3A_865 : vector<16xi32>
        %swap3A_867 = arith.constant 1 : i32
        %swap3A_868 = arith.index_cast %rem3A_144 : i32 to index
        %swap3A_869 = arith.index_cast %swap3A_867 : i32 to index
        %swap3A_870 = arith.constant 0 : index
        %swap3A_871 = tpu.vector_load %arg9[%swap3A_868, %swap3A_869, %swap3A_870] {strides = array<i32>} : memref<2x4x128xi32, #tpu.memory_space<vmem>>, vector<16xi32>,
        tpu.vector_store %arg9[%swap3A_868, %swap3A_869, %swap3A_870], %add3A_866 {strides = array<i32>} : memref<2x4x128xi32, #tpu.memory_space<vmem>>, vector<16xi32>,
        %mul3A_872 = arith.mulf %mul3A_843, %div3A_729 : vector<16xf32>
        %swap3A_873 = arith.index_cast %rem3A_144 : i32 to index
        %swap3A_874 = arith.constant 128 : index
        %swap3A_875 = tpu.vector_load %arg10[%swap3A_873, %swap3A_874] {strides = array<i32>} : memref<2x512xf32, #tpu.memory_space<vmem>>, vector<16xf32>,
        tpu.vector_store %arg10[%swap3A_873, %swap3A_874], %mul3A_872 {strides = array<i32>} : memref<2x512xf32, #tpu.memory_space<vmem>>, vector<16xf32>,
        %mul3A_876 = arith.constant 64 : i32
        %mul3A_877 = vector.broadcast %mul3A_876 : i32 to vector<16xi32>
        %mul3A_878 = arith.muli %add3A_844, %mul3A_877 : vector<16xi32>
        %add3A_879 = vector.broadcast %add3A_837 : i32 to vector<16xi32>
        %add3A_880 = arith.addi %mul3A_878, %add3A_879 : vector<16xi32>
        %swap3A_881 = arith.constant 1 : i32
        %swap3A_882 = arith.index_cast %rem3A_144 : i32 to index
        %swap3A_883 = arith.index_cast %swap3A_881 : i32 to index
        %swap3A_884 = arith.constant 16 : index
        %swap3A_885 = tpu.vector_load %arg9[%swap3A_882, %swap3A_883, %swap3A_884] {strides = array<i32>} : memref<2x4x128xi32, #tpu.memory_space<vmem>>, vector<16xi32>,
        tpu.vector_store %arg9[%swap3A_882, %swap3A_883, %swap3A_884], %add3A_880 {strides = array<i32>} : memref<2x4x128xi32, #tpu.memory_space<vmem>>, vector<16xi32>,
        %mul3A_886 = arith.mulf %mul3A_849, %div3A_729 : vector<16xf32>
        %swap3A_887 = arith.index_cast %rem3A_144 : i32 to index
        %swap3A_888 = arith.constant 144 : index
        %swap3A_889 = tpu.vector_load %arg10[%swap3A_887, %swap3A_888] {strides = array<i32>} : memref<2x512xf32, #tpu.memory_space<vmem>>, vector<16xf32>,
        tpu.vector_store %arg10[%swap3A_887, %swap3A_888], %mul3A_886 {strides = array<i32>} : memref<2x512xf32, #tpu.memory_space<vmem>>, vector<16xf32>,
        %mul3A_890 = arith.constant 64 : i32
        %mul3A_891 = vector.broadcast %mul3A_890 : i32 to vector<16xi32>
        %mul3A_892 = arith.muli %add3A_850, %mul3A_891 : vector<16xi32>
        %add3A_893 = vector.broadcast %add3A_837 : i32 to vector<16xi32>
        %add3A_894 = arith.addi %mul3A_892, %add3A_893 : vector<16xi32>
        %swap3A_895 = arith.constant 1 : i32
        %swap3A_896 = arith.index_cast %rem3A_144 : i32 to index
        %swap3A_897 = arith.index_cast %swap3A_895 : i32 to index
        %swap3A_898 = arith.constant 32 : index
        %swap3A_899 = tpu.vector_load %arg9[%swap3A_896, %swap3A_897, %swap3A_898] {strides = array<i32>} : memref<2x4x128xi32, #tpu.memory_space<vmem>>, vector<16xi32>,
        tpu.vector_store %arg9[%swap3A_896, %swap3A_897, %swap3A_898], %add3A_894 {strides = array<i32>} : memref<2x4x128xi32, #tpu.memory_space<vmem>>, vector<16xi32>,
        %mul3A_900 = arith.mulf %mul3A_855, %div3A_729 : vector<16xf32>
        %swap3A_901 = arith.index_cast %rem3A_144 : i32 to index
        %swap3A_902 = arith.constant 160 : index
        %swap3A_903 = tpu.vector_load %arg10[%swap3A_901, %swap3A_902] {strides = array<i32>} : memref<2x512xf32, #tpu.memory_space<vmem>>, vector<16xf32>,
        tpu.vector_store %arg10[%swap3A_901, %swap3A_902], %mul3A_900 {strides = array<i32>} : memref<2x512xf32, #tpu.memory_space<vmem>>, vector<16xf32>,
        %mul3A_904 = arith.constant 64 : i32
        %mul3A_905 = vector.broadcast %mul3A_904 : i32 to vector<16xi32>
        %mul3A_906 = arith.muli %add3A_856, %mul3A_905 : vector<16xi32>
        %add3A_907 = vector.broadcast %add3A_837 : i32 to vector<16xi32>
        %add3A_908 = arith.addi %mul3A_906, %add3A_907 : vector<16xi32>
        %swap3A_909 = arith.constant 1 : i32
        %swap3A_910 = arith.index_cast %rem3A_144 : i32 to index
        %swap3A_911 = arith.index_cast %swap3A_909 : i32 to index
        %swap3A_912 = arith.constant 48 : index
        %swap3A_913 = tpu.vector_load %arg9[%swap3A_910, %swap3A_911, %swap3A_912] {strides = array<i32>} : memref<2x4x128xi32, #tpu.memory_space<vmem>>, vector<16xi32>,
        tpu.vector_store %arg9[%swap3A_910, %swap3A_911, %swap3A_912], %add3A_908 {strides = array<i32>} : memref<2x4x128xi32, #tpu.memory_space<vmem>>, vector<16xi32>,
        %mul3A_914 = arith.mulf %mul3A_861, %div3A_729 : vector<16xf32>
        %swap3A_915 = arith.index_cast %rem3A_144 : i32 to index
        %swap3A_916 = arith.constant 176 : index
        %swap3A_917 = tpu.vector_load %arg10[%swap3A_915, %swap3A_916] {strides = array<i32>} : memref<2x512xf32, #tpu.memory_space<vmem>>, vector<16xf32>,
        tpu.vector_store %arg10[%swap3A_915, %swap3A_916], %mul3A_914 {strides = array<i32>} : memref<2x512xf32, #tpu.memory_space<vmem>>, vector<16xf32>,
        %get3A_918 = arith.index_cast %rem3A_144 : i32 to index
        %get3A_919 = arith.constant 304 : index
        %get3A_920 = tpu.vector_load %arg7[%get3A_918, %get3A_919] {strides = array<i32>} : memref<2x384xf32, #tpu.memory_space<vmem>>, vector<16xf32>,
        %reduce_max3A_921 = arith.constant true
        %reduce_max3A_922 = vector.broadcast %reduce_max3A_921 : i1 to vector<16xi1>
        %reduce_max3A_923 = tpu.scan <max>, %get3A_920 masked %reduce_max3A_922 : vector<16xf32>, vector<16xi1> -> vector<16xf32>
        %reduce_max3A_924 = vector.extract %reduce_max3A_923[15] : f32 from vector<16xf32>
        %sub3A_925 = vector.broadcast %reduce_max3A_924 : f32 to vector<16xf32>
        %sub3A_926 = arith.subf %get3A_920, %sub3A_925 : vector<16xf32>
        %exp3A_927 = math.exp %sub3A_926 : vector<16xf32>
        %reduce_sum3A_928 = arith.constant true
        %reduce_sum3A_929 = vector.broadcast %reduce_sum3A_928 : i1 to vector<16xi1>
        %reduce_sum3A_930 = tpu.scan <sum>, %exp3A_927 masked %reduce_sum3A_929 : vector<16xf32>, vector<16xi1> -> vector<16xf32>
        %reduce_sum3A_931 = vector.extract %reduce_sum3A_930[15] : f32 from vector<16xf32>
        %broadcast_in_dim3A_932 = vector.broadcast %reduce_sum3A_931 : f32 to vector<16xf32>
        %div3A_933 = arith.divf %exp3A_927, %broadcast_in_dim3A_932 : vector<16xf32>
        %broadcast_in_dim3A_934 = vector.broadcast %rem3A_144 : i32 to vector<16xi32>
        %mul3A_935 = arith.constant 2 : i32
        %mul3A_936 = vector.broadcast %mul3A_935 : i32 to vector<16xi32>
        %mul3A_937 = arith.muli %iota3A, %mul3A_936 : vector<16xi32>
        %add3A_938 = arith.constant 96 : i32
        %add3A_939 = vector.broadcast %add3A_938 : i32 to vector<16xi32>
        %add3A_940 = arith.addi %mul3A_937, %add3A_939 : vector<16xi32>
        %gather3A_941 = tpu.vector_load_idx %arg7[%broadcast_in_dim3A_934, %add3A_940] : memref<2x384xf32, #tpu.memory_space<vmem>>[vector<16xi32>, vector<16xi32>], vector<16xf32>,
        %broadcast_in_dim3A_942 = vector.broadcast %rem3A_144 : i32 to vector<16xi32>
        %mul3A_943 = arith.constant 2 : i32
        %mul3A_944 = vector.broadcast %mul3A_943 : i32 to vector<16xi32>
        %mul3A_945 = arith.muli %iota3A, %mul3A_944 : vector<16xi32>
        %add3A_946 = arith.constant 97 : i32
        %add3A_947 = vector.broadcast %add3A_946 : i32 to vector<16xi32>
        %add3A_948 = arith.addi %mul3A_945, %add3A_947 : vector<16xi32>
        %gather3A_949 = tpu.vector_load_idx %arg7[%broadcast_in_dim3A_942, %add3A_948] : memref<2x384xf32, #tpu.memory_space<vmem>>[vector<16xi32>, vector<16xi32>], vector<16xf32>,
        %mul3A_950 = arith.mulf %gather3A_941, %mul3A_310 : vector<16xf32>
        %add3A_951 = arith.addf %gather3A, %mul3A_950 : vector<16xf32>
        %mul3A_952 = arith.mulf %add3A_951, %convert_element_type3A : vector<16xf32>
        %sub3A_953 = arith.constant 5.000000e-01 : f32
        %sub3A_954 = vector.broadcast %sub3A_953 : f32 to vector<16xf32>
        %sub3A_955 = arith.subf %mul3A_952, %sub3A_954 : vector<16xf32>
        %mul3A_956 = arith.mulf %gather3A_949, %mul3A_313 : vector<16xf32>
        %add3A_957 = arith.addf %gather3A_297, %mul3A_956 : vector<16xf32>
        %mul3A_958 = arith.mulf %add3A_957, %convert_element_type3A : vector<16xf32>
        %sub3A_959 = arith.constant 5.000000e-01 : f32
        %sub3A_960 = vector.broadcast %sub3A_959 : f32 to vector<16xf32>
        %sub3A_961 = arith.subf %mul3A_958, %sub3A_960 : vector<16xf32>
        %convert_element_type3A_962 = arith.fptosi %sub3A_955 : vector<16xf32> to vector<16xi32>
        %convert_element_type3A_963 = arith.sitofp %convert_element_type3A_962 : vector<16xi32> to vector<16xf32>
        %gt3A_964 = arith.cmpf ogt, %convert_element_type3A_963, %sub3A_955 : vector<16xf32>
        %sub3A_965 = arith.constant 1 : i32
        %sub3A_966 = vector.broadcast %sub3A_965 : i32 to vector<16xi32>
        %sub3A_967 = arith.subi %convert_element_type3A_962, %sub3A_966 : vector<16xi32>
        %select_n3A_968 = arith.select %gt3A_964, %sub3A_967, %convert_element_type3A_962 : vector<16xi1>, vector<16xi32>
        %gt3A_969 = arith.cmpf ogt, %convert_element_type3A_963, %sub3A_955 : vector<16xf32>
        %sub3A_970 = arith.constant 1.000000e+00 : f32
        %sub3A_971 = vector.broadcast %sub3A_970 : f32 to vector<16xf32>
        %sub3A_972 = arith.subf %convert_element_type3A_963, %sub3A_971 : vector<16xf32>
        %select_n3A_973 = arith.select %gt3A_969, %sub3A_972, %convert_element_type3A_963 : vector<16xi1>, vector<16xf32>
        %sub3A_974 = arith.subf %sub3A_955, %select_n3A_973 : vector<16xf32>
        %convert_element_type3A_975 = arith.fptosi %sub3A_961 : vector<16xf32> to vector<16xi32>
        %convert_element_type3A_976 = arith.sitofp %convert_element_type3A_975 : vector<16xi32> to vector<16xf32>
        %gt3A_977 = arith.cmpf ogt, %convert_element_type3A_976, %sub3A_961 : vector<16xf32>
        %sub3A_978 = arith.constant 1 : i32
        %sub3A_979 = vector.broadcast %sub3A_978 : i32 to vector<16xi32>
        %sub3A_980 = arith.subi %convert_element_type3A_975, %sub3A_979 : vector<16xi32>
        %select_n3A_981 = arith.select %gt3A_977, %sub3A_980, %convert_element_type3A_975 : vector<16xi1>, vector<16xi32>
        %gt3A_982 = arith.cmpf ogt, %convert_element_type3A_976, %sub3A_961 : vector<16xf32>
        %sub3A_983 = arith.constant 1.000000e+00 : f32
        %sub3A_984 = vector.broadcast %sub3A_983 : f32 to vector<16xf32>
        %sub3A_985 = arith.subf %convert_element_type3A_976, %sub3A_984 : vector<16xf32>
        %select_n3A_986 = arith.select %gt3A_982, %sub3A_985, %convert_element_type3A_976 : vector<16xi1>, vector<16xf32>
        %sub3A_987 = arith.subf %sub3A_961, %select_n3A_986 : vector<16xf32>
        %sub3A_988 = arith.constant 1.000000e+00 : f32
        %sub3A_989 = vector.broadcast %sub3A_988 : f32 to vector<16xf32>
        %sub3A_990 = arith.subf %sub3A_989, %sub3A_974 : vector<16xf32>
        %sub3A_991 = arith.constant 1.000000e+00 : f32
        %sub3A_992 = vector.broadcast %sub3A_991 : f32 to vector<16xf32>
        %sub3A_993 = arith.subf %sub3A_992, %sub3A_987 : vector<16xf32>
        %add3A_994 = arith.constant 1 : i32
        %add3A_995 = vector.broadcast %add3A_994 : i32 to vector<16xi32>
        %add3A_996 = arith.addi %select_n3A_968, %add3A_995 : vector<16xi32>
        %add3A_997 = arith.constant 1 : i32
        %add3A_998 = vector.broadcast %add3A_997 : i32 to vector<16xi32>
        %add3A_999 = arith.addi %select_n3A_981, %add3A_998 : vector<16xi32>
        %ge3A_1000 = arith.constant 0 : i32
        %ge3A_1001 = vector.broadcast %ge3A_1000 : i32 to vector<16xi32>
        %ge3A_1002 = arith.cmpi sge, %select_n3A_968, %ge3A_1001 : vector<16xi32>
        %le3A_1003 = arith.cmpi sle, %select_n3A_968, %sub3A_44 : vector<16xi32>
        %and3A_1004 = arith.andi %ge3A_1002, %le3A_1003 : vector<16xi1>
        %ge3A_1005 = arith.constant 0 : i32
        %ge3A_1006 = vector.broadcast %ge3A_1005 : i32 to vector<16xi32>
        %ge3A_1007 = arith.cmpi sge, %add3A_996, %ge3A_1006 : vector<16xi32>
        %le3A_1008 = arith.cmpi sle, %add3A_996, %sub3A_44 : vector<16xi32>
        %and3A_1009 = arith.andi %ge3A_1007, %le3A_1008 : vector<16xi1>
        %ge3A_1010 = arith.constant 0 : i32
        %ge3A_1011 = vector.broadcast %ge3A_1010 : i32 to vector<16xi32>
        %ge3A_1012 = arith.cmpi sge, %select_n3A_981, %ge3A_1011 : vector<16xi32>
        %le3A_1013 = arith.cmpi sle, %select_n3A_981, %sub3A_44 : vector<16xi32>
        %and3A_1014 = arith.andi %ge3A_1012, %le3A_1013 : vector<16xi1>
        %ge3A_1015 = arith.constant 0 : i32
        %ge3A_1016 = vector.broadcast %ge3A_1015 : i32 to vector<16xi32>
        %ge3A_1017 = arith.cmpi sge, %add3A_999, %ge3A_1016 : vector<16xi32>
        %le3A_1018 = arith.cmpi sle, %add3A_999, %sub3A_44 : vector<16xi32>
        %and3A_1019 = arith.andi %ge3A_1017, %le3A_1018 : vector<16xi1>
        %jit3A_1020 = arith.constant 0 : i32
        %max3A_1021 = vector.broadcast %jit3A_1020 : i32 to vector<16xi32>
        %max3A_1022 = arith.maxsi %max3A_1021, %select_n3A_968 : vector<16xi32>
        %min3A_1023 = arith.minsi %sub3A_44, %max3A_1022 : vector<16xi32>
        %jit3A_1024 = arith.constant 0 : i32
        %max3A_1025 = vector.broadcast %jit3A_1024 : i32 to vector<16xi32>
        %max3A_1026 = arith.maxsi %max3A_1025, %add3A_996 : vector<16xi32>
        %min3A_1027 = arith.minsi %sub3A_44, %max3A_1026 : vector<16xi32>
        %jit3A_1028 = arith.constant 0 : i32
        %max3A_1029 = vector.broadcast %jit3A_1028 : i32 to vector<16xi32>
        %max3A_1030 = arith.maxsi %max3A_1029, %select_n3A_981 : vector<16xi32>
        %min3A_1031 = arith.minsi %sub3A_44, %max3A_1030 : vector<16xi32>
        %jit3A_1032 = arith.constant 0 : i32
        %max3A_1033 = vector.broadcast %jit3A_1032 : i32 to vector<16xi32>
        %max3A_1034 = arith.maxsi %max3A_1033, %add3A_999 : vector<16xi32>
        %min3A_1035 = arith.minsi %sub3A_44, %max3A_1034 : vector<16xi32>
        %mul3A_1036 = arith.muli %min3A_1031, %shift_right_logical3A_22 : vector<16xi32>
        %add3A_1037 = arith.addi %select_n3A_41, %mul3A_1036 : vector<16xi32>
        %mul3A_1038 = arith.muli %min3A_1035, %shift_right_logical3A_22 : vector<16xi32>
        %add3A_1039 = arith.addi %select_n3A_41, %mul3A_1038 : vector<16xi32>
        %add3A_1040 = arith.constant 3 : i32
        %add3A_1041 = arith.addi %mul3A_18, %add3A_1040 : i32
        %add3A_1042 = arith.addi %add3A_1037, %min3A_1023 : vector<16xi32>
        %mul3A_1043 = arith.mulf %sub3A_990, %sub3A_993 : vector<16xf32>
        %and3A_1044 = arith.andi %and3A_1004, %and3A_1014 : vector<16xi1>
        %convert_element_type3A_1045 = arith.extui %and3A_1044 : vector<16xi1> to vector<16xi32>
        %convert_element_type3A_1046 = arith.sitofp %convert_element_type3A_1045 : vector<16xi32> to vector<16xf32>
        %mul3A_1047 = arith.mulf %mul3A_1043, %convert_element_type3A_1046 : vector<16xf32>
        %add3A_1048 = arith.addi %add3A_1037, %min3A_1027 : vector<16xi32>
        %mul3A_1049 = arith.mulf %sub3A_974, %sub3A_993 : vector<16xf32>
        %and3A_1050 = arith.andi %and3A_1009, %and3A_1014 : vector<16xi1>
        %convert_element_type3A_1051 = arith.extui %and3A_1050 : vector<16xi1> to vector<16xi32>
        %convert_element_type3A_1052 = arith.sitofp %convert_element_type3A_1051 : vector<16xi32> to vector<16xf32>
        %mul3A_1053 = arith.mulf %mul3A_1049, %convert_element_type3A_1052 : vector<16xf32>
        %add3A_1054 = arith.addi %add3A_1039, %min3A_1023 : vector<16xi32>
        %mul3A_1055 = arith.mulf %sub3A_990, %sub3A_987 : vector<16xf32>
        %and3A_1056 = arith.andi %and3A_1004, %and3A_1019 : vector<16xi1>
        %convert_element_type3A_1057 = arith.extui %and3A_1056 : vector<16xi1> to vector<16xi32>
        %convert_element_type3A_1058 = arith.sitofp %convert_element_type3A_1057 : vector<16xi32> to vector<16xf32>
        %mul3A_1059 = arith.mulf %mul3A_1055, %convert_element_type3A_1058 : vector<16xf32>
        %add3A_1060 = arith.addi %add3A_1039, %min3A_1027 : vector<16xi32>
        %mul3A_1061 = arith.mulf %sub3A_974, %sub3A_987 : vector<16xf32>
        %and3A_1062 = arith.andi %and3A_1009, %and3A_1019 : vector<16xi1>
        %convert_element_type3A_1063 = arith.extui %and3A_1062 : vector<16xi1> to vector<16xi32>
        %convert_element_type3A_1064 = arith.sitofp %convert_element_type3A_1063 : vector<16xi32> to vector<16xf32>
        %mul3A_1065 = arith.mulf %mul3A_1061, %convert_element_type3A_1064 : vector<16xf32>
        %mul3A_1066 = arith.constant 64 : i32
        %mul3A_1067 = vector.broadcast %mul3A_1066 : i32 to vector<16xi32>
        %mul3A_1068 = arith.muli %add3A_1042, %mul3A_1067 : vector<16xi32>
        %add3A_1069 = vector.broadcast %add3A_1041 : i32 to vector<16xi32>
        %add3A_1070 = arith.addi %mul3A_1068, %add3A_1069 : vector<16xi32>
        %swap3A_1071 = arith.constant 1 : i32
        %swap3A_1072 = arith.index_cast %rem3A_144 : i32 to index
        %swap3A_1073 = arith.index_cast %swap3A_1071 : i32 to index
        %swap3A_1074 = arith.constant 64 : index
        %swap3A_1075 = tpu.vector_load %arg9[%swap3A_1072, %swap3A_1073, %swap3A_1074] {strides = array<i32>} : memref<2x4x128xi32, #tpu.memory_space<vmem>>, vector<16xi32>,
        tpu.vector_store %arg9[%swap3A_1072, %swap3A_1073, %swap3A_1074], %add3A_1070 {strides = array<i32>} : memref<2x4x128xi32, #tpu.memory_space<vmem>>, vector<16xi32>,
        %mul3A_1076 = arith.mulf %mul3A_1047, %div3A_933 : vector<16xf32>
        %swap3A_1077 = arith.index_cast %rem3A_144 : i32 to index
        %swap3A_1078 = arith.constant 192 : index
        %swap3A_1079 = tpu.vector_load %arg10[%swap3A_1077, %swap3A_1078] {strides = array<i32>} : memref<2x512xf32, #tpu.memory_space<vmem>>, vector<16xf32>,
        tpu.vector_store %arg10[%swap3A_1077, %swap3A_1078], %mul3A_1076 {strides = array<i32>} : memref<2x512xf32, #tpu.memory_space<vmem>>, vector<16xf32>,
        %mul3A_1080 = arith.constant 64 : i32
        %mul3A_1081 = vector.broadcast %mul3A_1080 : i32 to vector<16xi32>
        %mul3A_1082 = arith.muli %add3A_1048, %mul3A_1081 : vector<16xi32>
        %add3A_1083 = vector.broadcast %add3A_1041 : i32 to vector<16xi32>
        %add3A_1084 = arith.addi %mul3A_1082, %add3A_1083 : vector<16xi32>
        %swap3A_1085 = arith.constant 1 : i32
        %swap3A_1086 = arith.index_cast %rem3A_144 : i32 to index
        %swap3A_1087 = arith.index_cast %swap3A_1085 : i32 to index
        %swap3A_1088 = arith.constant 80 : index
        %swap3A_1089 = tpu.vector_load %arg9[%swap3A_1086, %swap3A_1087, %swap3A_1088] {strides = array<i32>} : memref<2x4x128xi32, #tpu.memory_space<vmem>>, vector<16xi32>,
        tpu.vector_store %arg9[%swap3A_1086, %swap3A_1087, %swap3A_1088], %add3A_1084 {strides = array<i32>} : memref<2x4x128xi32, #tpu.memory_space<vmem>>, vector<16xi32>,
        %mul3A_1090 = arith.mulf %mul3A_1053, %div3A_933 : vector<16xf32>
        %swap3A_1091 = arith.index_cast %rem3A_144 : i32 to index
        %swap3A_1092 = arith.constant 208 : index
        %swap3A_1093 = tpu.vector_load %arg10[%swap3A_1091, %swap3A_1092] {strides = array<i32>} : memref<2x512xf32, #tpu.memory_space<vmem>>, vector<16xf32>,
        tpu.vector_store %arg10[%swap3A_1091, %swap3A_1092], %mul3A_1090 {strides = array<i32>} : memref<2x512xf32, #tpu.memory_space<vmem>>, vector<16xf32>,
        %mul3A_1094 = arith.constant 64 : i32
        %mul3A_1095 = vector.broadcast %mul3A_1094 : i32 to vector<16xi32>
        %mul3A_1096 = arith.muli %add3A_1054, %mul3A_1095 : vector<16xi32>
        %add3A_1097 = vector.broadcast %add3A_1041 : i32 to vector<16xi32>
        %add3A_1098 = arith.addi %mul3A_1096, %add3A_1097 : vector<16xi32>
        %swap3A_1099 = arith.constant 1 : i32
        %swap3A_1100 = arith.index_cast %rem3A_144 : i32 to index
        %swap3A_1101 = arith.index_cast %swap3A_1099 : i32 to index
        %swap3A_1102 = arith.constant 96 : index
        %swap3A_1103 = tpu.vector_load %arg9[%swap3A_1100, %swap3A_1101, %swap3A_1102] {strides = array<i32>} : memref<2x4x128xi32, #tpu.memory_space<vmem>>, vector<16xi32>,
        tpu.vector_store %arg9[%swap3A_1100, %swap3A_1101, %swap3A_1102], %add3A_1098 {strides = array<i32>} : memref<2x4x128xi32, #tpu.memory_space<vmem>>, vector<16xi32>,
        %mul3A_1104 = arith.mulf %mul3A_1059, %div3A_933 : vector<16xf32>
        %swap3A_1105 = arith.index_cast %rem3A_144 : i32 to index
        %swap3A_1106 = arith.constant 224 : index
        %swap3A_1107 = tpu.vector_load %arg10[%swap3A_1105, %swap3A_1106] {strides = array<i32>} : memref<2x512xf32, #tpu.memory_space<vmem>>, vector<16xf32>,
        tpu.vector_store %arg10[%swap3A_1105, %swap3A_1106], %mul3A_1104 {strides = array<i32>} : memref<2x512xf32, #tpu.memory_space<vmem>>, vector<16xf32>,
        %mul3A_1108 = arith.constant 64 : i32
        %mul3A_1109 = vector.broadcast %mul3A_1108 : i32 to vector<16xi32>
        %mul3A_1110 = arith.muli %add3A_1060, %mul3A_1109 : vector<16xi32>
        %add3A_1111 = vector.broadcast %add3A_1041 : i32 to vector<16xi32>
        %add3A_1112 = arith.addi %mul3A_1110, %add3A_1111 : vector<16xi32>
        %swap3A_1113 = arith.constant 1 : i32
        %swap3A_1114 = arith.index_cast %rem3A_144 : i32 to index
        %swap3A_1115 = arith.index_cast %swap3A_1113 : i32 to index
        %swap3A_1116 = arith.constant 112 : index
        %swap3A_1117 = tpu.vector_load %arg9[%swap3A_1114, %swap3A_1115, %swap3A_1116] {strides = array<i32>} : memref<2x4x128xi32, #tpu.memory_space<vmem>>, vector<16xi32>,
        tpu.vector_store %arg9[%swap3A_1114, %swap3A_1115, %swap3A_1116], %add3A_1112 {strides = array<i32>} : memref<2x4x128xi32, #tpu.memory_space<vmem>>, vector<16xi32>,
        %mul3A_1118 = arith.mulf %mul3A_1065, %div3A_933 : vector<16xf32>
        %swap3A_1119 = arith.index_cast %rem3A_144 : i32 to index
        %swap3A_1120 = arith.constant 240 : index
        %swap3A_1121 = tpu.vector_load %arg10[%swap3A_1119, %swap3A_1120] {strides = array<i32>} : memref<2x512xf32, #tpu.memory_space<vmem>>, vector<16xf32>,
        tpu.vector_store %arg10[%swap3A_1119, %swap3A_1120], %mul3A_1118 {strides = array<i32>} : memref<2x512xf32, #tpu.memory_space<vmem>>, vector<16xf32>,
        %get3A_1122 = arith.index_cast %rem3A_144 : i32 to index
        %get3A_1123 = arith.constant 320 : index
        %get3A_1124 = tpu.vector_load %arg7[%get3A_1122, %get3A_1123] {strides = array<i32>} : memref<2x384xf32, #tpu.memory_space<vmem>>, vector<16xf32>,
        %reduce_max3A_1125 = arith.constant true
        %reduce_max3A_1126 = vector.broadcast %reduce_max3A_1125 : i1 to vector<16xi1>
        %reduce_max3A_1127 = tpu.scan <max>, %get3A_1124 masked %reduce_max3A_1126 : vector<16xf32>, vector<16xi1> -> vector<16xf32>
        %reduce_max3A_1128 = vector.extract %reduce_max3A_1127[15] : f32 from vector<16xf32>
        %sub3A_1129 = vector.broadcast %reduce_max3A_1128 : f32 to vector<16xf32>
        %sub3A_1130 = arith.subf %get3A_1124, %sub3A_1129 : vector<16xf32>
        %exp3A_1131 = math.exp %sub3A_1130 : vector<16xf32>
        %reduce_sum3A_1132 = arith.constant true
        %reduce_sum3A_1133 = vector.broadcast %reduce_sum3A_1132 : i1 to vector<16xi1>
        %reduce_sum3A_1134 = tpu.scan <sum>, %exp3A_1131 masked %reduce_sum3A_1133 : vector<16xf32>, vector<16xi1> -> vector<16xf32>
        %reduce_sum3A_1135 = vector.extract %reduce_sum3A_1134[15] : f32 from vector<16xf32>
        %broadcast_in_dim3A_1136 = vector.broadcast %reduce_sum3A_1135 : f32 to vector<16xf32>
        %div3A_1137 = arith.divf %exp3A_1131, %broadcast_in_dim3A_1136 : vector<16xf32>
        %broadcast_in_dim3A_1138 = vector.broadcast %rem3A_144 : i32 to vector<16xi32>
        %mul3A_1139 = arith.constant 2 : i32
        %mul3A_1140 = vector.broadcast %mul3A_1139 : i32 to vector<16xi32>
        %mul3A_1141 = arith.muli %iota3A, %mul3A_1140 : vector<16xi32>
        %add3A_1142 = arith.constant 128 : i32
        %add3A_1143 = vector.broadcast %add3A_1142 : i32 to vector<16xi32>
        %add3A_1144 = arith.addi %mul3A_1141, %add3A_1143 : vector<16xi32>
        %gather3A_1145 = tpu.vector_load_idx %arg7[%broadcast_in_dim3A_1138, %add3A_1144] : memref<2x384xf32, #tpu.memory_space<vmem>>[vector<16xi32>, vector<16xi32>], vector<16xf32>,
        %broadcast_in_dim3A_1146 = vector.broadcast %rem3A_144 : i32 to vector<16xi32>
        %mul3A_1147 = arith.constant 2 : i32
        %mul3A_1148 = vector.broadcast %mul3A_1147 : i32 to vector<16xi32>
        %mul3A_1149 = arith.muli %iota3A, %mul3A_1148 : vector<16xi32>
        %add3A_1150 = arith.constant 129 : i32
        %add3A_1151 = vector.broadcast %add3A_1150 : i32 to vector<16xi32>
        %add3A_1152 = arith.addi %mul3A_1149, %add3A_1151 : vector<16xi32>
        %gather3A_1153 = tpu.vector_load_idx %arg7[%broadcast_in_dim3A_1146, %add3A_1152] : memref<2x384xf32, #tpu.memory_space<vmem>>[vector<16xi32>, vector<16xi32>], vector<16xf32>,
        %mul3A_1154 = arith.mulf %gather3A_1145, %mul3A_310 : vector<16xf32>
        %add3A_1155 = arith.addf %gather3A, %mul3A_1154 : vector<16xf32>
        %mul3A_1156 = arith.mulf %add3A_1155, %convert_element_type3A : vector<16xf32>
        %sub3A_1157 = arith.constant 5.000000e-01 : f32
        %sub3A_1158 = vector.broadcast %sub3A_1157 : f32 to vector<16xf32>
        %sub3A_1159 = arith.subf %mul3A_1156, %sub3A_1158 : vector<16xf32>
        %mul3A_1160 = arith.mulf %gather3A_1153, %mul3A_313 : vector<16xf32>
        %add3A_1161 = arith.addf %gather3A_297, %mul3A_1160 : vector<16xf32>
        %mul3A_1162 = arith.mulf %add3A_1161, %convert_element_type3A : vector<16xf32>
        %sub3A_1163 = arith.constant 5.000000e-01 : f32
        %sub3A_1164 = vector.broadcast %sub3A_1163 : f32 to vector<16xf32>
        %sub3A_1165 = arith.subf %mul3A_1162, %sub3A_1164 : vector<16xf32>
        %convert_element_type3A_1166 = arith.fptosi %sub3A_1159 : vector<16xf32> to vector<16xi32>
        %convert_element_type3A_1167 = arith.sitofp %convert_element_type3A_1166 : vector<16xi32> to vector<16xf32>
        %gt3A_1168 = arith.cmpf ogt, %convert_element_type3A_1167, %sub3A_1159 : vector<16xf32>
        %sub3A_1169 = arith.constant 1 : i32
        %sub3A_1170 = vector.broadcast %sub3A_1169 : i32 to vector<16xi32>
        %sub3A_1171 = arith.subi %convert_element_type3A_1166, %sub3A_1170 : vector<16xi32>
        %select_n3A_1172 = arith.select %gt3A_1168, %sub3A_1171, %convert_element_type3A_1166 : vector<16xi1>, vector<16xi32>
        %gt3A_1173 = arith.cmpf ogt, %convert_element_type3A_1167, %sub3A_1159 : vector<16xf32>
        %sub3A_1174 = arith.constant 1.000000e+00 : f32
        %sub3A_1175 = vector.broadcast %sub3A_1174 : f32 to vector<16xf32>
        %sub3A_1176 = arith.subf %convert_element_type3A_1167, %sub3A_1175 : vector<16xf32>
        %select_n3A_1177 = arith.select %gt3A_1173, %sub3A_1176, %convert_element_type3A_1167 : vector<16xi1>, vector<16xf32>
        %sub3A_1178 = arith.subf %sub3A_1159, %select_n3A_1177 : vector<16xf32>
        %convert_element_type3A_1179 = arith.fptosi %sub3A_1165 : vector<16xf32> to vector<16xi32>
        %convert_element_type3A_1180 = arith.sitofp %convert_element_type3A_1179 : vector<16xi32> to vector<16xf32>
        %gt3A_1181 = arith.cmpf ogt, %convert_element_type3A_1180, %sub3A_1165 : vector<16xf32>
        %sub3A_1182 = arith.constant 1 : i32
        %sub3A_1183 = vector.broadcast %sub3A_1182 : i32 to vector<16xi32>
        %sub3A_1184 = arith.subi %convert_element_type3A_1179, %sub3A_1183 : vector<16xi32>
        %select_n3A_1185 = arith.select %gt3A_1181, %sub3A_1184, %convert_element_type3A_1179 : vector<16xi1>, vector<16xi32>
        %gt3A_1186 = arith.cmpf ogt, %convert_element_type3A_1180, %sub3A_1165 : vector<16xf32>
        %sub3A_1187 = arith.constant 1.000000e+00 : f32
        %sub3A_1188 = vector.broadcast %sub3A_1187 : f32 to vector<16xf32>
        %sub3A_1189 = arith.subf %convert_element_type3A_1180, %sub3A_1188 : vector<16xf32>
        %select_n3A_1190 = arith.select %gt3A_1186, %sub3A_1189, %convert_element_type3A_1180 : vector<16xi1>, vector<16xf32>
        %sub3A_1191 = arith.subf %sub3A_1165, %select_n3A_1190 : vector<16xf32>
        %sub3A_1192 = arith.constant 1.000000e+00 : f32
        %sub3A_1193 = vector.broadcast %sub3A_1192 : f32 to vector<16xf32>
        %sub3A_1194 = arith.subf %sub3A_1193, %sub3A_1178 : vector<16xf32>
        %sub3A_1195 = arith.constant 1.000000e+00 : f32
        %sub3A_1196 = vector.broadcast %sub3A_1195 : f32 to vector<16xf32>
        %sub3A_1197 = arith.subf %sub3A_1196, %sub3A_1191 : vector<16xf32>
        %add3A_1198 = arith.constant 1 : i32
        %add3A_1199 = vector.broadcast %add3A_1198 : i32 to vector<16xi32>
        %add3A_1200 = arith.addi %select_n3A_1172, %add3A_1199 : vector<16xi32>
        %add3A_1201 = arith.constant 1 : i32
        %add3A_1202 = vector.broadcast %add3A_1201 : i32 to vector<16xi32>
        %add3A_1203 = arith.addi %select_n3A_1185, %add3A_1202 : vector<16xi32>
        %ge3A_1204 = arith.constant 0 : i32
        %ge3A_1205 = vector.broadcast %ge3A_1204 : i32 to vector<16xi32>
        %ge3A_1206 = arith.cmpi sge, %select_n3A_1172, %ge3A_1205 : vector<16xi32>
        %le3A_1207 = arith.cmpi sle, %select_n3A_1172, %sub3A_44 : vector<16xi32>
        %and3A_1208 = arith.andi %ge3A_1206, %le3A_1207 : vector<16xi1>
        %ge3A_1209 = arith.constant 0 : i32
        %ge3A_1210 = vector.broadcast %ge3A_1209 : i32 to vector<16xi32>
        %ge3A_1211 = arith.cmpi sge, %add3A_1200, %ge3A_1210 : vector<16xi32>
        %le3A_1212 = arith.cmpi sle, %add3A_1200, %sub3A_44 : vector<16xi32>
        %and3A_1213 = arith.andi %ge3A_1211, %le3A_1212 : vector<16xi1>
        %ge3A_1214 = arith.constant 0 : i32
        %ge3A_1215 = vector.broadcast %ge3A_1214 : i32 to vector<16xi32>
        %ge3A_1216 = arith.cmpi sge, %select_n3A_1185, %ge3A_1215 : vector<16xi32>
        %le3A_1217 = arith.cmpi sle, %select_n3A_1185, %sub3A_44 : vector<16xi32>
        %and3A_1218 = arith.andi %ge3A_1216, %le3A_1217 : vector<16xi1>
        %ge3A_1219 = arith.constant 0 : i32
        %ge3A_1220 = vector.broadcast %ge3A_1219 : i32 to vector<16xi32>
        %ge3A_1221 = arith.cmpi sge, %add3A_1203, %ge3A_1220 : vector<16xi32>
        %le3A_1222 = arith.cmpi sle, %add3A_1203, %sub3A_44 : vector<16xi32>
        %and3A_1223 = arith.andi %ge3A_1221, %le3A_1222 : vector<16xi1>
        %jit3A_1224 = arith.constant 0 : i32
        %max3A_1225 = vector.broadcast %jit3A_1224 : i32 to vector<16xi32>
        %max3A_1226 = arith.maxsi %max3A_1225, %select_n3A_1172 : vector<16xi32>
        %min3A_1227 = arith.minsi %sub3A_44, %max3A_1226 : vector<16xi32>
        %jit3A_1228 = arith.constant 0 : i32
        %max3A_1229 = vector.broadcast %jit3A_1228 : i32 to vector<16xi32>
        %max3A_1230 = arith.maxsi %max3A_1229, %add3A_1200 : vector<16xi32>
        %min3A_1231 = arith.minsi %sub3A_44, %max3A_1230 : vector<16xi32>
        %jit3A_1232 = arith.constant 0 : i32
        %max3A_1233 = vector.broadcast %jit3A_1232 : i32 to vector<16xi32>
        %max3A_1234 = arith.maxsi %max3A_1233, %select_n3A_1185 : vector<16xi32>
        %min3A_1235 = arith.minsi %sub3A_44, %max3A_1234 : vector<16xi32>
        %jit3A_1236 = arith.constant 0 : i32
        %max3A_1237 = vector.broadcast %jit3A_1236 : i32 to vector<16xi32>
        %max3A_1238 = arith.maxsi %max3A_1237, %add3A_1203 : vector<16xi32>
        %min3A_1239 = arith.minsi %sub3A_44, %max3A_1238 : vector<16xi32>
        %mul3A_1240 = arith.muli %min3A_1235, %shift_right_logical3A_22 : vector<16xi32>
        %add3A_1241 = arith.addi %select_n3A_41, %mul3A_1240 : vector<16xi32>
        %mul3A_1242 = arith.muli %min3A_1239, %shift_right_logical3A_22 : vector<16xi32>
        %add3A_1243 = arith.addi %select_n3A_41, %mul3A_1242 : vector<16xi32>
        %add3A_1244 = arith.constant 0 : i32
        %add3A_1245 = arith.addi %mul3A_18, %add3A_1244 : i32
        %add3A_1246 = arith.addi %add3A_1241, %min3A_1227 : vector<16xi32>
        %mul3A_1247 = arith.mulf %sub3A_1194, %sub3A_1197 : vector<16xf32>
        %and3A_1248 = arith.andi %and3A_1208, %and3A_1218 : vector<16xi1>
        %convert_element_type3A_1249 = arith.extui %and3A_1248 : vector<16xi1> to vector<16xi32>
        %convert_element_type3A_1250 = arith.sitofp %convert_element_type3A_1249 : vector<16xi32> to vector<16xf32>
        %mul3A_1251 = arith.mulf %mul3A_1247, %convert_element_type3A_1250 : vector<16xf32>
        %add3A_1252 = arith.addi %add3A_1241, %min3A_1231 : vector<16xi32>
        %mul3A_1253 = arith.mulf %sub3A_1178, %sub3A_1197 : vector<16xf32>
        %and3A_1254 = arith.andi %and3A_1213, %and3A_1218 : vector<16xi1>
        %convert_element_type3A_1255 = arith.extui %and3A_1254 : vector<16xi1> to vector<16xi32>
        %convert_element_type3A_1256 = arith.sitofp %convert_element_type3A_1255 : vector<16xi32> to vector<16xf32>
        %mul3A_1257 = arith.mulf %mul3A_1253, %convert_element_type3A_1256 : vector<16xf32>
        %add3A_1258 = arith.addi %add3A_1243, %min3A_1227 : vector<16xi32>
        %mul3A_1259 = arith.mulf %sub3A_1194, %sub3A_1191 : vector<16xf32>
        %and3A_1260 = arith.andi %and3A_1208, %and3A_1223 : vector<16xi1>
        %convert_element_type3A_1261 = arith.extui %and3A_1260 : vector<16xi1> to vector<16xi32>
        %convert_element_type3A_1262 = arith.sitofp %convert_element_type3A_1261 : vector<16xi32> to vector<16xf32>
        %mul3A_1263 = arith.mulf %mul3A_1259, %convert_element_type3A_1262 : vector<16xf32>
        %add3A_1264 = arith.addi %add3A_1243, %min3A_1231 : vector<16xi32>
        %mul3A_1265 = arith.mulf %sub3A_1178, %sub3A_1191 : vector<16xf32>
        %and3A_1266 = arith.andi %and3A_1213, %and3A_1223 : vector<16xi1>
        %convert_element_type3A_1267 = arith.extui %and3A_1266 : vector<16xi1> to vector<16xi32>
        %convert_element_type3A_1268 = arith.sitofp %convert_element_type3A_1267 : vector<16xi32> to vector<16xf32>
        %mul3A_1269 = arith.mulf %mul3A_1265, %convert_element_type3A_1268 : vector<16xf32>
        %mul3A_1270 = arith.constant 64 : i32
        %mul3A_1271 = vector.broadcast %mul3A_1270 : i32 to vector<16xi32>
        %mul3A_1272 = arith.muli %add3A_1246, %mul3A_1271 : vector<16xi32>
        %add3A_1273 = vector.broadcast %add3A_1245 : i32 to vector<16xi32>
        %add3A_1274 = arith.addi %mul3A_1272, %add3A_1273 : vector<16xi32>
        %swap3A_1275 = arith.constant 2 : i32
        %swap3A_1276 = arith.index_cast %rem3A_144 : i32 to index
        %swap3A_1277 = arith.index_cast %swap3A_1275 : i32 to index
        %swap3A_1278 = arith.constant 0 : index
        %swap3A_1279 = tpu.vector_load %arg9[%swap3A_1276, %swap3A_1277, %swap3A_1278] {strides = array<i32>} : memref<2x4x128xi32, #tpu.memory_space<vmem>>, vector<16xi32>,
        tpu.vector_store %arg9[%swap3A_1276, %swap3A_1277, %swap3A_1278], %add3A_1274 {strides = array<i32>} : memref<2x4x128xi32, #tpu.memory_space<vmem>>, vector<16xi32>,
        %mul3A_1280 = arith.mulf %mul3A_1251, %div3A_1137 : vector<16xf32>
        %swap3A_1281 = arith.index_cast %rem3A_144 : i32 to index
        %swap3A_1282 = arith.constant 256 : index
        %swap3A_1283 = tpu.vector_load %arg10[%swap3A_1281, %swap3A_1282] {strides = array<i32>} : memref<2x512xf32, #tpu.memory_space<vmem>>, vector<16xf32>,
        tpu.vector_store %arg10[%swap3A_1281, %swap3A_1282], %mul3A_1280 {strides = array<i32>} : memref<2x512xf32, #tpu.memory_space<vmem>>, vector<16xf32>,
        %mul3A_1284 = arith.constant 64 : i32
        %mul3A_1285 = vector.broadcast %mul3A_1284 : i32 to vector<16xi32>
        %mul3A_1286 = arith.muli %add3A_1252, %mul3A_1285 : vector<16xi32>
        %add3A_1287 = vector.broadcast %add3A_1245 : i32 to vector<16xi32>
        %add3A_1288 = arith.addi %mul3A_1286, %add3A_1287 : vector<16xi32>
        %swap3A_1289 = arith.constant 2 : i32
        %swap3A_1290 = arith.index_cast %rem3A_144 : i32 to index
        %swap3A_1291 = arith.index_cast %swap3A_1289 : i32 to index
        %swap3A_1292 = arith.constant 16 : index
        %swap3A_1293 = tpu.vector_load %arg9[%swap3A_1290, %swap3A_1291, %swap3A_1292] {strides = array<i32>} : memref<2x4x128xi32, #tpu.memory_space<vmem>>, vector<16xi32>,
        tpu.vector_store %arg9[%swap3A_1290, %swap3A_1291, %swap3A_1292], %add3A_1288 {strides = array<i32>} : memref<2x4x128xi32, #tpu.memory_space<vmem>>, vector<16xi32>,
        %mul3A_1294 = arith.mulf %mul3A_1257, %div3A_1137 : vector<16xf32>
        %swap3A_1295 = arith.index_cast %rem3A_144 : i32 to index
        %swap3A_1296 = arith.constant 272 : index
        %swap3A_1297 = tpu.vector_load %arg10[%swap3A_1295, %swap3A_1296] {strides = array<i32>} : memref<2x512xf32, #tpu.memory_space<vmem>>, vector<16xf32>,
        tpu.vector_store %arg10[%swap3A_1295, %swap3A_1296], %mul3A_1294 {strides = array<i32>} : memref<2x512xf32, #tpu.memory_space<vmem>>, vector<16xf32>,
        %mul3A_1298 = arith.constant 64 : i32
        %mul3A_1299 = vector.broadcast %mul3A_1298 : i32 to vector<16xi32>
        %mul3A_1300 = arith.muli %add3A_1258, %mul3A_1299 : vector<16xi32>
        %add3A_1301 = vector.broadcast %add3A_1245 : i32 to vector<16xi32>
        %add3A_1302 = arith.addi %mul3A_1300, %add3A_1301 : vector<16xi32>
        %swap3A_1303 = arith.constant 2 : i32
        %swap3A_1304 = arith.index_cast %rem3A_144 : i32 to index
        %swap3A_1305 = arith.index_cast %swap3A_1303 : i32 to index
        %swap3A_1306 = arith.constant 32 : index
        %swap3A_1307 = tpu.vector_load %arg9[%swap3A_1304, %swap3A_1305, %swap3A_1306] {strides = array<i32>} : memref<2x4x128xi32, #tpu.memory_space<vmem>>, vector<16xi32>,
        tpu.vector_store %arg9[%swap3A_1304, %swap3A_1305, %swap3A_1306], %add3A_1302 {strides = array<i32>} : memref<2x4x128xi32, #tpu.memory_space<vmem>>, vector<16xi32>,
        %mul3A_1308 = arith.mulf %mul3A_1263, %div3A_1137 : vector<16xf32>
        %swap3A_1309 = arith.index_cast %rem3A_144 : i32 to index
        %swap3A_1310 = arith.constant 288 : index
        %swap3A_1311 = tpu.vector_load %arg10[%swap3A_1309, %swap3A_1310] {strides = array<i32>} : memref<2x512xf32, #tpu.memory_space<vmem>>, vector<16xf32>,
        tpu.vector_store %arg10[%swap3A_1309, %swap3A_1310], %mul3A_1308 {strides = array<i32>} : memref<2x512xf32, #tpu.memory_space<vmem>>, vector<16xf32>,
        %mul3A_1312 = arith.constant 64 : i32
        %mul3A_1313 = vector.broadcast %mul3A_1312 : i32 to vector<16xi32>
        %mul3A_1314 = arith.muli %add3A_1264, %mul3A_1313 : vector<16xi32>
        %add3A_1315 = vector.broadcast %add3A_1245 : i32 to vector<16xi32>
        %add3A_1316 = arith.addi %mul3A_1314, %add3A_1315 : vector<16xi32>
        %swap3A_1317 = arith.constant 2 : i32
        %swap3A_1318 = arith.index_cast %rem3A_144 : i32 to index
        %swap3A_1319 = arith.index_cast %swap3A_1317 : i32 to index
        %swap3A_1320 = arith.constant 48 : index
        %swap3A_1321 = tpu.vector_load %arg9[%swap3A_1318, %swap3A_1319, %swap3A_1320] {strides = array<i32>} : memref<2x4x128xi32, #tpu.memory_space<vmem>>, vector<16xi32>,
        tpu.vector_store %arg9[%swap3A_1318, %swap3A_1319, %swap3A_1320], %add3A_1316 {strides = array<i32>} : memref<2x4x128xi32, #tpu.memory_space<vmem>>, vector<16xi32>,
        %mul3A_1322 = arith.mulf %mul3A_1269, %div3A_1137 : vector<16xf32>
        %swap3A_1323 = arith.index_cast %rem3A_144 : i32 to index
        %swap3A_1324 = arith.constant 304 : index
        %swap3A_1325 = tpu.vector_load %arg10[%swap3A_1323, %swap3A_1324] {strides = array<i32>} : memref<2x512xf32, #tpu.memory_space<vmem>>, vector<16xf32>,
        tpu.vector_store %arg10[%swap3A_1323, %swap3A_1324], %mul3A_1322 {strides = array<i32>} : memref<2x512xf32, #tpu.memory_space<vmem>>, vector<16xf32>,
        %get3A_1326 = arith.index_cast %rem3A_144 : i32 to index
        %get3A_1327 = arith.constant 336 : index
        %get3A_1328 = tpu.vector_load %arg7[%get3A_1326, %get3A_1327] {strides = array<i32>} : memref<2x384xf32, #tpu.memory_space<vmem>>, vector<16xf32>,
        %reduce_max3A_1329 = arith.constant true
        %reduce_max3A_1330 = vector.broadcast %reduce_max3A_1329 : i1 to vector<16xi1>
        %reduce_max3A_1331 = tpu.scan <max>, %get3A_1328 masked %reduce_max3A_1330 : vector<16xf32>, vector<16xi1> -> vector<16xf32>
        %reduce_max3A_1332 = vector.extract %reduce_max3A_1331[15] : f32 from vector<16xf32>
        %sub3A_1333 = vector.broadcast %reduce_max3A_1332 : f32 to vector<16xf32>
        %sub3A_1334 = arith.subf %get3A_1328, %sub3A_1333 : vector<16xf32>
        %exp3A_1335 = math.exp %sub3A_1334 : vector<16xf32>
        %reduce_sum3A_1336 = arith.constant true
        %reduce_sum3A_1337 = vector.broadcast %reduce_sum3A_1336 : i1 to vector<16xi1>
        %reduce_sum3A_1338 = tpu.scan <sum>, %exp3A_1335 masked %reduce_sum3A_1337 : vector<16xf32>, vector<16xi1> -> vector<16xf32>
        %reduce_sum3A_1339 = vector.extract %reduce_sum3A_1338[15] : f32 from vector<16xf32>
        %broadcast_in_dim3A_1340 = vector.broadcast %reduce_sum3A_1339 : f32 to vector<16xf32>
        %div3A_1341 = arith.divf %exp3A_1335, %broadcast_in_dim3A_1340 : vector<16xf32>
        %broadcast_in_dim3A_1342 = vector.broadcast %rem3A_144 : i32 to vector<16xi32>
        %mul3A_1343 = arith.constant 2 : i32
        %mul3A_1344 = vector.broadcast %mul3A_1343 : i32 to vector<16xi32>
        %mul3A_1345 = arith.muli %iota3A, %mul3A_1344 : vector<16xi32>
        %add3A_1346 = arith.constant 160 : i32
        %add3A_1347 = vector.broadcast %add3A_1346 : i32 to vector<16xi32>
        %add3A_1348 = arith.addi %mul3A_1345, %add3A_1347 : vector<16xi32>
        %gather3A_1349 = tpu.vector_load_idx %arg7[%broadcast_in_dim3A_1342, %add3A_1348] : memref<2x384xf32, #tpu.memory_space<vmem>>[vector<16xi32>, vector<16xi32>], vector<16xf32>,
        %broadcast_in_dim3A_1350 = vector.broadcast %rem3A_144 : i32 to vector<16xi32>
        %mul3A_1351 = arith.constant 2 : i32
        %mul3A_1352 = vector.broadcast %mul3A_1351 : i32 to vector<16xi32>
        %mul3A_1353 = arith.muli %iota3A, %mul3A_1352 : vector<16xi32>
        %add3A_1354 = arith.constant 161 : i32
        %add3A_1355 = vector.broadcast %add3A_1354 : i32 to vector<16xi32>
        %add3A_1356 = arith.addi %mul3A_1353, %add3A_1355 : vector<16xi32>
        %gather3A_1357 = tpu.vector_load_idx %arg7[%broadcast_in_dim3A_1350, %add3A_1356] : memref<2x384xf32, #tpu.memory_space<vmem>>[vector<16xi32>, vector<16xi32>], vector<16xf32>,
        %mul3A_1358 = arith.mulf %gather3A_1349, %mul3A_310 : vector<16xf32>
        %add3A_1359 = arith.addf %gather3A, %mul3A_1358 : vector<16xf32>
        %mul3A_1360 = arith.mulf %add3A_1359, %convert_element_type3A : vector<16xf32>
        %sub3A_1361 = arith.constant 5.000000e-01 : f32
        %sub3A_1362 = vector.broadcast %sub3A_1361 : f32 to vector<16xf32>
        %sub3A_1363 = arith.subf %mul3A_1360, %sub3A_1362 : vector<16xf32>
        %mul3A_1364 = arith.mulf %gather3A_1357, %mul3A_313 : vector<16xf32>
        %add3A_1365 = arith.addf %gather3A_297, %mul3A_1364 : vector<16xf32>
        %mul3A_1366 = arith.mulf %add3A_1365, %convert_element_type3A : vector<16xf32>
        %sub3A_1367 = arith.constant 5.000000e-01 : f32
        %sub3A_1368 = vector.broadcast %sub3A_1367 : f32 to vector<16xf32>
        %sub3A_1369 = arith.subf %mul3A_1366, %sub3A_1368 : vector<16xf32>
        %convert_element_type3A_1370 = arith.fptosi %sub3A_1363 : vector<16xf32> to vector<16xi32>
        %convert_element_type3A_1371 = arith.sitofp %convert_element_type3A_1370 : vector<16xi32> to vector<16xf32>
        %gt3A_1372 = arith.cmpf ogt, %convert_element_type3A_1371, %sub3A_1363 : vector<16xf32>
        %sub3A_1373 = arith.constant 1 : i32
        %sub3A_1374 = vector.broadcast %sub3A_1373 : i32 to vector<16xi32>
        %sub3A_1375 = arith.subi %convert_element_type3A_1370, %sub3A_1374 : vector<16xi32>
        %select_n3A_1376 = arith.select %gt3A_1372, %sub3A_1375, %convert_element_type3A_1370 : vector<16xi1>, vector<16xi32>
        %gt3A_1377 = arith.cmpf ogt, %convert_element_type3A_1371, %sub3A_1363 : vector<16xf32>
        %sub3A_1378 = arith.constant 1.000000e+00 : f32
        %sub3A_1379 = vector.broadcast %sub3A_1378 : f32 to vector<16xf32>
        %sub3A_1380 = arith.subf %convert_element_type3A_1371, %sub3A_1379 : vector<16xf32>
        %select_n3A_1381 = arith.select %gt3A_1377, %sub3A_1380, %convert_element_type3A_1371 : vector<16xi1>, vector<16xf32>
        %sub3A_1382 = arith.subf %sub3A_1363, %select_n3A_1381 : vector<16xf32>
        %convert_element_type3A_1383 = arith.fptosi %sub3A_1369 : vector<16xf32> to vector<16xi32>
        %convert_element_type3A_1384 = arith.sitofp %convert_element_type3A_1383 : vector<16xi32> to vector<16xf32>
        %gt3A_1385 = arith.cmpf ogt, %convert_element_type3A_1384, %sub3A_1369 : vector<16xf32>
        %sub3A_1386 = arith.constant 1 : i32
        %sub3A_1387 = vector.broadcast %sub3A_1386 : i32 to vector<16xi32>
        %sub3A_1388 = arith.subi %convert_element_type3A_1383, %sub3A_1387 : vector<16xi32>
        %select_n3A_1389 = arith.select %gt3A_1385, %sub3A_1388, %convert_element_type3A_1383 : vector<16xi1>, vector<16xi32>
        %gt3A_1390 = arith.cmpf ogt, %convert_element_type3A_1384, %sub3A_1369 : vector<16xf32>
        %sub3A_1391 = arith.constant 1.000000e+00 : f32
        %sub3A_1392 = vector.broadcast %sub3A_1391 : f32 to vector<16xf32>
        %sub3A_1393 = arith.subf %convert_element_type3A_1384, %sub3A_1392 : vector<16xf32>
        %select_n3A_1394 = arith.select %gt3A_1390, %sub3A_1393, %convert_element_type3A_1384 : vector<16xi1>, vector<16xf32>
        %sub3A_1395 = arith.subf %sub3A_1369, %select_n3A_1394 : vector<16xf32>
        %sub3A_1396 = arith.constant 1.000000e+00 : f32
        %sub3A_1397 = vector.broadcast %sub3A_1396 : f32 to vector<16xf32>
        %sub3A_1398 = arith.subf %sub3A_1397, %sub3A_1382 : vector<16xf32>
        %sub3A_1399 = arith.constant 1.000000e+00 : f32
        %sub3A_1400 = vector.broadcast %sub3A_1399 : f32 to vector<16xf32>
        %sub3A_1401 = arith.subf %sub3A_1400, %sub3A_1395 : vector<16xf32>
        %add3A_1402 = arith.constant 1 : i32
        %add3A_1403 = vector.broadcast %add3A_1402 : i32 to vector<16xi32>
        %add3A_1404 = arith.addi %select_n3A_1376, %add3A_1403 : vector<16xi32>
        %add3A_1405 = arith.constant 1 : i32
        %add3A_1406 = vector.broadcast %add3A_1405 : i32 to vector<16xi32>
        %add3A_1407 = arith.addi %select_n3A_1389, %add3A_1406 : vector<16xi32>
        %ge3A_1408 = arith.constant 0 : i32
        %ge3A_1409 = vector.broadcast %ge3A_1408 : i32 to vector<16xi32>
        %ge3A_1410 = arith.cmpi sge, %select_n3A_1376, %ge3A_1409 : vector<16xi32>
        %le3A_1411 = arith.cmpi sle, %select_n3A_1376, %sub3A_44 : vector<16xi32>
        %and3A_1412 = arith.andi %ge3A_1410, %le3A_1411 : vector<16xi1>
        %ge3A_1413 = arith.constant 0 : i32
        %ge3A_1414 = vector.broadcast %ge3A_1413 : i32 to vector<16xi32>
        %ge3A_1415 = arith.cmpi sge, %add3A_1404, %ge3A_1414 : vector<16xi32>
        %le3A_1416 = arith.cmpi sle, %add3A_1404, %sub3A_44 : vector<16xi32>
        %and3A_1417 = arith.andi %ge3A_1415, %le3A_1416 : vector<16xi1>
        %ge3A_1418 = arith.constant 0 : i32
        %ge3A_1419 = vector.broadcast %ge3A_1418 : i32 to vector<16xi32>
        %ge3A_1420 = arith.cmpi sge, %select_n3A_1389, %ge3A_1419 : vector<16xi32>
        %le3A_1421 = arith.cmpi sle, %select_n3A_1389, %sub3A_44 : vector<16xi32>
        %and3A_1422 = arith.andi %ge3A_1420, %le3A_1421 : vector<16xi1>
        %ge3A_1423 = arith.constant 0 : i32
        %ge3A_1424 = vector.broadcast %ge3A_1423 : i32 to vector<16xi32>
        %ge3A_1425 = arith.cmpi sge, %add3A_1407, %ge3A_1424 : vector<16xi32>
        %le3A_1426 = arith.cmpi sle, %add3A_1407, %sub3A_44 : vector<16xi32>
        %and3A_1427 = arith.andi %ge3A_1425, %le3A_1426 : vector<16xi1>
        %jit3A_1428 = arith.constant 0 : i32
        %max3A_1429 = vector.broadcast %jit3A_1428 : i32 to vector<16xi32>
        %max3A_1430 = arith.maxsi %max3A_1429, %select_n3A_1376 : vector<16xi32>
        %min3A_1431 = arith.minsi %sub3A_44, %max3A_1430 : vector<16xi32>
        %jit3A_1432 = arith.constant 0 : i32
        %max3A_1433 = vector.broadcast %jit3A_1432 : i32 to vector<16xi32>
        %max3A_1434 = arith.maxsi %max3A_1433, %add3A_1404 : vector<16xi32>
        %min3A_1435 = arith.minsi %sub3A_44, %max3A_1434 : vector<16xi32>
        %jit3A_1436 = arith.constant 0 : i32
        %max3A_1437 = vector.broadcast %jit3A_1436 : i32 to vector<16xi32>
        %max3A_1438 = arith.maxsi %max3A_1437, %select_n3A_1389 : vector<16xi32>
        %min3A_1439 = arith.minsi %sub3A_44, %max3A_1438 : vector<16xi32>
        %jit3A_1440 = arith.constant 0 : i32
        %max3A_1441 = vector.broadcast %jit3A_1440 : i32 to vector<16xi32>
        %max3A_1442 = arith.maxsi %max3A_1441, %add3A_1407 : vector<16xi32>
        %min3A_1443 = arith.minsi %sub3A_44, %max3A_1442 : vector<16xi32>
        %mul3A_1444 = arith.muli %min3A_1439, %shift_right_logical3A_22 : vector<16xi32>
        %add3A_1445 = arith.addi %select_n3A_41, %mul3A_1444 : vector<16xi32>
        %mul3A_1446 = arith.muli %min3A_1443, %shift_right_logical3A_22 : vector<16xi32>
        %add3A_1447 = arith.addi %select_n3A_41, %mul3A_1446 : vector<16xi32>
        %add3A_1448 = arith.constant 1 : i32
        %add3A_1449 = arith.addi %mul3A_18, %add3A_1448 : i32
        %add3A_1450 = arith.addi %add3A_1445, %min3A_1431 : vector<16xi32>
        %mul3A_1451 = arith.mulf %sub3A_1398, %sub3A_1401 : vector<16xf32>
        %and3A_1452 = arith.andi %and3A_1412, %and3A_1422 : vector<16xi1>
        %convert_element_type3A_1453 = arith.extui %and3A_1452 : vector<16xi1> to vector<16xi32>
        %convert_element_type3A_1454 = arith.sitofp %convert_element_type3A_1453 : vector<16xi32> to vector<16xf32>
        %mul3A_1455 = arith.mulf %mul3A_1451, %convert_element_type3A_1454 : vector<16xf32>
        %add3A_1456 = arith.addi %add3A_1445, %min3A_1435 : vector<16xi32>
        %mul3A_1457 = arith.mulf %sub3A_1382, %sub3A_1401 : vector<16xf32>
        %and3A_1458 = arith.andi %and3A_1417, %and3A_1422 : vector<16xi1>
        %convert_element_type3A_1459 = arith.extui %and3A_1458 : vector<16xi1> to vector<16xi32>
        %convert_element_type3A_1460 = arith.sitofp %convert_element_type3A_1459 : vector<16xi32> to vector<16xf32>
        %mul3A_1461 = arith.mulf %mul3A_1457, %convert_element_type3A_1460 : vector<16xf32>
        %add3A_1462 = arith.addi %add3A_1447, %min3A_1431 : vector<16xi32>
        %mul3A_1463 = arith.mulf %sub3A_1398, %sub3A_1395 : vector<16xf32>
        %and3A_1464 = arith.andi %and3A_1412, %and3A_1427 : vector<16xi1>
        %convert_element_type3A_1465 = arith.extui %and3A_1464 : vector<16xi1> to vector<16xi32>
        %convert_element_type3A_1466 = arith.sitofp %convert_element_type3A_1465 : vector<16xi32> to vector<16xf32>
        %mul3A_1467 = arith.mulf %mul3A_1463, %convert_element_type3A_1466 : vector<16xf32>
        %add3A_1468 = arith.addi %add3A_1447, %min3A_1435 : vector<16xi32>
        %mul3A_1469 = arith.mulf %sub3A_1382, %sub3A_1395 : vector<16xf32>
        %and3A_1470 = arith.andi %and3A_1417, %and3A_1427 : vector<16xi1>
        %convert_element_type3A_1471 = arith.extui %and3A_1470 : vector<16xi1> to vector<16xi32>
        %convert_element_type3A_1472 = arith.sitofp %convert_element_type3A_1471 : vector<16xi32> to vector<16xf32>
        %mul3A_1473 = arith.mulf %mul3A_1469, %convert_element_type3A_1472 : vector<16xf32>
        %mul3A_1474 = arith.constant 64 : i32
        %mul3A_1475 = vector.broadcast %mul3A_1474 : i32 to vector<16xi32>
        %mul3A_1476 = arith.muli %add3A_1450, %mul3A_1475 : vector<16xi32>
        %add3A_1477 = vector.broadcast %add3A_1449 : i32 to vector<16xi32>
        %add3A_1478 = arith.addi %mul3A_1476, %add3A_1477 : vector<16xi32>
        %swap3A_1479 = arith.constant 2 : i32
        %swap3A_1480 = arith.index_cast %rem3A_144 : i32 to index
        %swap3A_1481 = arith.index_cast %swap3A_1479 : i32 to index
        %swap3A_1482 = arith.constant 64 : index
        %swap3A_1483 = tpu.vector_load %arg9[%swap3A_1480, %swap3A_1481, %swap3A_1482] {strides = array<i32>} : memref<2x4x128xi32, #tpu.memory_space<vmem>>, vector<16xi32>,
        tpu.vector_store %arg9[%swap3A_1480, %swap3A_1481, %swap3A_1482], %add3A_1478 {strides = array<i32>} : memref<2x4x128xi32, #tpu.memory_space<vmem>>, vector<16xi32>,
        %mul3A_1484 = arith.mulf %mul3A_1455, %div3A_1341 : vector<16xf32>
        %swap3A_1485 = arith.index_cast %rem3A_144 : i32 to index
        %swap3A_1486 = arith.constant 320 : index
        %swap3A_1487 = tpu.vector_load %arg10[%swap3A_1485, %swap3A_1486] {strides = array<i32>} : memref<2x512xf32, #tpu.memory_space<vmem>>, vector<16xf32>,
        tpu.vector_store %arg10[%swap3A_1485, %swap3A_1486], %mul3A_1484 {strides = array<i32>} : memref<2x512xf32, #tpu.memory_space<vmem>>, vector<16xf32>,
        %mul3A_1488 = arith.constant 64 : i32
        %mul3A_1489 = vector.broadcast %mul3A_1488 : i32 to vector<16xi32>
        %mul3A_1490 = arith.muli %add3A_1456, %mul3A_1489 : vector<16xi32>
        %add3A_1491 = vector.broadcast %add3A_1449 : i32 to vector<16xi32>
        %add3A_1492 = arith.addi %mul3A_1490, %add3A_1491 : vector<16xi32>
        %swap3A_1493 = arith.constant 2 : i32
        %swap3A_1494 = arith.index_cast %rem3A_144 : i32 to index
        %swap3A_1495 = arith.index_cast %swap3A_1493 : i32 to index
        %swap3A_1496 = arith.constant 80 : index
        %swap3A_1497 = tpu.vector_load %arg9[%swap3A_1494, %swap3A_1495, %swap3A_1496] {strides = array<i32>} : memref<2x4x128xi32, #tpu.memory_space<vmem>>, vector<16xi32>,
        tpu.vector_store %arg9[%swap3A_1494, %swap3A_1495, %swap3A_1496], %add3A_1492 {strides = array<i32>} : memref<2x4x128xi32, #tpu.memory_space<vmem>>, vector<16xi32>,
        %mul3A_1498 = arith.mulf %mul3A_1461, %div3A_1341 : vector<16xf32>
        %swap3A_1499 = arith.index_cast %rem3A_144 : i32 to index
        %swap3A_1500 = arith.constant 336 : index
        %swap3A_1501 = tpu.vector_load %arg10[%swap3A_1499, %swap3A_1500] {strides = array<i32>} : memref<2x512xf32, #tpu.memory_space<vmem>>, vector<16xf32>,
        tpu.vector_store %arg10[%swap3A_1499, %swap3A_1500], %mul3A_1498 {strides = array<i32>} : memref<2x512xf32, #tpu.memory_space<vmem>>, vector<16xf32>,
        %mul3A_1502 = arith.constant 64 : i32
        %mul3A_1503 = vector.broadcast %mul3A_1502 : i32 to vector<16xi32>
        %mul3A_1504 = arith.muli %add3A_1462, %mul3A_1503 : vector<16xi32>
        %add3A_1505 = vector.broadcast %add3A_1449 : i32 to vector<16xi32>
        %add3A_1506 = arith.addi %mul3A_1504, %add3A_1505 : vector<16xi32>
        %swap3A_1507 = arith.constant 2 : i32
        %swap3A_1508 = arith.index_cast %rem3A_144 : i32 to index
        %swap3A_1509 = arith.index_cast %swap3A_1507 : i32 to index
        %swap3A_1510 = arith.constant 96 : index
        %swap3A_1511 = tpu.vector_load %arg9[%swap3A_1508, %swap3A_1509, %swap3A_1510] {strides = array<i32>} : memref<2x4x128xi32, #tpu.memory_space<vmem>>, vector<16xi32>,
        tpu.vector_store %arg9[%swap3A_1508, %swap3A_1509, %swap3A_1510], %add3A_1506 {strides = array<i32>} : memref<2x4x128xi32, #tpu.memory_space<vmem>>, vector<16xi32>,
        %mul3A_1512 = arith.mulf %mul3A_1467, %div3A_1341 : vector<16xf32>
        %swap3A_1513 = arith.index_cast %rem3A_144 : i32 to index
        %swap3A_1514 = arith.constant 352 : index
        %swap3A_1515 = tpu.vector_load %arg10[%swap3A_1513, %swap3A_1514] {strides = array<i32>} : memref<2x512xf32, #tpu.memory_space<vmem>>, vector<16xf32>,
        tpu.vector_store %arg10[%swap3A_1513, %swap3A_1514], %mul3A_1512 {strides = array<i32>} : memref<2x512xf32, #tpu.memory_space<vmem>>, vector<16xf32>,
        %mul3A_1516 = arith.constant 64 : i32
        %mul3A_1517 = vector.broadcast %mul3A_1516 : i32 to vector<16xi32>
        %mul3A_1518 = arith.muli %add3A_1468, %mul3A_1517 : vector<16xi32>
        %add3A_1519 = vector.broadcast %add3A_1449 : i32 to vector<16xi32>
        %add3A_1520 = arith.addi %mul3A_1518, %add3A_1519 : vector<16xi32>
        %swap3A_1521 = arith.constant 2 : i32
        %swap3A_1522 = arith.index_cast %rem3A_144 : i32 to index
        %swap3A_1523 = arith.index_cast %swap3A_1521 : i32 to index
        %swap3A_1524 = arith.constant 112 : index
        %swap3A_1525 = tpu.vector_load %arg9[%swap3A_1522, %swap3A_1523, %swap3A_1524] {strides = array<i32>} : memref<2x4x128xi32, #tpu.memory_space<vmem>>, vector<16xi32>,
        tpu.vector_store %arg9[%swap3A_1522, %swap3A_1523, %swap3A_1524], %add3A_1520 {strides = array<i32>} : memref<2x4x128xi32, #tpu.memory_space<vmem>>, vector<16xi32>,
        %mul3A_1526 = arith.mulf %mul3A_1473, %div3A_1341 : vector<16xf32>
        %swap3A_1527 = arith.index_cast %rem3A_144 : i32 to index
        %swap3A_1528 = arith.constant 368 : index
        %swap3A_1529 = tpu.vector_load %arg10[%swap3A_1527, %swap3A_1528] {strides = array<i32>} : memref<2x512xf32, #tpu.memory_space<vmem>>, vector<16xf32>,
        tpu.vector_store %arg10[%swap3A_1527, %swap3A_1528], %mul3A_1526 {strides = array<i32>} : memref<2x512xf32, #tpu.memory_space<vmem>>, vector<16xf32>,
        %get3A_1530 = arith.index_cast %rem3A_144 : i32 to index
        %get3A_1531 = arith.constant 352 : index
        %get3A_1532 = tpu.vector_load %arg7[%get3A_1530, %get3A_1531] {strides = array<i32>} : memref<2x384xf32, #tpu.memory_space<vmem>>, vector<16xf32>,
        %reduce_max3A_1533 = arith.constant true
        %reduce_max3A_1534 = vector.broadcast %reduce_max3A_1533 : i1 to vector<16xi1>
        %reduce_max3A_1535 = tpu.scan <max>, %get3A_1532 masked %reduce_max3A_1534 : vector<16xf32>, vector<16xi1> -> vector<16xf32>
        %reduce_max3A_1536 = vector.extract %reduce_max3A_1535[15] : f32 from vector<16xf32>
        %sub3A_1537 = vector.broadcast %reduce_max3A_1536 : f32 to vector<16xf32>
        %sub3A_1538 = arith.subf %get3A_1532, %sub3A_1537 : vector<16xf32>
        %exp3A_1539 = math.exp %sub3A_1538 : vector<16xf32>
        %reduce_sum3A_1540 = arith.constant true
        %reduce_sum3A_1541 = vector.broadcast %reduce_sum3A_1540 : i1 to vector<16xi1>
        %reduce_sum3A_1542 = tpu.scan <sum>, %exp3A_1539 masked %reduce_sum3A_1541 : vector<16xf32>, vector<16xi1> -> vector<16xf32>
        %reduce_sum3A_1543 = vector.extract %reduce_sum3A_1542[15] : f32 from vector<16xf32>
        %broadcast_in_dim3A_1544 = vector.broadcast %reduce_sum3A_1543 : f32 to vector<16xf32>
        %div3A_1545 = arith.divf %exp3A_1539, %broadcast_in_dim3A_1544 : vector<16xf32>
        %broadcast_in_dim3A_1546 = vector.broadcast %rem3A_144 : i32 to vector<16xi32>
        %mul3A_1547 = arith.constant 2 : i32
        %mul3A_1548 = vector.broadcast %mul3A_1547 : i32 to vector<16xi32>
        %mul3A_1549 = arith.muli %iota3A, %mul3A_1548 : vector<16xi32>
        %add3A_1550 = arith.constant 192 : i32
        %add3A_1551 = vector.broadcast %add3A_1550 : i32 to vector<16xi32>
        %add3A_1552 = arith.addi %mul3A_1549, %add3A_1551 : vector<16xi32>
        %gather3A_1553 = tpu.vector_load_idx %arg7[%broadcast_in_dim3A_1546, %add3A_1552] : memref<2x384xf32, #tpu.memory_space<vmem>>[vector<16xi32>, vector<16xi32>], vector<16xf32>,
        %broadcast_in_dim3A_1554 = vector.broadcast %rem3A_144 : i32 to vector<16xi32>
        %mul3A_1555 = arith.constant 2 : i32
        %mul3A_1556 = vector.broadcast %mul3A_1555 : i32 to vector<16xi32>
        %mul3A_1557 = arith.muli %iota3A, %mul3A_1556 : vector<16xi32>
        %add3A_1558 = arith.constant 193 : i32
        %add3A_1559 = vector.broadcast %add3A_1558 : i32 to vector<16xi32>
        %add3A_1560 = arith.addi %mul3A_1557, %add3A_1559 : vector<16xi32>
        %gather3A_1561 = tpu.vector_load_idx %arg7[%broadcast_in_dim3A_1554, %add3A_1560] : memref<2x384xf32, #tpu.memory_space<vmem>>[vector<16xi32>, vector<16xi32>], vector<16xf32>,
        %mul3A_1562 = arith.mulf %gather3A_1553, %mul3A_310 : vector<16xf32>
        %add3A_1563 = arith.addf %gather3A, %mul3A_1562 : vector<16xf32>
        %mul3A_1564 = arith.mulf %add3A_1563, %convert_element_type3A : vector<16xf32>
        %sub3A_1565 = arith.constant 5.000000e-01 : f32
        %sub3A_1566 = vector.broadcast %sub3A_1565 : f32 to vector<16xf32>
        %sub3A_1567 = arith.subf %mul3A_1564, %sub3A_1566 : vector<16xf32>
        %mul3A_1568 = arith.mulf %gather3A_1561, %mul3A_313 : vector<16xf32>
        %add3A_1569 = arith.addf %gather3A_297, %mul3A_1568 : vector<16xf32>
        %mul3A_1570 = arith.mulf %add3A_1569, %convert_element_type3A : vector<16xf32>
        %sub3A_1571 = arith.constant 5.000000e-01 : f32
        %sub3A_1572 = vector.broadcast %sub3A_1571 : f32 to vector<16xf32>
        %sub3A_1573 = arith.subf %mul3A_1570, %sub3A_1572 : vector<16xf32>
        %convert_element_type3A_1574 = arith.fptosi %sub3A_1567 : vector<16xf32> to vector<16xi32>
        %convert_element_type3A_1575 = arith.sitofp %convert_element_type3A_1574 : vector<16xi32> to vector<16xf32>
        %gt3A_1576 = arith.cmpf ogt, %convert_element_type3A_1575, %sub3A_1567 : vector<16xf32>
        %sub3A_1577 = arith.constant 1 : i32
        %sub3A_1578 = vector.broadcast %sub3A_1577 : i32 to vector<16xi32>
        %sub3A_1579 = arith.subi %convert_element_type3A_1574, %sub3A_1578 : vector<16xi32>
        %select_n3A_1580 = arith.select %gt3A_1576, %sub3A_1579, %convert_element_type3A_1574 : vector<16xi1>, vector<16xi32>
        %gt3A_1581 = arith.cmpf ogt, %convert_element_type3A_1575, %sub3A_1567 : vector<16xf32>
        %sub3A_1582 = arith.constant 1.000000e+00 : f32
        %sub3A_1583 = vector.broadcast %sub3A_1582 : f32 to vector<16xf32>
        %sub3A_1584 = arith.subf %convert_element_type3A_1575, %sub3A_1583 : vector<16xf32>
        %select_n3A_1585 = arith.select %gt3A_1581, %sub3A_1584, %convert_element_type3A_1575 : vector<16xi1>, vector<16xf32>
        %sub3A_1586 = arith.subf %sub3A_1567, %select_n3A_1585 : vector<16xf32>
        %convert_element_type3A_1587 = arith.fptosi %sub3A_1573 : vector<16xf32> to vector<16xi32>
        %convert_element_type3A_1588 = arith.sitofp %convert_element_type3A_1587 : vector<16xi32> to vector<16xf32>
        %gt3A_1589 = arith.cmpf ogt, %convert_element_type3A_1588, %sub3A_1573 : vector<16xf32>
        %sub3A_1590 = arith.constant 1 : i32
        %sub3A_1591 = vector.broadcast %sub3A_1590 : i32 to vector<16xi32>
        %sub3A_1592 = arith.subi %convert_element_type3A_1587, %sub3A_1591 : vector<16xi32>
        %select_n3A_1593 = arith.select %gt3A_1589, %sub3A_1592, %convert_element_type3A_1587 : vector<16xi1>, vector<16xi32>
        %gt3A_1594 = arith.cmpf ogt, %convert_element_type3A_1588, %sub3A_1573 : vector<16xf32>
        %sub3A_1595 = arith.constant 1.000000e+00 : f32
        %sub3A_1596 = vector.broadcast %sub3A_1595 : f32 to vector<16xf32>
        %sub3A_1597 = arith.subf %convert_element_type3A_1588, %sub3A_1596 : vector<16xf32>
        %select_n3A_1598 = arith.select %gt3A_1594, %sub3A_1597, %convert_element_type3A_1588 : vector<16xi1>, vector<16xf32>
        %sub3A_1599 = arith.subf %sub3A_1573, %select_n3A_1598 : vector<16xf32>
        %sub3A_1600 = arith.constant 1.000000e+00 : f32
        %sub3A_1601 = vector.broadcast %sub3A_1600 : f32 to vector<16xf32>
        %sub3A_1602 = arith.subf %sub3A_1601, %sub3A_1586 : vector<16xf32>
        %sub3A_1603 = arith.constant 1.000000e+00 : f32
        %sub3A_1604 = vector.broadcast %sub3A_1603 : f32 to vector<16xf32>
        %sub3A_1605 = arith.subf %sub3A_1604, %sub3A_1599 : vector<16xf32>
        %add3A_1606 = arith.constant 1 : i32
        %add3A_1607 = vector.broadcast %add3A_1606 : i32 to vector<16xi32>
        %add3A_1608 = arith.addi %select_n3A_1580, %add3A_1607 : vector<16xi32>
        %add3A_1609 = arith.constant 1 : i32
        %add3A_1610 = vector.broadcast %add3A_1609 : i32 to vector<16xi32>
        %add3A_1611 = arith.addi %select_n3A_1593, %add3A_1610 : vector<16xi32>
        %ge3A_1612 = arith.constant 0 : i32
        %ge3A_1613 = vector.broadcast %ge3A_1612 : i32 to vector<16xi32>
        %ge3A_1614 = arith.cmpi sge, %select_n3A_1580, %ge3A_1613 : vector<16xi32>
        %le3A_1615 = arith.cmpi sle, %select_n3A_1580, %sub3A_44 : vector<16xi32>
        %and3A_1616 = arith.andi %ge3A_1614, %le3A_1615 : vector<16xi1>
        %ge3A_1617 = arith.constant 0 : i32
        %ge3A_1618 = vector.broadcast %ge3A_1617 : i32 to vector<16xi32>
        %ge3A_1619 = arith.cmpi sge, %add3A_1608, %ge3A_1618 : vector<16xi32>
        %le3A_1620 = arith.cmpi sle, %add3A_1608, %sub3A_44 : vector<16xi32>
        %and3A_1621 = arith.andi %ge3A_1619, %le3A_1620 : vector<16xi1>
        %ge3A_1622 = arith.constant 0 : i32
        %ge3A_1623 = vector.broadcast %ge3A_1622 : i32 to vector<16xi32>
        %ge3A_1624 = arith.cmpi sge, %select_n3A_1593, %ge3A_1623 : vector<16xi32>
        %le3A_1625 = arith.cmpi sle, %select_n3A_1593, %sub3A_44 : vector<16xi32>
        %and3A_1626 = arith.andi %ge3A_1624, %le3A_1625 : vector<16xi1>
        %ge3A_1627 = arith.constant 0 : i32
        %ge3A_1628 = vector.broadcast %ge3A_1627 : i32 to vector<16xi32>
        %ge3A_1629 = arith.cmpi sge, %add3A_1611, %ge3A_1628 : vector<16xi32>
        %le3A_1630 = arith.cmpi sle, %add3A_1611, %sub3A_44 : vector<16xi32>
        %and3A_1631 = arith.andi %ge3A_1629, %le3A_1630 : vector<16xi1>
        %jit3A_1632 = arith.constant 0 : i32
        %max3A_1633 = vector.broadcast %jit3A_1632 : i32 to vector<16xi32>
        %max3A_1634 = arith.maxsi %max3A_1633, %select_n3A_1580 : vector<16xi32>
        %min3A_1635 = arith.minsi %sub3A_44, %max3A_1634 : vector<16xi32>
        %jit3A_1636 = arith.constant 0 : i32
        %max3A_1637 = vector.broadcast %jit3A_1636 : i32 to vector<16xi32>
        %max3A_1638 = arith.maxsi %max3A_1637, %add3A_1608 : vector<16xi32>
        %min3A_1639 = arith.minsi %sub3A_44, %max3A_1638 : vector<16xi32>
        %jit3A_1640 = arith.constant 0 : i32
        %max3A_1641 = vector.broadcast %jit3A_1640 : i32 to vector<16xi32>
        %max3A_1642 = arith.maxsi %max3A_1641, %select_n3A_1593 : vector<16xi32>
        %min3A_1643 = arith.minsi %sub3A_44, %max3A_1642 : vector<16xi32>
        %jit3A_1644 = arith.constant 0 : i32
        %max3A_1645 = vector.broadcast %jit3A_1644 : i32 to vector<16xi32>
        %max3A_1646 = arith.maxsi %max3A_1645, %add3A_1611 : vector<16xi32>
        %min3A_1647 = arith.minsi %sub3A_44, %max3A_1646 : vector<16xi32>
        %mul3A_1648 = arith.muli %min3A_1643, %shift_right_logical3A_22 : vector<16xi32>
        %add3A_1649 = arith.addi %select_n3A_41, %mul3A_1648 : vector<16xi32>
        %mul3A_1650 = arith.muli %min3A_1647, %shift_right_logical3A_22 : vector<16xi32>
        %add3A_1651 = arith.addi %select_n3A_41, %mul3A_1650 : vector<16xi32>
        %add3A_1652 = arith.constant 2 : i32
        %add3A_1653 = arith.addi %mul3A_18, %add3A_1652 : i32
        %add3A_1654 = arith.addi %add3A_1649, %min3A_1635 : vector<16xi32>
        %mul3A_1655 = arith.mulf %sub3A_1602, %sub3A_1605 : vector<16xf32>
        %and3A_1656 = arith.andi %and3A_1616, %and3A_1626 : vector<16xi1>
        %convert_element_type3A_1657 = arith.extui %and3A_1656 : vector<16xi1> to vector<16xi32>
        %convert_element_type3A_1658 = arith.sitofp %convert_element_type3A_1657 : vector<16xi32> to vector<16xf32>
        %mul3A_1659 = arith.mulf %mul3A_1655, %convert_element_type3A_1658 : vector<16xf32>
        %add3A_1660 = arith.addi %add3A_1649, %min3A_1639 : vector<16xi32>
        %mul3A_1661 = arith.mulf %sub3A_1586, %sub3A_1605 : vector<16xf32>
        %and3A_1662 = arith.andi %and3A_1621, %and3A_1626 : vector<16xi1>
        %convert_element_type3A_1663 = arith.extui %and3A_1662 : vector<16xi1> to vector<16xi32>
        %convert_element_type3A_1664 = arith.sitofp %convert_element_type3A_1663 : vector<16xi32> to vector<16xf32>
        %mul3A_1665 = arith.mulf %mul3A_1661, %convert_element_type3A_1664 : vector<16xf32>
        %add3A_1666 = arith.addi %add3A_1651, %min3A_1635 : vector<16xi32>
        %mul3A_1667 = arith.mulf %sub3A_1602, %sub3A_1599 : vector<16xf32>
        %and3A_1668 = arith.andi %and3A_1616, %and3A_1631 : vector<16xi1>
        %convert_element_type3A_1669 = arith.extui %and3A_1668 : vector<16xi1> to vector<16xi32>
        %convert_element_type3A_1670 = arith.sitofp %convert_element_type3A_1669 : vector<16xi32> to vector<16xf32>
        %mul3A_1671 = arith.mulf %mul3A_1667, %convert_element_type3A_1670 : vector<16xf32>
        %add3A_1672 = arith.addi %add3A_1651, %min3A_1639 : vector<16xi32>
        %mul3A_1673 = arith.mulf %sub3A_1586, %sub3A_1599 : vector<16xf32>
        %and3A_1674 = arith.andi %and3A_1621, %and3A_1631 : vector<16xi1>
        %convert_element_type3A_1675 = arith.extui %and3A_1674 : vector<16xi1> to vector<16xi32>
        %convert_element_type3A_1676 = arith.sitofp %convert_element_type3A_1675 : vector<16xi32> to vector<16xf32>
        %mul3A_1677 = arith.mulf %mul3A_1673, %convert_element_type3A_1676 : vector<16xf32>
        %mul3A_1678 = arith.constant 64 : i32
        %mul3A_1679 = vector.broadcast %mul3A_1678 : i32 to vector<16xi32>
        %mul3A_1680 = arith.muli %add3A_1654, %mul3A_1679 : vector<16xi32>
        %add3A_1681 = vector.broadcast %add3A_1653 : i32 to vector<16xi32>
        %add3A_1682 = arith.addi %mul3A_1680, %add3A_1681 : vector<16xi32>
        %swap3A_1683 = arith.constant 3 : i32
        %swap3A_1684 = arith.index_cast %rem3A_144 : i32 to index
        %swap3A_1685 = arith.index_cast %swap3A_1683 : i32 to index
        %swap3A_1686 = arith.constant 0 : index
        %swap3A_1687 = tpu.vector_load %arg9[%swap3A_1684, %swap3A_1685, %swap3A_1686] {strides = array<i32>} : memref<2x4x128xi32, #tpu.memory_space<vmem>>, vector<16xi32>,
        tpu.vector_store %arg9[%swap3A_1684, %swap3A_1685, %swap3A_1686], %add3A_1682 {strides = array<i32>} : memref<2x4x128xi32, #tpu.memory_space<vmem>>, vector<16xi32>,
        %mul3A_1688 = arith.mulf %mul3A_1659, %div3A_1545 : vector<16xf32>
        %swap3A_1689 = arith.index_cast %rem3A_144 : i32 to index
        %swap3A_1690 = arith.constant 384 : index
        %swap3A_1691 = tpu.vector_load %arg10[%swap3A_1689, %swap3A_1690] {strides = array<i32>} : memref<2x512xf32, #tpu.memory_space<vmem>>, vector<16xf32>,
        tpu.vector_store %arg10[%swap3A_1689, %swap3A_1690], %mul3A_1688 {strides = array<i32>} : memref<2x512xf32, #tpu.memory_space<vmem>>, vector<16xf32>,
        %mul3A_1692 = arith.constant 64 : i32
        %mul3A_1693 = vector.broadcast %mul3A_1692 : i32 to vector<16xi32>
        %mul3A_1694 = arith.muli %add3A_1660, %mul3A_1693 : vector<16xi32>
        %add3A_1695 = vector.broadcast %add3A_1653 : i32 to vector<16xi32>
        %add3A_1696 = arith.addi %mul3A_1694, %add3A_1695 : vector<16xi32>
        %swap3A_1697 = arith.constant 3 : i32
        %swap3A_1698 = arith.index_cast %rem3A_144 : i32 to index
        %swap3A_1699 = arith.index_cast %swap3A_1697 : i32 to index
        %swap3A_1700 = arith.constant 16 : index
        %swap3A_1701 = tpu.vector_load %arg9[%swap3A_1698, %swap3A_1699, %swap3A_1700] {strides = array<i32>} : memref<2x4x128xi32, #tpu.memory_space<vmem>>, vector<16xi32>,
        tpu.vector_store %arg9[%swap3A_1698, %swap3A_1699, %swap3A_1700], %add3A_1696 {strides = array<i32>} : memref<2x4x128xi32, #tpu.memory_space<vmem>>, vector<16xi32>,
        %mul3A_1702 = arith.mulf %mul3A_1665, %div3A_1545 : vector<16xf32>
        %swap3A_1703 = arith.index_cast %rem3A_144 : i32 to index
        %swap3A_1704 = arith.constant 400 : index
        %swap3A_1705 = tpu.vector_load %arg10[%swap3A_1703, %swap3A_1704] {strides = array<i32>} : memref<2x512xf32, #tpu.memory_space<vmem>>, vector<16xf32>,
        tpu.vector_store %arg10[%swap3A_1703, %swap3A_1704], %mul3A_1702 {strides = array<i32>} : memref<2x512xf32, #tpu.memory_space<vmem>>, vector<16xf32>,
        %mul3A_1706 = arith.constant 64 : i32
        %mul3A_1707 = vector.broadcast %mul3A_1706 : i32 to vector<16xi32>
        %mul3A_1708 = arith.muli %add3A_1666, %mul3A_1707 : vector<16xi32>
        %add3A_1709 = vector.broadcast %add3A_1653 : i32 to vector<16xi32>
        %add3A_1710 = arith.addi %mul3A_1708, %add3A_1709 : vector<16xi32>
        %swap3A_1711 = arith.constant 3 : i32
        %swap3A_1712 = arith.index_cast %rem3A_144 : i32 to index
        %swap3A_1713 = arith.index_cast %swap3A_1711 : i32 to index
        %swap3A_1714 = arith.constant 32 : index
        %swap3A_1715 = tpu.vector_load %arg9[%swap3A_1712, %swap3A_1713, %swap3A_1714] {strides = array<i32>} : memref<2x4x128xi32, #tpu.memory_space<vmem>>, vector<16xi32>,
        tpu.vector_store %arg9[%swap3A_1712, %swap3A_1713, %swap3A_1714], %add3A_1710 {strides = array<i32>} : memref<2x4x128xi32, #tpu.memory_space<vmem>>, vector<16xi32>,
        %mul3A_1716 = arith.mulf %mul3A_1671, %div3A_1545 : vector<16xf32>
        %swap3A_1717 = arith.index_cast %rem3A_144 : i32 to index
        %swap3A_1718 = arith.constant 416 : index
        %swap3A_1719 = tpu.vector_load %arg10[%swap3A_1717, %swap3A_1718] {strides = array<i32>} : memref<2x512xf32, #tpu.memory_space<vmem>>, vector<16xf32>,
        tpu.vector_store %arg10[%swap3A_1717, %swap3A_1718], %mul3A_1716 {strides = array<i32>} : memref<2x512xf32, #tpu.memory_space<vmem>>, vector<16xf32>,
        %mul3A_1720 = arith.constant 64 : i32
        %mul3A_1721 = vector.broadcast %mul3A_1720 : i32 to vector<16xi32>
        %mul3A_1722 = arith.muli %add3A_1672, %mul3A_1721 : vector<16xi32>
        %add3A_1723 = vector.broadcast %add3A_1653 : i32 to vector<16xi32>
        %add3A_1724 = arith.addi %mul3A_1722, %add3A_1723 : vector<16xi32>
        %swap3A_1725 = arith.constant 3 : i32
        %swap3A_1726 = arith.index_cast %rem3A_144 : i32 to index
        %swap3A_1727 = arith.index_cast %swap3A_1725 : i32 to index
        %swap3A_1728 = arith.constant 48 : index
        %swap3A_1729 = tpu.vector_load %arg9[%swap3A_1726, %swap3A_1727, %swap3A_1728] {strides = array<i32>} : memref<2x4x128xi32, #tpu.memory_space<vmem>>, vector<16xi32>,
        tpu.vector_store %arg9[%swap3A_1726, %swap3A_1727, %swap3A_1728], %add3A_1724 {strides = array<i32>} : memref<2x4x128xi32, #tpu.memory_space<vmem>>, vector<16xi32>,
        %mul3A_1730 = arith.mulf %mul3A_1677, %div3A_1545 : vector<16xf32>
        %swap3A_1731 = arith.index_cast %rem3A_144 : i32 to index
        %swap3A_1732 = arith.constant 432 : index
        %swap3A_1733 = tpu.vector_load %arg10[%swap3A_1731, %swap3A_1732] {strides = array<i32>} : memref<2x512xf32, #tpu.memory_space<vmem>>, vector<16xf32>,
        tpu.vector_store %arg10[%swap3A_1731, %swap3A_1732], %mul3A_1730 {strides = array<i32>} : memref<2x512xf32, #tpu.memory_space<vmem>>, vector<16xf32>,
        %get3A_1734 = arith.index_cast %rem3A_144 : i32 to index
        %get3A_1735 = arith.constant 368 : index
        %get3A_1736 = tpu.vector_load %arg7[%get3A_1734, %get3A_1735] {strides = array<i32>} : memref<2x384xf32, #tpu.memory_space<vmem>>, vector<16xf32>,
        %reduce_max3A_1737 = arith.constant true
        %reduce_max3A_1738 = vector.broadcast %reduce_max3A_1737 : i1 to vector<16xi1>
        %reduce_max3A_1739 = tpu.scan <max>, %get3A_1736 masked %reduce_max3A_1738 : vector<16xf32>, vector<16xi1> -> vector<16xf32>
        %reduce_max3A_1740 = vector.extract %reduce_max3A_1739[15] : f32 from vector<16xf32>
        %sub3A_1741 = vector.broadcast %reduce_max3A_1740 : f32 to vector<16xf32>
        %sub3A_1742 = arith.subf %get3A_1736, %sub3A_1741 : vector<16xf32>
        %exp3A_1743 = math.exp %sub3A_1742 : vector<16xf32>
        %reduce_sum3A_1744 = arith.constant true
        %reduce_sum3A_1745 = vector.broadcast %reduce_sum3A_1744 : i1 to vector<16xi1>
        %reduce_sum3A_1746 = tpu.scan <sum>, %exp3A_1743 masked %reduce_sum3A_1745 : vector<16xf32>, vector<16xi1> -> vector<16xf32>
        %reduce_sum3A_1747 = vector.extract %reduce_sum3A_1746[15] : f32 from vector<16xf32>
        %broadcast_in_dim3A_1748 = vector.broadcast %reduce_sum3A_1747 : f32 to vector<16xf32>
        %div3A_1749 = arith.divf %exp3A_1743, %broadcast_in_dim3A_1748 : vector<16xf32>
        %broadcast_in_dim3A_1750 = vector.broadcast %rem3A_144 : i32 to vector<16xi32>
        %mul3A_1751 = arith.constant 2 : i32
        %mul3A_1752 = vector.broadcast %mul3A_1751 : i32 to vector<16xi32>
        %mul3A_1753 = arith.muli %iota3A, %mul3A_1752 : vector<16xi32>
        %add3A_1754 = arith.constant 224 : i32
        %add3A_1755 = vector.broadcast %add3A_1754 : i32 to vector<16xi32>
        %add3A_1756 = arith.addi %mul3A_1753, %add3A_1755 : vector<16xi32>
        %gather3A_1757 = tpu.vector_load_idx %arg7[%broadcast_in_dim3A_1750, %add3A_1756] : memref<2x384xf32, #tpu.memory_space<vmem>>[vector<16xi32>, vector<16xi32>], vector<16xf32>,
        %broadcast_in_dim3A_1758 = vector.broadcast %rem3A_144 : i32 to vector<16xi32>
        %mul3A_1759 = arith.constant 2 : i32
        %mul3A_1760 = vector.broadcast %mul3A_1759 : i32 to vector<16xi32>
        %mul3A_1761 = arith.muli %iota3A, %mul3A_1760 : vector<16xi32>
        %add3A_1762 = arith.constant 225 : i32
        %add3A_1763 = vector.broadcast %add3A_1762 : i32 to vector<16xi32>
        %add3A_1764 = arith.addi %mul3A_1761, %add3A_1763 : vector<16xi32>
        %gather3A_1765 = tpu.vector_load_idx %arg7[%broadcast_in_dim3A_1758, %add3A_1764] : memref<2x384xf32, #tpu.memory_space<vmem>>[vector<16xi32>, vector<16xi32>], vector<16xf32>,
        %mul3A_1766 = arith.mulf %gather3A_1757, %mul3A_310 : vector<16xf32>
        %add3A_1767 = arith.addf %gather3A, %mul3A_1766 : vector<16xf32>
        %mul3A_1768 = arith.mulf %add3A_1767, %convert_element_type3A : vector<16xf32>
        %sub3A_1769 = arith.constant 5.000000e-01 : f32
        %sub3A_1770 = vector.broadcast %sub3A_1769 : f32 to vector<16xf32>
        %sub3A_1771 = arith.subf %mul3A_1768, %sub3A_1770 : vector<16xf32>
        %mul3A_1772 = arith.mulf %gather3A_1765, %mul3A_313 : vector<16xf32>
        %add3A_1773 = arith.addf %gather3A_297, %mul3A_1772 : vector<16xf32>
        %mul3A_1774 = arith.mulf %add3A_1773, %convert_element_type3A : vector<16xf32>
        %sub3A_1775 = arith.constant 5.000000e-01 : f32
        %sub3A_1776 = vector.broadcast %sub3A_1775 : f32 to vector<16xf32>
        %sub3A_1777 = arith.subf %mul3A_1774, %sub3A_1776 : vector<16xf32>
        %convert_element_type3A_1778 = arith.fptosi %sub3A_1771 : vector<16xf32> to vector<16xi32>
        %convert_element_type3A_1779 = arith.sitofp %convert_element_type3A_1778 : vector<16xi32> to vector<16xf32>
        %gt3A_1780 = arith.cmpf ogt, %convert_element_type3A_1779, %sub3A_1771 : vector<16xf32>
        %sub3A_1781 = arith.constant 1 : i32
        %sub3A_1782 = vector.broadcast %sub3A_1781 : i32 to vector<16xi32>
        %sub3A_1783 = arith.subi %convert_element_type3A_1778, %sub3A_1782 : vector<16xi32>
        %select_n3A_1784 = arith.select %gt3A_1780, %sub3A_1783, %convert_element_type3A_1778 : vector<16xi1>, vector<16xi32>
        %gt3A_1785 = arith.cmpf ogt, %convert_element_type3A_1779, %sub3A_1771 : vector<16xf32>
        %sub3A_1786 = arith.constant 1.000000e+00 : f32
        %sub3A_1787 = vector.broadcast %sub3A_1786 : f32 to vector<16xf32>
        %sub3A_1788 = arith.subf %convert_element_type3A_1779, %sub3A_1787 : vector<16xf32>
        %select_n3A_1789 = arith.select %gt3A_1785, %sub3A_1788, %convert_element_type3A_1779 : vector<16xi1>, vector<16xf32>
        %sub3A_1790 = arith.subf %sub3A_1771, %select_n3A_1789 : vector<16xf32>
        %convert_element_type3A_1791 = arith.fptosi %sub3A_1777 : vector<16xf32> to vector<16xi32>
        %convert_element_type3A_1792 = arith.sitofp %convert_element_type3A_1791 : vector<16xi32> to vector<16xf32>
        %gt3A_1793 = arith.cmpf ogt, %convert_element_type3A_1792, %sub3A_1777 : vector<16xf32>
        %sub3A_1794 = arith.constant 1 : i32
        %sub3A_1795 = vector.broadcast %sub3A_1794 : i32 to vector<16xi32>
        %sub3A_1796 = arith.subi %convert_element_type3A_1791, %sub3A_1795 : vector<16xi32>
        %select_n3A_1797 = arith.select %gt3A_1793, %sub3A_1796, %convert_element_type3A_1791 : vector<16xi1>, vector<16xi32>
        %gt3A_1798 = arith.cmpf ogt, %convert_element_type3A_1792, %sub3A_1777 : vector<16xf32>
        %sub3A_1799 = arith.constant 1.000000e+00 : f32
        %sub3A_1800 = vector.broadcast %sub3A_1799 : f32 to vector<16xf32>
        %sub3A_1801 = arith.subf %convert_element_type3A_1792, %sub3A_1800 : vector<16xf32>
        %select_n3A_1802 = arith.select %gt3A_1798, %sub3A_1801, %convert_element_type3A_1792 : vector<16xi1>, vector<16xf32>
        %sub3A_1803 = arith.subf %sub3A_1777, %select_n3A_1802 : vector<16xf32>
        %sub3A_1804 = arith.constant 1.000000e+00 : f32
        %sub3A_1805 = vector.broadcast %sub3A_1804 : f32 to vector<16xf32>
        %sub3A_1806 = arith.subf %sub3A_1805, %sub3A_1790 : vector<16xf32>
        %sub3A_1807 = arith.constant 1.000000e+00 : f32
        %sub3A_1808 = vector.broadcast %sub3A_1807 : f32 to vector<16xf32>
        %sub3A_1809 = arith.subf %sub3A_1808, %sub3A_1803 : vector<16xf32>
        %add3A_1810 = arith.constant 1 : i32
        %add3A_1811 = vector.broadcast %add3A_1810 : i32 to vector<16xi32>
        %add3A_1812 = arith.addi %select_n3A_1784, %add3A_1811 : vector<16xi32>
        %add3A_1813 = arith.constant 1 : i32
        %add3A_1814 = vector.broadcast %add3A_1813 : i32 to vector<16xi32>
        %add3A_1815 = arith.addi %select_n3A_1797, %add3A_1814 : vector<16xi32>
        %ge3A_1816 = arith.constant 0 : i32
        %ge3A_1817 = vector.broadcast %ge3A_1816 : i32 to vector<16xi32>
        %ge3A_1818 = arith.cmpi sge, %select_n3A_1784, %ge3A_1817 : vector<16xi32>
        %le3A_1819 = arith.cmpi sle, %select_n3A_1784, %sub3A_44 : vector<16xi32>
        %and3A_1820 = arith.andi %ge3A_1818, %le3A_1819 : vector<16xi1>
        %ge3A_1821 = arith.constant 0 : i32
        %ge3A_1822 = vector.broadcast %ge3A_1821 : i32 to vector<16xi32>
        %ge3A_1823 = arith.cmpi sge, %add3A_1812, %ge3A_1822 : vector<16xi32>
        %le3A_1824 = arith.cmpi sle, %add3A_1812, %sub3A_44 : vector<16xi32>
        %and3A_1825 = arith.andi %ge3A_1823, %le3A_1824 : vector<16xi1>
        %ge3A_1826 = arith.constant 0 : i32
        %ge3A_1827 = vector.broadcast %ge3A_1826 : i32 to vector<16xi32>
        %ge3A_1828 = arith.cmpi sge, %select_n3A_1797, %ge3A_1827 : vector<16xi32>
        %le3A_1829 = arith.cmpi sle, %select_n3A_1797, %sub3A_44 : vector<16xi32>
        %and3A_1830 = arith.andi %ge3A_1828, %le3A_1829 : vector<16xi1>
        %ge3A_1831 = arith.constant 0 : i32
        %ge3A_1832 = vector.broadcast %ge3A_1831 : i32 to vector<16xi32>
        %ge3A_1833 = arith.cmpi sge, %add3A_1815, %ge3A_1832 : vector<16xi32>
        %le3A_1834 = arith.cmpi sle, %add3A_1815, %sub3A_44 : vector<16xi32>
        %and3A_1835 = arith.andi %ge3A_1833, %le3A_1834 : vector<16xi1>
        %jit3A_1836 = arith.constant 0 : i32
        %max3A_1837 = vector.broadcast %jit3A_1836 : i32 to vector<16xi32>
        %max3A_1838 = arith.maxsi %max3A_1837, %select_n3A_1784 : vector<16xi32>
        %min3A_1839 = arith.minsi %sub3A_44, %max3A_1838 : vector<16xi32>
        %jit3A_1840 = arith.constant 0 : i32
        %max3A_1841 = vector.broadcast %jit3A_1840 : i32 to vector<16xi32>
        %max3A_1842 = arith.maxsi %max3A_1841, %add3A_1812 : vector<16xi32>
        %min3A_1843 = arith.minsi %sub3A_44, %max3A_1842 : vector<16xi32>
        %jit3A_1844 = arith.constant 0 : i32
        %max3A_1845 = vector.broadcast %jit3A_1844 : i32 to vector<16xi32>
        %max3A_1846 = arith.maxsi %max3A_1845, %select_n3A_1797 : vector<16xi32>
        %min3A_1847 = arith.minsi %sub3A_44, %max3A_1846 : vector<16xi32>
        %jit3A_1848 = arith.constant 0 : i32
        %max3A_1849 = vector.broadcast %jit3A_1848 : i32 to vector<16xi32>
        %max3A_1850 = arith.maxsi %max3A_1849, %add3A_1815 : vector<16xi32>
        %min3A_1851 = arith.minsi %sub3A_44, %max3A_1850 : vector<16xi32>
        %mul3A_1852 = arith.muli %min3A_1847, %shift_right_logical3A_22 : vector<16xi32>
        %add3A_1853 = arith.addi %select_n3A_41, %mul3A_1852 : vector<16xi32>
        %mul3A_1854 = arith.muli %min3A_1851, %shift_right_logical3A_22 : vector<16xi32>
        %add3A_1855 = arith.addi %select_n3A_41, %mul3A_1854 : vector<16xi32>
        %add3A_1856 = arith.constant 3 : i32
        %add3A_1857 = arith.addi %mul3A_18, %add3A_1856 : i32
        %add3A_1858 = arith.addi %add3A_1853, %min3A_1839 : vector<16xi32>
        %mul3A_1859 = arith.mulf %sub3A_1806, %sub3A_1809 : vector<16xf32>
        %and3A_1860 = arith.andi %and3A_1820, %and3A_1830 : vector<16xi1>
        %convert_element_type3A_1861 = arith.extui %and3A_1860 : vector<16xi1> to vector<16xi32>
        %convert_element_type3A_1862 = arith.sitofp %convert_element_type3A_1861 : vector<16xi32> to vector<16xf32>
        %mul3A_1863 = arith.mulf %mul3A_1859, %convert_element_type3A_1862 : vector<16xf32>
        %add3A_1864 = arith.addi %add3A_1853, %min3A_1843 : vector<16xi32>
        %mul3A_1865 = arith.mulf %sub3A_1790, %sub3A_1809 : vector<16xf32>
        %and3A_1866 = arith.andi %and3A_1825, %and3A_1830 : vector<16xi1>
        %convert_element_type3A_1867 = arith.extui %and3A_1866 : vector<16xi1> to vector<16xi32>
        %convert_element_type3A_1868 = arith.sitofp %convert_element_type3A_1867 : vector<16xi32> to vector<16xf32>
        %mul3A_1869 = arith.mulf %mul3A_1865, %convert_element_type3A_1868 : vector<16xf32>
        %add3A_1870 = arith.addi %add3A_1855, %min3A_1839 : vector<16xi32>
        %mul3A_1871 = arith.mulf %sub3A_1806, %sub3A_1803 : vector<16xf32>
        %and3A_1872 = arith.andi %and3A_1820, %and3A_1835 : vector<16xi1>
        %convert_element_type3A_1873 = arith.extui %and3A_1872 : vector<16xi1> to vector<16xi32>
        %convert_element_type3A_1874 = arith.sitofp %convert_element_type3A_1873 : vector<16xi32> to vector<16xf32>
        %mul3A_1875 = arith.mulf %mul3A_1871, %convert_element_type3A_1874 : vector<16xf32>
        %add3A_1876 = arith.addi %add3A_1855, %min3A_1843 : vector<16xi32>
        %mul3A_1877 = arith.mulf %sub3A_1790, %sub3A_1803 : vector<16xf32>
        %and3A_1878 = arith.andi %and3A_1825, %and3A_1835 : vector<16xi1>
        %convert_element_type3A_1879 = arith.extui %and3A_1878 : vector<16xi1> to vector<16xi32>
        %convert_element_type3A_1880 = arith.sitofp %convert_element_type3A_1879 : vector<16xi32> to vector<16xf32>
        %mul3A_1881 = arith.mulf %mul3A_1877, %convert_element_type3A_1880 : vector<16xf32>
        %mul3A_1882 = arith.constant 64 : i32
        %mul3A_1883 = vector.broadcast %mul3A_1882 : i32 to vector<16xi32>
        %mul3A_1884 = arith.muli %add3A_1858, %mul3A_1883 : vector<16xi32>
        %add3A_1885 = vector.broadcast %add3A_1857 : i32 to vector<16xi32>
        %add3A_1886 = arith.addi %mul3A_1884, %add3A_1885 : vector<16xi32>
        %swap3A_1887 = arith.constant 3 : i32
        %swap3A_1888 = arith.index_cast %rem3A_144 : i32 to index
        %swap3A_1889 = arith.index_cast %swap3A_1887 : i32 to index
        %swap3A_1890 = arith.constant 64 : index
        %swap3A_1891 = tpu.vector_load %arg9[%swap3A_1888, %swap3A_1889, %swap3A_1890] {strides = array<i32>} : memref<2x4x128xi32, #tpu.memory_space<vmem>>, vector<16xi32>,
        tpu.vector_store %arg9[%swap3A_1888, %swap3A_1889, %swap3A_1890], %add3A_1886 {strides = array<i32>} : memref<2x4x128xi32, #tpu.memory_space<vmem>>, vector<16xi32>,
        %mul3A_1892 = arith.mulf %mul3A_1863, %div3A_1749 : vector<16xf32>
        %swap3A_1893 = arith.index_cast %rem3A_144 : i32 to index
        %swap3A_1894 = arith.constant 448 : index
        %swap3A_1895 = tpu.vector_load %arg10[%swap3A_1893, %swap3A_1894] {strides = array<i32>} : memref<2x512xf32, #tpu.memory_space<vmem>>, vector<16xf32>,
        tpu.vector_store %arg10[%swap3A_1893, %swap3A_1894], %mul3A_1892 {strides = array<i32>} : memref<2x512xf32, #tpu.memory_space<vmem>>, vector<16xf32>,
        %mul3A_1896 = arith.constant 64 : i32
        %mul3A_1897 = vector.broadcast %mul3A_1896 : i32 to vector<16xi32>
        %mul3A_1898 = arith.muli %add3A_1864, %mul3A_1897 : vector<16xi32>
        %add3A_1899 = vector.broadcast %add3A_1857 : i32 to vector<16xi32>
        %add3A_1900 = arith.addi %mul3A_1898, %add3A_1899 : vector<16xi32>
        %swap3A_1901 = arith.constant 3 : i32
        %swap3A_1902 = arith.index_cast %rem3A_144 : i32 to index
        %swap3A_1903 = arith.index_cast %swap3A_1901 : i32 to index
        %swap3A_1904 = arith.constant 80 : index
        %swap3A_1905 = tpu.vector_load %arg9[%swap3A_1902, %swap3A_1903, %swap3A_1904] {strides = array<i32>} : memref<2x4x128xi32, #tpu.memory_space<vmem>>, vector<16xi32>,
        tpu.vector_store %arg9[%swap3A_1902, %swap3A_1903, %swap3A_1904], %add3A_1900 {strides = array<i32>} : memref<2x4x128xi32, #tpu.memory_space<vmem>>, vector<16xi32>,
        %mul3A_1906 = arith.mulf %mul3A_1869, %div3A_1749 : vector<16xf32>
        %swap3A_1907 = arith.index_cast %rem3A_144 : i32 to index
        %swap3A_1908 = arith.constant 464 : index
        %swap3A_1909 = tpu.vector_load %arg10[%swap3A_1907, %swap3A_1908] {strides = array<i32>} : memref<2x512xf32, #tpu.memory_space<vmem>>, vector<16xf32>,
        tpu.vector_store %arg10[%swap3A_1907, %swap3A_1908], %mul3A_1906 {strides = array<i32>} : memref<2x512xf32, #tpu.memory_space<vmem>>, vector<16xf32>,
        %mul3A_1910 = arith.constant 64 : i32
        %mul3A_1911 = vector.broadcast %mul3A_1910 : i32 to vector<16xi32>
        %mul3A_1912 = arith.muli %add3A_1870, %mul3A_1911 : vector<16xi32>
        %add3A_1913 = vector.broadcast %add3A_1857 : i32 to vector<16xi32>
        %add3A_1914 = arith.addi %mul3A_1912, %add3A_1913 : vector<16xi32>
        %swap3A_1915 = arith.constant 3 : i32
        %swap3A_1916 = arith.index_cast %rem3A_144 : i32 to index
        %swap3A_1917 = arith.index_cast %swap3A_1915 : i32 to index
        %swap3A_1918 = arith.constant 96 : index
        %swap3A_1919 = tpu.vector_load %arg9[%swap3A_1916, %swap3A_1917, %swap3A_1918] {strides = array<i32>} : memref<2x4x128xi32, #tpu.memory_space<vmem>>, vector<16xi32>,
        tpu.vector_store %arg9[%swap3A_1916, %swap3A_1917, %swap3A_1918], %add3A_1914 {strides = array<i32>} : memref<2x4x128xi32, #tpu.memory_space<vmem>>, vector<16xi32>,
        %mul3A_1920 = arith.mulf %mul3A_1875, %div3A_1749 : vector<16xf32>
        %swap3A_1921 = arith.index_cast %rem3A_144 : i32 to index
        %swap3A_1922 = arith.constant 480 : index
        %swap3A_1923 = tpu.vector_load %arg10[%swap3A_1921, %swap3A_1922] {strides = array<i32>} : memref<2x512xf32, #tpu.memory_space<vmem>>, vector<16xf32>,
        tpu.vector_store %arg10[%swap3A_1921, %swap3A_1922], %mul3A_1920 {strides = array<i32>} : memref<2x512xf32, #tpu.memory_space<vmem>>, vector<16xf32>,
        %mul3A_1924 = arith.constant 64 : i32
        %mul3A_1925 = vector.broadcast %mul3A_1924 : i32 to vector<16xi32>
        %mul3A_1926 = arith.muli %add3A_1876, %mul3A_1925 : vector<16xi32>
        %add3A_1927 = vector.broadcast %add3A_1857 : i32 to vector<16xi32>
        %add3A_1928 = arith.addi %mul3A_1926, %add3A_1927 : vector<16xi32>
        %swap3A_1929 = arith.constant 3 : i32
        %swap3A_1930 = arith.index_cast %rem3A_144 : i32 to index
        %swap3A_1931 = arith.index_cast %swap3A_1929 : i32 to index
        %swap3A_1932 = arith.constant 112 : index
        %swap3A_1933 = tpu.vector_load %arg9[%swap3A_1930, %swap3A_1931, %swap3A_1932] {strides = array<i32>} : memref<2x4x128xi32, #tpu.memory_space<vmem>>, vector<16xi32>,
        tpu.vector_store %arg9[%swap3A_1930, %swap3A_1931, %swap3A_1932], %add3A_1928 {strides = array<i32>} : memref<2x4x128xi32, #tpu.memory_space<vmem>>, vector<16xi32>,
        %mul3A_1934 = arith.mulf %mul3A_1881, %div3A_1749 : vector<16xf32>
        %swap3A_1935 = arith.index_cast %rem3A_144 : i32 to index
        %swap3A_1936 = arith.constant 496 : index
        %swap3A_1937 = tpu.vector_load %arg10[%swap3A_1935, %swap3A_1936] {strides = array<i32>} : memref<2x512xf32, #tpu.memory_space<vmem>>, vector<16xf32>,
        tpu.vector_store %arg10[%swap3A_1935, %swap3A_1936], %mul3A_1934 {strides = array<i32>} : memref<2x512xf32, #tpu.memory_space<vmem>>, vector<16xf32>,
        %dma_start3A_1938 = arith.constant 0 : i32
        %dma_start3A_1939 = arith.constant 0 : i32
        %dma_start3A_1940 = arith.constant 0 : i32
        %dma_start3A_1941 = tpu.memref_slice %arg11[%rem3A_144, %dma_start3A_1939, %dma_start3A_1940] : memref<2x512x32xf32, #tpu.memory_space<vmem>> -> memref<1x128x32xf32, #tpu.memory_space<vmem>>
        %dma_start3A_1942 = tpu.memref_squeeze %dma_start3A_1941 : memref<1x128x32xf32, #tpu.memory_space<vmem>> -> memref<128x32xf32, #tpu.memory_space<vmem>>
        %dma_start3A_1943 = arith.constant 0 : i32
        %dma_start3A_1944 = tpu.memref_slice %arg9[%rem3A_144, %dma_start3A_1938, %dma_start3A_1943] : memref<2x4x128xi32, #tpu.memory_space<vmem>> -> memref<1x1x128xi32, #tpu.memory_space<vmem>>
        %dma_start3A_1945 = tpu.memref_squeeze %dma_start3A_1944 : memref<1x1x128xi32, #tpu.memory_space<vmem>> -> memref<128xi32, #tpu.memory_space<vmem>>
        %dma_start3A_1946 = arith.constant 0 : i32
        %dma_start3A_1947 = arith.constant 0 : i32
        %dma_start3A_1948 = tpu.memref_slice %arg4[%dma_start3A_1946, %dma_start3A_1947] : memref<544000x32xf32, #tpu.memory_space<hbm>> -> memref<544000x32xf32, #tpu.memory_space<hbm>>
        %dma_start3A_1949 = tpu.memref_slice %arg13[%rem3A_144] : memref<2x!tpu.dma_semaphore, #tpu.memory_space<semaphore_mem>> -> memref<1x!tpu.dma_semaphore, #tpu.memory_space<semaphore_mem>>
        %dma_start3A_1950 = tpu.memref_squeeze %dma_start3A_1949 : memref<1x!tpu.dma_semaphore, #tpu.memory_space<semaphore_mem>> -> memref<!tpu.dma_semaphore, #tpu.memory_space<semaphore_mem>>
        tpu.enqueue_indirect_dma source(%dma_start3A_1948 : memref<544000x32xf32, #tpu.memory_space<hbm>>) target(%dma_start3A_1942 : memref<128x32xf32, #tpu.memory_space<vmem>>) offsets(%dma_start3A_1945 : memref<128xi32, #tpu.memory_space<vmem>>) semaphore(%dma_start3A_1950 : memref<!tpu.dma_semaphore, #tpu.memory_space<semaphore_mem>>)
        %dma_start3A_1951 = arith.constant 1 : i32
        %dma_start3A_1952 = arith.constant 128 : i32
        %dma_start3A_1953 = arith.constant 0 : i32
        %dma_start3A_1954 = tpu.memref_slice %arg11[%rem3A_144, %dma_start3A_1952, %dma_start3A_1953] : memref<2x512x32xf32, #tpu.memory_space<vmem>> -> memref<1x128x32xf32, #tpu.memory_space<vmem>>
        %dma_start3A_1955 = tpu.memref_squeeze %dma_start3A_1954 : memref<1x128x32xf32, #tpu.memory_space<vmem>> -> memref<128x32xf32, #tpu.memory_space<vmem>>
        %dma_start3A_1956 = arith.constant 0 : i32
        %dma_start3A_1957 = tpu.memref_slice %arg9[%rem3A_144, %dma_start3A_1951, %dma_start3A_1956] : memref<2x4x128xi32, #tpu.memory_space<vmem>> -> memref<1x1x128xi32, #tpu.memory_space<vmem>>
        %dma_start3A_1958 = tpu.memref_squeeze %dma_start3A_1957 : memref<1x1x128xi32, #tpu.memory_space<vmem>> -> memref<128xi32, #tpu.memory_space<vmem>>
        %dma_start3A_1959 = arith.constant 0 : i32
        %dma_start3A_1960 = arith.constant 0 : i32
        %dma_start3A_1961 = tpu.memref_slice %arg4[%dma_start3A_1959, %dma_start3A_1960] : memref<544000x32xf32, #tpu.memory_space<hbm>> -> memref<544000x32xf32, #tpu.memory_space<hbm>>
        %dma_start3A_1962 = tpu.memref_slice %arg13[%rem3A_144] : memref<2x!tpu.dma_semaphore, #tpu.memory_space<semaphore_mem>> -> memref<1x!tpu.dma_semaphore, #tpu.memory_space<semaphore_mem>>
        %dma_start3A_1963 = tpu.memref_squeeze %dma_start3A_1962 : memref<1x!tpu.dma_semaphore, #tpu.memory_space<semaphore_mem>> -> memref<!tpu.dma_semaphore, #tpu.memory_space<semaphore_mem>>
        tpu.enqueue_indirect_dma source(%dma_start3A_1961 : memref<544000x32xf32, #tpu.memory_space<hbm>>) target(%dma_start3A_1955 : memref<128x32xf32, #tpu.memory_space<vmem>>) offsets(%dma_start3A_1958 : memref<128xi32, #tpu.memory_space<vmem>>) semaphore(%dma_start3A_1963 : memref<!tpu.dma_semaphore, #tpu.memory_space<semaphore_mem>>)
        %dma_start3A_1964 = arith.constant 2 : i32
        %dma_start3A_1965 = arith.constant 256 : i32
        %dma_start3A_1966 = arith.constant 0 : i32
        %dma_start3A_1967 = tpu.memref_slice %arg11[%rem3A_144, %dma_start3A_1965, %dma_start3A_1966] : memref<2x512x32xf32, #tpu.memory_space<vmem>> -> memref<1x128x32xf32, #tpu.memory_space<vmem>>
        %dma_start3A_1968 = tpu.memref_squeeze %dma_start3A_1967 : memref<1x128x32xf32, #tpu.memory_space<vmem>> -> memref<128x32xf32, #tpu.memory_space<vmem>>
        %dma_start3A_1969 = arith.constant 0 : i32
        %dma_start3A_1970 = tpu.memref_slice %arg9[%rem3A_144, %dma_start3A_1964, %dma_start3A_1969] : memref<2x4x128xi32, #tpu.memory_space<vmem>> -> memref<1x1x128xi32, #tpu.memory_space<vmem>>
        %dma_start3A_1971 = tpu.memref_squeeze %dma_start3A_1970 : memref<1x1x128xi32, #tpu.memory_space<vmem>> -> memref<128xi32, #tpu.memory_space<vmem>>
        %dma_start3A_1972 = arith.constant 0 : i32
        %dma_start3A_1973 = arith.constant 0 : i32
        %dma_start3A_1974 = tpu.memref_slice %arg5[%dma_start3A_1972, %dma_start3A_1973] : memref<544000x32xf32, #tpu.memory_space<hbm>> -> memref<544000x32xf32, #tpu.memory_space<hbm>>
        %dma_start3A_1975 = tpu.memref_slice %arg13[%rem3A_144] : memref<2x!tpu.dma_semaphore, #tpu.memory_space<semaphore_mem>> -> memref<1x!tpu.dma_semaphore, #tpu.memory_space<semaphore_mem>>
        %dma_start3A_1976 = tpu.memref_squeeze %dma_start3A_1975 : memref<1x!tpu.dma_semaphore, #tpu.memory_space<semaphore_mem>> -> memref<!tpu.dma_semaphore, #tpu.memory_space<semaphore_mem>>
        tpu.enqueue_indirect_dma source(%dma_start3A_1974 : memref<544000x32xf32, #tpu.memory_space<hbm>>) target(%dma_start3A_1968 : memref<128x32xf32, #tpu.memory_space<vmem>>) offsets(%dma_start3A_1971 : memref<128xi32, #tpu.memory_space<vmem>>) semaphore(%dma_start3A_1976 : memref<!tpu.dma_semaphore, #tpu.memory_space<semaphore_mem>>)
        %dma_start3A_1977 = arith.constant 3 : i32
        %dma_start3A_1978 = arith.constant 384 : i32
        %dma_start3A_1979 = arith.constant 0 : i32
        %dma_start3A_1980 = tpu.memref_slice %arg11[%rem3A_144, %dma_start3A_1978, %dma_start3A_1979] : memref<2x512x32xf32, #tpu.memory_space<vmem>> -> memref<1x128x32xf32, #tpu.memory_space<vmem>>
        %dma_start3A_1981 = tpu.memref_squeeze %dma_start3A_1980 : memref<1x128x32xf32, #tpu.memory_space<vmem>> -> memref<128x32xf32, #tpu.memory_space<vmem>>
        %dma_start3A_1982 = arith.constant 0 : i32
        %dma_start3A_1983 = tpu.memref_slice %arg9[%rem3A_144, %dma_start3A_1977, %dma_start3A_1982] : memref<2x4x128xi32, #tpu.memory_space<vmem>> -> memref<1x1x128xi32, #tpu.memory_space<vmem>>
        %dma_start3A_1984 = tpu.memref_squeeze %dma_start3A_1983 : memref<1x1x128xi32, #tpu.memory_space<vmem>> -> memref<128xi32, #tpu.memory_space<vmem>>
        %dma_start3A_1985 = arith.constant 0 : i32
        %dma_start3A_1986 = arith.constant 0 : i32
        %dma_start3A_1987 = tpu.memref_slice %arg5[%dma_start3A_1985, %dma_start3A_1986] : memref<544000x32xf32, #tpu.memory_space<hbm>> -> memref<544000x32xf32, #tpu.memory_space<hbm>>
        %dma_start3A_1988 = tpu.memref_slice %arg13[%rem3A_144] : memref<2x!tpu.dma_semaphore, #tpu.memory_space<semaphore_mem>> -> memref<1x!tpu.dma_semaphore, #tpu.memory_space<semaphore_mem>>
        %dma_start3A_1989 = tpu.memref_squeeze %dma_start3A_1988 : memref<1x!tpu.dma_semaphore, #tpu.memory_space<semaphore_mem>> -> memref<!tpu.dma_semaphore, #tpu.memory_space<semaphore_mem>>
        tpu.enqueue_indirect_dma source(%dma_start3A_1987 : memref<544000x32xf32, #tpu.memory_space<hbm>>) target(%dma_start3A_1981 : memref<128x32xf32, #tpu.memory_space<vmem>>) offsets(%dma_start3A_1984 : memref<128xi32, #tpu.memory_space<vmem>>) semaphore(%dma_start3A_1989 : memref<!tpu.dma_semaphore, #tpu.memory_space<semaphore_mem>>)
      } else {
      }
      %gt3A = arith.constant 0 : i32
      %gt3A_148 = arith.cmpi sgt, %scan3A_142, %gt3A : i32
      %convert_element_type3A_149 = arith.extui %gt3A_148 : i1 to i32
      %cond3A_150 = arith.constant 0 : i32
      %cond3A_151 = arith.cmpi ne, %convert_element_type3A_149, %cond3A_150 : i32
      scf.if %cond3A_151 {
        %sub3A_152 = arith.constant 1 : i32
        %sub3A_153 = arith.subi %scan3A_142, %sub3A_152 : i32
        %rem3A_154 = arith.constant 2 : i32
        %rem3A_155 = arith.remsi %sub3A_153, %rem3A_154 : i32
        %dma_wait3A_156 = arith.constant 0 : i32
        %dma_wait3A_157 = arith.constant 0 : i32
        %dma_wait3A_158 = arith.constant 0 : i32
        %dma_wait3A_159 = tpu.memref_slice %arg11[%rem3A_155, %dma_wait3A_157, %dma_wait3A_158] : memref<2x512x32xf32, #tpu.memory_space<vmem>> -> memref<1x128x32xf32, #tpu.memory_space<vmem>>
        %dma_wait3A_160 = tpu.memref_squeeze %dma_wait3A_159 : memref<1x128x32xf32, #tpu.memory_space<vmem>> -> memref<128x32xf32, #tpu.memory_space<vmem>>
        %dma_wait3A_161 = arith.constant 0 : i32
        %dma_wait3A_162 = tpu.memref_slice %arg9[%rem3A_155, %dma_wait3A_156, %dma_wait3A_161] : memref<2x4x128xi32, #tpu.memory_space<vmem>> -> memref<1x1x128xi32, #tpu.memory_space<vmem>>
        %dma_wait3A_163 = tpu.memref_squeeze %dma_wait3A_162 : memref<1x1x128xi32, #tpu.memory_space<vmem>> -> memref<128xi32, #tpu.memory_space<vmem>>
        %dma_wait3A_164 = arith.constant 0 : i32
        %dma_wait3A_165 = arith.constant 0 : i32
        %dma_wait3A_166 = tpu.memref_slice %arg4[%dma_wait3A_164, %dma_wait3A_165] : memref<544000x32xf32, #tpu.memory_space<hbm>> -> memref<544000x32xf32, #tpu.memory_space<hbm>>
        %dma_wait3A_167 = tpu.memref_slice %arg13[%rem3A_155] : memref<2x!tpu.dma_semaphore, #tpu.memory_space<semaphore_mem>> -> memref<1x!tpu.dma_semaphore, #tpu.memory_space<semaphore_mem>>
        %dma_wait3A_168 = tpu.memref_squeeze %dma_wait3A_167 : memref<1x!tpu.dma_semaphore, #tpu.memory_space<semaphore_mem>> -> memref<!tpu.dma_semaphore, #tpu.memory_space<semaphore_mem>>
        tpu.wait_indirect_dma semaphore(%dma_wait3A_168 : memref<!tpu.dma_semaphore, #tpu.memory_space<semaphore_mem>>) src(%dma_wait3A_166 : memref<544000x32xf32, #tpu.memory_space<hbm>>) dst(%dma_wait3A_160 : memref<128x32xf32, #tpu.memory_space<vmem>>)
        %dma_wait3A_169 = arith.constant 0 : i32
        %dma_wait3A_170 = arith.constant 0 : i32
        %dma_wait3A_171 = arith.constant 0 : i32
        %dma_wait3A_172 = tpu.memref_slice %arg11[%rem3A_155, %dma_wait3A_170, %dma_wait3A_171] : memref<2x512x32xf32, #tpu.memory_space<vmem>> -> memref<1x128x32xf32, #tpu.memory_space<vmem>>
        %dma_wait3A_173 = tpu.memref_squeeze %dma_wait3A_172 : memref<1x128x32xf32, #tpu.memory_space<vmem>> -> memref<128x32xf32, #tpu.memory_space<vmem>>
        %dma_wait3A_174 = arith.constant 0 : i32
        %dma_wait3A_175 = tpu.memref_slice %arg9[%rem3A_155, %dma_wait3A_169, %dma_wait3A_174] : memref<2x4x128xi32, #tpu.memory_space<vmem>> -> memref<1x1x128xi32, #tpu.memory_space<vmem>>
        %dma_wait3A_176 = tpu.memref_squeeze %dma_wait3A_175 : memref<1x1x128xi32, #tpu.memory_space<vmem>> -> memref<128xi32, #tpu.memory_space<vmem>>
        %dma_wait3A_177 = arith.constant 0 : i32
        %dma_wait3A_178 = arith.constant 0 : i32
        %dma_wait3A_179 = tpu.memref_slice %arg4[%dma_wait3A_177, %dma_wait3A_178] : memref<544000x32xf32, #tpu.memory_space<hbm>> -> memref<544000x32xf32, #tpu.memory_space<hbm>>
        %dma_wait3A_180 = tpu.memref_slice %arg13[%rem3A_155] : memref<2x!tpu.dma_semaphore, #tpu.memory_space<semaphore_mem>> -> memref<1x!tpu.dma_semaphore, #tpu.memory_space<semaphore_mem>>
        %dma_wait3A_181 = tpu.memref_squeeze %dma_wait3A_180 : memref<1x!tpu.dma_semaphore, #tpu.memory_space<semaphore_mem>> -> memref<!tpu.dma_semaphore, #tpu.memory_space<semaphore_mem>>
        tpu.wait_indirect_dma semaphore(%dma_wait3A_181 : memref<!tpu.dma_semaphore, #tpu.memory_space<semaphore_mem>>) src(%dma_wait3A_179 : memref<544000x32xf32, #tpu.memory_space<hbm>>) dst(%dma_wait3A_173 : memref<128x32xf32, #tpu.memory_space<vmem>>)
        %dma_wait3A_182 = arith.constant 0 : i32
        %dma_wait3A_183 = arith.constant 0 : i32
        %dma_wait3A_184 = arith.constant 0 : i32
        %dma_wait3A_185 = tpu.memref_slice %arg11[%rem3A_155, %dma_wait3A_183, %dma_wait3A_184] : memref<2x512x32xf32, #tpu.memory_space<vmem>> -> memref<1x128x32xf32, #tpu.memory_space<vmem>>
        %dma_wait3A_186 = tpu.memref_squeeze %dma_wait3A_185 : memref<1x128x32xf32, #tpu.memory_space<vmem>> -> memref<128x32xf32, #tpu.memory_space<vmem>>
        %dma_wait3A_187 = arith.constant 0 : i32
        %dma_wait3A_188 = tpu.memref_slice %arg9[%rem3A_155, %dma_wait3A_182, %dma_wait3A_187] : memref<2x4x128xi32, #tpu.memory_space<vmem>> -> memref<1x1x128xi32, #tpu.memory_space<vmem>>
        %dma_wait3A_189 = tpu.memref_squeeze %dma_wait3A_188 : memref<1x1x128xi32, #tpu.memory_space<vmem>> -> memref<128xi32, #tpu.memory_space<vmem>>
        %dma_wait3A_190 = arith.constant 0 : i32
        %dma_wait3A_191 = arith.constant 0 : i32
        %dma_wait3A_192 = tpu.memref_slice %arg4[%dma_wait3A_190, %dma_wait3A_191] : memref<544000x32xf32, #tpu.memory_space<hbm>> -> memref<544000x32xf32, #tpu.memory_space<hbm>>
        %dma_wait3A_193 = tpu.memref_slice %arg13[%rem3A_155] : memref<2x!tpu.dma_semaphore, #tpu.memory_space<semaphore_mem>> -> memref<1x!tpu.dma_semaphore, #tpu.memory_space<semaphore_mem>>
        %dma_wait3A_194 = tpu.memref_squeeze %dma_wait3A_193 : memref<1x!tpu.dma_semaphore, #tpu.memory_space<semaphore_mem>> -> memref<!tpu.dma_semaphore, #tpu.memory_space<semaphore_mem>>
        tpu.wait_indirect_dma semaphore(%dma_wait3A_194 : memref<!tpu.dma_semaphore, #tpu.memory_space<semaphore_mem>>) src(%dma_wait3A_192 : memref<544000x32xf32, #tpu.memory_space<hbm>>) dst(%dma_wait3A_186 : memref<128x32xf32, #tpu.memory_space<vmem>>)
        %dma_wait3A_195 = arith.constant 0 : i32
        %dma_wait3A_196 = arith.constant 0 : i32
        %dma_wait3A_197 = arith.constant 0 : i32
        %dma_wait3A_198 = tpu.memref_slice %arg11[%rem3A_155, %dma_wait3A_196, %dma_wait3A_197] : memref<2x512x32xf32, #tpu.memory_space<vmem>> -> memref<1x128x32xf32, #tpu.memory_space<vmem>>
        %dma_wait3A_199 = tpu.memref_squeeze %dma_wait3A_198 : memref<1x128x32xf32, #tpu.memory_space<vmem>> -> memref<128x32xf32, #tpu.memory_space<vmem>>
        %dma_wait3A_200 = arith.constant 0 : i32
        %dma_wait3A_201 = tpu.memref_slice %arg9[%rem3A_155, %dma_wait3A_195, %dma_wait3A_200] : memref<2x4x128xi32, #tpu.memory_space<vmem>> -> memref<1x1x128xi32, #tpu.memory_space<vmem>>
        %dma_wait3A_202 = tpu.memref_squeeze %dma_wait3A_201 : memref<1x1x128xi32, #tpu.memory_space<vmem>> -> memref<128xi32, #tpu.memory_space<vmem>>
        %dma_wait3A_203 = arith.constant 0 : i32
        %dma_wait3A_204 = arith.constant 0 : i32
        %dma_wait3A_205 = tpu.memref_slice %arg4[%dma_wait3A_203, %dma_wait3A_204] : memref<544000x32xf32, #tpu.memory_space<hbm>> -> memref<544000x32xf32, #tpu.memory_space<hbm>>
        %dma_wait3A_206 = tpu.memref_slice %arg13[%rem3A_155] : memref<2x!tpu.dma_semaphore, #tpu.memory_space<semaphore_mem>> -> memref<1x!tpu.dma_semaphore, #tpu.memory_space<semaphore_mem>>
        %dma_wait3A_207 = tpu.memref_squeeze %dma_wait3A_206 : memref<1x!tpu.dma_semaphore, #tpu.memory_space<semaphore_mem>> -> memref<!tpu.dma_semaphore, #tpu.memory_space<semaphore_mem>>
        tpu.wait_indirect_dma semaphore(%dma_wait3A_207 : memref<!tpu.dma_semaphore, #tpu.memory_space<semaphore_mem>>) src(%dma_wait3A_205 : memref<544000x32xf32, #tpu.memory_space<hbm>>) dst(%dma_wait3A_199 : memref<128x32xf32, #tpu.memory_space<vmem>>)
        %mul3A_208 = arith.constant 1200 : i32
        %mul3A_209 = arith.muli %add3A, %mul3A_208 : i32
        %mul3A_210 = arith.constant 8 : i32
        %mul3A_211 = arith.muli %sub3A_153, %mul3A_210 : i32
        %add3A_212 = arith.addi %mul3A_209, %mul3A_211 : i32
        %ge3A = arith.constant 2 : i32
        %ge3A_213 = arith.cmpi sge, %sub3A_153, %ge3A : i32
        %convert_element_type3A_214 = arith.extui %ge3A_213 : i1 to i32
        %cond3A_215 = arith.constant 0 : i32
        %cond3A_216 = arith.cmpi ne, %convert_element_type3A_214, %cond3A_215 : i32
        scf.if %cond3A_216 {
          %dma_wait3A_237 = arith.constant 0 : i32
          %dma_wait3A_238 = arith.constant 0 : i32
          %dma_wait3A_239 = tpu.memref_slice %arg12[%rem3A_155, %dma_wait3A_237, %dma_wait3A_238] : memref<2x8x32xf32, #tpu.memory_space<vmem>> -> memref<1x8x32xf32, #tpu.memory_space<vmem>>
          %dma_wait3A_240 = tpu.memref_squeeze %dma_wait3A_239 : memref<1x8x32xf32, #tpu.memory_space<vmem>> -> memref<8x32xf32, #tpu.memory_space<vmem>>
          %dma_wait3A_241 = arith.constant 0 : i32
          %dma_wait3A_242 = tpu.memref_slice %arg6[%add3A_212, %dma_wait3A_241] : memref<38400x32xf32, #tpu.memory_space<hbm>> -> memref<8x32xf32, #tpu.memory_space<hbm>>
          %dma_wait3A_243 = tpu.memref_slice %arg15[%rem3A_155] : memref<2x!tpu.dma_semaphore, #tpu.memory_space<semaphore_mem>> -> memref<1x!tpu.dma_semaphore, #tpu.memory_space<semaphore_mem>>
          %dma_wait3A_244 = tpu.memref_squeeze %dma_wait3A_243 : memref<1x!tpu.dma_semaphore, #tpu.memory_space<semaphore_mem>> -> memref<!tpu.dma_semaphore, #tpu.memory_space<semaphore_mem>>
          %dma_wait3A_245 = arith.constant 0 : i32
          %dma_wait3A_246 = tpu.memref_slice %arg6[%add3A_212, %dma_wait3A_245] : memref<38400x32xf32, #tpu.memory_space<hbm>> -> memref<8x32xf32, #tpu.memory_space<hbm>>
          %dma_wait3A_247 = arith.constant 0 : i32
          %dma_wait3A_248 = arith.constant 0 : i32
          %dma_wait3A_249 = tpu.memref_slice %arg12[%rem3A_155, %dma_wait3A_247, %dma_wait3A_248] : memref<2x8x32xf32, #tpu.memory_space<vmem>> -> memref<1x8x32xf32, #tpu.memory_space<vmem>>
          %dma_wait3A_250 = tpu.memref_squeeze %dma_wait3A_249 : memref<1x8x32xf32, #tpu.memory_space<vmem>> -> memref<8x32xf32, #tpu.memory_space<vmem>>
          tpu.wait_dma2 semaphore(%dma_wait3A_244 : memref<!tpu.dma_semaphore, #tpu.memory_space<semaphore_mem>>) src(%dma_wait3A_250 : memref<8x32xf32, #tpu.memory_space<vmem>>) dst(%dma_wait3A_246 : memref<8x32xf32, #tpu.memory_space<hbm>>)
        } else {
        }
        %scan3A_217 = arith.constant 0 : i32
        %scan3A_218 = arith.constant 0 : i32
        %scan3A_219 = arith.constant 8 : i32
        %scan3A_220 = arith.addi %scan3A_218, %scan3A_219 : i32
        %scan3A_221 = arith.constant 1 : i32
        scf.for %scan3A_237 = %scan3A_218 to %scan3A_220 step %scan3A_221  : i32 {
          %broadcast_in_dim3A_238 = arith.constant 0.000000e+00 : f32
          %broadcast_in_dim3A_239 = vector.broadcast %broadcast_in_dim3A_238 : f32 to vector<16xf32>
          %broadcast_in_dim3A_240 = arith.constant 0.000000e+00 : f32
          %broadcast_in_dim3A_241 = vector.broadcast %broadcast_in_dim3A_240 : f32 to vector<16xf32>
          %mul3A_242 = arith.constant 64 : i32
          %mul3A_243 = arith.muli %scan3A_237, %mul3A_242 : i32
          %add3A_244 = arith.constant 0 : i32
          %add3A_245 = arith.addi %mul3A_243, %add3A_244 : i32
          %broadcast_in_dim3A_246 = vector.broadcast %rem3A_155 : i32 to vector<16xi32>
          %broadcast_in_dim3A_247 = vector.broadcast %add3A_245 : i32 to vector<16xi32>
          %gather3A = tpu.vector_load_idx %arg10[%broadcast_in_dim3A_246, %broadcast_in_dim3A_247] : memref<2x512xf32, #tpu.memory_space<vmem>>[vector<16xi32>, vector<16xi32>], vector<16xf32>,
          %get3A = arith.index_cast %rem3A_155 : i32 to index
          %get3A_248 = arith.index_cast %add3A_245 : i32 to index
          %get3A_249 = arith.constant 0 : index
          %get3A_250 = tpu.vector_load %arg11[%get3A, %get3A_248, %get3A_249] {strides = array<i32>} : memref<2x512x32xf32, #tpu.memory_space<vmem>>, vector<16xf32>,
          %mul3A_251 = arith.mulf %gather3A, %get3A_250 : vector<16xf32>
          %add3A_252 = arith.addf %broadcast_in_dim3A_239, %mul3A_251 : vector<16xf32>
          %get3A_253 = arith.index_cast %rem3A_155 : i32 to index
          %get3A_254 = arith.index_cast %add3A_245 : i32 to index
          %get3A_255 = arith.constant 16 : index
          %get3A_256 = tpu.vector_load %arg11[%get3A_253, %get3A_254, %get3A_255] {strides = array<i32>} : memref<2x512x32xf32, #tpu.memory_space<vmem>>, vector<16xf32>,
          %mul3A_257 = arith.mulf %gather3A, %get3A_256 : vector<16xf32>
          %add3A_258 = arith.addf %broadcast_in_dim3A_241, %mul3A_257 : vector<16xf32>
          %mul3A_259 = arith.constant 64 : i32
          %mul3A_260 = arith.muli %scan3A_237, %mul3A_259 : i32
          %add3A_261 = arith.constant 1 : i32
          %add3A_262 = arith.addi %mul3A_260, %add3A_261 : i32
          %broadcast_in_dim3A_263 = vector.broadcast %rem3A_155 : i32 to vector<16xi32>
          %broadcast_in_dim3A_264 = vector.broadcast %add3A_262 : i32 to vector<16xi32>
          %gather3A_265 = tpu.vector_load_idx %arg10[%broadcast_in_dim3A_263, %broadcast_in_dim3A_264] : memref<2x512xf32, #tpu.memory_space<vmem>>[vector<16xi32>, vector<16xi32>], vector<16xf32>,
          %get3A_266 = arith.index_cast %rem3A_155 : i32 to index
          %get3A_267 = arith.index_cast %add3A_262 : i32 to index
          %get3A_268 = arith.constant 0 : index
          %get3A_269 = tpu.vector_load %arg11[%get3A_266, %get3A_267, %get3A_268] {strides = array<i32>} : memref<2x512x32xf32, #tpu.memory_space<vmem>>, vector<16xf32>,
          %mul3A_270 = arith.mulf %gather3A_265, %get3A_269 : vector<16xf32>
          %add3A_271 = arith.addf %add3A_252, %mul3A_270 : vector<16xf32>
          %get3A_272 = arith.index_cast %rem3A_155 : i32 to index
          %get3A_273 = arith.index_cast %add3A_262 : i32 to index
          %get3A_274 = arith.constant 16 : index
          %get3A_275 = tpu.vector_load %arg11[%get3A_272, %get3A_273, %get3A_274] {strides = array<i32>} : memref<2x512x32xf32, #tpu.memory_space<vmem>>, vector<16xf32>,
          %mul3A_276 = arith.mulf %gather3A_265, %get3A_275 : vector<16xf32>
          %add3A_277 = arith.addf %add3A_258, %mul3A_276 : vector<16xf32>
          %mul3A_278 = arith.constant 64 : i32
          %mul3A_279 = arith.muli %scan3A_237, %mul3A_278 : i32
          %add3A_280 = arith.constant 2 : i32
          %add3A_281 = arith.addi %mul3A_279, %add3A_280 : i32
          %broadcast_in_dim3A_282 = vector.broadcast %rem3A_155 : i32 to vector<16xi32>
          %broadcast_in_dim3A_283 = vector.broadcast %add3A_281 : i32 to vector<16xi32>
          %gather3A_284 = tpu.vector_load_idx %arg10[%broadcast_in_dim3A_282, %broadcast_in_dim3A_283] : memref<2x512xf32, #tpu.memory_space<vmem>>[vector<16xi32>, vector<16xi32>], vector<16xf32>,
          %get3A_285 = arith.index_cast %rem3A_155 : i32 to index
          %get3A_286 = arith.index_cast %add3A_281 : i32 to index
          %get3A_287 = arith.constant 0 : index
          %get3A_288 = tpu.vector_load %arg11[%get3A_285, %get3A_286, %get3A_287] {strides = array<i32>} : memref<2x512x32xf32, #tpu.memory_space<vmem>>, vector<16xf32>,
          %mul3A_289 = arith.mulf %gather3A_284, %get3A_288 : vector<16xf32>
          %add3A_290 = arith.addf %add3A_271, %mul3A_289 : vector<16xf32>
          %get3A_291 = arith.index_cast %rem3A_155 : i32 to index
          %get3A_292 = arith.index_cast %add3A_281 : i32 to index
          %get3A_293 = arith.constant 16 : index
          %get3A_294 = tpu.vector_load %arg11[%get3A_291, %get3A_292, %get3A_293] {strides = array<i32>} : memref<2x512x32xf32, #tpu.memory_space<vmem>>, vector<16xf32>,
          %mul3A_295 = arith.mulf %gather3A_284, %get3A_294 : vector<16xf32>
          %add3A_296 = arith.addf %add3A_277, %mul3A_295 : vector<16xf32>
          %mul3A_297 = arith.constant 64 : i32
          %mul3A_298 = arith.muli %scan3A_237, %mul3A_297 : i32
          %add3A_299 = arith.constant 3 : i32
          %add3A_300 = arith.addi %mul3A_298, %add3A_299 : i32
          %broadcast_in_dim3A_301 = vector.broadcast %rem3A_155 : i32 to vector<16xi32>
          %broadcast_in_dim3A_302 = vector.broadcast %add3A_300 : i32 to vector<16xi32>
          %gather3A_303 = tpu.vector_load_idx %arg10[%broadcast_in_dim3A_301, %broadcast_in_dim3A_302] : memref<2x512xf32, #tpu.memory_space<vmem>>[vector<16xi32>, vector<16xi32>], vector<16xf32>,
          %get3A_304 = arith.index_cast %rem3A_155 : i32 to index
          %get3A_305 = arith.index_cast %add3A_300 : i32 to index
          %get3A_306 = arith.constant 0 : index
          %get3A_307 = tpu.vector_load %arg11[%get3A_304, %get3A_305, %get3A_306] {strides = array<i32>} : memref<2x512x32xf32, #tpu.memory_space<vmem>>, vector<16xf32>,
          %mul3A_308 = arith.mulf %gather3A_303, %get3A_307 : vector<16xf32>
          %add3A_309 = arith.addf %add3A_290, %mul3A_308 : vector<16xf32>
          %get3A_310 = arith.index_cast %rem3A_155 : i32 to index
          %get3A_311 = arith.index_cast %add3A_300 : i32 to index
          %get3A_312 = arith.constant 16 : index
          %get3A_313 = tpu.vector_load %arg11[%get3A_310, %get3A_311, %get3A_312] {strides = array<i32>} : memref<2x512x32xf32, #tpu.memory_space<vmem>>, vector<16xf32>,
          %mul3A_314 = arith.mulf %gather3A_303, %get3A_313 : vector<16xf32>
          %add3A_315 = arith.addf %add3A_296, %mul3A_314 : vector<16xf32>
          %mul3A_316 = arith.constant 64 : i32
          %mul3A_317 = arith.muli %scan3A_237, %mul3A_316 : i32
          %add3A_318 = arith.constant 4 : i32
          %add3A_319 = arith.addi %mul3A_317, %add3A_318 : i32
          %broadcast_in_dim3A_320 = vector.broadcast %rem3A_155 : i32 to vector<16xi32>
          %broadcast_in_dim3A_321 = vector.broadcast %add3A_319 : i32 to vector<16xi32>
          %gather3A_322 = tpu.vector_load_idx %arg10[%broadcast_in_dim3A_320, %broadcast_in_dim3A_321] : memref<2x512xf32, #tpu.memory_space<vmem>>[vector<16xi32>, vector<16xi32>], vector<16xf32>,
          %get3A_323 = arith.index_cast %rem3A_155 : i32 to index
          %get3A_324 = arith.index_cast %add3A_319 : i32 to index
          %get3A_325 = arith.constant 0 : index
          %get3A_326 = tpu.vector_load %arg11[%get3A_323, %get3A_324, %get3A_325] {strides = array<i32>} : memref<2x512x32xf32, #tpu.memory_space<vmem>>, vector<16xf32>,
          %mul3A_327 = arith.mulf %gather3A_322, %get3A_326 : vector<16xf32>
          %add3A_328 = arith.addf %add3A_309, %mul3A_327 : vector<16xf32>
          %get3A_329 = arith.index_cast %rem3A_155 : i32 to index
          %get3A_330 = arith.index_cast %add3A_319 : i32 to index
          %get3A_331 = arith.constant 16 : index
          %get3A_332 = tpu.vector_load %arg11[%get3A_329, %get3A_330, %get3A_331] {strides = array<i32>} : memref<2x512x32xf32, #tpu.memory_space<vmem>>, vector<16xf32>,
          %mul3A_333 = arith.mulf %gather3A_322, %get3A_332 : vector<16xf32>
          %add3A_334 = arith.addf %add3A_315, %mul3A_333 : vector<16xf32>
          %mul3A_335 = arith.constant 64 : i32
          %mul3A_336 = arith.muli %scan3A_237, %mul3A_335 : i32
          %add3A_337 = arith.constant 5 : i32
          %add3A_338 = arith.addi %mul3A_336, %add3A_337 : i32
          %broadcast_in_dim3A_339 = vector.broadcast %rem3A_155 : i32 to vector<16xi32>
          %broadcast_in_dim3A_340 = vector.broadcast %add3A_338 : i32 to vector<16xi32>
          %gather3A_341 = tpu.vector_load_idx %arg10[%broadcast_in_dim3A_339, %broadcast_in_dim3A_340] : memref<2x512xf32, #tpu.memory_space<vmem>>[vector<16xi32>, vector<16xi32>], vector<16xf32>,
          %get3A_342 = arith.index_cast %rem3A_155 : i32 to index
          %get3A_343 = arith.index_cast %add3A_338 : i32 to index
          %get3A_344 = arith.constant 0 : index
          %get3A_345 = tpu.vector_load %arg11[%get3A_342, %get3A_343, %get3A_344] {strides = array<i32>} : memref<2x512x32xf32, #tpu.memory_space<vmem>>, vector<16xf32>,
          %mul3A_346 = arith.mulf %gather3A_341, %get3A_345 : vector<16xf32>
          %add3A_347 = arith.addf %add3A_328, %mul3A_346 : vector<16xf32>
          %get3A_348 = arith.index_cast %rem3A_155 : i32 to index
          %get3A_349 = arith.index_cast %add3A_338 : i32 to index
          %get3A_350 = arith.constant 16 : index
          %get3A_351 = tpu.vector_load %arg11[%get3A_348, %get3A_349, %get3A_350] {strides = array<i32>} : memref<2x512x32xf32, #tpu.memory_space<vmem>>, vector<16xf32>,
          %mul3A_352 = arith.mulf %gather3A_341, %get3A_351 : vector<16xf32>
          %add3A_353 = arith.addf %add3A_334, %mul3A_352 : vector<16xf32>
          %mul3A_354 = arith.constant 64 : i32
          %mul3A_355 = arith.muli %scan3A_237, %mul3A_354 : i32
          %add3A_356 = arith.constant 6 : i32
          %add3A_357 = arith.addi %mul3A_355, %add3A_356 : i32
          %broadcast_in_dim3A_358 = vector.broadcast %rem3A_155 : i32 to vector<16xi32>
          %broadcast_in_dim3A_359 = vector.broadcast %add3A_357 : i32 to vector<16xi32>
          %gather3A_360 = tpu.vector_load_idx %arg10[%broadcast_in_dim3A_358, %broadcast_in_dim3A_359] : memref<2x512xf32, #tpu.memory_space<vmem>>[vector<16xi32>, vector<16xi32>], vector<16xf32>,
          %get3A_361 = arith.index_cast %rem3A_155 : i32 to index
          %get3A_362 = arith.index_cast %add3A_357 : i32 to index
          %get3A_363 = arith.constant 0 : index
          %get3A_364 = tpu.vector_load %arg11[%get3A_361, %get3A_362, %get3A_363] {strides = array<i32>} : memref<2x512x32xf32, #tpu.memory_space<vmem>>, vector<16xf32>,
          %mul3A_365 = arith.mulf %gather3A_360, %get3A_364 : vector<16xf32>
          %add3A_366 = arith.addf %add3A_347, %mul3A_365 : vector<16xf32>
          %get3A_367 = arith.index_cast %rem3A_155 : i32 to index
          %get3A_368 = arith.index_cast %add3A_357 : i32 to index
          %get3A_369 = arith.constant 16 : index
          %get3A_370 = tpu.vector_load %arg11[%get3A_367, %get3A_368, %get3A_369] {strides = array<i32>} : memref<2x512x32xf32, #tpu.memory_space<vmem>>, vector<16xf32>,
          %mul3A_371 = arith.mulf %gather3A_360, %get3A_370 : vector<16xf32>
          %add3A_372 = arith.addf %add3A_353, %mul3A_371 : vector<16xf32>
          %mul3A_373 = arith.constant 64 : i32
          %mul3A_374 = arith.muli %scan3A_237, %mul3A_373 : i32
          %add3A_375 = arith.constant 7 : i32
          %add3A_376 = arith.addi %mul3A_374, %add3A_375 : i32
          %broadcast_in_dim3A_377 = vector.broadcast %rem3A_155 : i32 to vector<16xi32>
          %broadcast_in_dim3A_378 = vector.broadcast %add3A_376 : i32 to vector<16xi32>
          %gather3A_379 = tpu.vector_load_idx %arg10[%broadcast_in_dim3A_377, %broadcast_in_dim3A_378] : memref<2x512xf32, #tpu.memory_space<vmem>>[vector<16xi32>, vector<16xi32>], vector<16xf32>,
          %get3A_380 = arith.index_cast %rem3A_155 : i32 to index
          %get3A_381 = arith.index_cast %add3A_376 : i32 to index
          %get3A_382 = arith.constant 0 : index
          %get3A_383 = tpu.vector_load %arg11[%get3A_380, %get3A_381, %get3A_382] {strides = array<i32>} : memref<2x512x32xf32, #tpu.memory_space<vmem>>, vector<16xf32>,
          %mul3A_384 = arith.mulf %gather3A_379, %get3A_383 : vector<16xf32>
          %add3A_385 = arith.addf %add3A_366, %mul3A_384 : vector<16xf32>
          %get3A_386 = arith.index_cast %rem3A_155 : i32 to index
          %get3A_387 = arith.index_cast %add3A_376 : i32 to index
          %get3A_388 = arith.constant 16 : index
          %get3A_389 = tpu.vector_load %arg11[%get3A_386, %get3A_387, %get3A_388] {strides = array<i32>} : memref<2x512x32xf32, #tpu.memory_space<vmem>>, vector<16xf32>,
          %mul3A_390 = arith.mulf %gather3A_379, %get3A_389 : vector<16xf32>
          %add3A_391 = arith.addf %add3A_372, %mul3A_390 : vector<16xf32>
          %mul3A_392 = arith.constant 64 : i32
          %mul3A_393 = arith.muli %scan3A_237, %mul3A_392 : i32
          %add3A_394 = arith.constant 8 : i32
          %add3A_395 = arith.addi %mul3A_393, %add3A_394 : i32
          %broadcast_in_dim3A_396 = vector.broadcast %rem3A_155 : i32 to vector<16xi32>
          %broadcast_in_dim3A_397 = vector.broadcast %add3A_395 : i32 to vector<16xi32>
          %gather3A_398 = tpu.vector_load_idx %arg10[%broadcast_in_dim3A_396, %broadcast_in_dim3A_397] : memref<2x512xf32, #tpu.memory_space<vmem>>[vector<16xi32>, vector<16xi32>], vector<16xf32>,
          %get3A_399 = arith.index_cast %rem3A_155 : i32 to index
          %get3A_400 = arith.index_cast %add3A_395 : i32 to index
          %get3A_401 = arith.constant 0 : index
          %get3A_402 = tpu.vector_load %arg11[%get3A_399, %get3A_400, %get3A_401] {strides = array<i32>} : memref<2x512x32xf32, #tpu.memory_space<vmem>>, vector<16xf32>,
          %mul3A_403 = arith.mulf %gather3A_398, %get3A_402 : vector<16xf32>
          %add3A_404 = arith.addf %add3A_385, %mul3A_403 : vector<16xf32>
          %get3A_405 = arith.index_cast %rem3A_155 : i32 to index
          %get3A_406 = arith.index_cast %add3A_395 : i32 to index
          %get3A_407 = arith.constant 16 : index
          %get3A_408 = tpu.vector_load %arg11[%get3A_405, %get3A_406, %get3A_407] {strides = array<i32>} : memref<2x512x32xf32, #tpu.memory_space<vmem>>, vector<16xf32>,
          %mul3A_409 = arith.mulf %gather3A_398, %get3A_408 : vector<16xf32>
          %add3A_410 = arith.addf %add3A_391, %mul3A_409 : vector<16xf32>
          %mul3A_411 = arith.constant 64 : i32
          %mul3A_412 = arith.muli %scan3A_237, %mul3A_411 : i32
          %add3A_413 = arith.constant 9 : i32
          %add3A_414 = arith.addi %mul3A_412, %add3A_413 : i32
          %broadcast_in_dim3A_415 = vector.broadcast %rem3A_155 : i32 to vector<16xi32>
          %broadcast_in_dim3A_416 = vector.broadcast %add3A_414 : i32 to vector<16xi32>
          %gather3A_417 = tpu.vector_load_idx %arg10[%broadcast_in_dim3A_415, %broadcast_in_dim3A_416] : memref<2x512xf32, #tpu.memory_space<vmem>>[vector<16xi32>, vector<16xi32>], vector<16xf32>,
          %get3A_418 = arith.index_cast %rem3A_155 : i32 to index
          %get3A_419 = arith.index_cast %add3A_414 : i32 to index
          %get3A_420 = arith.constant 0 : index
          %get3A_421 = tpu.vector_load %arg11[%get3A_418, %get3A_419, %get3A_420] {strides = array<i32>} : memref<2x512x32xf32, #tpu.memory_space<vmem>>, vector<16xf32>,
          %mul3A_422 = arith.mulf %gather3A_417, %get3A_421 : vector<16xf32>
          %add3A_423 = arith.addf %add3A_404, %mul3A_422 : vector<16xf32>
          %get3A_424 = arith.index_cast %rem3A_155 : i32 to index
          %get3A_425 = arith.index_cast %add3A_414 : i32 to index
          %get3A_426 = arith.constant 16 : index
          %get3A_427 = tpu.vector_load %arg11[%get3A_424, %get3A_425, %get3A_426] {strides = array<i32>} : memref<2x512x32xf32, #tpu.memory_space<vmem>>, vector<16xf32>,
          %mul3A_428 = arith.mulf %gather3A_417, %get3A_427 : vector<16xf32>
          %add3A_429 = arith.addf %add3A_410, %mul3A_428 : vector<16xf32>
          %mul3A_430 = arith.constant 64 : i32
          %mul3A_431 = arith.muli %scan3A_237, %mul3A_430 : i32
          %add3A_432 = arith.constant 10 : i32
          %add3A_433 = arith.addi %mul3A_431, %add3A_432 : i32
          %broadcast_in_dim3A_434 = vector.broadcast %rem3A_155 : i32 to vector<16xi32>
          %broadcast_in_dim3A_435 = vector.broadcast %add3A_433 : i32 to vector<16xi32>
          %gather3A_436 = tpu.vector_load_idx %arg10[%broadcast_in_dim3A_434, %broadcast_in_dim3A_435] : memref<2x512xf32, #tpu.memory_space<vmem>>[vector<16xi32>, vector<16xi32>], vector<16xf32>,
          %get3A_437 = arith.index_cast %rem3A_155 : i32 to index
          %get3A_438 = arith.index_cast %add3A_433 : i32 to index
          %get3A_439 = arith.constant 0 : index
          %get3A_440 = tpu.vector_load %arg11[%get3A_437, %get3A_438, %get3A_439] {strides = array<i32>} : memref<2x512x32xf32, #tpu.memory_space<vmem>>, vector<16xf32>,
          %mul3A_441 = arith.mulf %gather3A_436, %get3A_440 : vector<16xf32>
          %add3A_442 = arith.addf %add3A_423, %mul3A_441 : vector<16xf32>
          %get3A_443 = arith.index_cast %rem3A_155 : i32 to index
          %get3A_444 = arith.index_cast %add3A_433 : i32 to index
          %get3A_445 = arith.constant 16 : index
          %get3A_446 = tpu.vector_load %arg11[%get3A_443, %get3A_444, %get3A_445] {strides = array<i32>} : memref<2x512x32xf32, #tpu.memory_space<vmem>>, vector<16xf32>,
          %mul3A_447 = arith.mulf %gather3A_436, %get3A_446 : vector<16xf32>
          %add3A_448 = arith.addf %add3A_429, %mul3A_447 : vector<16xf32>
          %mul3A_449 = arith.constant 64 : i32
          %mul3A_450 = arith.muli %scan3A_237, %mul3A_449 : i32
          %add3A_451 = arith.constant 11 : i32
          %add3A_452 = arith.addi %mul3A_450, %add3A_451 : i32
          %broadcast_in_dim3A_453 = vector.broadcast %rem3A_155 : i32 to vector<16xi32>
          %broadcast_in_dim3A_454 = vector.broadcast %add3A_452 : i32 to vector<16xi32>
          %gather3A_455 = tpu.vector_load_idx %arg10[%broadcast_in_dim3A_453, %broadcast_in_dim3A_454] : memref<2x512xf32, #tpu.memory_space<vmem>>[vector<16xi32>, vector<16xi32>], vector<16xf32>,
          %get3A_456 = arith.index_cast %rem3A_155 : i32 to index
          %get3A_457 = arith.index_cast %add3A_452 : i32 to index
          %get3A_458 = arith.constant 0 : index
          %get3A_459 = tpu.vector_load %arg11[%get3A_456, %get3A_457, %get3A_458] {strides = array<i32>} : memref<2x512x32xf32, #tpu.memory_space<vmem>>, vector<16xf32>,
          %mul3A_460 = arith.mulf %gather3A_455, %get3A_459 : vector<16xf32>
          %add3A_461 = arith.addf %add3A_442, %mul3A_460 : vector<16xf32>
          %get3A_462 = arith.index_cast %rem3A_155 : i32 to index
          %get3A_463 = arith.index_cast %add3A_452 : i32 to index
          %get3A_464 = arith.constant 16 : index
          %get3A_465 = tpu.vector_load %arg11[%get3A_462, %get3A_463, %get3A_464] {strides = array<i32>} : memref<2x512x32xf32, #tpu.memory_space<vmem>>, vector<16xf32>,
          %mul3A_466 = arith.mulf %gather3A_455, %get3A_465 : vector<16xf32>
          %add3A_467 = arith.addf %add3A_448, %mul3A_466 : vector<16xf32>
          %mul3A_468 = arith.constant 64 : i32
          %mul3A_469 = arith.muli %scan3A_237, %mul3A_468 : i32
          %add3A_470 = arith.constant 12 : i32
          %add3A_471 = arith.addi %mul3A_469, %add3A_470 : i32
          %broadcast_in_dim3A_472 = vector.broadcast %rem3A_155 : i32 to vector<16xi32>
          %broadcast_in_dim3A_473 = vector.broadcast %add3A_471 : i32 to vector<16xi32>
          %gather3A_474 = tpu.vector_load_idx %arg10[%broadcast_in_dim3A_472, %broadcast_in_dim3A_473] : memref<2x512xf32, #tpu.memory_space<vmem>>[vector<16xi32>, vector<16xi32>], vector<16xf32>,
          %get3A_475 = arith.index_cast %rem3A_155 : i32 to index
          %get3A_476 = arith.index_cast %add3A_471 : i32 to index
          %get3A_477 = arith.constant 0 : index
          %get3A_478 = tpu.vector_load %arg11[%get3A_475, %get3A_476, %get3A_477] {strides = array<i32>} : memref<2x512x32xf32, #tpu.memory_space<vmem>>, vector<16xf32>,
          %mul3A_479 = arith.mulf %gather3A_474, %get3A_478 : vector<16xf32>
          %add3A_480 = arith.addf %add3A_461, %mul3A_479 : vector<16xf32>
          %get3A_481 = arith.index_cast %rem3A_155 : i32 to index
          %get3A_482 = arith.index_cast %add3A_471 : i32 to index
          %get3A_483 = arith.constant 16 : index
          %get3A_484 = tpu.vector_load %arg11[%get3A_481, %get3A_482, %get3A_483] {strides = array<i32>} : memref<2x512x32xf32, #tpu.memory_space<vmem>>, vector<16xf32>,
          %mul3A_485 = arith.mulf %gather3A_474, %get3A_484 : vector<16xf32>
          %add3A_486 = arith.addf %add3A_467, %mul3A_485 : vector<16xf32>
          %mul3A_487 = arith.constant 64 : i32
          %mul3A_488 = arith.muli %scan3A_237, %mul3A_487 : i32
          %add3A_489 = arith.constant 13 : i32
          %add3A_490 = arith.addi %mul3A_488, %add3A_489 : i32
          %broadcast_in_dim3A_491 = vector.broadcast %rem3A_155 : i32 to vector<16xi32>
          %broadcast_in_dim3A_492 = vector.broadcast %add3A_490 : i32 to vector<16xi32>
          %gather3A_493 = tpu.vector_load_idx %arg10[%broadcast_in_dim3A_491, %broadcast_in_dim3A_492] : memref<2x512xf32, #tpu.memory_space<vmem>>[vector<16xi32>, vector<16xi32>], vector<16xf32>,
          %get3A_494 = arith.index_cast %rem3A_155 : i32 to index
          %get3A_495 = arith.index_cast %add3A_490 : i32 to index
          %get3A_496 = arith.constant 0 : index
          %get3A_497 = tpu.vector_load %arg11[%get3A_494, %get3A_495, %get3A_496] {strides = array<i32>} : memref<2x512x32xf32, #tpu.memory_space<vmem>>, vector<16xf32>,
          %mul3A_498 = arith.mulf %gather3A_493, %get3A_497 : vector<16xf32>
          %add3A_499 = arith.addf %add3A_480, %mul3A_498 : vector<16xf32>
          %get3A_500 = arith.index_cast %rem3A_155 : i32 to index
          %get3A_501 = arith.index_cast %add3A_490 : i32 to index
          %get3A_502 = arith.constant 16 : index
          %get3A_503 = tpu.vector_load %arg11[%get3A_500, %get3A_501, %get3A_502] {strides = array<i32>} : memref<2x512x32xf32, #tpu.memory_space<vmem>>, vector<16xf32>,
          %mul3A_504 = arith.mulf %gather3A_493, %get3A_503 : vector<16xf32>
          %add3A_505 = arith.addf %add3A_486, %mul3A_504 : vector<16xf32>
          %mul3A_506 = arith.constant 64 : i32
          %mul3A_507 = arith.muli %scan3A_237, %mul3A_506 : i32
          %add3A_508 = arith.constant 14 : i32
          %add3A_509 = arith.addi %mul3A_507, %add3A_508 : i32
          %broadcast_in_dim3A_510 = vector.broadcast %rem3A_155 : i32 to vector<16xi32>
          %broadcast_in_dim3A_511 = vector.broadcast %add3A_509 : i32 to vector<16xi32>
          %gather3A_512 = tpu.vector_load_idx %arg10[%broadcast_in_dim3A_510, %broadcast_in_dim3A_511] : memref<2x512xf32, #tpu.memory_space<vmem>>[vector<16xi32>, vector<16xi32>], vector<16xf32>,
          %get3A_513 = arith.index_cast %rem3A_155 : i32 to index
          %get3A_514 = arith.index_cast %add3A_509 : i32 to index
          %get3A_515 = arith.constant 0 : index
          %get3A_516 = tpu.vector_load %arg11[%get3A_513, %get3A_514, %get3A_515] {strides = array<i32>} : memref<2x512x32xf32, #tpu.memory_space<vmem>>, vector<16xf32>,
          %mul3A_517 = arith.mulf %gather3A_512, %get3A_516 : vector<16xf32>
          %add3A_518 = arith.addf %add3A_499, %mul3A_517 : vector<16xf32>
          %get3A_519 = arith.index_cast %rem3A_155 : i32 to index
          %get3A_520 = arith.index_cast %add3A_509 : i32 to index
          %get3A_521 = arith.constant 16 : index
          %get3A_522 = tpu.vector_load %arg11[%get3A_519, %get3A_520, %get3A_521] {strides = array<i32>} : memref<2x512x32xf32, #tpu.memory_space<vmem>>, vector<16xf32>,
          %mul3A_523 = arith.mulf %gather3A_512, %get3A_522 : vector<16xf32>
          %add3A_524 = arith.addf %add3A_505, %mul3A_523 : vector<16xf32>
          %mul3A_525 = arith.constant 64 : i32
          %mul3A_526 = arith.muli %scan3A_237, %mul3A_525 : i32
          %add3A_527 = arith.constant 15 : i32
          %add3A_528 = arith.addi %mul3A_526, %add3A_527 : i32
          %broadcast_in_dim3A_529 = vector.broadcast %rem3A_155 : i32 to vector<16xi32>
          %broadcast_in_dim3A_530 = vector.broadcast %add3A_528 : i32 to vector<16xi32>
          %gather3A_531 = tpu.vector_load_idx %arg10[%broadcast_in_dim3A_529, %broadcast_in_dim3A_530] : memref<2x512xf32, #tpu.memory_space<vmem>>[vector<16xi32>, vector<16xi32>], vector<16xf32>,
          %get3A_532 = arith.index_cast %rem3A_155 : i32 to index
          %get3A_533 = arith.index_cast %add3A_528 : i32 to index
          %get3A_534 = arith.constant 0 : index
          %get3A_535 = tpu.vector_load %arg11[%get3A_532, %get3A_533, %get3A_534] {strides = array<i32>} : memref<2x512x32xf32, #tpu.memory_space<vmem>>, vector<16xf32>,
          %mul3A_536 = arith.mulf %gather3A_531, %get3A_535 : vector<16xf32>
          %add3A_537 = arith.addf %add3A_518, %mul3A_536 : vector<16xf32>
          %get3A_538 = arith.index_cast %rem3A_155 : i32 to index
          %get3A_539 = arith.index_cast %add3A_528 : i32 to index
          %get3A_540 = arith.constant 16 : index
          %get3A_541 = tpu.vector_load %arg11[%get3A_538, %get3A_539, %get3A_540] {strides = array<i32>} : memref<2x512x32xf32, #tpu.memory_space<vmem>>, vector<16xf32>,
          %mul3A_542 = arith.mulf %gather3A_531, %get3A_541 : vector<16xf32>
          %add3A_543 = arith.addf %add3A_524, %mul3A_542 : vector<16xf32>
          %mul3A_544 = arith.constant 64 : i32
          %mul3A_545 = arith.muli %scan3A_237, %mul3A_544 : i32
          %add3A_546 = arith.constant 16 : i32
          %add3A_547 = arith.addi %mul3A_545, %add3A_546 : i32
          %broadcast_in_dim3A_548 = vector.broadcast %rem3A_155 : i32 to vector<16xi32>
          %broadcast_in_dim3A_549 = vector.broadcast %add3A_547 : i32 to vector<16xi32>
          %gather3A_550 = tpu.vector_load_idx %arg10[%broadcast_in_dim3A_548, %broadcast_in_dim3A_549] : memref<2x512xf32, #tpu.memory_space<vmem>>[vector<16xi32>, vector<16xi32>], vector<16xf32>,
          %get3A_551 = arith.index_cast %rem3A_155 : i32 to index
          %get3A_552 = arith.index_cast %add3A_547 : i32 to index
          %get3A_553 = arith.constant 0 : index
          %get3A_554 = tpu.vector_load %arg11[%get3A_551, %get3A_552, %get3A_553] {strides = array<i32>} : memref<2x512x32xf32, #tpu.memory_space<vmem>>, vector<16xf32>,
          %mul3A_555 = arith.mulf %gather3A_550, %get3A_554 : vector<16xf32>
          %add3A_556 = arith.addf %add3A_537, %mul3A_555 : vector<16xf32>
          %get3A_557 = arith.index_cast %rem3A_155 : i32 to index
          %get3A_558 = arith.index_cast %add3A_547 : i32 to index
          %get3A_559 = arith.constant 16 : index
          %get3A_560 = tpu.vector_load %arg11[%get3A_557, %get3A_558, %get3A_559] {strides = array<i32>} : memref<2x512x32xf32, #tpu.memory_space<vmem>>, vector<16xf32>,
          %mul3A_561 = arith.mulf %gather3A_550, %get3A_560 : vector<16xf32>
          %add3A_562 = arith.addf %add3A_543, %mul3A_561 : vector<16xf32>
          %mul3A_563 = arith.constant 64 : i32
          %mul3A_564 = arith.muli %scan3A_237, %mul3A_563 : i32
          %add3A_565 = arith.constant 17 : i32
          %add3A_566 = arith.addi %mul3A_564, %add3A_565 : i32
          %broadcast_in_dim3A_567 = vector.broadcast %rem3A_155 : i32 to vector<16xi32>
          %broadcast_in_dim3A_568 = vector.broadcast %add3A_566 : i32 to vector<16xi32>
          %gather3A_569 = tpu.vector_load_idx %arg10[%broadcast_in_dim3A_567, %broadcast_in_dim3A_568] : memref<2x512xf32, #tpu.memory_space<vmem>>[vector<16xi32>, vector<16xi32>], vector<16xf32>,
          %get3A_570 = arith.index_cast %rem3A_155 : i32 to index
          %get3A_571 = arith.index_cast %add3A_566 : i32 to index
          %get3A_572 = arith.constant 0 : index
          %get3A_573 = tpu.vector_load %arg11[%get3A_570, %get3A_571, %get3A_572] {strides = array<i32>} : memref<2x512x32xf32, #tpu.memory_space<vmem>>, vector<16xf32>,
          %mul3A_574 = arith.mulf %gather3A_569, %get3A_573 : vector<16xf32>
          %add3A_575 = arith.addf %add3A_556, %mul3A_574 : vector<16xf32>
          %get3A_576 = arith.index_cast %rem3A_155 : i32 to index
          %get3A_577 = arith.index_cast %add3A_566 : i32 to index
          %get3A_578 = arith.constant 16 : index
          %get3A_579 = tpu.vector_load %arg11[%get3A_576, %get3A_577, %get3A_578] {strides = array<i32>} : memref<2x512x32xf32, #tpu.memory_space<vmem>>, vector<16xf32>,
          %mul3A_580 = arith.mulf %gather3A_569, %get3A_579 : vector<16xf32>
          %add3A_581 = arith.addf %add3A_562, %mul3A_580 : vector<16xf32>
          %mul3A_582 = arith.constant 64 : i32
          %mul3A_583 = arith.muli %scan3A_237, %mul3A_582 : i32
          %add3A_584 = arith.constant 18 : i32
          %add3A_585 = arith.addi %mul3A_583, %add3A_584 : i32
          %broadcast_in_dim3A_586 = vector.broadcast %rem3A_155 : i32 to vector<16xi32>
          %broadcast_in_dim3A_587 = vector.broadcast %add3A_585 : i32 to vector<16xi32>
          %gather3A_588 = tpu.vector_load_idx %arg10[%broadcast_in_dim3A_586, %broadcast_in_dim3A_587] : memref<2x512xf32, #tpu.memory_space<vmem>>[vector<16xi32>, vector<16xi32>], vector<16xf32>,
          %get3A_589 = arith.index_cast %rem3A_155 : i32 to index
          %get3A_590 = arith.index_cast %add3A_585 : i32 to index
          %get3A_591 = arith.constant 0 : index
          %get3A_592 = tpu.vector_load %arg11[%get3A_589, %get3A_590, %get3A_591] {strides = array<i32>} : memref<2x512x32xf32, #tpu.memory_space<vmem>>, vector<16xf32>,
          %mul3A_593 = arith.mulf %gather3A_588, %get3A_592 : vector<16xf32>
          %add3A_594 = arith.addf %add3A_575, %mul3A_593 : vector<16xf32>
          %get3A_595 = arith.index_cast %rem3A_155 : i32 to index
          %get3A_596 = arith.index_cast %add3A_585 : i32 to index
          %get3A_597 = arith.constant 16 : index
          %get3A_598 = tpu.vector_load %arg11[%get3A_595, %get3A_596, %get3A_597] {strides = array<i32>} : memref<2x512x32xf32, #tpu.memory_space<vmem>>, vector<16xf32>,
          %mul3A_599 = arith.mulf %gather3A_588, %get3A_598 : vector<16xf32>
          %add3A_600 = arith.addf %add3A_581, %mul3A_599 : vector<16xf32>
          %mul3A_601 = arith.constant 64 : i32
          %mul3A_602 = arith.muli %scan3A_237, %mul3A_601 : i32
          %add3A_603 = arith.constant 19 : i32
          %add3A_604 = arith.addi %mul3A_602, %add3A_603 : i32
          %broadcast_in_dim3A_605 = vector.broadcast %rem3A_155 : i32 to vector<16xi32>
          %broadcast_in_dim3A_606 = vector.broadcast %add3A_604 : i32 to vector<16xi32>
          %gather3A_607 = tpu.vector_load_idx %arg10[%broadcast_in_dim3A_605, %broadcast_in_dim3A_606] : memref<2x512xf32, #tpu.memory_space<vmem>>[vector<16xi32>, vector<16xi32>], vector<16xf32>,
          %get3A_608 = arith.index_cast %rem3A_155 : i32 to index
          %get3A_609 = arith.index_cast %add3A_604 : i32 to index
          %get3A_610 = arith.constant 0 : index
          %get3A_611 = tpu.vector_load %arg11[%get3A_608, %get3A_609, %get3A_610] {strides = array<i32>} : memref<2x512x32xf32, #tpu.memory_space<vmem>>, vector<16xf32>,
          %mul3A_612 = arith.mulf %gather3A_607, %get3A_611 : vector<16xf32>
          %add3A_613 = arith.addf %add3A_594, %mul3A_612 : vector<16xf32>
          %get3A_614 = arith.index_cast %rem3A_155 : i32 to index
          %get3A_615 = arith.index_cast %add3A_604 : i32 to index
          %get3A_616 = arith.constant 16 : index
          %get3A_617 = tpu.vector_load %arg11[%get3A_614, %get3A_615, %get3A_616] {strides = array<i32>} : memref<2x512x32xf32, #tpu.memory_space<vmem>>, vector<16xf32>,
          %mul3A_618 = arith.mulf %gather3A_607, %get3A_617 : vector<16xf32>
          %add3A_619 = arith.addf %add3A_600, %mul3A_618 : vector<16xf32>
          %mul3A_620 = arith.constant 64 : i32
          %mul3A_621 = arith.muli %scan3A_237, %mul3A_620 : i32
          %add3A_622 = arith.constant 20 : i32
          %add3A_623 = arith.addi %mul3A_621, %add3A_622 : i32
          %broadcast_in_dim3A_624 = vector.broadcast %rem3A_155 : i32 to vector<16xi32>
          %broadcast_in_dim3A_625 = vector.broadcast %add3A_623 : i32 to vector<16xi32>
          %gather3A_626 = tpu.vector_load_idx %arg10[%broadcast_in_dim3A_624, %broadcast_in_dim3A_625] : memref<2x512xf32, #tpu.memory_space<vmem>>[vector<16xi32>, vector<16xi32>], vector<16xf32>,
          %get3A_627 = arith.index_cast %rem3A_155 : i32 to index
          %get3A_628 = arith.index_cast %add3A_623 : i32 to index
          %get3A_629 = arith.constant 0 : index
          %get3A_630 = tpu.vector_load %arg11[%get3A_627, %get3A_628, %get3A_629] {strides = array<i32>} : memref<2x512x32xf32, #tpu.memory_space<vmem>>, vector<16xf32>,
          %mul3A_631 = arith.mulf %gather3A_626, %get3A_630 : vector<16xf32>
          %add3A_632 = arith.addf %add3A_613, %mul3A_631 : vector<16xf32>
          %get3A_633 = arith.index_cast %rem3A_155 : i32 to index
          %get3A_634 = arith.index_cast %add3A_623 : i32 to index
          %get3A_635 = arith.constant 16 : index
          %get3A_636 = tpu.vector_load %arg11[%get3A_633, %get3A_634, %get3A_635] {strides = array<i32>} : memref<2x512x32xf32, #tpu.memory_space<vmem>>, vector<16xf32>,
          %mul3A_637 = arith.mulf %gather3A_626, %get3A_636 : vector<16xf32>
          %add3A_638 = arith.addf %add3A_619, %mul3A_637 : vector<16xf32>
          %mul3A_639 = arith.constant 64 : i32
          %mul3A_640 = arith.muli %scan3A_237, %mul3A_639 : i32
          %add3A_641 = arith.constant 21 : i32
          %add3A_642 = arith.addi %mul3A_640, %add3A_641 : i32
          %broadcast_in_dim3A_643 = vector.broadcast %rem3A_155 : i32 to vector<16xi32>
          %broadcast_in_dim3A_644 = vector.broadcast %add3A_642 : i32 to vector<16xi32>
          %gather3A_645 = tpu.vector_load_idx %arg10[%broadcast_in_dim3A_643, %broadcast_in_dim3A_644] : memref<2x512xf32, #tpu.memory_space<vmem>>[vector<16xi32>, vector<16xi32>], vector<16xf32>,
          %get3A_646 = arith.index_cast %rem3A_155 : i32 to index
          %get3A_647 = arith.index_cast %add3A_642 : i32 to index
          %get3A_648 = arith.constant 0 : index
          %get3A_649 = tpu.vector_load %arg11[%get3A_646, %get3A_647, %get3A_648] {strides = array<i32>} : memref<2x512x32xf32, #tpu.memory_space<vmem>>, vector<16xf32>,
          %mul3A_650 = arith.mulf %gather3A_645, %get3A_649 : vector<16xf32>
          %add3A_651 = arith.addf %add3A_632, %mul3A_650 : vector<16xf32>
          %get3A_652 = arith.index_cast %rem3A_155 : i32 to index
          %get3A_653 = arith.index_cast %add3A_642 : i32 to index
          %get3A_654 = arith.constant 16 : index
          %get3A_655 = tpu.vector_load %arg11[%get3A_652, %get3A_653, %get3A_654] {strides = array<i32>} : memref<2x512x32xf32, #tpu.memory_space<vmem>>, vector<16xf32>,
          %mul3A_656 = arith.mulf %gather3A_645, %get3A_655 : vector<16xf32>
          %add3A_657 = arith.addf %add3A_638, %mul3A_656 : vector<16xf32>
          %mul3A_658 = arith.constant 64 : i32
          %mul3A_659 = arith.muli %scan3A_237, %mul3A_658 : i32
          %add3A_660 = arith.constant 22 : i32
          %add3A_661 = arith.addi %mul3A_659, %add3A_660 : i32
          %broadcast_in_dim3A_662 = vector.broadcast %rem3A_155 : i32 to vector<16xi32>
          %broadcast_in_dim3A_663 = vector.broadcast %add3A_661 : i32 to vector<16xi32>
          %gather3A_664 = tpu.vector_load_idx %arg10[%broadcast_in_dim3A_662, %broadcast_in_dim3A_663] : memref<2x512xf32, #tpu.memory_space<vmem>>[vector<16xi32>, vector<16xi32>], vector<16xf32>,
          %get3A_665 = arith.index_cast %rem3A_155 : i32 to index
          %get3A_666 = arith.index_cast %add3A_661 : i32 to index
          %get3A_667 = arith.constant 0 : index
          %get3A_668 = tpu.vector_load %arg11[%get3A_665, %get3A_666, %get3A_667] {strides = array<i32>} : memref<2x512x32xf32, #tpu.memory_space<vmem>>, vector<16xf32>,
          %mul3A_669 = arith.mulf %gather3A_664, %get3A_668 : vector<16xf32>
          %add3A_670 = arith.addf %add3A_651, %mul3A_669 : vector<16xf32>
          %get3A_671 = arith.index_cast %rem3A_155 : i32 to index
          %get3A_672 = arith.index_cast %add3A_661 : i32 to index
          %get3A_673 = arith.constant 16 : index
          %get3A_674 = tpu.vector_load %arg11[%get3A_671, %get3A_672, %get3A_673] {strides = array<i32>} : memref<2x512x32xf32, #tpu.memory_space<vmem>>, vector<16xf32>,
          %mul3A_675 = arith.mulf %gather3A_664, %get3A_674 : vector<16xf32>
          %add3A_676 = arith.addf %add3A_657, %mul3A_675 : vector<16xf32>
          %mul3A_677 = arith.constant 64 : i32
          %mul3A_678 = arith.muli %scan3A_237, %mul3A_677 : i32
          %add3A_679 = arith.constant 23 : i32
          %add3A_680 = arith.addi %mul3A_678, %add3A_679 : i32
          %broadcast_in_dim3A_681 = vector.broadcast %rem3A_155 : i32 to vector<16xi32>
          %broadcast_in_dim3A_682 = vector.broadcast %add3A_680 : i32 to vector<16xi32>
          %gather3A_683 = tpu.vector_load_idx %arg10[%broadcast_in_dim3A_681, %broadcast_in_dim3A_682] : memref<2x512xf32, #tpu.memory_space<vmem>>[vector<16xi32>, vector<16xi32>], vector<16xf32>,
          %get3A_684 = arith.index_cast %rem3A_155 : i32 to index
          %get3A_685 = arith.index_cast %add3A_680 : i32 to index
          %get3A_686 = arith.constant 0 : index
          %get3A_687 = tpu.vector_load %arg11[%get3A_684, %get3A_685, %get3A_686] {strides = array<i32>} : memref<2x512x32xf32, #tpu.memory_space<vmem>>, vector<16xf32>,
          %mul3A_688 = arith.mulf %gather3A_683, %get3A_687 : vector<16xf32>
          %add3A_689 = arith.addf %add3A_670, %mul3A_688 : vector<16xf32>
          %get3A_690 = arith.index_cast %rem3A_155 : i32 to index
          %get3A_691 = arith.index_cast %add3A_680 : i32 to index
          %get3A_692 = arith.constant 16 : index
          %get3A_693 = tpu.vector_load %arg11[%get3A_690, %get3A_691, %get3A_692] {strides = array<i32>} : memref<2x512x32xf32, #tpu.memory_space<vmem>>, vector<16xf32>,
          %mul3A_694 = arith.mulf %gather3A_683, %get3A_693 : vector<16xf32>
          %add3A_695 = arith.addf %add3A_676, %mul3A_694 : vector<16xf32>
          %mul3A_696 = arith.constant 64 : i32
          %mul3A_697 = arith.muli %scan3A_237, %mul3A_696 : i32
          %add3A_698 = arith.constant 24 : i32
          %add3A_699 = arith.addi %mul3A_697, %add3A_698 : i32
          %broadcast_in_dim3A_700 = vector.broadcast %rem3A_155 : i32 to vector<16xi32>
          %broadcast_in_dim3A_701 = vector.broadcast %add3A_699 : i32 to vector<16xi32>
          %gather3A_702 = tpu.vector_load_idx %arg10[%broadcast_in_dim3A_700, %broadcast_in_dim3A_701] : memref<2x512xf32, #tpu.memory_space<vmem>>[vector<16xi32>, vector<16xi32>], vector<16xf32>,
          %get3A_703 = arith.index_cast %rem3A_155 : i32 to index
          %get3A_704 = arith.index_cast %add3A_699 : i32 to index
          %get3A_705 = arith.constant 0 : index
          %get3A_706 = tpu.vector_load %arg11[%get3A_703, %get3A_704, %get3A_705] {strides = array<i32>} : memref<2x512x32xf32, #tpu.memory_space<vmem>>, vector<16xf32>,
          %mul3A_707 = arith.mulf %gather3A_702, %get3A_706 : vector<16xf32>
          %add3A_708 = arith.addf %add3A_689, %mul3A_707 : vector<16xf32>
          %get3A_709 = arith.index_cast %rem3A_155 : i32 to index
          %get3A_710 = arith.index_cast %add3A_699 : i32 to index
          %get3A_711 = arith.constant 16 : index
          %get3A_712 = tpu.vector_load %arg11[%get3A_709, %get3A_710, %get3A_711] {strides = array<i32>} : memref<2x512x32xf32, #tpu.memory_space<vmem>>, vector<16xf32>,
          %mul3A_713 = arith.mulf %gather3A_702, %get3A_712 : vector<16xf32>
          %add3A_714 = arith.addf %add3A_695, %mul3A_713 : vector<16xf32>
          %mul3A_715 = arith.constant 64 : i32
          %mul3A_716 = arith.muli %scan3A_237, %mul3A_715 : i32
          %add3A_717 = arith.constant 25 : i32
          %add3A_718 = arith.addi %mul3A_716, %add3A_717 : i32
          %broadcast_in_dim3A_719 = vector.broadcast %rem3A_155 : i32 to vector<16xi32>
          %broadcast_in_dim3A_720 = vector.broadcast %add3A_718 : i32 to vector<16xi32>
          %gather3A_721 = tpu.vector_load_idx %arg10[%broadcast_in_dim3A_719, %broadcast_in_dim3A_720] : memref<2x512xf32, #tpu.memory_space<vmem>>[vector<16xi32>, vector<16xi32>], vector<16xf32>,
          %get3A_722 = arith.index_cast %rem3A_155 : i32 to index
          %get3A_723 = arith.index_cast %add3A_718 : i32 to index
          %get3A_724 = arith.constant 0 : index
          %get3A_725 = tpu.vector_load %arg11[%get3A_722, %get3A_723, %get3A_724] {strides = array<i32>} : memref<2x512x32xf32, #tpu.memory_space<vmem>>, vector<16xf32>,
          %mul3A_726 = arith.mulf %gather3A_721, %get3A_725 : vector<16xf32>
          %add3A_727 = arith.addf %add3A_708, %mul3A_726 : vector<16xf32>
          %get3A_728 = arith.index_cast %rem3A_155 : i32 to index
          %get3A_729 = arith.index_cast %add3A_718 : i32 to index
          %get3A_730 = arith.constant 16 : index
          %get3A_731 = tpu.vector_load %arg11[%get3A_728, %get3A_729, %get3A_730] {strides = array<i32>} : memref<2x512x32xf32, #tpu.memory_space<vmem>>, vector<16xf32>,
          %mul3A_732 = arith.mulf %gather3A_721, %get3A_731 : vector<16xf32>
          %add3A_733 = arith.addf %add3A_714, %mul3A_732 : vector<16xf32>
          %mul3A_734 = arith.constant 64 : i32
          %mul3A_735 = arith.muli %scan3A_237, %mul3A_734 : i32
          %add3A_736 = arith.constant 26 : i32
          %add3A_737 = arith.addi %mul3A_735, %add3A_736 : i32
          %broadcast_in_dim3A_738 = vector.broadcast %rem3A_155 : i32 to vector<16xi32>
          %broadcast_in_dim3A_739 = vector.broadcast %add3A_737 : i32 to vector<16xi32>
          %gather3A_740 = tpu.vector_load_idx %arg10[%broadcast_in_dim3A_738, %broadcast_in_dim3A_739] : memref<2x512xf32, #tpu.memory_space<vmem>>[vector<16xi32>, vector<16xi32>], vector<16xf32>,
          %get3A_741 = arith.index_cast %rem3A_155 : i32 to index
          %get3A_742 = arith.index_cast %add3A_737 : i32 to index
          %get3A_743 = arith.constant 0 : index
          %get3A_744 = tpu.vector_load %arg11[%get3A_741, %get3A_742, %get3A_743] {strides = array<i32>} : memref<2x512x32xf32, #tpu.memory_space<vmem>>, vector<16xf32>,
          %mul3A_745 = arith.mulf %gather3A_740, %get3A_744 : vector<16xf32>
          %add3A_746 = arith.addf %add3A_727, %mul3A_745 : vector<16xf32>
          %get3A_747 = arith.index_cast %rem3A_155 : i32 to index
          %get3A_748 = arith.index_cast %add3A_737 : i32 to index
          %get3A_749 = arith.constant 16 : index
          %get3A_750 = tpu.vector_load %arg11[%get3A_747, %get3A_748, %get3A_749] {strides = array<i32>} : memref<2x512x32xf32, #tpu.memory_space<vmem>>, vector<16xf32>,
          %mul3A_751 = arith.mulf %gather3A_740, %get3A_750 : vector<16xf32>
          %add3A_752 = arith.addf %add3A_733, %mul3A_751 : vector<16xf32>
          %mul3A_753 = arith.constant 64 : i32
          %mul3A_754 = arith.muli %scan3A_237, %mul3A_753 : i32
          %add3A_755 = arith.constant 27 : i32
          %add3A_756 = arith.addi %mul3A_754, %add3A_755 : i32
          %broadcast_in_dim3A_757 = vector.broadcast %rem3A_155 : i32 to vector<16xi32>
          %broadcast_in_dim3A_758 = vector.broadcast %add3A_756 : i32 to vector<16xi32>
          %gather3A_759 = tpu.vector_load_idx %arg10[%broadcast_in_dim3A_757, %broadcast_in_dim3A_758] : memref<2x512xf32, #tpu.memory_space<vmem>>[vector<16xi32>, vector<16xi32>], vector<16xf32>,
          %get3A_760 = arith.index_cast %rem3A_155 : i32 to index
          %get3A_761 = arith.index_cast %add3A_756 : i32 to index
          %get3A_762 = arith.constant 0 : index
          %get3A_763 = tpu.vector_load %arg11[%get3A_760, %get3A_761, %get3A_762] {strides = array<i32>} : memref<2x512x32xf32, #tpu.memory_space<vmem>>, vector<16xf32>,
          %mul3A_764 = arith.mulf %gather3A_759, %get3A_763 : vector<16xf32>
          %add3A_765 = arith.addf %add3A_746, %mul3A_764 : vector<16xf32>
          %get3A_766 = arith.index_cast %rem3A_155 : i32 to index
          %get3A_767 = arith.index_cast %add3A_756 : i32 to index
          %get3A_768 = arith.constant 16 : index
          %get3A_769 = tpu.vector_load %arg11[%get3A_766, %get3A_767, %get3A_768] {strides = array<i32>} : memref<2x512x32xf32, #tpu.memory_space<vmem>>, vector<16xf32>,
          %mul3A_770 = arith.mulf %gather3A_759, %get3A_769 : vector<16xf32>
          %add3A_771 = arith.addf %add3A_752, %mul3A_770 : vector<16xf32>
          %mul3A_772 = arith.constant 64 : i32
          %mul3A_773 = arith.muli %scan3A_237, %mul3A_772 : i32
          %add3A_774 = arith.constant 28 : i32
          %add3A_775 = arith.addi %mul3A_773, %add3A_774 : i32
          %broadcast_in_dim3A_776 = vector.broadcast %rem3A_155 : i32 to vector<16xi32>
          %broadcast_in_dim3A_777 = vector.broadcast %add3A_775 : i32 to vector<16xi32>
          %gather3A_778 = tpu.vector_load_idx %arg10[%broadcast_in_dim3A_776, %broadcast_in_dim3A_777] : memref<2x512xf32, #tpu.memory_space<vmem>>[vector<16xi32>, vector<16xi32>], vector<16xf32>,
          %get3A_779 = arith.index_cast %rem3A_155 : i32 to index
          %get3A_780 = arith.index_cast %add3A_775 : i32 to index
          %get3A_781 = arith.constant 0 : index
          %get3A_782 = tpu.vector_load %arg11[%get3A_779, %get3A_780, %get3A_781] {strides = array<i32>} : memref<2x512x32xf32, #tpu.memory_space<vmem>>, vector<16xf32>,
          %mul3A_783 = arith.mulf %gather3A_778, %get3A_782 : vector<16xf32>
          %add3A_784 = arith.addf %add3A_765, %mul3A_783 : vector<16xf32>
          %get3A_785 = arith.index_cast %rem3A_155 : i32 to index
          %get3A_786 = arith.index_cast %add3A_775 : i32 to index
          %get3A_787 = arith.constant 16 : index
          %get3A_788 = tpu.vector_load %arg11[%get3A_785, %get3A_786, %get3A_787] {strides = array<i32>} : memref<2x512x32xf32, #tpu.memory_space<vmem>>, vector<16xf32>,
          %mul3A_789 = arith.mulf %gather3A_778, %get3A_788 : vector<16xf32>
          %add3A_790 = arith.addf %add3A_771, %mul3A_789 : vector<16xf32>
          %mul3A_791 = arith.constant 64 : i32
          %mul3A_792 = arith.muli %scan3A_237, %mul3A_791 : i32
          %add3A_793 = arith.constant 29 : i32
          %add3A_794 = arith.addi %mul3A_792, %add3A_793 : i32
          %broadcast_in_dim3A_795 = vector.broadcast %rem3A_155 : i32 to vector<16xi32>
          %broadcast_in_dim3A_796 = vector.broadcast %add3A_794 : i32 to vector<16xi32>
          %gather3A_797 = tpu.vector_load_idx %arg10[%broadcast_in_dim3A_795, %broadcast_in_dim3A_796] : memref<2x512xf32, #tpu.memory_space<vmem>>[vector<16xi32>, vector<16xi32>], vector<16xf32>,
          %get3A_798 = arith.index_cast %rem3A_155 : i32 to index
          %get3A_799 = arith.index_cast %add3A_794 : i32 to index
          %get3A_800 = arith.constant 0 : index
          %get3A_801 = tpu.vector_load %arg11[%get3A_798, %get3A_799, %get3A_800] {strides = array<i32>} : memref<2x512x32xf32, #tpu.memory_space<vmem>>, vector<16xf32>,
          %mul3A_802 = arith.mulf %gather3A_797, %get3A_801 : vector<16xf32>
          %add3A_803 = arith.addf %add3A_784, %mul3A_802 : vector<16xf32>
          %get3A_804 = arith.index_cast %rem3A_155 : i32 to index
          %get3A_805 = arith.index_cast %add3A_794 : i32 to index
          %get3A_806 = arith.constant 16 : index
          %get3A_807 = tpu.vector_load %arg11[%get3A_804, %get3A_805, %get3A_806] {strides = array<i32>} : memref<2x512x32xf32, #tpu.memory_space<vmem>>, vector<16xf32>,
          %mul3A_808 = arith.mulf %gather3A_797, %get3A_807 : vector<16xf32>
          %add3A_809 = arith.addf %add3A_790, %mul3A_808 : vector<16xf32>
          %mul3A_810 = arith.constant 64 : i32
          %mul3A_811 = arith.muli %scan3A_237, %mul3A_810 : i32
          %add3A_812 = arith.constant 30 : i32
          %add3A_813 = arith.addi %mul3A_811, %add3A_812 : i32
          %broadcast_in_dim3A_814 = vector.broadcast %rem3A_155 : i32 to vector<16xi32>
          %broadcast_in_dim3A_815 = vector.broadcast %add3A_813 : i32 to vector<16xi32>
          %gather3A_816 = tpu.vector_load_idx %arg10[%broadcast_in_dim3A_814, %broadcast_in_dim3A_815] : memref<2x512xf32, #tpu.memory_space<vmem>>[vector<16xi32>, vector<16xi32>], vector<16xf32>,
          %get3A_817 = arith.index_cast %rem3A_155 : i32 to index
          %get3A_818 = arith.index_cast %add3A_813 : i32 to index
          %get3A_819 = arith.constant 0 : index
          %get3A_820 = tpu.vector_load %arg11[%get3A_817, %get3A_818, %get3A_819] {strides = array<i32>} : memref<2x512x32xf32, #tpu.memory_space<vmem>>, vector<16xf32>,
          %mul3A_821 = arith.mulf %gather3A_816, %get3A_820 : vector<16xf32>
          %add3A_822 = arith.addf %add3A_803, %mul3A_821 : vector<16xf32>
          %get3A_823 = arith.index_cast %rem3A_155 : i32 to index
          %get3A_824 = arith.index_cast %add3A_813 : i32 to index
          %get3A_825 = arith.constant 16 : index
          %get3A_826 = tpu.vector_load %arg11[%get3A_823, %get3A_824, %get3A_825] {strides = array<i32>} : memref<2x512x32xf32, #tpu.memory_space<vmem>>, vector<16xf32>,
          %mul3A_827 = arith.mulf %gather3A_816, %get3A_826 : vector<16xf32>
          %add3A_828 = arith.addf %add3A_809, %mul3A_827 : vector<16xf32>
          %mul3A_829 = arith.constant 64 : i32
          %mul3A_830 = arith.muli %scan3A_237, %mul3A_829 : i32
          %add3A_831 = arith.constant 31 : i32
          %add3A_832 = arith.addi %mul3A_830, %add3A_831 : i32
          %broadcast_in_dim3A_833 = vector.broadcast %rem3A_155 : i32 to vector<16xi32>
          %broadcast_in_dim3A_834 = vector.broadcast %add3A_832 : i32 to vector<16xi32>
          %gather3A_835 = tpu.vector_load_idx %arg10[%broadcast_in_dim3A_833, %broadcast_in_dim3A_834] : memref<2x512xf32, #tpu.memory_space<vmem>>[vector<16xi32>, vector<16xi32>], vector<16xf32>,
          %get3A_836 = arith.index_cast %rem3A_155 : i32 to index
          %get3A_837 = arith.index_cast %add3A_832 : i32 to index
          %get3A_838 = arith.constant 0 : index
          %get3A_839 = tpu.vector_load %arg11[%get3A_836, %get3A_837, %get3A_838] {strides = array<i32>} : memref<2x512x32xf32, #tpu.memory_space<vmem>>, vector<16xf32>,
          %mul3A_840 = arith.mulf %gather3A_835, %get3A_839 : vector<16xf32>
          %add3A_841 = arith.addf %add3A_822, %mul3A_840 : vector<16xf32>
          %get3A_842 = arith.index_cast %rem3A_155 : i32 to index
          %get3A_843 = arith.index_cast %add3A_832 : i32 to index
          %get3A_844 = arith.constant 16 : index
          %get3A_845 = tpu.vector_load %arg11[%get3A_842, %get3A_843, %get3A_844] {strides = array<i32>} : memref<2x512x32xf32, #tpu.memory_space<vmem>>, vector<16xf32>,
          %mul3A_846 = arith.mulf %gather3A_835, %get3A_845 : vector<16xf32>
          %add3A_847 = arith.addf %add3A_828, %mul3A_846 : vector<16xf32>
          %mul3A_848 = arith.constant 64 : i32
          %mul3A_849 = arith.muli %scan3A_237, %mul3A_848 : i32
          %add3A_850 = arith.constant 32 : i32
          %add3A_851 = arith.addi %mul3A_849, %add3A_850 : i32
          %broadcast_in_dim3A_852 = vector.broadcast %rem3A_155 : i32 to vector<16xi32>
          %broadcast_in_dim3A_853 = vector.broadcast %add3A_851 : i32 to vector<16xi32>
          %gather3A_854 = tpu.vector_load_idx %arg10[%broadcast_in_dim3A_852, %broadcast_in_dim3A_853] : memref<2x512xf32, #tpu.memory_space<vmem>>[vector<16xi32>, vector<16xi32>], vector<16xf32>,
          %get3A_855 = arith.index_cast %rem3A_155 : i32 to index
          %get3A_856 = arith.index_cast %add3A_851 : i32 to index
          %get3A_857 = arith.constant 0 : index
          %get3A_858 = tpu.vector_load %arg11[%get3A_855, %get3A_856, %get3A_857] {strides = array<i32>} : memref<2x512x32xf32, #tpu.memory_space<vmem>>, vector<16xf32>,
          %mul3A_859 = arith.mulf %gather3A_854, %get3A_858 : vector<16xf32>
          %add3A_860 = arith.addf %add3A_841, %mul3A_859 : vector<16xf32>
          %get3A_861 = arith.index_cast %rem3A_155 : i32 to index
          %get3A_862 = arith.index_cast %add3A_851 : i32 to index
          %get3A_863 = arith.constant 16 : index
          %get3A_864 = tpu.vector_load %arg11[%get3A_861, %get3A_862, %get3A_863] {strides = array<i32>} : memref<2x512x32xf32, #tpu.memory_space<vmem>>, vector<16xf32>,
          %mul3A_865 = arith.mulf %gather3A_854, %get3A_864 : vector<16xf32>
          %add3A_866 = arith.addf %add3A_847, %mul3A_865 : vector<16xf32>
          %mul3A_867 = arith.constant 64 : i32
          %mul3A_868 = arith.muli %scan3A_237, %mul3A_867 : i32
          %add3A_869 = arith.constant 33 : i32
          %add3A_870 = arith.addi %mul3A_868, %add3A_869 : i32
          %broadcast_in_dim3A_871 = vector.broadcast %rem3A_155 : i32 to vector<16xi32>
          %broadcast_in_dim3A_872 = vector.broadcast %add3A_870 : i32 to vector<16xi32>
          %gather3A_873 = tpu.vector_load_idx %arg10[%broadcast_in_dim3A_871, %broadcast_in_dim3A_872] : memref<2x512xf32, #tpu.memory_space<vmem>>[vector<16xi32>, vector<16xi32>], vector<16xf32>,
          %get3A_874 = arith.index_cast %rem3A_155 : i32 to index
          %get3A_875 = arith.index_cast %add3A_870 : i32 to index
          %get3A_876 = arith.constant 0 : index
          %get3A_877 = tpu.vector_load %arg11[%get3A_874, %get3A_875, %get3A_876] {strides = array<i32>} : memref<2x512x32xf32, #tpu.memory_space<vmem>>, vector<16xf32>,
          %mul3A_878 = arith.mulf %gather3A_873, %get3A_877 : vector<16xf32>
          %add3A_879 = arith.addf %add3A_860, %mul3A_878 : vector<16xf32>
          %get3A_880 = arith.index_cast %rem3A_155 : i32 to index
          %get3A_881 = arith.index_cast %add3A_870 : i32 to index
          %get3A_882 = arith.constant 16 : index
          %get3A_883 = tpu.vector_load %arg11[%get3A_880, %get3A_881, %get3A_882] {strides = array<i32>} : memref<2x512x32xf32, #tpu.memory_space<vmem>>, vector<16xf32>,
          %mul3A_884 = arith.mulf %gather3A_873, %get3A_883 : vector<16xf32>
          %add3A_885 = arith.addf %add3A_866, %mul3A_884 : vector<16xf32>
          %mul3A_886 = arith.constant 64 : i32
          %mul3A_887 = arith.muli %scan3A_237, %mul3A_886 : i32
          %add3A_888 = arith.constant 34 : i32
          %add3A_889 = arith.addi %mul3A_887, %add3A_888 : i32
          %broadcast_in_dim3A_890 = vector.broadcast %rem3A_155 : i32 to vector<16xi32>
          %broadcast_in_dim3A_891 = vector.broadcast %add3A_889 : i32 to vector<16xi32>
          %gather3A_892 = tpu.vector_load_idx %arg10[%broadcast_in_dim3A_890, %broadcast_in_dim3A_891] : memref<2x512xf32, #tpu.memory_space<vmem>>[vector<16xi32>, vector<16xi32>], vector<16xf32>,
          %get3A_893 = arith.index_cast %rem3A_155 : i32 to index
          %get3A_894 = arith.index_cast %add3A_889 : i32 to index
          %get3A_895 = arith.constant 0 : index
          %get3A_896 = tpu.vector_load %arg11[%get3A_893, %get3A_894, %get3A_895] {strides = array<i32>} : memref<2x512x32xf32, #tpu.memory_space<vmem>>, vector<16xf32>,
          %mul3A_897 = arith.mulf %gather3A_892, %get3A_896 : vector<16xf32>
          %add3A_898 = arith.addf %add3A_879, %mul3A_897 : vector<16xf32>
          %get3A_899 = arith.index_cast %rem3A_155 : i32 to index
          %get3A_900 = arith.index_cast %add3A_889 : i32 to index
          %get3A_901 = arith.constant 16 : index
          %get3A_902 = tpu.vector_load %arg11[%get3A_899, %get3A_900, %get3A_901] {strides = array<i32>} : memref<2x512x32xf32, #tpu.memory_space<vmem>>, vector<16xf32>,
          %mul3A_903 = arith.mulf %gather3A_892, %get3A_902 : vector<16xf32>
          %add3A_904 = arith.addf %add3A_885, %mul3A_903 : vector<16xf32>
          %mul3A_905 = arith.constant 64 : i32
          %mul3A_906 = arith.muli %scan3A_237, %mul3A_905 : i32
          %add3A_907 = arith.constant 35 : i32
          %add3A_908 = arith.addi %mul3A_906, %add3A_907 : i32
          %broadcast_in_dim3A_909 = vector.broadcast %rem3A_155 : i32 to vector<16xi32>
          %broadcast_in_dim3A_910 = vector.broadcast %add3A_908 : i32 to vector<16xi32>
          %gather3A_911 = tpu.vector_load_idx %arg10[%broadcast_in_dim3A_909, %broadcast_in_dim3A_910] : memref<2x512xf32, #tpu.memory_space<vmem>>[vector<16xi32>, vector<16xi32>], vector<16xf32>,
          %get3A_912 = arith.index_cast %rem3A_155 : i32 to index
          %get3A_913 = arith.index_cast %add3A_908 : i32 to index
          %get3A_914 = arith.constant 0 : index
          %get3A_915 = tpu.vector_load %arg11[%get3A_912, %get3A_913, %get3A_914] {strides = array<i32>} : memref<2x512x32xf32, #tpu.memory_space<vmem>>, vector<16xf32>,
          %mul3A_916 = arith.mulf %gather3A_911, %get3A_915 : vector<16xf32>
          %add3A_917 = arith.addf %add3A_898, %mul3A_916 : vector<16xf32>
          %get3A_918 = arith.index_cast %rem3A_155 : i32 to index
          %get3A_919 = arith.index_cast %add3A_908 : i32 to index
          %get3A_920 = arith.constant 16 : index
          %get3A_921 = tpu.vector_load %arg11[%get3A_918, %get3A_919, %get3A_920] {strides = array<i32>} : memref<2x512x32xf32, #tpu.memory_space<vmem>>, vector<16xf32>,
          %mul3A_922 = arith.mulf %gather3A_911, %get3A_921 : vector<16xf32>
          %add3A_923 = arith.addf %add3A_904, %mul3A_922 : vector<16xf32>
          %mul3A_924 = arith.constant 64 : i32
          %mul3A_925 = arith.muli %scan3A_237, %mul3A_924 : i32
          %add3A_926 = arith.constant 36 : i32
          %add3A_927 = arith.addi %mul3A_925, %add3A_926 : i32
          %broadcast_in_dim3A_928 = vector.broadcast %rem3A_155 : i32 to vector<16xi32>
          %broadcast_in_dim3A_929 = vector.broadcast %add3A_927 : i32 to vector<16xi32>
          %gather3A_930 = tpu.vector_load_idx %arg10[%broadcast_in_dim3A_928, %broadcast_in_dim3A_929] : memref<2x512xf32, #tpu.memory_space<vmem>>[vector<16xi32>, vector<16xi32>], vector<16xf32>,
          %get3A_931 = arith.index_cast %rem3A_155 : i32 to index
          %get3A_932 = arith.index_cast %add3A_927 : i32 to index
          %get3A_933 = arith.constant 0 : index
          %get3A_934 = tpu.vector_load %arg11[%get3A_931, %get3A_932, %get3A_933] {strides = array<i32>} : memref<2x512x32xf32, #tpu.memory_space<vmem>>, vector<16xf32>,
          %mul3A_935 = arith.mulf %gather3A_930, %get3A_934 : vector<16xf32>
          %add3A_936 = arith.addf %add3A_917, %mul3A_935 : vector<16xf32>
          %get3A_937 = arith.index_cast %rem3A_155 : i32 to index
          %get3A_938 = arith.index_cast %add3A_927 : i32 to index
          %get3A_939 = arith.constant 16 : index
          %get3A_940 = tpu.vector_load %arg11[%get3A_937, %get3A_938, %get3A_939] {strides = array<i32>} : memref<2x512x32xf32, #tpu.memory_space<vmem>>, vector<16xf32>,
          %mul3A_941 = arith.mulf %gather3A_930, %get3A_940 : vector<16xf32>
          %add3A_942 = arith.addf %add3A_923, %mul3A_941 : vector<16xf32>
          %mul3A_943 = arith.constant 64 : i32
          %mul3A_944 = arith.muli %scan3A_237, %mul3A_943 : i32
          %add3A_945 = arith.constant 37 : i32
          %add3A_946 = arith.addi %mul3A_944, %add3A_945 : i32
          %broadcast_in_dim3A_947 = vector.broadcast %rem3A_155 : i32 to vector<16xi32>
          %broadcast_in_dim3A_948 = vector.broadcast %add3A_946 : i32 to vector<16xi32>
          %gather3A_949 = tpu.vector_load_idx %arg10[%broadcast_in_dim3A_947, %broadcast_in_dim3A_948] : memref<2x512xf32, #tpu.memory_space<vmem>>[vector<16xi32>, vector<16xi32>], vector<16xf32>,
          %get3A_950 = arith.index_cast %rem3A_155 : i32 to index
          %get3A_951 = arith.index_cast %add3A_946 : i32 to index
          %get3A_952 = arith.constant 0 : index
          %get3A_953 = tpu.vector_load %arg11[%get3A_950, %get3A_951, %get3A_952] {strides = array<i32>} : memref<2x512x32xf32, #tpu.memory_space<vmem>>, vector<16xf32>,
          %mul3A_954 = arith.mulf %gather3A_949, %get3A_953 : vector<16xf32>
          %add3A_955 = arith.addf %add3A_936, %mul3A_954 : vector<16xf32>
          %get3A_956 = arith.index_cast %rem3A_155 : i32 to index
          %get3A_957 = arith.index_cast %add3A_946 : i32 to index
          %get3A_958 = arith.constant 16 : index
          %get3A_959 = tpu.vector_load %arg11[%get3A_956, %get3A_957, %get3A_958] {strides = array<i32>} : memref<2x512x32xf32, #tpu.memory_space<vmem>>, vector<16xf32>,
          %mul3A_960 = arith.mulf %gather3A_949, %get3A_959 : vector<16xf32>
          %add3A_961 = arith.addf %add3A_942, %mul3A_960 : vector<16xf32>
          %mul3A_962 = arith.constant 64 : i32
          %mul3A_963 = arith.muli %scan3A_237, %mul3A_962 : i32
          %add3A_964 = arith.constant 38 : i32
          %add3A_965 = arith.addi %mul3A_963, %add3A_964 : i32
          %broadcast_in_dim3A_966 = vector.broadcast %rem3A_155 : i32 to vector<16xi32>
          %broadcast_in_dim3A_967 = vector.broadcast %add3A_965 : i32 to vector<16xi32>
          %gather3A_968 = tpu.vector_load_idx %arg10[%broadcast_in_dim3A_966, %broadcast_in_dim3A_967] : memref<2x512xf32, #tpu.memory_space<vmem>>[vector<16xi32>, vector<16xi32>], vector<16xf32>,
          %get3A_969 = arith.index_cast %rem3A_155 : i32 to index
          %get3A_970 = arith.index_cast %add3A_965 : i32 to index
          %get3A_971 = arith.constant 0 : index
          %get3A_972 = tpu.vector_load %arg11[%get3A_969, %get3A_970, %get3A_971] {strides = array<i32>} : memref<2x512x32xf32, #tpu.memory_space<vmem>>, vector<16xf32>,
          %mul3A_973 = arith.mulf %gather3A_968, %get3A_972 : vector<16xf32>
          %add3A_974 = arith.addf %add3A_955, %mul3A_973 : vector<16xf32>
          %get3A_975 = arith.index_cast %rem3A_155 : i32 to index
          %get3A_976 = arith.index_cast %add3A_965 : i32 to index
          %get3A_977 = arith.constant 16 : index
          %get3A_978 = tpu.vector_load %arg11[%get3A_975, %get3A_976, %get3A_977] {strides = array<i32>} : memref<2x512x32xf32, #tpu.memory_space<vmem>>, vector<16xf32>,
          %mul3A_979 = arith.mulf %gather3A_968, %get3A_978 : vector<16xf32>
          %add3A_980 = arith.addf %add3A_961, %mul3A_979 : vector<16xf32>
          %mul3A_981 = arith.constant 64 : i32
          %mul3A_982 = arith.muli %scan3A_237, %mul3A_981 : i32
          %add3A_983 = arith.constant 39 : i32
          %add3A_984 = arith.addi %mul3A_982, %add3A_983 : i32
          %broadcast_in_dim3A_985 = vector.broadcast %rem3A_155 : i32 to vector<16xi32>
          %broadcast_in_dim3A_986 = vector.broadcast %add3A_984 : i32 to vector<16xi32>
          %gather3A_987 = tpu.vector_load_idx %arg10[%broadcast_in_dim3A_985, %broadcast_in_dim3A_986] : memref<2x512xf32, #tpu.memory_space<vmem>>[vector<16xi32>, vector<16xi32>], vector<16xf32>,
          %get3A_988 = arith.index_cast %rem3A_155 : i32 to index
          %get3A_989 = arith.index_cast %add3A_984 : i32 to index
          %get3A_990 = arith.constant 0 : index
          %get3A_991 = tpu.vector_load %arg11[%get3A_988, %get3A_989, %get3A_990] {strides = array<i32>} : memref<2x512x32xf32, #tpu.memory_space<vmem>>, vector<16xf32>,
          %mul3A_992 = arith.mulf %gather3A_987, %get3A_991 : vector<16xf32>
          %add3A_993 = arith.addf %add3A_974, %mul3A_992 : vector<16xf32>
          %get3A_994 = arith.index_cast %rem3A_155 : i32 to index
          %get3A_995 = arith.index_cast %add3A_984 : i32 to index
          %get3A_996 = arith.constant 16 : index
          %get3A_997 = tpu.vector_load %arg11[%get3A_994, %get3A_995, %get3A_996] {strides = array<i32>} : memref<2x512x32xf32, #tpu.memory_space<vmem>>, vector<16xf32>,
          %mul3A_998 = arith.mulf %gather3A_987, %get3A_997 : vector<16xf32>
          %add3A_999 = arith.addf %add3A_980, %mul3A_998 : vector<16xf32>
          %mul3A_1000 = arith.constant 64 : i32
          %mul3A_1001 = arith.muli %scan3A_237, %mul3A_1000 : i32
          %add3A_1002 = arith.constant 40 : i32
          %add3A_1003 = arith.addi %mul3A_1001, %add3A_1002 : i32
          %broadcast_in_dim3A_1004 = vector.broadcast %rem3A_155 : i32 to vector<16xi32>
          %broadcast_in_dim3A_1005 = vector.broadcast %add3A_1003 : i32 to vector<16xi32>
          %gather3A_1006 = tpu.vector_load_idx %arg10[%broadcast_in_dim3A_1004, %broadcast_in_dim3A_1005] : memref<2x512xf32, #tpu.memory_space<vmem>>[vector<16xi32>, vector<16xi32>], vector<16xf32>,
          %get3A_1007 = arith.index_cast %rem3A_155 : i32 to index
          %get3A_1008 = arith.index_cast %add3A_1003 : i32 to index
          %get3A_1009 = arith.constant 0 : index
          %get3A_1010 = tpu.vector_load %arg11[%get3A_1007, %get3A_1008, %get3A_1009] {strides = array<i32>} : memref<2x512x32xf32, #tpu.memory_space<vmem>>, vector<16xf32>,
          %mul3A_1011 = arith.mulf %gather3A_1006, %get3A_1010 : vector<16xf32>
          %add3A_1012 = arith.addf %add3A_993, %mul3A_1011 : vector<16xf32>
          %get3A_1013 = arith.index_cast %rem3A_155 : i32 to index
          %get3A_1014 = arith.index_cast %add3A_1003 : i32 to index
          %get3A_1015 = arith.constant 16 : index
          %get3A_1016 = tpu.vector_load %arg11[%get3A_1013, %get3A_1014, %get3A_1015] {strides = array<i32>} : memref<2x512x32xf32, #tpu.memory_space<vmem>>, vector<16xf32>,
          %mul3A_1017 = arith.mulf %gather3A_1006, %get3A_1016 : vector<16xf32>
          %add3A_1018 = arith.addf %add3A_999, %mul3A_1017 : vector<16xf32>
          %mul3A_1019 = arith.constant 64 : i32
          %mul3A_1020 = arith.muli %scan3A_237, %mul3A_1019 : i32
          %add3A_1021 = arith.constant 41 : i32
          %add3A_1022 = arith.addi %mul3A_1020, %add3A_1021 : i32
          %broadcast_in_dim3A_1023 = vector.broadcast %rem3A_155 : i32 to vector<16xi32>
          %broadcast_in_dim3A_1024 = vector.broadcast %add3A_1022 : i32 to vector<16xi32>
          %gather3A_1025 = tpu.vector_load_idx %arg10[%broadcast_in_dim3A_1023, %broadcast_in_dim3A_1024] : memref<2x512xf32, #tpu.memory_space<vmem>>[vector<16xi32>, vector<16xi32>], vector<16xf32>,
          %get3A_1026 = arith.index_cast %rem3A_155 : i32 to index
          %get3A_1027 = arith.index_cast %add3A_1022 : i32 to index
          %get3A_1028 = arith.constant 0 : index
          %get3A_1029 = tpu.vector_load %arg11[%get3A_1026, %get3A_1027, %get3A_1028] {strides = array<i32>} : memref<2x512x32xf32, #tpu.memory_space<vmem>>, vector<16xf32>,
          %mul3A_1030 = arith.mulf %gather3A_1025, %get3A_1029 : vector<16xf32>
          %add3A_1031 = arith.addf %add3A_1012, %mul3A_1030 : vector<16xf32>
          %get3A_1032 = arith.index_cast %rem3A_155 : i32 to index
          %get3A_1033 = arith.index_cast %add3A_1022 : i32 to index
          %get3A_1034 = arith.constant 16 : index
          %get3A_1035 = tpu.vector_load %arg11[%get3A_1032, %get3A_1033, %get3A_1034] {strides = array<i32>} : memref<2x512x32xf32, #tpu.memory_space<vmem>>, vector<16xf32>,
          %mul3A_1036 = arith.mulf %gather3A_1025, %get3A_1035 : vector<16xf32>
          %add3A_1037 = arith.addf %add3A_1018, %mul3A_1036 : vector<16xf32>
          %mul3A_1038 = arith.constant 64 : i32
          %mul3A_1039 = arith.muli %scan3A_237, %mul3A_1038 : i32
          %add3A_1040 = arith.constant 42 : i32
          %add3A_1041 = arith.addi %mul3A_1039, %add3A_1040 : i32
          %broadcast_in_dim3A_1042 = vector.broadcast %rem3A_155 : i32 to vector<16xi32>
          %broadcast_in_dim3A_1043 = vector.broadcast %add3A_1041 : i32 to vector<16xi32>
          %gather3A_1044 = tpu.vector_load_idx %arg10[%broadcast_in_dim3A_1042, %broadcast_in_dim3A_1043] : memref<2x512xf32, #tpu.memory_space<vmem>>[vector<16xi32>, vector<16xi32>], vector<16xf32>,
          %get3A_1045 = arith.index_cast %rem3A_155 : i32 to index
          %get3A_1046 = arith.index_cast %add3A_1041 : i32 to index
          %get3A_1047 = arith.constant 0 : index
          %get3A_1048 = tpu.vector_load %arg11[%get3A_1045, %get3A_1046, %get3A_1047] {strides = array<i32>} : memref<2x512x32xf32, #tpu.memory_space<vmem>>, vector<16xf32>,
          %mul3A_1049 = arith.mulf %gather3A_1044, %get3A_1048 : vector<16xf32>
          %add3A_1050 = arith.addf %add3A_1031, %mul3A_1049 : vector<16xf32>
          %get3A_1051 = arith.index_cast %rem3A_155 : i32 to index
          %get3A_1052 = arith.index_cast %add3A_1041 : i32 to index
          %get3A_1053 = arith.constant 16 : index
          %get3A_1054 = tpu.vector_load %arg11[%get3A_1051, %get3A_1052, %get3A_1053] {strides = array<i32>} : memref<2x512x32xf32, #tpu.memory_space<vmem>>, vector<16xf32>,
          %mul3A_1055 = arith.mulf %gather3A_1044, %get3A_1054 : vector<16xf32>
          %add3A_1056 = arith.addf %add3A_1037, %mul3A_1055 : vector<16xf32>
          %mul3A_1057 = arith.constant 64 : i32
          %mul3A_1058 = arith.muli %scan3A_237, %mul3A_1057 : i32
          %add3A_1059 = arith.constant 43 : i32
          %add3A_1060 = arith.addi %mul3A_1058, %add3A_1059 : i32
          %broadcast_in_dim3A_1061 = vector.broadcast %rem3A_155 : i32 to vector<16xi32>
          %broadcast_in_dim3A_1062 = vector.broadcast %add3A_1060 : i32 to vector<16xi32>
          %gather3A_1063 = tpu.vector_load_idx %arg10[%broadcast_in_dim3A_1061, %broadcast_in_dim3A_1062] : memref<2x512xf32, #tpu.memory_space<vmem>>[vector<16xi32>, vector<16xi32>], vector<16xf32>,
          %get3A_1064 = arith.index_cast %rem3A_155 : i32 to index
          %get3A_1065 = arith.index_cast %add3A_1060 : i32 to index
          %get3A_1066 = arith.constant 0 : index
          %get3A_1067 = tpu.vector_load %arg11[%get3A_1064, %get3A_1065, %get3A_1066] {strides = array<i32>} : memref<2x512x32xf32, #tpu.memory_space<vmem>>, vector<16xf32>,
          %mul3A_1068 = arith.mulf %gather3A_1063, %get3A_1067 : vector<16xf32>
          %add3A_1069 = arith.addf %add3A_1050, %mul3A_1068 : vector<16xf32>
          %get3A_1070 = arith.index_cast %rem3A_155 : i32 to index
          %get3A_1071 = arith.index_cast %add3A_1060 : i32 to index
          %get3A_1072 = arith.constant 16 : index
          %get3A_1073 = tpu.vector_load %arg11[%get3A_1070, %get3A_1071, %get3A_1072] {strides = array<i32>} : memref<2x512x32xf32, #tpu.memory_space<vmem>>, vector<16xf32>,
          %mul3A_1074 = arith.mulf %gather3A_1063, %get3A_1073 : vector<16xf32>
          %add3A_1075 = arith.addf %add3A_1056, %mul3A_1074 : vector<16xf32>
          %mul3A_1076 = arith.constant 64 : i32
          %mul3A_1077 = arith.muli %scan3A_237, %mul3A_1076 : i32
          %add3A_1078 = arith.constant 44 : i32
          %add3A_1079 = arith.addi %mul3A_1077, %add3A_1078 : i32
          %broadcast_in_dim3A_1080 = vector.broadcast %rem3A_155 : i32 to vector<16xi32>
          %broadcast_in_dim3A_1081 = vector.broadcast %add3A_1079 : i32 to vector<16xi32>
          %gather3A_1082 = tpu.vector_load_idx %arg10[%broadcast_in_dim3A_1080, %broadcast_in_dim3A_1081] : memref<2x512xf32, #tpu.memory_space<vmem>>[vector<16xi32>, vector<16xi32>], vector<16xf32>,
          %get3A_1083 = arith.index_cast %rem3A_155 : i32 to index
          %get3A_1084 = arith.index_cast %add3A_1079 : i32 to index
          %get3A_1085 = arith.constant 0 : index
          %get3A_1086 = tpu.vector_load %arg11[%get3A_1083, %get3A_1084, %get3A_1085] {strides = array<i32>} : memref<2x512x32xf32, #tpu.memory_space<vmem>>, vector<16xf32>,
          %mul3A_1087 = arith.mulf %gather3A_1082, %get3A_1086 : vector<16xf32>
          %add3A_1088 = arith.addf %add3A_1069, %mul3A_1087 : vector<16xf32>
          %get3A_1089 = arith.index_cast %rem3A_155 : i32 to index
          %get3A_1090 = arith.index_cast %add3A_1079 : i32 to index
          %get3A_1091 = arith.constant 16 : index
          %get3A_1092 = tpu.vector_load %arg11[%get3A_1089, %get3A_1090, %get3A_1091] {strides = array<i32>} : memref<2x512x32xf32, #tpu.memory_space<vmem>>, vector<16xf32>,
          %mul3A_1093 = arith.mulf %gather3A_1082, %get3A_1092 : vector<16xf32>
          %add3A_1094 = arith.addf %add3A_1075, %mul3A_1093 : vector<16xf32>
          %mul3A_1095 = arith.constant 64 : i32
          %mul3A_1096 = arith.muli %scan3A_237, %mul3A_1095 : i32
          %add3A_1097 = arith.constant 45 : i32
          %add3A_1098 = arith.addi %mul3A_1096, %add3A_1097 : i32
          %broadcast_in_dim3A_1099 = vector.broadcast %rem3A_155 : i32 to vector<16xi32>
          %broadcast_in_dim3A_1100 = vector.broadcast %add3A_1098 : i32 to vector<16xi32>
          %gather3A_1101 = tpu.vector_load_idx %arg10[%broadcast_in_dim3A_1099, %broadcast_in_dim3A_1100] : memref<2x512xf32, #tpu.memory_space<vmem>>[vector<16xi32>, vector<16xi32>], vector<16xf32>,
          %get3A_1102 = arith.index_cast %rem3A_155 : i32 to index
          %get3A_1103 = arith.index_cast %add3A_1098 : i32 to index
          %get3A_1104 = arith.constant 0 : index
          %get3A_1105 = tpu.vector_load %arg11[%get3A_1102, %get3A_1103, %get3A_1104] {strides = array<i32>} : memref<2x512x32xf32, #tpu.memory_space<vmem>>, vector<16xf32>,
          %mul3A_1106 = arith.mulf %gather3A_1101, %get3A_1105 : vector<16xf32>
          %add3A_1107 = arith.addf %add3A_1088, %mul3A_1106 : vector<16xf32>
          %get3A_1108 = arith.index_cast %rem3A_155 : i32 to index
          %get3A_1109 = arith.index_cast %add3A_1098 : i32 to index
          %get3A_1110 = arith.constant 16 : index
          %get3A_1111 = tpu.vector_load %arg11[%get3A_1108, %get3A_1109, %get3A_1110] {strides = array<i32>} : memref<2x512x32xf32, #tpu.memory_space<vmem>>, vector<16xf32>,
          %mul3A_1112 = arith.mulf %gather3A_1101, %get3A_1111 : vector<16xf32>
          %add3A_1113 = arith.addf %add3A_1094, %mul3A_1112 : vector<16xf32>
          %mul3A_1114 = arith.constant 64 : i32
          %mul3A_1115 = arith.muli %scan3A_237, %mul3A_1114 : i32
          %add3A_1116 = arith.constant 46 : i32
          %add3A_1117 = arith.addi %mul3A_1115, %add3A_1116 : i32
          %broadcast_in_dim3A_1118 = vector.broadcast %rem3A_155 : i32 to vector<16xi32>
          %broadcast_in_dim3A_1119 = vector.broadcast %add3A_1117 : i32 to vector<16xi32>
          %gather3A_1120 = tpu.vector_load_idx %arg10[%broadcast_in_dim3A_1118, %broadcast_in_dim3A_1119] : memref<2x512xf32, #tpu.memory_space<vmem>>[vector<16xi32>, vector<16xi32>], vector<16xf32>,
          %get3A_1121 = arith.index_cast %rem3A_155 : i32 to index
          %get3A_1122 = arith.index_cast %add3A_1117 : i32 to index
          %get3A_1123 = arith.constant 0 : index
          %get3A_1124 = tpu.vector_load %arg11[%get3A_1121, %get3A_1122, %get3A_1123] {strides = array<i32>} : memref<2x512x32xf32, #tpu.memory_space<vmem>>, vector<16xf32>,
          %mul3A_1125 = arith.mulf %gather3A_1120, %get3A_1124 : vector<16xf32>
          %add3A_1126 = arith.addf %add3A_1107, %mul3A_1125 : vector<16xf32>
          %get3A_1127 = arith.index_cast %rem3A_155 : i32 to index
          %get3A_1128 = arith.index_cast %add3A_1117 : i32 to index
          %get3A_1129 = arith.constant 16 : index
          %get3A_1130 = tpu.vector_load %arg11[%get3A_1127, %get3A_1128, %get3A_1129] {strides = array<i32>} : memref<2x512x32xf32, #tpu.memory_space<vmem>>, vector<16xf32>,
          %mul3A_1131 = arith.mulf %gather3A_1120, %get3A_1130 : vector<16xf32>
          %add3A_1132 = arith.addf %add3A_1113, %mul3A_1131 : vector<16xf32>
          %mul3A_1133 = arith.constant 64 : i32
          %mul3A_1134 = arith.muli %scan3A_237, %mul3A_1133 : i32
          %add3A_1135 = arith.constant 47 : i32
          %add3A_1136 = arith.addi %mul3A_1134, %add3A_1135 : i32
          %broadcast_in_dim3A_1137 = vector.broadcast %rem3A_155 : i32 to vector<16xi32>
          %broadcast_in_dim3A_1138 = vector.broadcast %add3A_1136 : i32 to vector<16xi32>
          %gather3A_1139 = tpu.vector_load_idx %arg10[%broadcast_in_dim3A_1137, %broadcast_in_dim3A_1138] : memref<2x512xf32, #tpu.memory_space<vmem>>[vector<16xi32>, vector<16xi32>], vector<16xf32>,
          %get3A_1140 = arith.index_cast %rem3A_155 : i32 to index
          %get3A_1141 = arith.index_cast %add3A_1136 : i32 to index
          %get3A_1142 = arith.constant 0 : index
          %get3A_1143 = tpu.vector_load %arg11[%get3A_1140, %get3A_1141, %get3A_1142] {strides = array<i32>} : memref<2x512x32xf32, #tpu.memory_space<vmem>>, vector<16xf32>,
          %mul3A_1144 = arith.mulf %gather3A_1139, %get3A_1143 : vector<16xf32>
          %add3A_1145 = arith.addf %add3A_1126, %mul3A_1144 : vector<16xf32>
          %get3A_1146 = arith.index_cast %rem3A_155 : i32 to index
          %get3A_1147 = arith.index_cast %add3A_1136 : i32 to index
          %get3A_1148 = arith.constant 16 : index
          %get3A_1149 = tpu.vector_load %arg11[%get3A_1146, %get3A_1147, %get3A_1148] {strides = array<i32>} : memref<2x512x32xf32, #tpu.memory_space<vmem>>, vector<16xf32>,
          %mul3A_1150 = arith.mulf %gather3A_1139, %get3A_1149 : vector<16xf32>
          %add3A_1151 = arith.addf %add3A_1132, %mul3A_1150 : vector<16xf32>
          %mul3A_1152 = arith.constant 64 : i32
          %mul3A_1153 = arith.muli %scan3A_237, %mul3A_1152 : i32
          %add3A_1154 = arith.constant 48 : i32
          %add3A_1155 = arith.addi %mul3A_1153, %add3A_1154 : i32
          %broadcast_in_dim3A_1156 = vector.broadcast %rem3A_155 : i32 to vector<16xi32>
          %broadcast_in_dim3A_1157 = vector.broadcast %add3A_1155 : i32 to vector<16xi32>
          %gather3A_1158 = tpu.vector_load_idx %arg10[%broadcast_in_dim3A_1156, %broadcast_in_dim3A_1157] : memref<2x512xf32, #tpu.memory_space<vmem>>[vector<16xi32>, vector<16xi32>], vector<16xf32>,
          %get3A_1159 = arith.index_cast %rem3A_155 : i32 to index
          %get3A_1160 = arith.index_cast %add3A_1155 : i32 to index
          %get3A_1161 = arith.constant 0 : index
          %get3A_1162 = tpu.vector_load %arg11[%get3A_1159, %get3A_1160, %get3A_1161] {strides = array<i32>} : memref<2x512x32xf32, #tpu.memory_space<vmem>>, vector<16xf32>,
          %mul3A_1163 = arith.mulf %gather3A_1158, %get3A_1162 : vector<16xf32>
          %add3A_1164 = arith.addf %add3A_1145, %mul3A_1163 : vector<16xf32>
          %get3A_1165 = arith.index_cast %rem3A_155 : i32 to index
          %get3A_1166 = arith.index_cast %add3A_1155 : i32 to index
          %get3A_1167 = arith.constant 16 : index
          %get3A_1168 = tpu.vector_load %arg11[%get3A_1165, %get3A_1166, %get3A_1167] {strides = array<i32>} : memref<2x512x32xf32, #tpu.memory_space<vmem>>, vector<16xf32>,
          %mul3A_1169 = arith.mulf %gather3A_1158, %get3A_1168 : vector<16xf32>
          %add3A_1170 = arith.addf %add3A_1151, %mul3A_1169 : vector<16xf32>
          %mul3A_1171 = arith.constant 64 : i32
          %mul3A_1172 = arith.muli %scan3A_237, %mul3A_1171 : i32
          %add3A_1173 = arith.constant 49 : i32
          %add3A_1174 = arith.addi %mul3A_1172, %add3A_1173 : i32
          %broadcast_in_dim3A_1175 = vector.broadcast %rem3A_155 : i32 to vector<16xi32>
          %broadcast_in_dim3A_1176 = vector.broadcast %add3A_1174 : i32 to vector<16xi32>
          %gather3A_1177 = tpu.vector_load_idx %arg10[%broadcast_in_dim3A_1175, %broadcast_in_dim3A_1176] : memref<2x512xf32, #tpu.memory_space<vmem>>[vector<16xi32>, vector<16xi32>], vector<16xf32>,
          %get3A_1178 = arith.index_cast %rem3A_155 : i32 to index
          %get3A_1179 = arith.index_cast %add3A_1174 : i32 to index
          %get3A_1180 = arith.constant 0 : index
          %get3A_1181 = tpu.vector_load %arg11[%get3A_1178, %get3A_1179, %get3A_1180] {strides = array<i32>} : memref<2x512x32xf32, #tpu.memory_space<vmem>>, vector<16xf32>,
          %mul3A_1182 = arith.mulf %gather3A_1177, %get3A_1181 : vector<16xf32>
          %add3A_1183 = arith.addf %add3A_1164, %mul3A_1182 : vector<16xf32>
          %get3A_1184 = arith.index_cast %rem3A_155 : i32 to index
          %get3A_1185 = arith.index_cast %add3A_1174 : i32 to index
          %get3A_1186 = arith.constant 16 : index
          %get3A_1187 = tpu.vector_load %arg11[%get3A_1184, %get3A_1185, %get3A_1186] {strides = array<i32>} : memref<2x512x32xf32, #tpu.memory_space<vmem>>, vector<16xf32>,
          %mul3A_1188 = arith.mulf %gather3A_1177, %get3A_1187 : vector<16xf32>
          %add3A_1189 = arith.addf %add3A_1170, %mul3A_1188 : vector<16xf32>
          %mul3A_1190 = arith.constant 64 : i32
          %mul3A_1191 = arith.muli %scan3A_237, %mul3A_1190 : i32
          %add3A_1192 = arith.constant 50 : i32
          %add3A_1193 = arith.addi %mul3A_1191, %add3A_1192 : i32
          %broadcast_in_dim3A_1194 = vector.broadcast %rem3A_155 : i32 to vector<16xi32>
          %broadcast_in_dim3A_1195 = vector.broadcast %add3A_1193 : i32 to vector<16xi32>
          %gather3A_1196 = tpu.vector_load_idx %arg10[%broadcast_in_dim3A_1194, %broadcast_in_dim3A_1195] : memref<2x512xf32, #tpu.memory_space<vmem>>[vector<16xi32>, vector<16xi32>], vector<16xf32>,
          %get3A_1197 = arith.index_cast %rem3A_155 : i32 to index
          %get3A_1198 = arith.index_cast %add3A_1193 : i32 to index
          %get3A_1199 = arith.constant 0 : index
          %get3A_1200 = tpu.vector_load %arg11[%get3A_1197, %get3A_1198, %get3A_1199] {strides = array<i32>} : memref<2x512x32xf32, #tpu.memory_space<vmem>>, vector<16xf32>,
          %mul3A_1201 = arith.mulf %gather3A_1196, %get3A_1200 : vector<16xf32>
          %add3A_1202 = arith.addf %add3A_1183, %mul3A_1201 : vector<16xf32>
          %get3A_1203 = arith.index_cast %rem3A_155 : i32 to index
          %get3A_1204 = arith.index_cast %add3A_1193 : i32 to index
          %get3A_1205 = arith.constant 16 : index
          %get3A_1206 = tpu.vector_load %arg11[%get3A_1203, %get3A_1204, %get3A_1205] {strides = array<i32>} : memref<2x512x32xf32, #tpu.memory_space<vmem>>, vector<16xf32>,
          %mul3A_1207 = arith.mulf %gather3A_1196, %get3A_1206 : vector<16xf32>
          %add3A_1208 = arith.addf %add3A_1189, %mul3A_1207 : vector<16xf32>
          %mul3A_1209 = arith.constant 64 : i32
          %mul3A_1210 = arith.muli %scan3A_237, %mul3A_1209 : i32
          %add3A_1211 = arith.constant 51 : i32
          %add3A_1212 = arith.addi %mul3A_1210, %add3A_1211 : i32
          %broadcast_in_dim3A_1213 = vector.broadcast %rem3A_155 : i32 to vector<16xi32>
          %broadcast_in_dim3A_1214 = vector.broadcast %add3A_1212 : i32 to vector<16xi32>
          %gather3A_1215 = tpu.vector_load_idx %arg10[%broadcast_in_dim3A_1213, %broadcast_in_dim3A_1214] : memref<2x512xf32, #tpu.memory_space<vmem>>[vector<16xi32>, vector<16xi32>], vector<16xf32>,
          %get3A_1216 = arith.index_cast %rem3A_155 : i32 to index
          %get3A_1217 = arith.index_cast %add3A_1212 : i32 to index
          %get3A_1218 = arith.constant 0 : index
          %get3A_1219 = tpu.vector_load %arg11[%get3A_1216, %get3A_1217, %get3A_1218] {strides = array<i32>} : memref<2x512x32xf32, #tpu.memory_space<vmem>>, vector<16xf32>,
          %mul3A_1220 = arith.mulf %gather3A_1215, %get3A_1219 : vector<16xf32>
          %add3A_1221 = arith.addf %add3A_1202, %mul3A_1220 : vector<16xf32>
          %get3A_1222 = arith.index_cast %rem3A_155 : i32 to index
          %get3A_1223 = arith.index_cast %add3A_1212 : i32 to index
          %get3A_1224 = arith.constant 16 : index
          %get3A_1225 = tpu.vector_load %arg11[%get3A_1222, %get3A_1223, %get3A_1224] {strides = array<i32>} : memref<2x512x32xf32, #tpu.memory_space<vmem>>, vector<16xf32>,
          %mul3A_1226 = arith.mulf %gather3A_1215, %get3A_1225 : vector<16xf32>
          %add3A_1227 = arith.addf %add3A_1208, %mul3A_1226 : vector<16xf32>
          %mul3A_1228 = arith.constant 64 : i32
          %mul3A_1229 = arith.muli %scan3A_237, %mul3A_1228 : i32
          %add3A_1230 = arith.constant 52 : i32
          %add3A_1231 = arith.addi %mul3A_1229, %add3A_1230 : i32
          %broadcast_in_dim3A_1232 = vector.broadcast %rem3A_155 : i32 to vector<16xi32>
          %broadcast_in_dim3A_1233 = vector.broadcast %add3A_1231 : i32 to vector<16xi32>
          %gather3A_1234 = tpu.vector_load_idx %arg10[%broadcast_in_dim3A_1232, %broadcast_in_dim3A_1233] : memref<2x512xf32, #tpu.memory_space<vmem>>[vector<16xi32>, vector<16xi32>], vector<16xf32>,
          %get3A_1235 = arith.index_cast %rem3A_155 : i32 to index
          %get3A_1236 = arith.index_cast %add3A_1231 : i32 to index
          %get3A_1237 = arith.constant 0 : index
          %get3A_1238 = tpu.vector_load %arg11[%get3A_1235, %get3A_1236, %get3A_1237] {strides = array<i32>} : memref<2x512x32xf32, #tpu.memory_space<vmem>>, vector<16xf32>,
          %mul3A_1239 = arith.mulf %gather3A_1234, %get3A_1238 : vector<16xf32>
          %add3A_1240 = arith.addf %add3A_1221, %mul3A_1239 : vector<16xf32>
          %get3A_1241 = arith.index_cast %rem3A_155 : i32 to index
          %get3A_1242 = arith.index_cast %add3A_1231 : i32 to index
          %get3A_1243 = arith.constant 16 : index
          %get3A_1244 = tpu.vector_load %arg11[%get3A_1241, %get3A_1242, %get3A_1243] {strides = array<i32>} : memref<2x512x32xf32, #tpu.memory_space<vmem>>, vector<16xf32>,
          %mul3A_1245 = arith.mulf %gather3A_1234, %get3A_1244 : vector<16xf32>
          %add3A_1246 = arith.addf %add3A_1227, %mul3A_1245 : vector<16xf32>
          %mul3A_1247 = arith.constant 64 : i32
          %mul3A_1248 = arith.muli %scan3A_237, %mul3A_1247 : i32
          %add3A_1249 = arith.constant 53 : i32
          %add3A_1250 = arith.addi %mul3A_1248, %add3A_1249 : i32
          %broadcast_in_dim3A_1251 = vector.broadcast %rem3A_155 : i32 to vector<16xi32>
          %broadcast_in_dim3A_1252 = vector.broadcast %add3A_1250 : i32 to vector<16xi32>
          %gather3A_1253 = tpu.vector_load_idx %arg10[%broadcast_in_dim3A_1251, %broadcast_in_dim3A_1252] : memref<2x512xf32, #tpu.memory_space<vmem>>[vector<16xi32>, vector<16xi32>], vector<16xf32>,
          %get3A_1254 = arith.index_cast %rem3A_155 : i32 to index
          %get3A_1255 = arith.index_cast %add3A_1250 : i32 to index
          %get3A_1256 = arith.constant 0 : index
          %get3A_1257 = tpu.vector_load %arg11[%get3A_1254, %get3A_1255, %get3A_1256] {strides = array<i32>} : memref<2x512x32xf32, #tpu.memory_space<vmem>>, vector<16xf32>,
          %mul3A_1258 = arith.mulf %gather3A_1253, %get3A_1257 : vector<16xf32>
          %add3A_1259 = arith.addf %add3A_1240, %mul3A_1258 : vector<16xf32>
          %get3A_1260 = arith.index_cast %rem3A_155 : i32 to index
          %get3A_1261 = arith.index_cast %add3A_1250 : i32 to index
          %get3A_1262 = arith.constant 16 : index
          %get3A_1263 = tpu.vector_load %arg11[%get3A_1260, %get3A_1261, %get3A_1262] {strides = array<i32>} : memref<2x512x32xf32, #tpu.memory_space<vmem>>, vector<16xf32>,
          %mul3A_1264 = arith.mulf %gather3A_1253, %get3A_1263 : vector<16xf32>
          %add3A_1265 = arith.addf %add3A_1246, %mul3A_1264 : vector<16xf32>
          %mul3A_1266 = arith.constant 64 : i32
          %mul3A_1267 = arith.muli %scan3A_237, %mul3A_1266 : i32
          %add3A_1268 = arith.constant 54 : i32
          %add3A_1269 = arith.addi %mul3A_1267, %add3A_1268 : i32
          %broadcast_in_dim3A_1270 = vector.broadcast %rem3A_155 : i32 to vector<16xi32>
          %broadcast_in_dim3A_1271 = vector.broadcast %add3A_1269 : i32 to vector<16xi32>
          %gather3A_1272 = tpu.vector_load_idx %arg10[%broadcast_in_dim3A_1270, %broadcast_in_dim3A_1271] : memref<2x512xf32, #tpu.memory_space<vmem>>[vector<16xi32>, vector<16xi32>], vector<16xf32>,
          %get3A_1273 = arith.index_cast %rem3A_155 : i32 to index
          %get3A_1274 = arith.index_cast %add3A_1269 : i32 to index
          %get3A_1275 = arith.constant 0 : index
          %get3A_1276 = tpu.vector_load %arg11[%get3A_1273, %get3A_1274, %get3A_1275] {strides = array<i32>} : memref<2x512x32xf32, #tpu.memory_space<vmem>>, vector<16xf32>,
          %mul3A_1277 = arith.mulf %gather3A_1272, %get3A_1276 : vector<16xf32>
          %add3A_1278 = arith.addf %add3A_1259, %mul3A_1277 : vector<16xf32>
          %get3A_1279 = arith.index_cast %rem3A_155 : i32 to index
          %get3A_1280 = arith.index_cast %add3A_1269 : i32 to index
          %get3A_1281 = arith.constant 16 : index
          %get3A_1282 = tpu.vector_load %arg11[%get3A_1279, %get3A_1280, %get3A_1281] {strides = array<i32>} : memref<2x512x32xf32, #tpu.memory_space<vmem>>, vector<16xf32>,
          %mul3A_1283 = arith.mulf %gather3A_1272, %get3A_1282 : vector<16xf32>
          %add3A_1284 = arith.addf %add3A_1265, %mul3A_1283 : vector<16xf32>
          %mul3A_1285 = arith.constant 64 : i32
          %mul3A_1286 = arith.muli %scan3A_237, %mul3A_1285 : i32
          %add3A_1287 = arith.constant 55 : i32
          %add3A_1288 = arith.addi %mul3A_1286, %add3A_1287 : i32
          %broadcast_in_dim3A_1289 = vector.broadcast %rem3A_155 : i32 to vector<16xi32>
          %broadcast_in_dim3A_1290 = vector.broadcast %add3A_1288 : i32 to vector<16xi32>
          %gather3A_1291 = tpu.vector_load_idx %arg10[%broadcast_in_dim3A_1289, %broadcast_in_dim3A_1290] : memref<2x512xf32, #tpu.memory_space<vmem>>[vector<16xi32>, vector<16xi32>], vector<16xf32>,
          %get3A_1292 = arith.index_cast %rem3A_155 : i32 to index
          %get3A_1293 = arith.index_cast %add3A_1288 : i32 to index
          %get3A_1294 = arith.constant 0 : index
          %get3A_1295 = tpu.vector_load %arg11[%get3A_1292, %get3A_1293, %get3A_1294] {strides = array<i32>} : memref<2x512x32xf32, #tpu.memory_space<vmem>>, vector<16xf32>,
          %mul3A_1296 = arith.mulf %gather3A_1291, %get3A_1295 : vector<16xf32>
          %add3A_1297 = arith.addf %add3A_1278, %mul3A_1296 : vector<16xf32>
          %get3A_1298 = arith.index_cast %rem3A_155 : i32 to index
          %get3A_1299 = arith.index_cast %add3A_1288 : i32 to index
          %get3A_1300 = arith.constant 16 : index
          %get3A_1301 = tpu.vector_load %arg11[%get3A_1298, %get3A_1299, %get3A_1300] {strides = array<i32>} : memref<2x512x32xf32, #tpu.memory_space<vmem>>, vector<16xf32>,
          %mul3A_1302 = arith.mulf %gather3A_1291, %get3A_1301 : vector<16xf32>
          %add3A_1303 = arith.addf %add3A_1284, %mul3A_1302 : vector<16xf32>
          %mul3A_1304 = arith.constant 64 : i32
          %mul3A_1305 = arith.muli %scan3A_237, %mul3A_1304 : i32
          %add3A_1306 = arith.constant 56 : i32
          %add3A_1307 = arith.addi %mul3A_1305, %add3A_1306 : i32
          %broadcast_in_dim3A_1308 = vector.broadcast %rem3A_155 : i32 to vector<16xi32>
          %broadcast_in_dim3A_1309 = vector.broadcast %add3A_1307 : i32 to vector<16xi32>
          %gather3A_1310 = tpu.vector_load_idx %arg10[%broadcast_in_dim3A_1308, %broadcast_in_dim3A_1309] : memref<2x512xf32, #tpu.memory_space<vmem>>[vector<16xi32>, vector<16xi32>], vector<16xf32>,
          %get3A_1311 = arith.index_cast %rem3A_155 : i32 to index
          %get3A_1312 = arith.index_cast %add3A_1307 : i32 to index
          %get3A_1313 = arith.constant 0 : index
          %get3A_1314 = tpu.vector_load %arg11[%get3A_1311, %get3A_1312, %get3A_1313] {strides = array<i32>} : memref<2x512x32xf32, #tpu.memory_space<vmem>>, vector<16xf32>,
          %mul3A_1315 = arith.mulf %gather3A_1310, %get3A_1314 : vector<16xf32>
          %add3A_1316 = arith.addf %add3A_1297, %mul3A_1315 : vector<16xf32>
          %get3A_1317 = arith.index_cast %rem3A_155 : i32 to index
          %get3A_1318 = arith.index_cast %add3A_1307 : i32 to index
          %get3A_1319 = arith.constant 16 : index
          %get3A_1320 = tpu.vector_load %arg11[%get3A_1317, %get3A_1318, %get3A_1319] {strides = array<i32>} : memref<2x512x32xf32, #tpu.memory_space<vmem>>, vector<16xf32>,
          %mul3A_1321 = arith.mulf %gather3A_1310, %get3A_1320 : vector<16xf32>
          %add3A_1322 = arith.addf %add3A_1303, %mul3A_1321 : vector<16xf32>
          %mul3A_1323 = arith.constant 64 : i32
          %mul3A_1324 = arith.muli %scan3A_237, %mul3A_1323 : i32
          %add3A_1325 = arith.constant 57 : i32
          %add3A_1326 = arith.addi %mul3A_1324, %add3A_1325 : i32
          %broadcast_in_dim3A_1327 = vector.broadcast %rem3A_155 : i32 to vector<16xi32>
          %broadcast_in_dim3A_1328 = vector.broadcast %add3A_1326 : i32 to vector<16xi32>
          %gather3A_1329 = tpu.vector_load_idx %arg10[%broadcast_in_dim3A_1327, %broadcast_in_dim3A_1328] : memref<2x512xf32, #tpu.memory_space<vmem>>[vector<16xi32>, vector<16xi32>], vector<16xf32>,
          %get3A_1330 = arith.index_cast %rem3A_155 : i32 to index
          %get3A_1331 = arith.index_cast %add3A_1326 : i32 to index
          %get3A_1332 = arith.constant 0 : index
          %get3A_1333 = tpu.vector_load %arg11[%get3A_1330, %get3A_1331, %get3A_1332] {strides = array<i32>} : memref<2x512x32xf32, #tpu.memory_space<vmem>>, vector<16xf32>,
          %mul3A_1334 = arith.mulf %gather3A_1329, %get3A_1333 : vector<16xf32>
          %add3A_1335 = arith.addf %add3A_1316, %mul3A_1334 : vector<16xf32>
          %get3A_1336 = arith.index_cast %rem3A_155 : i32 to index
          %get3A_1337 = arith.index_cast %add3A_1326 : i32 to index
          %get3A_1338 = arith.constant 16 : index
          %get3A_1339 = tpu.vector_load %arg11[%get3A_1336, %get3A_1337, %get3A_1338] {strides = array<i32>} : memref<2x512x32xf32, #tpu.memory_space<vmem>>, vector<16xf32>,
          %mul3A_1340 = arith.mulf %gather3A_1329, %get3A_1339 : vector<16xf32>
          %add3A_1341 = arith.addf %add3A_1322, %mul3A_1340 : vector<16xf32>
          %mul3A_1342 = arith.constant 64 : i32
          %mul3A_1343 = arith.muli %scan3A_237, %mul3A_1342 : i32
          %add3A_1344 = arith.constant 58 : i32
          %add3A_1345 = arith.addi %mul3A_1343, %add3A_1344 : i32
          %broadcast_in_dim3A_1346 = vector.broadcast %rem3A_155 : i32 to vector<16xi32>
          %broadcast_in_dim3A_1347 = vector.broadcast %add3A_1345 : i32 to vector<16xi32>
          %gather3A_1348 = tpu.vector_load_idx %arg10[%broadcast_in_dim3A_1346, %broadcast_in_dim3A_1347] : memref<2x512xf32, #tpu.memory_space<vmem>>[vector<16xi32>, vector<16xi32>], vector<16xf32>,
          %get3A_1349 = arith.index_cast %rem3A_155 : i32 to index
          %get3A_1350 = arith.index_cast %add3A_1345 : i32 to index
          %get3A_1351 = arith.constant 0 : index
          %get3A_1352 = tpu.vector_load %arg11[%get3A_1349, %get3A_1350, %get3A_1351] {strides = array<i32>} : memref<2x512x32xf32, #tpu.memory_space<vmem>>, vector<16xf32>,
          %mul3A_1353 = arith.mulf %gather3A_1348, %get3A_1352 : vector<16xf32>
          %add3A_1354 = arith.addf %add3A_1335, %mul3A_1353 : vector<16xf32>
          %get3A_1355 = arith.index_cast %rem3A_155 : i32 to index
          %get3A_1356 = arith.index_cast %add3A_1345 : i32 to index
          %get3A_1357 = arith.constant 16 : index
          %get3A_1358 = tpu.vector_load %arg11[%get3A_1355, %get3A_1356, %get3A_1357] {strides = array<i32>} : memref<2x512x32xf32, #tpu.memory_space<vmem>>, vector<16xf32>,
          %mul3A_1359 = arith.mulf %gather3A_1348, %get3A_1358 : vector<16xf32>
          %add3A_1360 = arith.addf %add3A_1341, %mul3A_1359 : vector<16xf32>
          %mul3A_1361 = arith.constant 64 : i32
          %mul3A_1362 = arith.muli %scan3A_237, %mul3A_1361 : i32
          %add3A_1363 = arith.constant 59 : i32
          %add3A_1364 = arith.addi %mul3A_1362, %add3A_1363 : i32
          %broadcast_in_dim3A_1365 = vector.broadcast %rem3A_155 : i32 to vector<16xi32>
          %broadcast_in_dim3A_1366 = vector.broadcast %add3A_1364 : i32 to vector<16xi32>
          %gather3A_1367 = tpu.vector_load_idx %arg10[%broadcast_in_dim3A_1365, %broadcast_in_dim3A_1366] : memref<2x512xf32, #tpu.memory_space<vmem>>[vector<16xi32>, vector<16xi32>], vector<16xf32>,
          %get3A_1368 = arith.index_cast %rem3A_155 : i32 to index
          %get3A_1369 = arith.index_cast %add3A_1364 : i32 to index
          %get3A_1370 = arith.constant 0 : index
          %get3A_1371 = tpu.vector_load %arg11[%get3A_1368, %get3A_1369, %get3A_1370] {strides = array<i32>} : memref<2x512x32xf32, #tpu.memory_space<vmem>>, vector<16xf32>,
          %mul3A_1372 = arith.mulf %gather3A_1367, %get3A_1371 : vector<16xf32>
          %add3A_1373 = arith.addf %add3A_1354, %mul3A_1372 : vector<16xf32>
          %get3A_1374 = arith.index_cast %rem3A_155 : i32 to index
          %get3A_1375 = arith.index_cast %add3A_1364 : i32 to index
          %get3A_1376 = arith.constant 16 : index
          %get3A_1377 = tpu.vector_load %arg11[%get3A_1374, %get3A_1375, %get3A_1376] {strides = array<i32>} : memref<2x512x32xf32, #tpu.memory_space<vmem>>, vector<16xf32>,
          %mul3A_1378 = arith.mulf %gather3A_1367, %get3A_1377 : vector<16xf32>
          %add3A_1379 = arith.addf %add3A_1360, %mul3A_1378 : vector<16xf32>
          %mul3A_1380 = arith.constant 64 : i32
          %mul3A_1381 = arith.muli %scan3A_237, %mul3A_1380 : i32
          %add3A_1382 = arith.constant 60 : i32
          %add3A_1383 = arith.addi %mul3A_1381, %add3A_1382 : i32
          %broadcast_in_dim3A_1384 = vector.broadcast %rem3A_155 : i32 to vector<16xi32>
          %broadcast_in_dim3A_1385 = vector.broadcast %add3A_1383 : i32 to vector<16xi32>
          %gather3A_1386 = tpu.vector_load_idx %arg10[%broadcast_in_dim3A_1384, %broadcast_in_dim3A_1385] : memref<2x512xf32, #tpu.memory_space<vmem>>[vector<16xi32>, vector<16xi32>], vector<16xf32>,
          %get3A_1387 = arith.index_cast %rem3A_155 : i32 to index
          %get3A_1388 = arith.index_cast %add3A_1383 : i32 to index
          %get3A_1389 = arith.constant 0 : index
          %get3A_1390 = tpu.vector_load %arg11[%get3A_1387, %get3A_1388, %get3A_1389] {strides = array<i32>} : memref<2x512x32xf32, #tpu.memory_space<vmem>>, vector<16xf32>,
          %mul3A_1391 = arith.mulf %gather3A_1386, %get3A_1390 : vector<16xf32>
          %add3A_1392 = arith.addf %add3A_1373, %mul3A_1391 : vector<16xf32>
          %get3A_1393 = arith.index_cast %rem3A_155 : i32 to index
          %get3A_1394 = arith.index_cast %add3A_1383 : i32 to index
          %get3A_1395 = arith.constant 16 : index
          %get3A_1396 = tpu.vector_load %arg11[%get3A_1393, %get3A_1394, %get3A_1395] {strides = array<i32>} : memref<2x512x32xf32, #tpu.memory_space<vmem>>, vector<16xf32>,
          %mul3A_1397 = arith.mulf %gather3A_1386, %get3A_1396 : vector<16xf32>
          %add3A_1398 = arith.addf %add3A_1379, %mul3A_1397 : vector<16xf32>
          %mul3A_1399 = arith.constant 64 : i32
          %mul3A_1400 = arith.muli %scan3A_237, %mul3A_1399 : i32
          %add3A_1401 = arith.constant 61 : i32
          %add3A_1402 = arith.addi %mul3A_1400, %add3A_1401 : i32
          %broadcast_in_dim3A_1403 = vector.broadcast %rem3A_155 : i32 to vector<16xi32>
          %broadcast_in_dim3A_1404 = vector.broadcast %add3A_1402 : i32 to vector<16xi32>
          %gather3A_1405 = tpu.vector_load_idx %arg10[%broadcast_in_dim3A_1403, %broadcast_in_dim3A_1404] : memref<2x512xf32, #tpu.memory_space<vmem>>[vector<16xi32>, vector<16xi32>], vector<16xf32>,
          %get3A_1406 = arith.index_cast %rem3A_155 : i32 to index
          %get3A_1407 = arith.index_cast %add3A_1402 : i32 to index
          %get3A_1408 = arith.constant 0 : index
          %get3A_1409 = tpu.vector_load %arg11[%get3A_1406, %get3A_1407, %get3A_1408] {strides = array<i32>} : memref<2x512x32xf32, #tpu.memory_space<vmem>>, vector<16xf32>,
          %mul3A_1410 = arith.mulf %gather3A_1405, %get3A_1409 : vector<16xf32>
          %add3A_1411 = arith.addf %add3A_1392, %mul3A_1410 : vector<16xf32>
          %get3A_1412 = arith.index_cast %rem3A_155 : i32 to index
          %get3A_1413 = arith.index_cast %add3A_1402 : i32 to index
          %get3A_1414 = arith.constant 16 : index
          %get3A_1415 = tpu.vector_load %arg11[%get3A_1412, %get3A_1413, %get3A_1414] {strides = array<i32>} : memref<2x512x32xf32, #tpu.memory_space<vmem>>, vector<16xf32>,
          %mul3A_1416 = arith.mulf %gather3A_1405, %get3A_1415 : vector<16xf32>
          %add3A_1417 = arith.addf %add3A_1398, %mul3A_1416 : vector<16xf32>
          %mul3A_1418 = arith.constant 64 : i32
          %mul3A_1419 = arith.muli %scan3A_237, %mul3A_1418 : i32
          %add3A_1420 = arith.constant 62 : i32
          %add3A_1421 = arith.addi %mul3A_1419, %add3A_1420 : i32
          %broadcast_in_dim3A_1422 = vector.broadcast %rem3A_155 : i32 to vector<16xi32>
          %broadcast_in_dim3A_1423 = vector.broadcast %add3A_1421 : i32 to vector<16xi32>
          %gather3A_1424 = tpu.vector_load_idx %arg10[%broadcast_in_dim3A_1422, %broadcast_in_dim3A_1423] : memref<2x512xf32, #tpu.memory_space<vmem>>[vector<16xi32>, vector<16xi32>], vector<16xf32>,
          %get3A_1425 = arith.index_cast %rem3A_155 : i32 to index
          %get3A_1426 = arith.index_cast %add3A_1421 : i32 to index
          %get3A_1427 = arith.constant 0 : index
          %get3A_1428 = tpu.vector_load %arg11[%get3A_1425, %get3A_1426, %get3A_1427] {strides = array<i32>} : memref<2x512x32xf32, #tpu.memory_space<vmem>>, vector<16xf32>,
          %mul3A_1429 = arith.mulf %gather3A_1424, %get3A_1428 : vector<16xf32>
          %add3A_1430 = arith.addf %add3A_1411, %mul3A_1429 : vector<16xf32>
          %get3A_1431 = arith.index_cast %rem3A_155 : i32 to index
          %get3A_1432 = arith.index_cast %add3A_1421 : i32 to index
          %get3A_1433 = arith.constant 16 : index
          %get3A_1434 = tpu.vector_load %arg11[%get3A_1431, %get3A_1432, %get3A_1433] {strides = array<i32>} : memref<2x512x32xf32, #tpu.memory_space<vmem>>, vector<16xf32>,
          %mul3A_1435 = arith.mulf %gather3A_1424, %get3A_1434 : vector<16xf32>
          %add3A_1436 = arith.addf %add3A_1417, %mul3A_1435 : vector<16xf32>
          %mul3A_1437 = arith.constant 64 : i32
          %mul3A_1438 = arith.muli %scan3A_237, %mul3A_1437 : i32
          %add3A_1439 = arith.constant 63 : i32
          %add3A_1440 = arith.addi %mul3A_1438, %add3A_1439 : i32
          %broadcast_in_dim3A_1441 = vector.broadcast %rem3A_155 : i32 to vector<16xi32>
          %broadcast_in_dim3A_1442 = vector.broadcast %add3A_1440 : i32 to vector<16xi32>
          %gather3A_1443 = tpu.vector_load_idx %arg10[%broadcast_in_dim3A_1441, %broadcast_in_dim3A_1442] : memref<2x512xf32, #tpu.memory_space<vmem>>[vector<16xi32>, vector<16xi32>], vector<16xf32>,
          %get3A_1444 = arith.index_cast %rem3A_155 : i32 to index
          %get3A_1445 = arith.index_cast %add3A_1440 : i32 to index
          %get3A_1446 = arith.constant 0 : index
          %get3A_1447 = tpu.vector_load %arg11[%get3A_1444, %get3A_1445, %get3A_1446] {strides = array<i32>} : memref<2x512x32xf32, #tpu.memory_space<vmem>>, vector<16xf32>,
          %mul3A_1448 = arith.mulf %gather3A_1443, %get3A_1447 : vector<16xf32>
          %add3A_1449 = arith.addf %add3A_1430, %mul3A_1448 : vector<16xf32>
          %get3A_1450 = arith.index_cast %rem3A_155 : i32 to index
          %get3A_1451 = arith.index_cast %add3A_1440 : i32 to index
          %get3A_1452 = arith.constant 16 : index
          %get3A_1453 = tpu.vector_load %arg11[%get3A_1450, %get3A_1451, %get3A_1452] {strides = array<i32>} : memref<2x512x32xf32, #tpu.memory_space<vmem>>, vector<16xf32>,
          %mul3A_1454 = arith.mulf %gather3A_1443, %get3A_1453 : vector<16xf32>
          %add3A_1455 = arith.addf %add3A_1436, %mul3A_1454 : vector<16xf32>
          %swap3A = arith.index_cast %rem3A_155 : i32 to index
          %swap3A_1456 = arith.index_cast %scan3A_237 : i32 to index
          %swap3A_1457 = arith.constant 0 : index
          %swap3A_1458 = tpu.vector_load %arg12[%swap3A, %swap3A_1456, %swap3A_1457] {strides = array<i32>} : memref<2x8x32xf32, #tpu.memory_space<vmem>>, vector<16xf32>,
          tpu.vector_store %arg12[%swap3A, %swap3A_1456, %swap3A_1457], %add3A_1449 {strides = array<i32>} : memref<2x8x32xf32, #tpu.memory_space<vmem>>, vector<16xf32>,
          %swap3A_1459 = arith.index_cast %rem3A_155 : i32 to index
          %swap3A_1460 = arith.index_cast %scan3A_237 : i32 to index
          %swap3A_1461 = arith.constant 16 : index
          %swap3A_1462 = tpu.vector_load %arg12[%swap3A_1459, %swap3A_1460, %swap3A_1461] {strides = array<i32>} : memref<2x8x32xf32, #tpu.memory_space<vmem>>, vector<16xf32>,
          tpu.vector_store %arg12[%swap3A_1459, %swap3A_1460, %swap3A_1461], %add3A_1455 {strides = array<i32>} : memref<2x8x32xf32, #tpu.memory_space<vmem>>, vector<16xf32>,
        }
        %scan3A_222 = arith.constant 8 : i32
        %dma_start3A_223 = arith.constant 0 : i32
        %dma_start3A_224 = arith.constant 0 : i32
        %dma_start3A_225 = tpu.memref_slice %arg12[%rem3A_155, %dma_start3A_223, %dma_start3A_224] : memref<2x8x32xf32, #tpu.memory_space<vmem>> -> memref<1x8x32xf32, #tpu.memory_space<vmem>>
        %dma_start3A_226 = tpu.memref_squeeze %dma_start3A_225 : memref<1x8x32xf32, #tpu.memory_space<vmem>> -> memref<8x32xf32, #tpu.memory_space<vmem>>
        %dma_start3A_227 = arith.constant 0 : i32
        %dma_start3A_228 = tpu.memref_slice %arg6[%add3A_212, %dma_start3A_227] : memref<38400x32xf32, #tpu.memory_space<hbm>> -> memref<8x32xf32, #tpu.memory_space<hbm>>
        %dma_start3A_229 = tpu.memref_slice %arg15[%rem3A_155] : memref<2x!tpu.dma_semaphore, #tpu.memory_space<semaphore_mem>> -> memref<1x!tpu.dma_semaphore, #tpu.memory_space<semaphore_mem>>
        %dma_start3A_230 = tpu.memref_squeeze %dma_start3A_229 : memref<1x!tpu.dma_semaphore, #tpu.memory_space<semaphore_mem>> -> memref<!tpu.dma_semaphore, #tpu.memory_space<semaphore_mem>>
        %dma_start3A_231 = arith.constant 0 : i32
        %dma_start3A_232 = tpu.memref_slice %arg6[%add3A_212, %dma_start3A_231] : memref<38400x32xf32, #tpu.memory_space<hbm>> -> memref<8x32xf32, #tpu.memory_space<hbm>>
        %dma_start3A_233 = arith.constant 0 : i32
        %dma_start3A_234 = arith.constant 0 : i32
        %dma_start3A_235 = tpu.memref_slice %arg12[%rem3A_155, %dma_start3A_233, %dma_start3A_234] : memref<2x8x32xf32, #tpu.memory_space<vmem>> -> memref<1x8x32xf32, #tpu.memory_space<vmem>>
        %dma_start3A_236 = tpu.memref_squeeze %dma_start3A_235 : memref<1x8x32xf32, #tpu.memory_space<vmem>> -> memref<8x32xf32, #tpu.memory_space<vmem>>
        tpu.enqueue_dma source(%dma_start3A_236 : memref<8x32xf32, #tpu.memory_space<vmem>>) target(%dma_start3A_232 : memref<8x32xf32, #tpu.memory_space<hbm>>) target_semaphore(%dma_start3A_230 : memref<!tpu.dma_semaphore, #tpu.memory_space<semaphore_mem>>)
      } else {
      }
    }
    %scan3A_106 = arith.constant 151 : i32
    %mul3A_107 = arith.constant 1200 : i32
    %mul3A_108 = arith.muli %add3A, %mul3A_107 : i32
    %dma_wait3A = arith.constant 0 : i32
    %dma_wait3A_109 = arith.constant 0 : i32
    %dma_wait3A_110 = arith.constant 0 : i32
    %dma_wait3A_111 = arith.constant 0 : i32
    %dma_wait3A_112 = tpu.memref_slice %arg12[%dma_wait3A, %dma_wait3A_110, %dma_wait3A_111] : memref<2x8x32xf32, #tpu.memory_space<vmem>> -> memref<1x8x32xf32, #tpu.memory_space<vmem>>
    %dma_wait3A_113 = tpu.memref_squeeze %dma_wait3A_112 : memref<1x8x32xf32, #tpu.memory_space<vmem>> -> memref<8x32xf32, #tpu.memory_space<vmem>>
    %dma_wait3A_114 = arith.constant 0 : i32
    %dma_wait3A_115 = tpu.memref_slice %arg6[%mul3A_108, %dma_wait3A_114] : memref<38400x32xf32, #tpu.memory_space<hbm>> -> memref<8x32xf32, #tpu.memory_space<hbm>>
    %dma_wait3A_116 = tpu.memref_slice %arg15[%dma_wait3A_109] : memref<2x!tpu.dma_semaphore, #tpu.memory_space<semaphore_mem>> -> memref<1x!tpu.dma_semaphore, #tpu.memory_space<semaphore_mem>>
    %dma_wait3A_117 = tpu.memref_squeeze %dma_wait3A_116 : memref<1x!tpu.dma_semaphore, #tpu.memory_space<semaphore_mem>> -> memref<!tpu.dma_semaphore, #tpu.memory_space<semaphore_mem>>
    %dma_wait3A_118 = arith.constant 0 : i32
    %dma_wait3A_119 = tpu.memref_slice %arg6[%mul3A_108, %dma_wait3A_118] : memref<38400x32xf32, #tpu.memory_space<hbm>> -> memref<8x32xf32, #tpu.memory_space<hbm>>
    %dma_wait3A_120 = arith.constant 0 : i32
    %dma_wait3A_121 = arith.constant 0 : i32
    %dma_wait3A_122 = tpu.memref_slice %arg12[%dma_wait3A, %dma_wait3A_120, %dma_wait3A_121] : memref<2x8x32xf32, #tpu.memory_space<vmem>> -> memref<1x8x32xf32, #tpu.memory_space<vmem>>
    %dma_wait3A_123 = tpu.memref_squeeze %dma_wait3A_122 : memref<1x8x32xf32, #tpu.memory_space<vmem>> -> memref<8x32xf32, #tpu.memory_space<vmem>>
    tpu.wait_dma2 semaphore(%dma_wait3A_117 : memref<!tpu.dma_semaphore, #tpu.memory_space<semaphore_mem>>) src(%dma_wait3A_123 : memref<8x32xf32, #tpu.memory_space<vmem>>) dst(%dma_wait3A_119 : memref<8x32xf32, #tpu.memory_space<hbm>>)
    %mul3A_124 = arith.constant 1200 : i32
    %mul3A_125 = arith.muli %add3A, %mul3A_124 : i32
    %dma_wait3A_126 = arith.constant 1 : i32
    %dma_wait3A_127 = arith.constant 1 : i32
    %dma_wait3A_128 = arith.constant 0 : i32
    %dma_wait3A_129 = arith.constant 0 : i32
    %dma_wait3A_130 = tpu.memref_slice %arg12[%dma_wait3A_126, %dma_wait3A_128, %dma_wait3A_129] : memref<2x8x32xf32, #tpu.memory_space<vmem>> -> memref<1x8x32xf32, #tpu.memory_space<vmem>>
    %dma_wait3A_131 = tpu.memref_squeeze %dma_wait3A_130 : memref<1x8x32xf32, #tpu.memory_space<vmem>> -> memref<8x32xf32, #tpu.memory_space<vmem>>
    %dma_wait3A_132 = arith.constant 0 : i32
    %dma_wait3A_133 = tpu.memref_slice %arg6[%mul3A_125, %dma_wait3A_132] : memref<38400x32xf32, #tpu.memory_space<hbm>> -> memref<8x32xf32, #tpu.memory_space<hbm>>
    %dma_wait3A_134 = tpu.memref_slice %arg15[%dma_wait3A_127] : memref<2x!tpu.dma_semaphore, #tpu.memory_space<semaphore_mem>> -> memref<1x!tpu.dma_semaphore, #tpu.memory_space<semaphore_mem>>
    %dma_wait3A_135 = tpu.memref_squeeze %dma_wait3A_134 : memref<1x!tpu.dma_semaphore, #tpu.memory_space<semaphore_mem>> -> memref<!tpu.dma_semaphore, #tpu.memory_space<semaphore_mem>>
    %dma_wait3A_136 = arith.constant 0 : i32
    %dma_wait3A_137 = tpu.memref_slice %arg6[%mul3A_125, %dma_wait3A_136] : memref<38400x32xf32, #tpu.memory_space<hbm>> -> memref<8x32xf32, #tpu.memory_space<hbm>>
    %dma_wait3A_138 = arith.constant 0 : i32
    %dma_wait3A_139 = arith.constant 0 : i32
    %dma_wait3A_140 = tpu.memref_slice %arg12[%dma_wait3A_126, %dma_wait3A_138, %dma_wait3A_139] : memref<2x8x32xf32, #tpu.memory_space<vmem>> -> memref<1x8x32xf32, #tpu.memory_space<vmem>>
    %dma_wait3A_141 = tpu.memref_squeeze %dma_wait3A_140 : memref<1x8x32xf32, #tpu.memory_space<vmem>> -> memref<8x32xf32, #tpu.memory_space<vmem>>
    tpu.wait_dma2 semaphore(%dma_wait3A_135 : memref<!tpu.dma_semaphore, #tpu.memory_space<semaphore_mem>>) src(%dma_wait3A_141 : memref<8x32xf32, #tpu.memory_space<vmem>>) dst(%dma_wait3A_137 : memref<8x32xf32, #tpu.memory_space<hbm>>)
    return
  }
}

module attributes {stable_mosaic.version = 14 : i64} {
  func.func @_mm_kernel(%arg0: i32, %arg1: memref<600x256xf32, #tpu.memory_space<vmem>>, %arg2: memref<256x384xf32, #tpu.memory_space<vmem>>, %arg3: memref<1x384xf32, #tpu.memory_space<vmem>>, %arg4: memref<600x384xf32, #tpu.memory_space<vmem>>) attributes {dimension_semantics = [#tpu.dimension_semantics<arbitrary>], iteration_bounds = array<i64: 8>, scalar_prefetch = 0 : i64, scratch_operands = 0 : i64, tpu.core_type = #tpu.core_type<tc>, window_params = [{transform_indices = @transform_0, window_bounds = array<i64: 600, 256>}, {pipeline_mode = #tpu.pipeline_mode<synchronous>, transform_indices = @transform_1, window_bounds = array<i64: 256, 384>}, {pipeline_mode = #tpu.pipeline_mode<synchronous>, transform_indices = @transform_2, window_bounds = array<i64: 1, 384>}, {transform_indices = @transform_3, window_bounds = array<i64: 600, 384>}]} {
    %get3A = arith.constant 0 : index
    %get3A_0 = arith.constant 0 : index
    %get3A_1 = vector.load %arg1[%get3A, %get3A_0] : memref<600x256xf32, #tpu.memory_space<vmem>>, vector<600x256xf32>
    %get3A_2 = arith.constant 0 : index
    %get3A_3 = arith.constant 0 : index
    %get3A_4 = vector.load %arg2[%get3A_2, %get3A_3] : memref<256x384xf32, #tpu.memory_space<vmem>>, vector<256x384xf32>
    %dot_general3A = arith.constant dense<0.000000e+00> : vector<600x384xf32>
    %dot_general3A_5 = tpu.matmul %get3A_1, %get3A_4, %dot_general3A {dimension_numbers = #tpu.dot_dimension_numbers<[1], [0], [0], [1], [0, 0, 1, 1], [], []>, transpose_lhs_hint = false} : vector<600x256xf32>, vector<256x384xf32>, vector<600x384xf32> -> vector<600x384xf32>
    %get3A_6 = arith.constant 0 : index
    %get3A_7 = arith.constant 0 : index
    %get3A_8 = vector.load %arg3[%get3A_6, %get3A_7] : memref<1x384xf32, #tpu.memory_space<vmem>>, vector<1x384xf32>
    %add3A = vector.broadcast %get3A_8 : vector<1x384xf32> to vector<600x384xf32>
    %add3A_9 = arith.addf %dot_general3A_5, %add3A : vector<600x384xf32>
    %swap3A = arith.constant 0 : index
    %swap3A_10 = arith.constant 0 : index
    %swap3A_11 = vector.load %arg4[%swap3A, %swap3A_10] : memref<600x384xf32, #tpu.memory_space<vmem>>, vector<600x384xf32>
    tpu.vector_store %arg4[%swap3A, %swap3A_10], %add3A_9 {strides = array<i32>} : memref<600x384xf32, #tpu.memory_space<vmem>>, vector<600x384xf32>,
    return
  }
  func.func @transform_0(%arg0: i32) -> (i32, i32) {
    %c0_i32 = arith.constant 0 : i32
    %c0_i32_0 = arith.constant 0 : i32
    return %arg0, %c0_i32 : i32, i32
  }
  func.func @transform_1(%arg0: i32) -> (i32, i32) {
    %c0_i32 = arith.constant 0 : i32
    %c0_i32_0 = arith.constant 0 : i32
    %c0_i32_1 = arith.constant 0 : i32
    return %c0_i32, %c0_i32_0 : i32, i32
  }
  func.func @transform_2(%arg0: i32) -> (i32, i32) {
    %c0_i32 = arith.constant 0 : i32
    %c0_i32_0 = arith.constant 0 : i32
    %c0_i32_1 = arith.constant 0 : i32
    return %c0_i32, %c0_i32_0 : i32, i32
  }
  func.func @transform_3(%arg0: i32) -> (i32, i32) {
    %c0_i32 = arith.constant 0 : i32
    %c0_i32_0 = arith.constant 0 : i32
    return %arg0, %c0_i32 : i32, i32
  }
}

module attributes {stable_mosaic.version = 14 : i64} {
  func.func @_mm2_kernel(%arg0: i32, %arg1: memref<1088x256xf32, #tpu.memory_space<vmem>>, %arg2: memref<256x256xf32, #tpu.memory_space<vmem>>, %arg3: memref<1x256xf32, #tpu.memory_space<vmem>>, %arg4: memref<1088x128xf32, #tpu.memory_space<vmem>>, %arg5: memref<1088x128xf32, #tpu.memory_space<vmem>>) attributes {dimension_semantics = [#tpu.dimension_semantics<arbitrary>], iteration_bounds = array<i64: 125>, scalar_prefetch = 0 : i64, scratch_operands = 0 : i64, tpu.core_type = #tpu.core_type<tc>, window_params = [{transform_indices = @transform_0, window_bounds = array<i64: 1088, 256>}, {pipeline_mode = #tpu.pipeline_mode<synchronous>, transform_indices = @transform_1, window_bounds = array<i64: 256, 256>}, {pipeline_mode = #tpu.pipeline_mode<synchronous>, transform_indices = @transform_2, window_bounds = array<i64: 1, 256>}, {transform_indices = @transform_3, window_bounds = array<i64: 1088, 128>}, {transform_indices = @transform_4, window_bounds = array<i64: 1088, 128>}]} {
    %get3A = arith.constant 0 : index
    %get3A_0 = arith.constant 0 : index
    %get3A_1 = vector.load %arg1[%get3A, %get3A_0] : memref<1088x256xf32, #tpu.memory_space<vmem>>, vector<1088x256xf32>
    %get3A_2 = arith.constant 0 : index
    %get3A_3 = arith.constant 0 : index
    %get3A_4 = vector.load %arg2[%get3A_2, %get3A_3] : memref<256x256xf32, #tpu.memory_space<vmem>>, vector<256x256xf32>
    %dot_general3A = arith.constant dense<0.000000e+00> : vector<1088x256xf32>
    %dot_general3A_5 = tpu.matmul %get3A_1, %get3A_4, %dot_general3A {dimension_numbers = #tpu.dot_dimension_numbers<[1], [0], [0], [1], [0, 0, 1, 1], [], []>, transpose_lhs_hint = false} : vector<1088x256xf32>, vector<256x256xf32>, vector<1088x256xf32> -> vector<1088x256xf32>
    %get3A_6 = arith.constant 0 : index
    %get3A_7 = arith.constant 0 : index
    %get3A_8 = vector.load %arg3[%get3A_6, %get3A_7] : memref<1x256xf32, #tpu.memory_space<vmem>>, vector<1x256xf32>
    %add3A = vector.broadcast %get3A_8 : vector<1x256xf32> to vector<1088x256xf32>
    %add3A_9 = arith.addf %dot_general3A_5, %add3A : vector<1088x256xf32>
    %slice3A = vector.extract_strided_slice %add3A_9 {offsets = [0, 0], sizes = [1088, 128], strides = [1, 1]} : vector<1088x256xf32> to vector<1088x128xf32>
    %swap3A = arith.constant 0 : index
    %swap3A_10 = arith.constant 0 : index
    %swap3A_11 = vector.load %arg4[%swap3A, %swap3A_10] : memref<1088x128xf32, #tpu.memory_space<vmem>>, vector<1088x128xf32>
    tpu.vector_store %arg4[%swap3A, %swap3A_10], %slice3A {strides = array<i32>} : memref<1088x128xf32, #tpu.memory_space<vmem>>, vector<1088x128xf32>,
    %slice3A_12 = vector.extract_strided_slice %add3A_9 {offsets = [0, 128], sizes = [1088, 128], strides = [1, 1]} : vector<1088x256xf32> to vector<1088x128xf32>
    %swap3A_13 = arith.constant 0 : index
    %swap3A_14 = arith.constant 0 : index
    %swap3A_15 = vector.load %arg5[%swap3A_13, %swap3A_14] : memref<1088x128xf32, #tpu.memory_space<vmem>>, vector<1088x128xf32>
    tpu.vector_store %arg5[%swap3A_13, %swap3A_14], %slice3A_12 {strides = array<i32>} : memref<1088x128xf32, #tpu.memory_space<vmem>>, vector<1088x128xf32>,
    return
  }
  func.func @transform_0(%arg0: i32) -> (i32, i32) {
    %c0_i32 = arith.constant 0 : i32
    %c0_i32_0 = arith.constant 0 : i32
    return %arg0, %c0_i32 : i32, i32
  }
  func.func @transform_1(%arg0: i32) -> (i32, i32) {
    %c0_i32 = arith.constant 0 : i32
    %c0_i32_0 = arith.constant 0 : i32
    %c0_i32_1 = arith.constant 0 : i32
    return %c0_i32, %c0_i32_0 : i32, i32
  }
  func.func @transform_2(%arg0: i32) -> (i32, i32) {
    %c0_i32 = arith.constant 0 : i32
    %c0_i32_0 = arith.constant 0 : i32
    %c0_i32_1 = arith.constant 0 : i32
    return %c0_i32, %c0_i32_0 : i32, i32
  }
  func.func @transform_3(%arg0: i32) -> (i32, i32) {
    %c0_i32 = arith.constant 0 : i32
    %c0_i32_0 = arith.constant 0 : i32
    return %arg0, %c0_i32 : i32, i32
  }
  func.func @transform_4(%arg0: i32) -> (i32, i32) {
    %c0_i32 = arith.constant 0 : i32
    %c0_i32_0 = arith.constant 0 : i32
    return %arg0, %c0_i32 : i32, i32
  }
}

module attributes {stable_mosaic.version = 14 : i64} {
  func.func @_mm_kernel(%arg0: i32, %arg1: memref<600x256xf32, #tpu.memory_space<vmem>>, %arg2: memref<256x256xf32, #tpu.memory_space<vmem>>, %arg3: memref<1x256xf32, #tpu.memory_space<vmem>>, %arg4: memref<600x256xf32, #tpu.memory_space<vmem>>) attributes {dimension_semantics = [#tpu.dimension_semantics<arbitrary>], iteration_bounds = array<i64: 8>, scalar_prefetch = 0 : i64, scratch_operands = 0 : i64, tpu.core_type = #tpu.core_type<tc>, window_params = [{transform_indices = @transform_0, window_bounds = array<i64: 600, 256>}, {pipeline_mode = #tpu.pipeline_mode<synchronous>, transform_indices = @transform_1, window_bounds = array<i64: 256, 256>}, {pipeline_mode = #tpu.pipeline_mode<synchronous>, transform_indices = @transform_2, window_bounds = array<i64: 1, 256>}, {transform_indices = @transform_3, window_bounds = array<i64: 600, 256>}]} {
    %get3A = arith.constant 0 : index
    %get3A_0 = arith.constant 0 : index
    %get3A_1 = vector.load %arg1[%get3A, %get3A_0] : memref<600x256xf32, #tpu.memory_space<vmem>>, vector<600x256xf32>
    %get3A_2 = arith.constant 0 : index
    %get3A_3 = arith.constant 0 : index
    %get3A_4 = vector.load %arg2[%get3A_2, %get3A_3] : memref<256x256xf32, #tpu.memory_space<vmem>>, vector<256x256xf32>
    %dot_general3A = arith.constant dense<0.000000e+00> : vector<600x256xf32>
    %dot_general3A_5 = tpu.matmul %get3A_1, %get3A_4, %dot_general3A {dimension_numbers = #tpu.dot_dimension_numbers<[1], [0], [0], [1], [0, 0, 1, 1], [], []>, transpose_lhs_hint = false} : vector<600x256xf32>, vector<256x256xf32>, vector<600x256xf32> -> vector<600x256xf32>
    %get3A_6 = arith.constant 0 : index
    %get3A_7 = arith.constant 0 : index
    %get3A_8 = vector.load %arg3[%get3A_6, %get3A_7] : memref<1x256xf32, #tpu.memory_space<vmem>>, vector<1x256xf32>
    %add3A = vector.broadcast %get3A_8 : vector<1x256xf32> to vector<600x256xf32>
    %add3A_9 = arith.addf %dot_general3A_5, %add3A : vector<600x256xf32>
    %swap3A = arith.constant 0 : index
    %swap3A_10 = arith.constant 0 : index
    %swap3A_11 = vector.load %arg4[%swap3A, %swap3A_10] : memref<600x256xf32, #tpu.memory_space<vmem>>, vector<600x256xf32>
    tpu.vector_store %arg4[%swap3A, %swap3A_10], %add3A_9 {strides = array<i32>} : memref<600x256xf32, #tpu.memory_space<vmem>>, vector<600x256xf32>,
    return
  }
  func.func @transform_0(%arg0: i32) -> (i32, i32) {
    %c0_i32 = arith.constant 0 : i32
    %c0_i32_0 = arith.constant 0 : i32
    return %arg0, %c0_i32 : i32, i32
  }
  func.func @transform_1(%arg0: i32) -> (i32, i32) {
    %c0_i32 = arith.constant 0 : i32
    %c0_i32_0 = arith.constant 0 : i32
    %c0_i32_1 = arith.constant 0 : i32
    return %c0_i32, %c0_i32_0 : i32, i32
  }
  func.func @transform_2(%arg0: i32) -> (i32, i32) {
    %c0_i32 = arith.constant 0 : i32
    %c0_i32_0 = arith.constant 0 : i32
    %c0_i32_1 = arith.constant 0 : i32
    return %c0_i32, %c0_i32_0 : i32, i32
  }
  func.func @transform_3(%arg0: i32) -> (i32, i32) {
    %c0_i32 = arith.constant 0 : i32
    %c0_i32_0 = arith.constant 0 : i32
    return %arg0, %c0_i32 : i32, i32
  }
}

</mosaic_0001>

<sc_bundles>
// kernel: kernel.6.cloned.1.call-start
scs
__scs_entry_jumppad:
0x0: {  	(pc) =	sbr.rel $0x88, $3  }
0x1: {  	(tag) =	ssettag $0x0;
	lr =	simm.s32 $0x1  }
0x2: {  	[smem:$0x3F96] =	sst lr;
	_ =	strace $0xD0000000  }
0x3: {  	_ = 	snop  }
0x4: {  	_ = 	snop  }
0x5: {  	_ = 	snop  }
0x6: {  	_ = 	snop  }
0x7: {  	_ = 	snop  }
__scs_overlays_trampoline_lowered:
0x8: {  	[smem:$0x3FA5] =	sst s0  }
0x9: {  	[smem:$0x3FA6] =	sst s1  }
0xa: {  	[smem:$0x3FA7] =	sst s2  }
0xb: {  	[smem:$0x3FA8] =	sst s3  }
0xc: {  	[smem:$0x3FA9] =	sst s4  }
0xd: {  	[smem:$0x3FAA] =	sst s5  }
0xe: {  	[smem:$0x3FAB] =	sst s6  }
0xf: {  	[smem:$0x3FAC] =	sst s7  }
0x10: {  	[smem:$0x3FAD] =	sst s8  }
0x11: {  	[smem:$0x3FAE] =	sst s9;
	s0 =	simm.s32 @!p0 $0x0  }
0x12: {  	s1 =	sld [smem:$0x3F94];
	s0 =	simm.s32 @p0 $0x1  }
0x13: {  	[smem:$0x3FAF] =	sst s0;
	s0 =	simm.s32 @!p1 $0x0  }
0x14: {  	s2 =	sld [smem:$0x3F93];
	s0 =	simm.s32 @p1 $0x1  }
0x15: {  	[smem:$0x3FB0] =	sst s0;
	s0 =	simm.s32 @!p2 $0x0  }
0x16: {  	s3 =	sld [smem:$0x3FDB];
	s0 =	simm.s32 @p2 $0x1  }
0x17: {  	s4 =	simm.s32 $0x1BF5;
	[smem:$0x3FB2] =	sst s0  }
0x18: {  	s0 =	sld [smem:$0x3F95];
	_ =	swait.ge [sflag:s4], $0x0  }
0x19: {  	s7 =	sld [smem:$0x3F96]  }
0x1a: {  	s8 =	sadd.s32 $0xFFFFE003, lr  }
0x1b: {  	s9 =	sadd.s32 $0xFFFFFEF7, lr;
	s5 =	simm.s32 $0xFFFFFFFF;
	p2 =	slt.u32 s8, $0xFFFFF086  }
0x1c: {  	p1 =	slt.u32 s9, $0xF7A;
	s5 =	simm.s32 @!p2 $0x0  }
0x1d: {  	s5 =	simm.s32 @p1 $0x1;
	p0 =	seq.s32 s7, s2  }
0x1e: {  	s7 =	smul.u32 @!p0 $0xF7A, s2;
	p2 =	seq.s32 @!p0 s5, $0x0  }
0x1f: {  	s9 =	smul.u32 $0xF7A, s1;
	s8 =	simm.s32 @!p0 $0x1BF5;
	p2 =	por !p2, p0  }
0x20: {  	[sflag:s8] =	ssyncset.s32 @!p0 $0xFFFFF086;
	s6 =	sadd.s32 @!p0 s3, s7;
	s7 =	simm.s32 @!p0 $0x108  }
0x21: {  	s3 =	sadd.s32 s3, s9;
	s6 =	sadd.s32 @!p0 $0x88, s6;
	s7 =	simm.s32 @p2 $0x1082  }
0x22: {  	[simem:s7], [sflag:s8] =	dma.local @!p0 [hbm:s6], $0xF7A  }
0x23: {  	s9 =	sor.u32 $0xD0000000, s2;
	s6 =	simm.s32 $0x108;
	_ =	swait.ge @!p0 [sflag:s8], $0x0  }
0x24: {  	s3 =	sadd.s32 $0x88, s3;
	s6 =	simm.s32 @!p1 $0x1082;
	[sflag:s4] =	ssyncset.s32 $0xFFFFF086  }
0x25: {  	[simem:s6], [sflag:s4] =	dma.local [hbm:s3], $0xF7A  }
0x26: {  	[smem:$0x3F96] =	sst s1;
	(tag) =	ssettag s2;
	_ =	strace s9  }
0x27: {  	s1 =	sld [smem:$0x3FA6]  }
0x28: {  	s2 =	sld [smem:$0x3FA7]  }
0x29: {  	s4 =	sld [smem:$0x3FA9]  }
0x2a: {  	p0 =	seq.s32 s5, $0x0;
	s5 =	sld [smem:$0x3FAA]  }
0x2b: {  	s6 =	sld [smem:$0x3FAB]  }
0x2c: {  	s7 =	sld [smem:$0x3FAC]  }
0x2d: {  	s3 =	simm.s32 $0x108;
	s8 =	sld [smem:$0x3FAD]  }
0x2e: {  	s3 =	simm.s32 @!p0 $0x1082;
	s9 =	sld [smem:$0x3FAE]  }
0x2f: {  	lr =	sadd.s32 s0, s3;
	s0 =	sld [smem:$0x3FA5]  }
0x30: {  	s3 =	sld [smem:$0x3FA8]  }
0x31: {  	[smem:$0x3FB1] =	sst s10  }
0x32: {  	s10 =	sld [smem:$0x3FAF];
	_ =	sdelay $0x3  }
0x33: {  	p0 =	seq.s32 s10, $0x1;
	s10 =	sld [smem:$0x3FB1];
	_ =	sdelay $0x3  }
0x34: {  	[smem:$0x3FB1] =	sst s10  }
0x35: {  	s10 =	sld [smem:$0x3FB0];
	_ =	sdelay $0x3  }
0x36: {  	p1 =	seq.s32 s10, $0x1;
	s10 =	sld [smem:$0x3FB1];
	_ =	sdelay $0x3  }
0x37: {  	[smem:$0x3FB1] =	sst s10  }
0x38: {  	s10 =	sld [smem:$0x3FB2]  }
0x39: {  	_ = 	snop;
	(pc) =	sbr.ind lr, $3  }
0x3a: {  	_ = 	snop  }
0x3b: {  	_ = 	snop  }
0x3c: {  	p2 =	seq.s32 s10, $0x1;
	s10 =	sld [smem:$0x3FB1]  }
0x3d: {  	_ =	shalt  }
0x3e: {  	_ =	shalt  }
0x3f: {  	_ =	shalt  }
0x40: {  	_ =	shalt  }
0x41: {  	_ =	shalt  }
0x42: {  	_ =	shalt  }
0x43: {  	_ =	shalt  }
0x44: {  	_ =	shalt  }
0x45: {  	_ =	shalt  }
0x46: {  	_ =	shalt  }
0x47: {  	_ =	shalt  }
0x48: {  	_ =	shalt  }
0x49: {  	_ =	shalt  }
0x4a: {  	_ =	shalt  }
0x4b: {  	_ =	shalt  }
0x4c: {  	_ =	shalt  }
0x4d: {  	_ =	shalt  }
0x4e: {  	_ =	shalt  }
0x4f: {  	_ =	shalt  }
0x50: {  	_ =	shalt  }
0x51: {  	_ =	shalt  }
0x52: {  	_ =	shalt  }
0x53: {  	_ =	shalt  }
0x54: {  	_ =	shalt  }
0x55: {  	_ =	shalt  }
0x56: {  	_ =	shalt  }
0x57: {  	_ =	shalt  }
0x58: {  	_ =	shalt  }
0x59: {  	_ =	shalt  }
0x5a: {  	_ =	shalt  }
0x5b: {  	_ =	shalt  }
0x5c: {  	_ =	shalt  }
0x5d: {  	_ =	shalt  }
0x5e: {  	_ =	shalt  }
0x5f: {  	_ =	shalt  }
0x60: {  	_ =	shalt  }
0x61: {  	_ =	shalt  }
0x62: {  	_ =	shalt  }
0x63: {  	_ =	shalt  }
0x64: {  	_ =	shalt  }
0x65: {  	_ =	shalt  }
0x66: {  	_ =	shalt  }
0x67: {  	_ =	shalt  }
0x68: {  	_ =	shalt  }
0x69: {  	_ =	shalt  }
0x6a: {  	_ =	shalt  }
0x6b: {  	_ =	shalt  }
0x6c: {  	_ =	shalt  }
0x6d: {  	_ =	shalt  }
0x6e: {  	_ =	shalt  }
0x6f: {  	_ =	shalt  }
0x70: {  	_ =	shalt  }
0x71: {  	_ =	shalt  }
0x72: {  	_ =	shalt  }
0x73: {  	_ =	shalt  }
0x74: {  	_ =	shalt  }
0x75: {  	_ =	shalt  }
0x76: {  	_ =	shalt  }
0x77: {  	_ =	shalt  }
0x78: {  	_ =	shalt  }
0x79: {  	_ =	shalt  }
0x7a: {  	_ =	shalt  }
0x7b: {  	_ =	shalt  }
0x7c: {  	_ =	shalt  }
0x7d: {  	_ =	shalt  }
0x7e: {  	_ =	shalt  }
0x7f: {  	_ =	shalt  }
0x80: {  	_ =	shalt  }
0x81: {  	_ =	shalt  }
0x82: {  	_ =	shalt  }
0x83: {  	_ =	shalt  }
0x84: {  	_ =	shalt  }
0x85: {  	_ =	shalt  }
0x86: {  	_ =	shalt  }
0x87: {  	_ =	shalt  }
.Lfunc_end0:
.L_simem_size_0:
called_computation_lowered:
.L_overlay_start_0:
0x88: {  	s2 =	sld [smem:$0x3FD9]  }
0x89: {  	s3 =	sld [smem:$0x3FFE];
	_ =	sdelay $0x1  }
0x8a: {  	s1 =	srdreg.scid  }
0x8b: {  	s0 =	sand.u32 $0x1, s1  }
0x8c: {  	s17 =	sshll.u32 s0, $0xA;
	s2 =	sadd.s32 s3, s2  }
0x8d: {  	s2 =	sadd.s32 s2, s17  }
0x8e: {  	[smem:$0x3FBD] =	sst s2  }
0x8f: {  	_ = 	snop  }
0x90: {  	s2 =	sld [smem:$0x3FD0];
	(tm) =	ssettm $0x1  }
0x91: {  	s18 =	sld [smem:$0x3FFB];
	_ =	sdelay $0x3  }
0x92: {  	_ =	strace s18  }
0x93: {  	s3 =	sld [smem:$0x3FFC];
	_ =	sdelay $0x3  }
0x94: {  	_ =	strace s3  }
0x95: {  	s3 =	sld [smem:$0x3FFD];
	_ =	sdelay $0x3  }
0x96: {  	_ =	strace s3  }
0x97: {  	_ =	strace $0x8FFFFFFF  }
0x98: {  	s19 =	sld [smem:$0x3FDB];
	_ =	sdelay $0x1  }
0x99: {  	s4 =	simm.s32 $_scs_section_size  }
0x9a: {  	s5 =	simm.s32 $_size__tile_overlayer_lowered;
	s6 =	simm.s32 $_tile_overlayer_lowered  }
0x9b: {  	s22 =	simm.s32 $0x1BFF;
	s21 =	sshll.u32 s6, $0x1;
	s3 =	sadd.s32 s4, s19  }
0x9c: {  	s7 =	simm.s32 $0x0;
	s20 =	sshll.u32 s5, $0x1;
	s5 =	sadd.s32 s21, s3  }
0x9d: {  	[timem:s7], [sflag:s22] =	dma.local [hbm:s5], s20  }
0x9e: {  	_ =	swait.ge [sflag:s22], s20  }
0x9f: {  	s4 =	ssub.s32 $0x0, s20;
	[sflag:s22] =	ssyncset.done $0x0  }
0xa0: {  	[sflag:s22] =	ssyncadd.s32 s4;
	_ =	sdelay $0x1  }
0xa1: {  	s23 =	simm.s32 $0x1B8B  }
0xa2: {  	_ =	swait.ge [sflag:s23], $0x1  }
0xa3: {  	[sflag:s23] =	ssyncset.done $0x0  }
0xa4: {  	s25 =	simm.s32 $0x1B8E;
	s24 =	sld [smem:$0x3FFE];
	[sflag:s23] =	ssyncadd.s32 $0xFFFFFFFF  }
0xa5: {  	s26 =	simm.s32 $execute0_lowered;
	[smem:$0x3FD2] =	sst s25  }
0xa6: {  	s5 =	sshll.u32 s26, $0x1;
	_ =	strace $0x80000046;
	[dreg:$0x1] =	wrdreg $0xFFFFFFFF  }
0xa7: {  	s28 =	simm.s32 $_size_execute0_lowered;
	s3 =	sadd.s32 s3, s5;
	[dreg:$0x0] =	wrdreg $0x0  }
0xa8: {  	s5 =	sshll.u32 s28, $0x1;
	[dreg:$0x2] =	wrdreg s3  }
0xa9: {  	[dreg:$0x3] =	wrdreg s5  }
0xaa: {  	[dreg:$0x4] =	wrdreg $0xC0  }
0xab: {  	_ =	task [dreg:s7], $0x5FFFF  }
0xac: {  	[dreg:$0x1] =	wrdreg $0xFFFFFFFF  }
0xad: {  	[dreg:$0x0] =	wrdreg $0x60  }
0xae: {  	[dreg:$0x2] =	wrdreg s24  }
0xaf: {  	[dreg:$0x3] =	wrdreg s2  }
0xb0: {  	[dreg:$0x4] =	wrdreg $0x9  }
0xb1: {  	_ =	task.clear_ibuf [dreg:s7], $0x5FFFF;
	_ =	strace $0x90000046  }
0xb2: {  	s29 =	simm.s32 $0x9;
	_ =	strace $0x80000048  }
0xb3: {  	_ =	swait.ge [sflag:s29], $0x1  }
0xb4: {  	[sflag:s29] =	ssyncadd.s32 $0xFFFFFFFF  }
0xb5: {  	_ =	strace $0x90000048  }
0xb6: {  	_ =	sfence  }
0xb7: {  	s30 =	sld [smem:$0x0];
	_ =	sdelay $0x2  }
0xb8: {  	s31 =	sshll.u32 s1, $0xD;
	s1 =	sshrl.u32 s1, $0x2  }
0xb9: {  	s3 =	sand.u32 $0x4000, s31;
	s1 =	sadd.s32 s1, s30  }
0xba: {  	s0 =	sor.u32 s3, s0;
	s1 =	sshll.u32 s1, $0x11  }
0xbb: {  	s0 =	sor.u32 s1, s0  }
0xbc: {  	s0 =	sadd.s32 $0x8F2B, s0  }
0xbd: {  	[sflag:s0] =	ssyncadd.remote.s32 $0x1  }
0xbe: {  	_ =	sfence.sel $0xFFFF  }
0xbf: {  	[dreg:$0x0] =	wrdreg $0xFFFFFFFF;
	(pc) =	sbr.abs _section_cstart, $3  }
0xc0: {  	[dreg:$0x1] =	wrdreg $0xFFFFFFFF  }
0xc1: {  	_ =	task.clear_ibuf [dreg:s7], $0x2FFFF;
	_ =	strace $0x9FFFFFFF  }
0xc2: {  	(tm) =	ssettm $0x7FFFFFFF  }
0xc3: {  	_ =	shalt  }
tec
execute0_lowered:
.L_overlay_start_1:
0x0: {  	(tag) =	ssettag $0x1  }
0x1: {  	s7 =	rddreg [dreg:$0x0]  }
0x2: {  	s1 =	rddreg [dreg:$0x1]  }
0x3: {  	s0 =	rddreg [dreg:$0x2];
	s3 =	simm.s32 $0x0;
	s4 =	srdreg.scid  }
0x4: {  	s2 =	stileid.u32;
	s10 =	simm.s32 $0x1;
	s18 =	simm.s32 $0x0  }
0x5: {  	[smem:$0x7FF] =	sst s3;
	s8 =	sand.u32 $0x1, s4;
	s6 =	sshll.u32 s2, $0x1  }
0x6: {  	s4 =	sadd.s32 $0x1E00, s7;
	s5 =	sadd.s32 $0x1400, s7;
	_ =	strace $0x80000047  }
0x7: {  	s12 =	sor.u32 s8, s6;
	s6 =	sadd.s32 $0x3A200, s7;
	p1 =	seq.s32 s8, $0x1  }
0x8: {  	s7 =	sadd.s32 $0x24D600, s7;
	s9 =	ssub.s32 $0x2, s8;
	s8 =	smul.u32 $0x96, s12  }
0x9: {  	p0 =	seq.s32 s12, $0x0;
	s11 =	sshrl.u32 s9, $0x1;
	s13 =	smul.u32 $0x1C20, s12  }
0xa: {  	s12 =	smul.u32 $0x9600, s12;
	p0 =	por !p0, !p1;
	s14 =	ssub.s32 s9, s11  }
0xb: {  	p0 =	por !p0, !p0;
	s30 =	sshrl.u32 s8, $0x1;
	s9 =	sadd.s32 s4, s13  }
.Ltmp0:
0xc: {  	s11 =	sor.u32 $0x1, s8;
	s10 =	simm.s32 @!p0 $0x0;
	(pc) =	sbr.rel .LBB2_1-.Ltmp0, $4  }
0xd: {  	s13 =	smax.u32 s14, $0x1;
	s15 =	ssub.s32 s2, s10;
	s10 =	sand.u32 $0xFFE, s30  }
0xe: {  	v4 =	vimm.s32 $0x0;
	vm0 =	vcmask $0x300;
	s14 =	simm.s32 $0x300;
	s16 =	sshll.u32 s15, $0x2;
	s10 =	sadd.s32 s5, s10  }
0xf: {  	v4 =	vsel vm0, $0x3, v4;
	s17 =	sshllo.u32 s15, $0x2;
	s31 =	sor.u32 $0x1, s16;
	v0 =	vmov s16;
	s16 =	sor.u32 $0x2, s16  }
0x10: {  	s15 =	simm.s32 $0x5;
	v3 =	vmov s17;
	s17 =	simm.s32 $0x720;
	v1 =	vmov s31;
	v2 =	vmov s16;
	s16 =	simm.s32 $0x6  }
.LBB2_7:
0x11: {  	s18 =	sadd.s32 $0x1, s18  }
0x12: {  	_ =	swait.ge [sflag:s15], $0x100;
	p0 =	sne.s32 s18, s13  }
.Ltmp1:
0x13: {  	[sflag:s15] =	ssyncset.done $0x0;
	(pc) =	sbr.rel @!p0 .LBB2_8-.Ltmp1, $4  }
0x14: {  	[sflag:s15] =	ssyncadd.s32 $0xFFFFFF00  }
0x15: {  	_ =	swait.ge [sflag:s16], $0x100  }
0x16: {  	[sflag:s16] =	ssyncset.done $0x0  }
0x17: {  	[sflag:s16] =	ssyncadd.s32 $0xFFFFFF00  }
.LBB2_1:
.Ltmp2:
0x18: {  	(pc) =	sbr.rel .LBB2_2-.Ltmp2, $4  }
0x19: {  	_ = 	snop  }
0x1a: {  	[tilespmem:s3], [sflag:$0x3] =	stream.linear.gather [hbm4b:s9+s3], $0x180, $0x38;
	[tilespmem:$0x8D20] =	vst v63  }
0x1b: {  	p0 =	por $0x1, $0x1;
	s19 =	simm.s32 $0x0  }
0x1c: {  	[tilespmem:s14], [sflag:$0x3] =	stream.linear.gather [hbm4b:s10+s3], $0x10, $0x38;
	[tilespmem:$0x8D20] =	vst v63  }
.LBB2_6:
0x1d: {  	s19 =	sadd.s32 $0x1, s19  }
0x1e: {  	p1 =	sne.s32 s19, $0x97  }
.Ltmp3:
0x1f: {  	_ = 	snop;
	(pc) =	sbr.rel @!p1 .LBB2_7-.Ltmp3, $2  }
0x20: {  	_ =	sdelay $0x2  }
0x21: {  	p0 =	por !p0, !p0  }
.LBB2_2:
0x22: {  	p1 =	seq.s32 s19, $0x96  }
0x23: {  	s20 =	sand.u32 @!p1 $0x1, s19  }
0x24: {  	s21 =	smin.u32 @!p1 s19, $0x94;
	s22 =	sxor.u32 @!p1 $0x1, s20  }
0x25: {  	s23 =	sadd.s32 @!p1 s21, s11;
	s21 =	smul.u32 @!p1 $0x600, s22  }
0x26: {  	s24 =	smul.u32 @!p1 $0x30, s23;
	s23 =	sshrl.u32 @!p1 s23, $0x1  }
0x27: {  	s25 =	sadd.s32 @!p1 $0x3, s22;
	s22 =	sshll.u32 @!p1 s22, $0x4;
	s23 =	sand.u32 @!p1 $0x1FFE, s23  }
0x28: {  	s26 =	sshrl.u32 @!p1 s21, $0x2;
	s24 =	sadd.s32 @!p1 s4, s24;
	s21 =	simm.s32 @!p1 $0x0  }
0x29: {  	[tilespmem:s26], [sflag:s25] =	stream.linear.gather @!p1 [hbm4b:s24+s21], $0x180, $0x38;
	[tilespmem:$0x8D20] =	vst v63  }
0x2a: {  	s22 =	sor.u32 @!p1 $0x300, s22;
	s23 =	sadd.s32 @!p1 s5, s23  }
0x2b: {  	[tilespmem:s22], [sflag:s25] =	stream.linear.gather @!p1 [hbm4b:s23+s21], $0x10, $0x38;
	[tilespmem:$0x8D20] =	vst v63  }
0x2c: {  	s22 =	sadd.s32 @!p1 $0x3, s20  }
0x2d: {  	_ =	swait.ge @!p1 [sflag:s22], $0x180  }
0x2e: {  	[sflag:s22] =	ssyncset.done @!p1 $0x0  }
0x2f: {  	[sflag:s22] =	ssyncadd.s32 @!p1 $0xFFFFFE80  }
0x30: {  	s23 =	smul.u32 @!p1 $0x600, s20;
	_ =	swait.ge @!p1 [sflag:s22], $0x10  }
0x31: {  	[sflag:s22] =	ssyncset.done @!p1 $0x0  }
0x32: {  	[sflag:s22] =	ssyncadd.s32 @!p1 $0xFFFFFFF0;
	s22 =	sshrl.u32 @!p1 s23, $0x2  }
0x33: {  	v5 =	vld @!p1 [tilespmem:s22+$0x100];
	_ =	sdelay $0x4  }
0x34: {  	(xrf0) =	vmax.scan.msk.f32 @!p1 $0xffff, v5;
	_ =	sdelay $0x5  }
0x35: {  	v6, _, _ =	vpop @!p1 (xrf0)  }
0x36: {  	v6 =	vbroadcast @!p1 v6, $0xF;
	_ =	sdelay $0x1  }
0x37: {  	v5 =	vsub.f32 @!p1 v5, v6;
	_ =	sdelay $0x1  }
0x38: {  	v5 =	vmul.f32 @!p1 $1.442695020e+00, v5;
	_ =	sdelay $0x1  }
0x39: {  	s23 =	sadd.s32 @!p1 s8, s19;
	(erf) = vpow2.f32 @!p1 v5  }
0x3a: {  	s24 =	sshll.u32 @!p1 s23, $0x2  }
0x3b: {  	s23 =	sshllo.u32 @!p1 s23, $0x2;
	s25 =	sor.u32 @!p1 $0x2, s24  }
0x3c: {  	v8 =	vmov @!p1 s23;
	v6 =	vmov @!p1 s25  }
0x3d: {  	v7 =	vmov @!p1 s24;
	v8 =	vand.u32 @!p1 $0xF, v8;
	v6 =	vand.u32 @!p1 $0xE, v6  }
0x3e: {  	v10 =	vand.u32 @!p1 $0xC, v7;
	v6 =	vbroadcast @!p1 v6, $0x0;
	v5 =	vmov @!p1 s20  }
0x3f: {  	v7 =	vlaneseq.u32 @!p1;
	v8 =	vbroadcast @!p1 v8, $0x0;
	v9 =	vshll.u32 @!p1 v5, $0x4  }
0x40: {  	s23 =	sor.u32 @!p1 $0x1, s24;
	v7 =	vmul.u32 @!p1 $0x2, v7;
	v11 =	vor.u32 @!p1 v9, v6;
	v6 =	vmul.u32 @!p1 $0x180, v5  }
0x41: {  	v5 =	vbroadcast @!p1 v10, $0x0;
	v10 =	vmov @!p1 s23;
	v8 =	vor.u32 @!p1 v9, v8  }
0x42: {  	v13 =	vor.u32 @!p1 $0x1, v7;
	v10 =	vand.u32 @!p1 $0xD, v10;
	v12 =	vor.u32 @!p1 v7, v6;
	v14 =	vpop @!p1 (erf)  }
0x43: {  	v10 =	vbroadcast @!p1 v10, $0x0;
	v13 =	vor.u32 @!p1 v13, v6;
	(xrf2) =	vadd.scan.msk.f32 @!p1 $0xffff, v14  }
0x44: {  	s23 =	simm.s32 @!p1 $0x300;
	v5 =	vor.u32 @!p1 v9, v5  }
0x45: {  	v9 =	vor.u32 @!p1 v9, v10;
	v11 =	vld.idx.msk @!p1 [tilespmem:v11+s23+$0x0], $0xffff  }
0x46: {  	v8 =	vld.idx.msk @!p1 [tilespmem:v8+s23+$0x0], $0xffff  }
0x47: {  	v15 =	vld.idx.msk @!p1 [tilespmem:v12+s21+$0x0], $0xffff  }
0x48: {  	v13 =	vld.idx.msk @!p1 [tilespmem:v13+s21+$0x0], $0xffff  }
0x49: {  	v10 =	vld.idx.msk @!p1 [tilespmem:v5+s23+$0x0], $0xffff  }
0x4a: {  	v9 =	vld.idx.msk @!p1 [tilespmem:v9+s23+$0x0], $0xffff;
	v11 =	vmul.f32 @!p1 $1.250000000e-01, v11  }
0x4b: {  	vm2 =	vcmask @!p1 $0xF00;
	v12 =	vmul.f32 @!p1 $1.250000000e-01, v8  }
0x4c: {  	vm0 =	vcmask @!p1 $0x1F10;
	v8 =	vmul.f32 @!p1 v15, v11;
	v15 =	vimm.f32 @!p1 $1.000000000e+01  }
0x4d: {  	vm1 =	vcmask @!p1 $0x2F20;
	v16 =	vmul.f32 @!p1 v13, v12;
	v15 =	vsel @!p1 vm2, $0x42A00000, v15;
	v5, _, _ =	vpop @!p1 (xrf2)  }
0x4e: {  	v8 =	vadd.f32 @!p1 v8, v10;
	v13 =	vsel @!p1 vm0, $0x42200000, v15;
	v5 =	vbroadcast @!p1 v5, $0xF  }
0x4f: {  	v15 =	vadd.f32 @!p1 v16, v9;
	v13 =	vsel @!p1 vm1, $0x41A00000, v13  }
0x50: {  	(erf) = vrcp.f32 @!p1 v5;
	v5 =	vmul.f32 @!p1 v13, v8  }
0x51: {  	v8 =	vmul.f32 @!p1 v13, v15  }
0x52: {  	v15 =	vadd.f32 @!p1 $-5.000000000e-01, v5  }
0x53: {  	v8 =	vadd.f32 @!p1 $-5.000000000e-01, v8  }
0x54: {  	v5 =	vtrunc.f32 @!p1 v15  }
0x55: {  	v16 =	vcvt.f32.s32 @!p1 v5;
	v5 =	vtrunc.f32 @!p1 v8  }
0x56: {  	v17 =	vcvt.f32.s32 @!p1 v5  }
0x57: {  	v18 =	vcvt.s32.f32 @!p1 v16  }
0x58: {  	v19 =	vcvt.s32.f32 @!p1 v17  }
0x59: {  	v5 =	vimm.s32 @!p1 $0x0;
	v20 =	vpop @!p1 (erf);
	vm3 =	vlt.f32 @!p1 v15, v18;
	v21 =	vadd.f32 @!p1 $-1.000000000e+00, v18  }
0x5a: {  	v20 =	vmul.f32 @!p1 v20, v14;
	v14 =	vsel @!p1 vm3, $0xFFFFFFFF, v5;
	v22 =	vadd.f32 @!p1 $-1.000000000e+00, v19  }
0x5b: {  	v14 =	vadd.s32 @!p1 v16, v14;
	v16 =	vsel @!p1 vm3, v21, v18;
	vm3 =	vlt.f32 @!p1 v8, v19  }
0x5c: {  	v18 =	vimm.s32 @!p1 $0xA;
	v16 =	vsub.f32 @!p1 v15, v16;
	v15 =	vsel @!p1 vm3, v22, v19  }
0x5d: {  	v21 =	vsub.f32 @!p1 v8, v15;
	v8 =	vsel @!p1 vm2, $0x50, v18  }
0x5e: {  	v23 =	vimm.s32 @!p1 $0x9;
	v19 =	vsel @!p1 vm3, $0xFFFFFFFF, v5;
	v8 =	vsel @!p1 vm0, $0x28, v8  }
0x5f: {  	vm3 =	vgt.s32 @!p1 v14, $0xFFFFFFFF;
	v15 =	vadd.s32 @!p1 v17, v19;
	v8 =	vsel @!p1 vm1, $0x14, v8  }
0x60: {  	v19 =	vadd.s32 @!p1 $0x1, v14;
	v22 =	vadd.s32 @!p1 $0x1, v15;
	vm4 =	vlt.s32 @!p1 v14, v8  }
0x61: {  	vm5 =	vmand @!p1 vm3, vm4;
	vm3 =	vgt.s32 @!p1 v19, $0xFFFFFFFF;
	vm4 =	vlt.s32 @!p1 v19, v8  }
0x62: {  	vm6 =	vlt.s32 @!p1 v15, v8;
	vm3 =	vmand @!p1 vm3, vm4;
	vm4 =	vgt.s32 @!p1 v15, $0xFFFFFFFF  }
0x63: {  	vm7 =	vlt.s32 @!p1 v22, v8;
	vm6 =	vmand @!p1 vm4, vm6;
	vm4 =	vgt.s32 @!p1 v22, $0xFFFFFFFF  }
0x64: {  	v17 =	vsub.f32 @!p1 $1.000000000e+00, v16;
	vm4 =	vmand @!p1 vm4, vm7;
	vm7 =	vgt.s32 @!p1 v14, $0x0  }
0x65: {  	v18 =	vsub.f32 @!p1 $1.000000000e+00, v21;
	v24 =	vnsel @!p1 vm7, $0x0, v14;
	v14 =	vsel @!p1 vm2, $0x4F, v23  }
0x66: {  	vm7 =	vgt.s32 @!p1 v15, $0x0;
	v23 =	vimm.s32 @!p1 $0x20D0;
	v14 =	vsel @!p1 vm0, $0x27, v14  }
0x67: {  	v15 =	vnsel @!p1 vm7, $0x0, v15;
	vm7 =	vgt.s32 @!p1 v22, $0x0;
	v23 =	vsel @!p1 vm2, $0x0, v23  }
0x68: {  	vm2 =	vgt.s32 @!p1 v19, $0x0;
	v14 =	vsel @!p1 vm1, $0x13, v14;
	v22 =	vnsel @!p1 vm7, $0x0, v22  }
0x69: {  	v19 =	vnsel @!p1 vm2, $0x0, v19;
	v15 =	vmin.u32 @!p1 v15, v14;
	v22 =	vmin.u32 @!p1 v22, v14  }
0x6a: {  	v19 =	vmin.u32 @!p1 v19, v14;
	v25 =	vmul.u32 @!p1 v8, v15;
	v15 =	vsel @!p1 vm0, $0x1900, v23  }
0x6b: {  	v22 =	vmul.u32 @!p1 v8, v22;
	v23 =	vmin.u32 @!p1 v24, v14;
	vm0 =	vmand @!p1 vm5, vm6  }
0x6c: {  	v15 =	vsel @!p1 vm1, $0x1F40, v15;
	v26 =	vsel @!p1 vm0, $0x3F800000, v5;
	vm0 =	vmand @!p1 vm3, vm6  }
0x6d: {  	v24 =	vadd.s32 @!p1 v15, v25;
	v25 =	vmul.f32 @!p1 v18, v17;
	v18 =	vmul.f32 @!p1 v18, v16  }
0x6e: {  	v22 =	vadd.s32 @!p1 v15, v22;
	v17 =	vmul.f32 @!p1 v21, v17;
	v16 =	vmul.f32 @!p1 v21, v16  }
0x6f: {  	v27 =	vadd.s32 @!p1 v23, v24;
	v24 =	vadd.s32 @!p1 v19, v24;
	v23 =	vadd.s32 @!p1 v23, v22  }
0x70: {  	v19 =	vadd.s32 @!p1 v19, v22;
	v25 =	vmul.f32 @!p1 v26, v25;
	v26 =	vsel @!p1 vm0, $0x3F800000, v5  }
0x71: {  	vm0 =	vmand @!p1 vm5, vm4;
	v21 =	vshll.u32 @!p1 v24, $0x6;
	v18 =	vmul.f32 @!p1 v26, v18  }
0x72: {  	s23 =	sshll.u32 @!p1 s20, $0x9;
	v26 =	vshll.u32 @!p1 v27, $0x6;
	v27 =	vsel @!p1 vm0, $0x3F800000, v5;
	v21 =	vadd.s32 @!p1 v0, v21  }
0x73: {  	vm0 =	vmand @!p1 vm3, vm4;
	v26 =	vadd.s32 @!p1 v0, v26;
	v25 =	vmul.f32 @!p1 v25, v20;
	[tilespmem:s23+$0x330] =	vst @!p1 v21  }
0x74: {  	v17 =	vmul.f32 @!p1 v27, v17;
	v22 =	vsel @!p1 vm0, $0x3F800000, v5;
	[tilespmem:s23+$0x320] =	vst @!p1 v26;
	v18 =	vmul.f32 @!p1 v18, v20  }
0x75: {  	v21 =	vshll.u32 @!p1 v23, $0x6;
	v16 =	vmul.f32 @!p1 v22, v16;
	[tilespmem:s23+$0x720] =	vst @!p1 v25  }
0x76: {  	v17 =	vmul.f32 @!p1 v17, v20;
	[tilespmem:s23+$0x730] =	vst @!p1 v18;
	v18 =	vadd.s32 @!p1 v0, v21  }
0x77: {  	v16 =	vmul.f32 @!p1 v16, v20;
	[tilespmem:s23+$0x340] =	vst @!p1 v18  }
0x78: {  	v18 =	vshll.u32 @!p1 v19, $0x6;
	[tilespmem:s23+$0x740] =	vst @!p1 v17  }
0x79: {  	v17 =	vadd.s32 @!p1 v0, v18;
	[tilespmem:s23+$0x750] =	vst @!p1 v16  }
0x7a: {  	[tilespmem:s23+$0x350] =	vst @!p1 v17  }
0x7b: {  	v16 =	vld @!p1 [tilespmem:s22+$0x110];
	_ =	sdelay $0x4  }
0x7c: {  	(xrf0) =	vmax.scan.msk.f32 @!p1 $0xffff, v16;
	_ =	sdelay $0x5  }
0x7d: {  	v17, _, _ =	vpop @!p1 (xrf0)  }
0x7e: {  	v17 =	vbroadcast @!p1 v17, $0xF;
	_ =	sdelay $0x1  }
0x7f: {  	v16 =	vsub.f32 @!p1 v16, v17;
	_ =	sdelay $0x1  }
0x80: {  	v16 =	vmul.f32 @!p1 $1.442695020e+00, v16;
	_ =	sdelay $0x1  }
0x81: {  	(erf) = vpow2.f32 @!p1 v16;
	_ =	sdelay $0x3  }
0x82: {  	v16 =	vor.u32 @!p1 $0x20, v7  }
0x83: {  	v17 =	vor.u32 @!p1 $0x21, v7;
	v16 =	vor.u32 @!p1 v16, v6  }
0x84: {  	v17 =	vor.u32 @!p1 v17, v6;
	_ =	sdelay $0x2  }
0x85: {  	v18 =	vpop @!p1 (erf)  }
0x86: {  	v16 =	vld.idx.msk @!p1 [tilespmem:v16+s21+$0x0], $0xffff;
	(xrf2) =	vadd.scan.msk.f32 @!p1 $0xffff, v18  }
0x87: {  	v17 =	vld.idx.msk @!p1 [tilespmem:v17+s21+$0x0], $0xffff;
	_ =	sdelay $0x3  }
0x88: {  	v16 =	vmul.f32 @!p1 v16, v11  }
0x89: {  	v17 =	vmul.f32 @!p1 v17, v12  }
0x8a: {  	v16 =	vadd.f32 @!p1 v16, v10  }
0x8b: {  	v17 =	vadd.f32 @!p1 v17, v9  }
0x8c: {  	v16 =	vmul.f32 @!p1 v13, v16  }
0x8d: {  	v17 =	vmul.f32 @!p1 v13, v17;
	v19, _, _ =	vpop @!p1 (xrf2)  }
0x8e: {  	v16 =	vadd.f32 @!p1 $-5.000000000e-01, v16;
	v19 =	vbroadcast @!p1 v19, $0xF  }
0x8f: {  	v17 =	vadd.f32 @!p1 $-5.000000000e-01, v17  }
0x90: {  	(erf) = vrcp.f32 @!p1 v19;
	v19 =	vtrunc.f32 @!p1 v16  }
0x91: {  	v20 =	vtrunc.f32 @!p1 v17;
	v19 =	vcvt.f32.s32 @!p1 v19  }
0x92: {  	v20 =	vcvt.f32.s32 @!p1 v20  }
0x93: {  	v21 =	vcvt.s32.f32 @!p1 v19  }
0x94: {  	v22 =	vcvt.s32.f32 @!p1 v20  }
0x95: {  	v23 =	vadd.f32 @!p1 $-1.000000000e+00, v21  }
0x96: {  	v24 =	vadd.f32 @!p1 $-1.000000000e+00, v22;
	vm0 =	vlt.f32 @!p1 v16, v21  }
0x97: {  	vm1 =	vlt.f32 @!p1 v17, v22;
	v21 =	vsel @!p1 vm0, v23, v21  }
0x98: {  	v23 =	vsel @!p1 vm1, $0xFFFFFFFF, v5;
	v16 =	vsub.f32 @!p1 v16, v21;
	v21 =	vsel @!p1 vm1, v24, v22  }
0x99: {  	v22 =	vsel @!p1 vm0, $0xFFFFFFFF, v5;
	v20 =	vadd.s32 @!p1 v20, v23;
	v17 =	vsub.f32 @!p1 v17, v21  }
0x9a: {  	v25 =	vpop @!p1 (erf);
	v19 =	vadd.s32 @!p1 v19, v22;
	v24 =	vadd.s32 @!p1 $0x1, v20;
	vm5 =	vgt.s32 @!p1 v20, $0xFFFFFFFF  }
0x9b: {  	vm6 =	vlt.s32 @!p1 v20, v8;
	v18 =	vmul.f32 @!p1 v25, v18;
	v21 =	vsub.f32 @!p1 $1.000000000e+00, v16  }
0x9c: {  	v23 =	vadd.s32 @!p1 $0x1, v19;
	vm0 =	vgt.s32 @!p1 v19, $0xFFFFFFFF;
	vm1 =	vlt.s32 @!p1 v19, v8  }
0x9d: {  	v22 =	vsub.f32 @!p1 $1.000000000e+00, v17;
	vm3 =	vgt.s32 @!p1 v23, $0xFFFFFFFF;
	vm4 =	vlt.s32 @!p1 v23, v8  }
0x9e: {  	vm2 =	vmand @!p1 vm0, vm1;
	vm1 =	vgt.s32 @!p1 v24, $0xFFFFFFFF;
	vm0 =	vmand @!p1 vm3, vm4  }
0x9f: {  	vm3 =	vmand @!p1 vm5, vm6;
	vm4 =	vlt.s32 @!p1 v24, v8;
	vm5 =	vgt.s32 @!p1 v20, $0x0  }
0xa0: {  	vm1 =	vmand @!p1 vm1, vm4;
	v20 =	vnsel @!p1 vm5, $0x0, v20;
	vm4 =	vgt.s32 @!p1 v24, $0x0  }
0xa1: {  	vm5 =	vgt.s32 @!p1 v19, $0x0;
	v25 =	vmul.f32 @!p1 v22, v21;
	v22 =	vmul.f32 @!p1 v22, v16  }
0xa2: {  	v21 =	vmul.f32 @!p1 v17, v21;
	v16 =	vmul.f32 @!p1 v17, v16;
	v20 =	vmin.u32 @!p1 v20, v14  }
0xa3: {  	v24 =	vnsel @!p1 vm4, $0x0, v24;
	vm4 =	vgt.s32 @!p1 v23, $0x0;
	v19 =	vnsel @!p1 vm5, $0x0, v19  }
0xa4: {  	v24 =	vmin.u32 @!p1 v24, v14;
	v20 =	vmul.u32 @!p1 v8, v20;
	v23 =	vnsel @!p1 vm4, $0x0, v23  }
0xa5: {  	v19 =	vmin.u32 @!p1 v19, v14;
	vm4 =	vmand @!p1 vm2, vm3;
	vm3 =	vmand @!p1 vm0, vm3  }
0xa6: {  	vm2 =	vmand @!p1 vm2, vm1;
	vm0 =	vmand @!p1 vm0, vm1;
	v24 =	vmul.u32 @!p1 v8, v24  }
0xa7: {  	v23 =	vmin.u32 @!p1 v23, v14;
	v26 =	vsel @!p1 vm4, $0x3F800000, v5;
	v20 =	vadd.s32 @!p1 v15, v20  }
0xa8: {  	v25 =	vmul.f32 @!p1 v26, v25;
	v26 =	vsel @!p1 vm3, $0x3F800000, v5;
	v27 =	vadd.s32 @!p1 v19, v20  }
0xa9: {  	v24 =	vadd.s32 @!p1 v15, v24;
	v22 =	vmul.f32 @!p1 v26, v22;
	v26 =	vshll.u32 @!p1 v27, $0x6  }
0xaa: {  	v20 =	vadd.s32 @!p1 v23, v20;
	v25 =	vmul.f32 @!p1 v25, v18;
	v26 =	vadd.s32 @!p1 v1, v26  }
0xab: {  	v19 =	vadd.s32 @!p1 v19, v24;
	v27 =	vsel @!p1 vm2, $0x3F800000, v5;
	v17 =	vshll.u32 @!p1 v20, $0x6;
	[tilespmem:s23+$0x360] =	vst @!p1 v26  }
0xac: {  	v21 =	vmul.f32 @!p1 v27, v21;
	v17 =	vadd.s32 @!p1 v1, v17;
	v20 =	vmul.f32 @!p1 v22, v18;
	[tilespmem:s23+$0x760] =	vst @!p1 v25  }
0xad: {  	v22 =	vadd.s32 @!p1 v23, v24;
	v23 =	vsel @!p1 vm0, $0x3F800000, v5;
	[tilespmem:s23+$0x370] =	vst @!p1 v17;
	v17 =	vshll.u32 @!p1 v19, $0x6  }
0xae: {  	v16 =	vmul.f32 @!p1 v23, v16;
	[tilespmem:s23+$0x770] =	vst @!p1 v20;
	v17 =	vadd.s32 @!p1 v1, v17;
	v19 =	vmul.f32 @!p1 v21, v18  }
0xaf: {  	[tilespmem:s23+$0x380] =	vst @!p1 v17;
	v17 =	vshll.u32 @!p1 v22, $0x6  }
0xb0: {  	v16 =	vmul.f32 @!p1 v16, v18;
	[tilespmem:s23+$0x780] =	vst @!p1 v19;
	v17 =	vadd.s32 @!p1 v1, v17  }
0xb1: {  	[tilespmem:s23+$0x390] =	vst @!p1 v17  }
0xb2: {  	[tilespmem:s23+$0x790] =	vst @!p1 v16  }
0xb3: {  	v16 =	vld @!p1 [tilespmem:s22+$0x120];
	_ =	sdelay $0x4  }
0xb4: {  	(xrf0) =	vmax.scan.msk.f32 @!p1 $0xffff, v16;
	_ =	sdelay $0x5  }
0xb5: {  	v17, _, _ =	vpop @!p1 (xrf0)  }
0xb6: {  	v17 =	vbroadcast @!p1 v17, $0xF;
	_ =	sdelay $0x1  }
0xb7: {  	v16 =	vsub.f32 @!p1 v16, v17;
	_ =	sdelay $0x1  }
0xb8: {  	v16 =	vmul.f32 @!p1 $1.442695020e+00, v16;
	_ =	sdelay $0x1  }
0xb9: {  	(erf) = vpow2.f32 @!p1 v16;
	_ =	sdelay $0x3  }
0xba: {  	v16 =	vor.u32 @!p1 $0x40, v7  }
0xbb: {  	v17 =	vor.u32 @!p1 $0x41, v7;
	v16 =	vor.u32 @!p1 v16, v6  }
0xbc: {  	v17 =	vor.u32 @!p1 v17, v6;
	_ =	sdelay $0x2  }
0xbd: {  	v18 =	vpop @!p1 (erf)  }
0xbe: {  	v16 =	vld.idx.msk @!p1 [tilespmem:v16+s21+$0x0], $0xffff;
	(xrf2) =	vadd.scan.msk.f32 @!p1 $0xffff, v18  }
0xbf: {  	v17 =	vld.idx.msk @!p1 [tilespmem:v17+s21+$0x0], $0xffff;
	_ =	sdelay $0x3  }
0xc0: {  	v16 =	vmul.f32 @!p1 v16, v11  }
0xc1: {  	v17 =	vmul.f32 @!p1 v17, v12  }
0xc2: {  	v16 =	vadd.f32 @!p1 v16, v10  }
0xc3: {  	v17 =	vadd.f32 @!p1 v17, v9  }
0xc4: {  	v16 =	vmul.f32 @!p1 v13, v16  }
0xc5: {  	v17 =	vmul.f32 @!p1 v13, v17;
	v19, _, _ =	vpop @!p1 (xrf2)  }
0xc6: {  	v16 =	vadd.f32 @!p1 $-5.000000000e-01, v16;
	v19 =	vbroadcast @!p1 v19, $0xF  }
0xc7: {  	v17 =	vadd.f32 @!p1 $-5.000000000e-01, v17  }
0xc8: {  	(erf) = vrcp.f32 @!p1 v19;
	v19 =	vtrunc.f32 @!p1 v16  }
0xc9: {  	v20 =	vtrunc.f32 @!p1 v17;
	v19 =	vcvt.f32.s32 @!p1 v19  }
0xca: {  	v20 =	vcvt.f32.s32 @!p1 v20  }
0xcb: {  	v21 =	vcvt.s32.f32 @!p1 v19  }
0xcc: {  	v22 =	vcvt.s32.f32 @!p1 v20  }
0xcd: {  	v23 =	vadd.f32 @!p1 $-1.000000000e+00, v21  }
0xce: {  	v24 =	vadd.f32 @!p1 $-1.000000000e+00, v22;
	vm0 =	vlt.f32 @!p1 v16, v21  }
0xcf: {  	vm1 =	vlt.f32 @!p1 v17, v22;
	v21 =	vsel @!p1 vm0, v23, v21  }
0xd0: {  	v23 =	vsel @!p1 vm1, $0xFFFFFFFF, v5;
	v16 =	vsub.f32 @!p1 v16, v21;
	v21 =	vsel @!p1 vm1, v24, v22  }
0xd1: {  	v22 =	vsel @!p1 vm0, $0xFFFFFFFF, v5;
	v20 =	vadd.s32 @!p1 v20, v23;
	v17 =	vsub.f32 @!p1 v17, v21  }
0xd2: {  	v25 =	vpop @!p1 (erf);
	v19 =	vadd.s32 @!p1 v19, v22;
	v24 =	vadd.s32 @!p1 $0x1, v20;
	vm5 =	vgt.s32 @!p1 v20, $0xFFFFFFFF  }
0xd3: {  	vm6 =	vlt.s32 @!p1 v20, v8;
	v18 =	vmul.f32 @!p1 v25, v18;
	v21 =	vsub.f32 @!p1 $1.000000000e+00, v16  }
0xd4: {  	v23 =	vadd.s32 @!p1 $0x1, v19;
	vm0 =	vgt.s32 @!p1 v19, $0xFFFFFFFF;
	vm1 =	vlt.s32 @!p1 v19, v8  }
0xd5: {  	v22 =	vsub.f32 @!p1 $1.000000000e+00, v17;
	vm3 =	vgt.s32 @!p1 v23, $0xFFFFFFFF;
	vm4 =	vlt.s32 @!p1 v23, v8  }
0xd6: {  	vm2 =	vmand @!p1 vm0, vm1;
	vm1 =	vgt.s32 @!p1 v24, $0xFFFFFFFF;
	vm0 =	vmand @!p1 vm3, vm4  }
0xd7: {  	vm3 =	vmand @!p1 vm5, vm6;
	vm4 =	vlt.s32 @!p1 v24, v8;
	vm5 =	vgt.s32 @!p1 v20, $0x0  }
0xd8: {  	vm1 =	vmand @!p1 vm1, vm4;
	v20 =	vnsel @!p1 vm5, $0x0, v20;
	vm4 =	vgt.s32 @!p1 v24, $0x0  }
0xd9: {  	vm5 =	vgt.s32 @!p1 v19, $0x0;
	v25 =	vmul.f32 @!p1 v22, v21;
	v22 =	vmul.f32 @!p1 v22, v16  }
0xda: {  	v21 =	vmul.f32 @!p1 v17, v21;
	v16 =	vmul.f32 @!p1 v17, v16;
	v20 =	vmin.u32 @!p1 v20, v14  }
0xdb: {  	v24 =	vnsel @!p1 vm4, $0x0, v24;
	vm4 =	vgt.s32 @!p1 v23, $0x0;
	v19 =	vnsel @!p1 vm5, $0x0, v19  }
0xdc: {  	v24 =	vmin.u32 @!p1 v24, v14;
	v20 =	vmul.u32 @!p1 v8, v20;
	v23 =	vnsel @!p1 vm4, $0x0, v23  }
0xdd: {  	v19 =	vmin.u32 @!p1 v19, v14;
	vm4 =	vmand @!p1 vm2, vm3;
	vm3 =	vmand @!p1 vm0, vm3  }
0xde: {  	vm2 =	vmand @!p1 vm2, vm1;
	vm0 =	vmand @!p1 vm0, vm1;
	v24 =	vmul.u32 @!p1 v8, v24  }
0xdf: {  	v23 =	vmin.u32 @!p1 v23, v14;
	v26 =	vsel @!p1 vm4, $0x3F800000, v5;
	v20 =	vadd.s32 @!p1 v15, v20  }
0xe0: {  	v25 =	vmul.f32 @!p1 v26, v25;
	v26 =	vsel @!p1 vm3, $0x3F800000, v5;
	v27 =	vadd.s32 @!p1 v19, v20  }
0xe1: {  	v24 =	vadd.s32 @!p1 v15, v24;
	v22 =	vmul.f32 @!p1 v26, v22;
	v26 =	vshll.u32 @!p1 v27, $0x6  }
0xe2: {  	v20 =	vadd.s32 @!p1 v23, v20;
	v25 =	vmul.f32 @!p1 v25, v18;
	v26 =	vadd.s32 @!p1 v2, v26  }
0xe3: {  	v19 =	vadd.s32 @!p1 v19, v24;
	v27 =	vsel @!p1 vm2, $0x3F800000, v5;
	v17 =	vshll.u32 @!p1 v20, $0x6;
	[tilespmem:s23+$0x3A0] =	vst @!p1 v26  }
0xe4: {  	v21 =	vmul.f32 @!p1 v27, v21;
	v17 =	vadd.s32 @!p1 v2, v17;
	v20 =	vmul.f32 @!p1 v22, v18;
	[tilespmem:s23+$0x7A0] =	vst @!p1 v25  }
0xe5: {  	v22 =	vadd.s32 @!p1 v23, v24;
	v23 =	vsel @!p1 vm0, $0x3F800000, v5;
	[tilespmem:s23+$0x3B0] =	vst @!p1 v17;
	v17 =	vshll.u32 @!p1 v19, $0x6  }
0xe6: {  	v16 =	vmul.f32 @!p1 v23, v16;
	[tilespmem:s23+$0x7B0] =	vst @!p1 v20;
	v17 =	vadd.s32 @!p1 v2, v17;
	v19 =	vmul.f32 @!p1 v21, v18  }
0xe7: {  	[tilespmem:s23+$0x3C0] =	vst @!p1 v17;
	v17 =	vshll.u32 @!p1 v22, $0x6  }
0xe8: {  	v16 =	vmul.f32 @!p1 v16, v18;
	[tilespmem:s23+$0x7C0] =	vst @!p1 v19;
	v17 =	vadd.s32 @!p1 v2, v17  }
0xe9: {  	[tilespmem:s23+$0x3D0] =	vst @!p1 v17  }
0xea: {  	[tilespmem:s23+$0x7D0] =	vst @!p1 v16  }
0xeb: {  	v16 =	vld @!p1 [tilespmem:s22+$0x130];
	_ =	sdelay $0x4  }
0xec: {  	(xrf0) =	vmax.scan.msk.f32 @!p1 $0xffff, v16;
	_ =	sdelay $0x5  }
0xed: {  	v17, _, _ =	vpop @!p1 (xrf0)  }
0xee: {  	v17 =	vbroadcast @!p1 v17, $0xF;
	_ =	sdelay $0x1  }
0xef: {  	v16 =	vsub.f32 @!p1 v16, v17;
	_ =	sdelay $0x1  }
0xf0: {  	v16 =	vmul.f32 @!p1 $1.442695020e+00, v16;
	_ =	sdelay $0x1  }
0xf1: {  	(erf) = vpow2.f32 @!p1 v16;
	_ =	sdelay $0x3  }
0xf2: {  	v16 =	vor.u32 @!p1 $0x60, v7  }
0xf3: {  	v17 =	vor.u32 @!p1 $0x61, v7;
	v16 =	vor.u32 @!p1 v16, v6  }
0xf4: {  	v17 =	vor.u32 @!p1 v17, v6;
	_ =	sdelay $0x2  }
0xf5: {  	v18 =	vpop @!p1 (erf)  }
0xf6: {  	v16 =	vld.idx.msk @!p1 [tilespmem:v16+s21+$0x0], $0xffff;
	(xrf2) =	vadd.scan.msk.f32 @!p1 $0xffff, v18  }
0xf7: {  	v17 =	vld.idx.msk @!p1 [tilespmem:v17+s21+$0x0], $0xffff;
	_ =	sdelay $0x3  }
0xf8: {  	v16 =	vmul.f32 @!p1 v16, v11  }
0xf9: {  	v17 =	vmul.f32 @!p1 v17, v12  }
0xfa: {  	v16 =	vadd.f32 @!p1 v16, v10  }
0xfb: {  	v17 =	vadd.f32 @!p1 v17, v9  }
0xfc: {  	v16 =	vmul.f32 @!p1 v13, v16  }
0xfd: {  	v17 =	vmul.f32 @!p1 v13, v17;
	v19, _, _ =	vpop @!p1 (xrf2)  }
0xfe: {  	v16 =	vadd.f32 @!p1 $-5.000000000e-01, v16;
	v19 =	vbroadcast @!p1 v19, $0xF  }
0xff: {  	v17 =	vadd.f32 @!p1 $-5.000000000e-01, v17  }
0x100: {  	(erf) = vrcp.f32 @!p1 v19;
	v19 =	vtrunc.f32 @!p1 v16  }
0x101: {  	v20 =	vtrunc.f32 @!p1 v17;
	v19 =	vcvt.f32.s32 @!p1 v19  }
0x102: {  	v20 =	vcvt.f32.s32 @!p1 v20  }
0x103: {  	v21 =	vcvt.s32.f32 @!p1 v19  }
0x104: {  	v22 =	vcvt.s32.f32 @!p1 v20  }
0x105: {  	v23 =	vadd.f32 @!p1 $-1.000000000e+00, v21  }
0x106: {  	v24 =	vadd.f32 @!p1 $-1.000000000e+00, v22;
	vm0 =	vlt.f32 @!p1 v16, v21  }
0x107: {  	vm1 =	vlt.f32 @!p1 v17, v22;
	v21 =	vsel @!p1 vm0, v23, v21  }
0x108: {  	v23 =	vsel @!p1 vm1, $0xFFFFFFFF, v5;
	v16 =	vsub.f32 @!p1 v16, v21;
	v21 =	vsel @!p1 vm1, v24, v22  }
0x109: {  	v22 =	vsel @!p1 vm0, $0xFFFFFFFF, v5;
	v20 =	vadd.s32 @!p1 v20, v23;
	v17 =	vsub.f32 @!p1 v17, v21  }
0x10a: {  	v25 =	vpop @!p1 (erf);
	v19 =	vadd.s32 @!p1 v19, v22;
	v24 =	vadd.s32 @!p1 $0x1, v20;
	vm5 =	vgt.s32 @!p1 v20, $0xFFFFFFFF  }
0x10b: {  	vm6 =	vlt.s32 @!p1 v20, v8;
	v18 =	vmul.f32 @!p1 v25, v18;
	v21 =	vsub.f32 @!p1 $1.000000000e+00, v16  }
0x10c: {  	v23 =	vadd.s32 @!p1 $0x1, v19;
	vm0 =	vgt.s32 @!p1 v19, $0xFFFFFFFF;
	vm1 =	vlt.s32 @!p1 v19, v8  }
0x10d: {  	v22 =	vsub.f32 @!p1 $1.000000000e+00, v17;
	vm3 =	vgt.s32 @!p1 v23, $0xFFFFFFFF;
	vm4 =	vlt.s32 @!p1 v23, v8  }
0x10e: {  	vm2 =	vmand @!p1 vm0, vm1;
	vm1 =	vgt.s32 @!p1 v24, $0xFFFFFFFF;
	vm0 =	vmand @!p1 vm3, vm4  }
0x10f: {  	vm3 =	vmand @!p1 vm5, vm6;
	vm4 =	vlt.s32 @!p1 v24, v8;
	vm5 =	vgt.s32 @!p1 v20, $0x0  }
0x110: {  	vm1 =	vmand @!p1 vm1, vm4;
	v20 =	vnsel @!p1 vm5, $0x0, v20;
	vm4 =	vgt.s32 @!p1 v24, $0x0  }
0x111: {  	vm5 =	vgt.s32 @!p1 v19, $0x0;
	v25 =	vmul.f32 @!p1 v22, v21;
	v22 =	vmul.f32 @!p1 v22, v16  }
0x112: {  	v21 =	vmul.f32 @!p1 v17, v21;
	v16 =	vmul.f32 @!p1 v17, v16;
	v20 =	vmin.u32 @!p1 v20, v14  }
0x113: {  	v24 =	vnsel @!p1 vm4, $0x0, v24;
	vm4 =	vgt.s32 @!p1 v23, $0x0;
	v19 =	vnsel @!p1 vm5, $0x0, v19  }
0x114: {  	v24 =	vmin.u32 @!p1 v24, v14;
	v20 =	vmul.u32 @!p1 v8, v20;
	v23 =	vnsel @!p1 vm4, $0x0, v23  }
0x115: {  	v19 =	vmin.u32 @!p1 v19, v14;
	vm4 =	vmand @!p1 vm2, vm3;
	vm3 =	vmand @!p1 vm0, vm3  }
0x116: {  	vm2 =	vmand @!p1 vm2, vm1;
	vm0 =	vmand @!p1 vm0, vm1;
	v24 =	vmul.u32 @!p1 v8, v24  }
0x117: {  	v23 =	vmin.u32 @!p1 v23, v14;
	v26 =	vsel @!p1 vm4, $0x3F800000, v5;
	v20 =	vadd.s32 @!p1 v15, v20  }
0x118: {  	v25 =	vmul.f32 @!p1 v26, v25;
	v26 =	vsel @!p1 vm3, $0x3F800000, v5;
	v27 =	vadd.s32 @!p1 v19, v20  }
0x119: {  	v24 =	vadd.s32 @!p1 v15, v24;
	v22 =	vmul.f32 @!p1 v26, v22;
	v26 =	vshll.u32 @!p1 v27, $0x6  }
0x11a: {  	v20 =	vadd.s32 @!p1 v23, v20;
	v25 =	vmul.f32 @!p1 v25, v18;
	v26 =	vadd.s32 @!p1 v3, v26  }
0x11b: {  	v19 =	vadd.s32 @!p1 v19, v24;
	v27 =	vsel @!p1 vm2, $0x3F800000, v5;
	v17 =	vshll.u32 @!p1 v20, $0x6;
	[tilespmem:s23+$0x3E0] =	vst @!p1 v26  }
0x11c: {  	v21 =	vmul.f32 @!p1 v27, v21;
	v17 =	vadd.s32 @!p1 v3, v17;
	v20 =	vmul.f32 @!p1 v22, v18;
	[tilespmem:s23+$0x7E0] =	vst @!p1 v25  }
0x11d: {  	v22 =	vadd.s32 @!p1 v23, v24;
	v23 =	vsel @!p1 vm0, $0x3F800000, v5;
	[tilespmem:s23+$0x3F0] =	vst @!p1 v17;
	v17 =	vshll.u32 @!p1 v19, $0x6  }
0x11e: {  	v16 =	vmul.f32 @!p1 v23, v16;
	[tilespmem:s23+$0x7F0] =	vst @!p1 v20;
	v17 =	vadd.s32 @!p1 v3, v17;
	v19 =	vmul.f32 @!p1 v21, v18  }
0x11f: {  	[tilespmem:s23+$0x400] =	vst @!p1 v17;
	v17 =	vshll.u32 @!p1 v22, $0x6  }
0x120: {  	v16 =	vmul.f32 @!p1 v16, v18;
	[tilespmem:s23+$0x800] =	vst @!p1 v19;
	v17 =	vadd.s32 @!p1 v3, v17  }
0x121: {  	[tilespmem:s23+$0x410] =	vst @!p1 v17  }
0x122: {  	[tilespmem:s23+$0x810] =	vst @!p1 v16  }
0x123: {  	v16 =	vld @!p1 [tilespmem:s22+$0x140];
	_ =	sdelay $0x4  }
0x124: {  	(xrf0) =	vmax.scan.msk.f32 @!p1 $0xffff, v16;
	_ =	sdelay $0x5  }
0x125: {  	v17, _, _ =	vpop @!p1 (xrf0)  }
0x126: {  	v17 =	vbroadcast @!p1 v17, $0xF;
	_ =	sdelay $0x1  }
0x127: {  	v16 =	vsub.f32 @!p1 v16, v17;
	_ =	sdelay $0x1  }
0x128: {  	v16 =	vmul.f32 @!p1 $1.442695020e+00, v16;
	_ =	sdelay $0x1  }
0x129: {  	(erf) = vpow2.f32 @!p1 v16;
	_ =	sdelay $0x3  }
0x12a: {  	v16 =	vor.u32 @!p1 $0x80, v7  }
0x12b: {  	v17 =	vor.u32 @!p1 $0x81, v7;
	v16 =	vadd.s32 @!p1 v16, v6  }
0x12c: {  	v17 =	vadd.s32 @!p1 v17, v6;
	_ =	sdelay $0x2  }
0x12d: {  	v18 =	vpop @!p1 (erf)  }
0x12e: {  	v16 =	vld.idx.msk @!p1 [tilespmem:v16+s21+$0x0], $0xffff;
	(xrf2) =	vadd.scan.msk.f32 @!p1 $0xffff, v18  }
0x12f: {  	v17 =	vld.idx.msk @!p1 [tilespmem:v17+s21+$0x0], $0xffff;
	_ =	sdelay $0x3  }
0x130: {  	v16 =	vmul.f32 @!p1 v16, v11  }
0x131: {  	v17 =	vmul.f32 @!p1 v17, v12  }
0x132: {  	v16 =	vadd.f32 @!p1 v16, v10  }
0x133: {  	v17 =	vadd.f32 @!p1 v17, v9  }
0x134: {  	v16 =	vmul.f32 @!p1 v13, v16  }
0x135: {  	v17 =	vmul.f32 @!p1 v13, v17;
	v19, _, _ =	vpop @!p1 (xrf2)  }
0x136: {  	v16 =	vadd.f32 @!p1 $-5.000000000e-01, v16;
	v19 =	vbroadcast @!p1 v19, $0xF  }
0x137: {  	v17 =	vadd.f32 @!p1 $-5.000000000e-01, v17  }
0x138: {  	(erf) = vrcp.f32 @!p1 v19;
	v19 =	vtrunc.f32 @!p1 v16  }
0x139: {  	v20 =	vtrunc.f32 @!p1 v17;
	v19 =	vcvt.f32.s32 @!p1 v19  }
0x13a: {  	v20 =	vcvt.f32.s32 @!p1 v20  }
0x13b: {  	v21 =	vcvt.s32.f32 @!p1 v19  }
0x13c: {  	v22 =	vcvt.s32.f32 @!p1 v20  }
0x13d: {  	v23 =	vadd.f32 @!p1 $-1.000000000e+00, v21  }
0x13e: {  	v24 =	vadd.f32 @!p1 $-1.000000000e+00, v22;
	vm0 =	vlt.f32 @!p1 v16, v21  }
0x13f: {  	vm1 =	vlt.f32 @!p1 v17, v22;
	v21 =	vsel @!p1 vm0, v23, v21  }
0x140: {  	v23 =	vsel @!p1 vm1, $0xFFFFFFFF, v5;
	v16 =	vsub.f32 @!p1 v16, v21;
	v21 =	vsel @!p1 vm1, v24, v22  }
0x141: {  	v22 =	vsel @!p1 vm0, $0xFFFFFFFF, v5;
	v20 =	vadd.s32 @!p1 v20, v23;
	v17 =	vsub.f32 @!p1 v17, v21  }
0x142: {  	v25 =	vpop @!p1 (erf);
	v19 =	vadd.s32 @!p1 v19, v22;
	v24 =	vadd.s32 @!p1 $0x1, v20;
	vm5 =	vgt.s32 @!p1 v20, $0xFFFFFFFF  }
0x143: {  	vm6 =	vlt.s32 @!p1 v20, v8;
	v18 =	vmul.f32 @!p1 v25, v18;
	v21 =	vsub.f32 @!p1 $1.000000000e+00, v16  }
0x144: {  	v23 =	vadd.s32 @!p1 $0x1, v19;
	vm0 =	vgt.s32 @!p1 v19, $0xFFFFFFFF;
	vm1 =	vlt.s32 @!p1 v19, v8  }
0x145: {  	v22 =	vsub.f32 @!p1 $1.000000000e+00, v17;
	vm3 =	vgt.s32 @!p1 v23, $0xFFFFFFFF;
	vm4 =	vlt.s32 @!p1 v23, v8  }
0x146: {  	vm2 =	vmand @!p1 vm0, vm1;
	vm1 =	vgt.s32 @!p1 v24, $0xFFFFFFFF;
	vm0 =	vmand @!p1 vm3, vm4  }
0x147: {  	vm3 =	vmand @!p1 vm5, vm6;
	vm4 =	vlt.s32 @!p1 v24, v8;
	vm5 =	vgt.s32 @!p1 v20, $0x0  }
0x148: {  	vm1 =	vmand @!p1 vm1, vm4;
	v20 =	vnsel @!p1 vm5, $0x0, v20;
	vm4 =	vgt.s32 @!p1 v24, $0x0  }
0x149: {  	vm5 =	vgt.s32 @!p1 v19, $0x0;
	v25 =	vmul.f32 @!p1 v22, v21;
	v22 =	vmul.f32 @!p1 v22, v16  }
0x14a: {  	v21 =	vmul.f32 @!p1 v17, v21;
	v16 =	vmul.f32 @!p1 v17, v16;
	v20 =	vmin.u32 @!p1 v20, v14  }
0x14b: {  	v24 =	vnsel @!p1 vm4, $0x0, v24;
	vm4 =	vgt.s32 @!p1 v23, $0x0;
	v19 =	vnsel @!p1 vm5, $0x0, v19  }
0x14c: {  	v24 =	vmin.u32 @!p1 v24, v14;
	v20 =	vmul.u32 @!p1 v8, v20;
	v23 =	vnsel @!p1 vm4, $0x0, v23  }
0x14d: {  	v19 =	vmin.u32 @!p1 v19, v14;
	vm4 =	vmand @!p1 vm2, vm3;
	vm3 =	vmand @!p1 vm0, vm3  }
0x14e: {  	vm2 =	vmand @!p1 vm2, vm1;
	vm0 =	vmand @!p1 vm0, vm1;
	v24 =	vmul.u32 @!p1 v8, v24  }
0x14f: {  	v23 =	vmin.u32 @!p1 v23, v14;
	v26 =	vsel @!p1 vm4, $0x3F800000, v5;
	v20 =	vadd.s32 @!p1 v15, v20  }
0x150: {  	v25 =	vmul.f32 @!p1 v26, v25;
	v26 =	vsel @!p1 vm3, $0x3F800000, v5;
	v27 =	vadd.s32 @!p1 v19, v20  }
0x151: {  	v24 =	vadd.s32 @!p1 v15, v24;
	v22 =	vmul.f32 @!p1 v26, v22;
	v26 =	vshll.u32 @!p1 v27, $0x6  }
0x152: {  	v20 =	vadd.s32 @!p1 v23, v20;
	v25 =	vmul.f32 @!p1 v25, v18;
	v26 =	vadd.s32 @!p1 v0, v26  }
0x153: {  	v19 =	vadd.s32 @!p1 v19, v24;
	v27 =	vsel @!p1 vm2, $0x3F800000, v5;
	v17 =	vshll.u32 @!p1 v20, $0x6;
	[tilespmem:s23+$0x420] =	vst @!p1 v26  }
0x154: {  	v21 =	vmul.f32 @!p1 v27, v21;
	v17 =	vadd.s32 @!p1 v0, v17;
	v20 =	vmul.f32 @!p1 v22, v18;
	[tilespmem:s23+$0x820] =	vst @!p1 v25  }
0x155: {  	v22 =	vadd.s32 @!p1 v23, v24;
	v23 =	vsel @!p1 vm0, $0x3F800000, v5;
	[tilespmem:s23+$0x430] =	vst @!p1 v17;
	v17 =	vshll.u32 @!p1 v19, $0x6  }
0x156: {  	v16 =	vmul.f32 @!p1 v23, v16;
	[tilespmem:s23+$0x830] =	vst @!p1 v20;
	v17 =	vadd.s32 @!p1 v0, v17;
	v19 =	vmul.f32 @!p1 v21, v18  }
0x157: {  	[tilespmem:s23+$0x440] =	vst @!p1 v17;
	v17 =	vshll.u32 @!p1 v22, $0x6  }
0x158: {  	v16 =	vmul.f32 @!p1 v16, v18;
	[tilespmem:s23+$0x840] =	vst @!p1 v19;
	v17 =	vadd.s32 @!p1 v0, v17  }
0x159: {  	[tilespmem:s23+$0x450] =	vst @!p1 v17  }
0x15a: {  	[tilespmem:s23+$0x850] =	vst @!p1 v16  }
0x15b: {  	v16 =	vld @!p1 [tilespmem:s22+$0x150];
	_ =	sdelay $0x4  }
0x15c: {  	(xrf0) =	vmax.scan.msk.f32 @!p1 $0xffff, v16;
	_ =	sdelay $0x5  }
0x15d: {  	v17, _, _ =	vpop @!p1 (xrf0)  }
0x15e: {  	v17 =	vbroadcast @!p1 v17, $0xF;
	_ =	sdelay $0x1  }
0x15f: {  	v16 =	vsub.f32 @!p1 v16, v17;
	_ =	sdelay $0x1  }
0x160: {  	v16 =	vmul.f32 @!p1 $1.442695020e+00, v16;
	_ =	sdelay $0x1  }
0x161: {  	(erf) = vpow2.f32 @!p1 v16;
	_ =	sdelay $0x3  }
0x162: {  	v16 =	vor.u32 @!p1 $0xA0, v7  }
0x163: {  	v17 =	vor.u32 @!p1 $0xA1, v7;
	v16 =	vadd.s32 @!p1 v16, v6  }
0x164: {  	v17 =	vadd.s32 @!p1 v17, v6;
	_ =	sdelay $0x2  }
0x165: {  	v18 =	vpop @!p1 (erf)  }
0x166: {  	v16 =	vld.idx.msk @!p1 [tilespmem:v16+s21+$0x0], $0xffff;
	(xrf2) =	vadd.scan.msk.f32 @!p1 $0xffff, v18  }
0x167: {  	v17 =	vld.idx.msk @!p1 [tilespmem:v17+s21+$0x0], $0xffff;
	_ =	sdelay $0x3  }
0x168: {  	v16 =	vmul.f32 @!p1 v16, v11  }
0x169: {  	v17 =	vmul.f32 @!p1 v17, v12  }
0x16a: {  	v16 =	vadd.f32 @!p1 v16, v10  }
0x16b: {  	v17 =	vadd.f32 @!p1 v17, v9  }
0x16c: {  	v16 =	vmul.f32 @!p1 v13, v16  }
0x16d: {  	v17 =	vmul.f32 @!p1 v13, v17;
	v19, _, _ =	vpop @!p1 (xrf2)  }
0x16e: {  	v16 =	vadd.f32 @!p1 $-5.000000000e-01, v16;
	v19 =	vbroadcast @!p1 v19, $0xF  }
0x16f: {  	v17 =	vadd.f32 @!p1 $-5.000000000e-01, v17  }
0x170: {  	(erf) = vrcp.f32 @!p1 v19;
	v19 =	vtrunc.f32 @!p1 v16  }
0x171: {  	v20 =	vtrunc.f32 @!p1 v17;
	v19 =	vcvt.f32.s32 @!p1 v19  }
0x172: {  	v20 =	vcvt.f32.s32 @!p1 v20  }
0x173: {  	v21 =	vcvt.s32.f32 @!p1 v19  }
0x174: {  	v22 =	vcvt.s32.f32 @!p1 v20  }
0x175: {  	v23 =	vadd.f32 @!p1 $-1.000000000e+00, v21  }
0x176: {  	v24 =	vadd.f32 @!p1 $-1.000000000e+00, v22;
	vm0 =	vlt.f32 @!p1 v16, v21  }
0x177: {  	vm1 =	vlt.f32 @!p1 v17, v22;
	v21 =	vsel @!p1 vm0, v23, v21  }
0x178: {  	v23 =	vsel @!p1 vm1, $0xFFFFFFFF, v5;
	v16 =	vsub.f32 @!p1 v16, v21;
	v21 =	vsel @!p1 vm1, v24, v22  }
0x179: {  	v22 =	vsel @!p1 vm0, $0xFFFFFFFF, v5;
	v20 =	vadd.s32 @!p1 v20, v23;
	v17 =	vsub.f32 @!p1 v17, v21  }
0x17a: {  	v25 =	vpop @!p1 (erf);
	v19 =	vadd.s32 @!p1 v19, v22;
	v24 =	vadd.s32 @!p1 $0x1, v20;
	vm5 =	vgt.s32 @!p1 v20, $0xFFFFFFFF  }
0x17b: {  	vm6 =	vlt.s32 @!p1 v20, v8;
	v18 =	vmul.f32 @!p1 v25, v18;
	v21 =	vsub.f32 @!p1 $1.000000000e+00, v16  }
0x17c: {  	v23 =	vadd.s32 @!p1 $0x1, v19;
	vm0 =	vgt.s32 @!p1 v19, $0xFFFFFFFF;
	vm1 =	vlt.s32 @!p1 v19, v8  }
0x17d: {  	v22 =	vsub.f32 @!p1 $1.000000000e+00, v17;
	vm3 =	vgt.s32 @!p1 v23, $0xFFFFFFFF;
	vm4 =	vlt.s32 @!p1 v23, v8  }
0x17e: {  	vm2 =	vmand @!p1 vm0, vm1;
	vm1 =	vgt.s32 @!p1 v24, $0xFFFFFFFF;
	vm0 =	vmand @!p1 vm3, vm4  }
0x17f: {  	vm3 =	vmand @!p1 vm5, vm6;
	vm4 =	vlt.s32 @!p1 v24, v8;
	vm5 =	vgt.s32 @!p1 v20, $0x0  }
0x180: {  	vm1 =	vmand @!p1 vm1, vm4;
	v20 =	vnsel @!p1 vm5, $0x0, v20;
	vm4 =	vgt.s32 @!p1 v24, $0x0  }
0x181: {  	vm5 =	vgt.s32 @!p1 v19, $0x0;
	v25 =	vmul.f32 @!p1 v22, v21;
	v22 =	vmul.f32 @!p1 v22, v16  }
0x182: {  	v21 =	vmul.f32 @!p1 v17, v21;
	v16 =	vmul.f32 @!p1 v17, v16;
	v20 =	vmin.u32 @!p1 v20, v14  }
0x183: {  	v24 =	vnsel @!p1 vm4, $0x0, v24;
	vm4 =	vgt.s32 @!p1 v23, $0x0;
	v19 =	vnsel @!p1 vm5, $0x0, v19  }
0x184: {  	v24 =	vmin.u32 @!p1 v24, v14;
	v20 =	vmul.u32 @!p1 v8, v20;
	v23 =	vnsel @!p1 vm4, $0x0, v23  }
0x185: {  	v19 =	vmin.u32 @!p1 v19, v14;
	vm4 =	vmand @!p1 vm2, vm3;
	vm3 =	vmand @!p1 vm0, vm3  }
0x186: {  	vm2 =	vmand @!p1 vm2, vm1;
	vm0 =	vmand @!p1 vm0, vm1;
	v24 =	vmul.u32 @!p1 v8, v24  }
0x187: {  	v23 =	vmin.u32 @!p1 v23, v14;
	v26 =	vsel @!p1 vm4, $0x3F800000, v5;
	v20 =	vadd.s32 @!p1 v15, v20  }
0x188: {  	v25 =	vmul.f32 @!p1 v26, v25;
	v26 =	vsel @!p1 vm3, $0x3F800000, v5;
	v27 =	vadd.s32 @!p1 v19, v20  }
0x189: {  	v24 =	vadd.s32 @!p1 v15, v24;
	v22 =	vmul.f32 @!p1 v26, v22;
	v26 =	vshll.u32 @!p1 v27, $0x6  }
0x18a: {  	v20 =	vadd.s32 @!p1 v23, v20;
	v25 =	vmul.f32 @!p1 v25, v18;
	v26 =	vadd.s32 @!p1 v1, v26  }
0x18b: {  	v19 =	vadd.s32 @!p1 v19, v24;
	v27 =	vsel @!p1 vm2, $0x3F800000, v5;
	v17 =	vshll.u32 @!p1 v20, $0x6;
	[tilespmem:s23+$0x460] =	vst @!p1 v26  }
0x18c: {  	v21 =	vmul.f32 @!p1 v27, v21;
	v17 =	vadd.s32 @!p1 v1, v17;
	v20 =	vmul.f32 @!p1 v22, v18;
	[tilespmem:s23+$0x860] =	vst @!p1 v25  }
0x18d: {  	v22 =	vadd.s32 @!p1 v23, v24;
	v23 =	vsel @!p1 vm0, $0x3F800000, v5;
	[tilespmem:s23+$0x470] =	vst @!p1 v17;
	v17 =	vshll.u32 @!p1 v19, $0x6  }
0x18e: {  	v16 =	vmul.f32 @!p1 v23, v16;
	[tilespmem:s23+$0x870] =	vst @!p1 v20;
	v17 =	vadd.s32 @!p1 v1, v17;
	v19 =	vmul.f32 @!p1 v21, v18  }
0x18f: {  	[tilespmem:s23+$0x480] =	vst @!p1 v17;
	v17 =	vshll.u32 @!p1 v22, $0x6  }
0x190: {  	v16 =	vmul.f32 @!p1 v16, v18;
	[tilespmem:s23+$0x880] =	vst @!p1 v19;
	v17 =	vadd.s32 @!p1 v1, v17  }
0x191: {  	[tilespmem:s23+$0x490] =	vst @!p1 v17  }
0x192: {  	[tilespmem:s23+$0x890] =	vst @!p1 v16  }
0x193: {  	v16 =	vld @!p1 [tilespmem:s22+$0x160];
	_ =	sdelay $0x4  }
0x194: {  	(xrf0) =	vmax.scan.msk.f32 @!p1 $0xffff, v16;
	_ =	sdelay $0x5  }
0x195: {  	v17, _, _ =	vpop @!p1 (xrf0)  }
0x196: {  	v17 =	vbroadcast @!p1 v17, $0xF;
	_ =	sdelay $0x1  }
0x197: {  	v16 =	vsub.f32 @!p1 v16, v17;
	_ =	sdelay $0x1  }
0x198: {  	v16 =	vmul.f32 @!p1 $1.442695020e+00, v16;
	_ =	sdelay $0x1  }
0x199: {  	(erf) = vpow2.f32 @!p1 v16;
	_ =	sdelay $0x3  }
0x19a: {  	v16 =	vor.u32 @!p1 $0xC0, v7  }
0x19b: {  	v17 =	vor.u32 @!p1 $0xC1, v7;
	v16 =	vadd.s32 @!p1 v16, v6  }
0x19c: {  	v17 =	vadd.s32 @!p1 v17, v6;
	_ =	sdelay $0x2  }
0x19d: {  	v18 =	vpop @!p1 (erf)  }
0x19e: {  	v16 =	vld.idx.msk @!p1 [tilespmem:v16+s21+$0x0], $0xffff;
	(xrf2) =	vadd.scan.msk.f32 @!p1 $0xffff, v18  }
0x19f: {  	v17 =	vld.idx.msk @!p1 [tilespmem:v17+s21+$0x0], $0xffff;
	_ =	sdelay $0x3  }
0x1a0: {  	v16 =	vmul.f32 @!p1 v16, v11  }
0x1a1: {  	v17 =	vmul.f32 @!p1 v17, v12  }
0x1a2: {  	v16 =	vadd.f32 @!p1 v16, v10  }
0x1a3: {  	v17 =	vadd.f32 @!p1 v17, v9  }
0x1a4: {  	v16 =	vmul.f32 @!p1 v13, v16  }
0x1a5: {  	v17 =	vmul.f32 @!p1 v13, v17;
	v19, _, _ =	vpop @!p1 (xrf2)  }
0x1a6: {  	v16 =	vadd.f32 @!p1 $-5.000000000e-01, v16;
	v19 =	vbroadcast @!p1 v19, $0xF  }
0x1a7: {  	v17 =	vadd.f32 @!p1 $-5.000000000e-01, v17  }
0x1a8: {  	(erf) = vrcp.f32 @!p1 v19;
	v19 =	vtrunc.f32 @!p1 v16  }
0x1a9: {  	v20 =	vtrunc.f32 @!p1 v17;
	v19 =	vcvt.f32.s32 @!p1 v19  }
0x1aa: {  	v20 =	vcvt.f32.s32 @!p1 v20  }
0x1ab: {  	v21 =	vcvt.s32.f32 @!p1 v19  }
0x1ac: {  	v22 =	vcvt.s32.f32 @!p1 v20  }
0x1ad: {  	v23 =	vadd.f32 @!p1 $-1.000000000e+00, v21  }
0x1ae: {  	v24 =	vadd.f32 @!p1 $-1.000000000e+00, v22;
	vm0 =	vlt.f32 @!p1 v16, v21  }
0x1af: {  	vm1 =	vlt.f32 @!p1 v17, v22;
	v21 =	vsel @!p1 vm0, v23, v21  }
0x1b0: {  	v23 =	vsel @!p1 vm1, $0xFFFFFFFF, v5;
	v16 =	vsub.f32 @!p1 v16, v21;
	v21 =	vsel @!p1 vm1, v24, v22  }
0x1b1: {  	v22 =	vsel @!p1 vm0, $0xFFFFFFFF, v5;
	v20 =	vadd.s32 @!p1 v20, v23;
	v17 =	vsub.f32 @!p1 v17, v21  }
0x1b2: {  	v25 =	vpop @!p1 (erf);
	v19 =	vadd.s32 @!p1 v19, v22;
	v24 =	vadd.s32 @!p1 $0x1, v20;
	vm5 =	vgt.s32 @!p1 v20, $0xFFFFFFFF  }
0x1b3: {  	vm6 =	vlt.s32 @!p1 v20, v8;
	v18 =	vmul.f32 @!p1 v25, v18;
	v21 =	vsub.f32 @!p1 $1.000000000e+00, v16  }
0x1b4: {  	v23 =	vadd.s32 @!p1 $0x1, v19;
	vm0 =	vgt.s32 @!p1 v19, $0xFFFFFFFF;
	vm1 =	vlt.s32 @!p1 v19, v8  }
0x1b5: {  	v22 =	vsub.f32 @!p1 $1.000000000e+00, v17;
	vm3 =	vgt.s32 @!p1 v23, $0xFFFFFFFF;
	vm4 =	vlt.s32 @!p1 v23, v8  }
0x1b6: {  	vm2 =	vmand @!p1 vm0, vm1;
	vm1 =	vgt.s32 @!p1 v24, $0xFFFFFFFF;
	vm0 =	vmand @!p1 vm3, vm4  }
0x1b7: {  	vm3 =	vmand @!p1 vm5, vm6;
	vm4 =	vlt.s32 @!p1 v24, v8;
	vm5 =	vgt.s32 @!p1 v20, $0x0  }
0x1b8: {  	vm1 =	vmand @!p1 vm1, vm4;
	v20 =	vnsel @!p1 vm5, $0x0, v20;
	vm4 =	vgt.s32 @!p1 v24, $0x0  }
0x1b9: {  	vm5 =	vgt.s32 @!p1 v19, $0x0;
	v25 =	vmul.f32 @!p1 v22, v21;
	v22 =	vmul.f32 @!p1 v22, v16  }
0x1ba: {  	v21 =	vmul.f32 @!p1 v17, v21;
	v16 =	vmul.f32 @!p1 v17, v16;
	v20 =	vmin.u32 @!p1 v20, v14  }
0x1bb: {  	v24 =	vnsel @!p1 vm4, $0x0, v24;
	vm4 =	vgt.s32 @!p1 v23, $0x0;
	v19 =	vnsel @!p1 vm5, $0x0, v19  }
0x1bc: {  	v24 =	vmin.u32 @!p1 v24, v14;
	v20 =	vmul.u32 @!p1 v8, v20;
	v23 =	vnsel @!p1 vm4, $0x0, v23  }
0x1bd: {  	v19 =	vmin.u32 @!p1 v19, v14;
	vm4 =	vmand @!p1 vm2, vm3;
	vm3 =	vmand @!p1 vm0, vm3  }
0x1be: {  	vm2 =	vmand @!p1 vm2, vm1;
	vm0 =	vmand @!p1 vm0, vm1;
	v24 =	vmul.u32 @!p1 v8, v24  }
0x1bf: {  	v23 =	vmin.u32 @!p1 v23, v14;
	v26 =	vsel @!p1 vm4, $0x3F800000, v5;
	v20 =	vadd.s32 @!p1 v15, v20  }
0x1c0: {  	v25 =	vmul.f32 @!p1 v26, v25;
	v26 =	vsel @!p1 vm3, $0x3F800000, v5;
	v27 =	vadd.s32 @!p1 v19, v20  }
0x1c1: {  	v24 =	vadd.s32 @!p1 v15, v24;
	v22 =	vmul.f32 @!p1 v26, v22;
	v26 =	vshll.u32 @!p1 v27, $0x6  }
0x1c2: {  	v20 =	vadd.s32 @!p1 v23, v20;
	v25 =	vmul.f32 @!p1 v25, v18;
	v26 =	vadd.s32 @!p1 v2, v26  }
0x1c3: {  	v19 =	vadd.s32 @!p1 v19, v24;
	v27 =	vsel @!p1 vm2, $0x3F800000, v5;
	v17 =	vshll.u32 @!p1 v20, $0x6;
	[tilespmem:s23+$0x4A0] =	vst @!p1 v26  }
0x1c4: {  	v21 =	vmul.f32 @!p1 v27, v21;
	v17 =	vadd.s32 @!p1 v2, v17;
	v20 =	vmul.f32 @!p1 v22, v18;
	[tilespmem:s23+$0x8A0] =	vst @!p1 v25  }
0x1c5: {  	v22 =	vadd.s32 @!p1 v23, v24;
	v23 =	vsel @!p1 vm0, $0x3F800000, v5;
	[tilespmem:s23+$0x4B0] =	vst @!p1 v17;
	v17 =	vshll.u32 @!p1 v19, $0x6  }
0x1c6: {  	v16 =	vmul.f32 @!p1 v23, v16;
	[tilespmem:s23+$0x8B0] =	vst @!p1 v20;
	v17 =	vadd.s32 @!p1 v2, v17;
	v19 =	vmul.f32 @!p1 v21, v18  }
0x1c7: {  	[tilespmem:s23+$0x4C0] =	vst @!p1 v17;
	v17 =	vshll.u32 @!p1 v22, $0x6  }
0x1c8: {  	v16 =	vmul.f32 @!p1 v16, v18;
	[tilespmem:s23+$0x8C0] =	vst @!p1 v19;
	v17 =	vadd.s32 @!p1 v2, v17  }
0x1c9: {  	[tilespmem:s23+$0x4D0] =	vst @!p1 v17  }
0x1ca: {  	[tilespmem:s23+$0x8D0] =	vst @!p1 v16  }
0x1cb: {  	v16 =	vld @!p1 [tilespmem:s22+$0x170];
	_ =	sdelay $0x4  }
0x1cc: {  	(xrf0) =	vmax.scan.msk.f32 @!p1 $0xffff, v16;
	_ =	sdelay $0x5  }
0x1cd: {  	v17, _, _ =	vpop @!p1 (xrf0)  }
0x1ce: {  	v17 =	vbroadcast @!p1 v17, $0xF;
	_ =	sdelay $0x1  }
0x1cf: {  	v16 =	vsub.f32 @!p1 v16, v17;
	_ =	sdelay $0x1  }
0x1d0: {  	v16 =	vmul.f32 @!p1 $1.442695020e+00, v16;
	_ =	sdelay $0x1  }
0x1d1: {  	(erf) = vpow2.f32 @!p1 v16;
	_ =	sdelay $0x4  }
0x1d2: {  	v16 =	vor.u32 @!p1 $0xE0, v7  }
0x1d3: {  	v7 =	vor.u32 @!p1 $0xE1, v7;
	v16 =	vadd.s32 @!p1 v16, v6;
	_ =	sdelay $0x2  }
0x1d4: {  	v6 =	vadd.s32 @!p1 v7, v6;
	v7 =	vpop @!p1 (erf)  }
0x1d5: {  	(xrf2) =	vadd.scan.msk.f32 @!p1 $0xffff, v7  }
0x1d6: {  	v16 =	vld.idx.msk @!p1 [tilespmem:v16+s21+$0x0], $0xffff;
	_ =	sdelay $0x2  }
0x1d7: {  	v6 =	vld.idx.msk @!p1 [tilespmem:v6+s21+$0x0], $0xffff;
	_ =	sdelay $0x1  }
0x1d8: {  	v11 =	vmul.f32 @!p1 v16, v11;
	_ =	sdelay $0x2  }
0x1d9: {  	v6 =	vmul.f32 @!p1 v6, v12  }
0x1da: {  	v10 =	vadd.f32 @!p1 v11, v10;
	v11, _, _ =	vpop @!p1 (xrf2)  }
0x1db: {  	v6 =	vadd.f32 @!p1 v6, v9;
	v9 =	vbroadcast @!p1 v11, $0xF  }
0x1dc: {  	v10 =	vmul.f32 @!p1 v13, v10  }
0x1dd: {  	v6 =	vmul.f32 @!p1 v13, v6;
	(erf) = vrcp.f32 @!p1 v9  }
0x1de: {  	v9 =	vadd.f32 @!p1 $-5.000000000e-01, v10  }
0x1df: {  	v6 =	vadd.f32 @!p1 $-5.000000000e-01, v6  }
0x1e0: {  	v10 =	vtrunc.f32 @!p1 v9  }
0x1e1: {  	v11 =	vtrunc.f32 @!p1 v6;
	v10 =	vcvt.f32.s32 @!p1 v10  }
0x1e2: {  	v11 =	vcvt.f32.s32 @!p1 v11  }
0x1e3: {  	v12 =	vcvt.s32.f32 @!p1 v10  }
0x1e4: {  	v13 =	vcvt.s32.f32 @!p1 v11  }
0x1e5: {  	v16 =	vadd.f32 @!p1 $-1.000000000e+00, v12  }
0x1e6: {  	v17 =	vadd.f32 @!p1 $-1.000000000e+00, v13;
	vm1 =	vlt.f32 @!p1 v6, v13;
	vm0 =	vlt.f32 @!p1 v9, v12;
	v18 =	vpop @!p1 (erf)  }
0x1e7: {  	v12 =	vsel @!p1 vm0, v16, v12;
	v16 =	vsel @!p1 vm1, $0xFFFFFFFF, v5;
	v7 =	vmul.f32 @!p1 v18, v7  }
0x1e8: {  	v9 =	vsub.f32 @!p1 v9, v12;
	v12 =	vsel @!p1 vm1, v17, v13;
	v13 =	vsel @!p1 vm0, $0xFFFFFFFF, v5  }
0x1e9: {  	v11 =	vadd.s32 @!p1 v11, v16;
	v6 =	vsub.f32 @!p1 v6, v12;
	v10 =	vadd.s32 @!p1 v10, v13  }
0x1ea: {  	v17 =	vadd.s32 @!p1 $0x1, v11;
	vm5 =	vgt.s32 @!p1 v11, $0xFFFFFFFF;
	vm6 =	vlt.s32 @!p1 v11, v8  }
0x1eb: {  	v12 =	vsub.f32 @!p1 $1.000000000e+00, v9;
	v16 =	vadd.s32 @!p1 $0x1, v10;
	vm0 =	vgt.s32 @!p1 v10, $0xFFFFFFFF  }
0x1ec: {  	vm1 =	vlt.s32 @!p1 v10, v8;
	vm3 =	vgt.s32 @!p1 v16, $0xFFFFFFFF;
	vm4 =	vlt.s32 @!p1 v16, v8  }
0x1ed: {  	vm2 =	vmand @!p1 vm0, vm1;
	vm1 =	vgt.s32 @!p1 v17, $0xFFFFFFFF;
	vm0 =	vmand @!p1 vm3, vm4  }
0x1ee: {  	vm3 =	vmand @!p1 vm5, vm6;
	vm4 =	vlt.s32 @!p1 v17, v8;
	vm5 =	vgt.s32 @!p1 v11, $0x0  }
0x1ef: {  	v13 =	vsub.f32 @!p1 $1.000000000e+00, v6;
	vm1 =	vmand @!p1 vm1, vm4;
	v11 =	vnsel @!p1 vm5, $0x0, v11  }
0x1f0: {  	vm4 =	vgt.s32 @!p1 v17, $0x0;
	vm5 =	vgt.s32 @!p1 v10, $0x0;
	v11 =	vmin.u32 @!p1 v11, v14  }
0x1f1: {  	v17 =	vnsel @!p1 vm4, $0x0, v17;
	vm4 =	vgt.s32 @!p1 v16, $0x0;
	v10 =	vnsel @!p1 vm5, $0x0, v10  }
0x1f2: {  	v17 =	vmin.u32 @!p1 v17, v14;
	v11 =	vmul.u32 @!p1 v8, v11;
	v16 =	vnsel @!p1 vm4, $0x0, v16  }
0x1f3: {  	v10 =	vmin.u32 @!p1 v10, v14;
	vm4 =	vmand @!p1 vm2, vm3;
	vm3 =	vmand @!p1 vm0, vm3  }
0x1f4: {  	vm2 =	vmand @!p1 vm2, vm1;
	vm0 =	vmand @!p1 vm0, vm1;
	v8 =	vmul.u32 @!p1 v8, v17  }
0x1f5: {  	v14 =	vmin.u32 @!p1 v16, v14;
	v16 =	vsel @!p1 vm4, $0x3F800000, v5;
	v11 =	vadd.s32 @!p1 v15, v11  }
0x1f6: {  	v8 =	vadd.s32 @!p1 v15, v8;
	v15 =	vmul.f32 @!p1 v13, v12;
	v13 =	vmul.f32 @!p1 v13, v9  }
0x1f7: {  	v17 =	vadd.s32 @!p1 v10, v11;
	v11 =	vadd.s32 @!p1 v14, v11;
	v12 =	vmul.f32 @!p1 v6, v12  }
0x1f8: {  	v6 =	vmul.f32 @!p1 v6, v9;
	v10 =	vadd.s32 @!p1 v10, v8;
	v9 =	vshll.u32 @!p1 v11, $0x6  }
0x1f9: {  	v15 =	vmul.f32 @!p1 v16, v15;
	v16 =	vsel @!p1 vm3, $0x3F800000, v5;
	v9 =	vadd.s32 @!p1 v3, v9  }
0x1fa: {  	v13 =	vmul.f32 @!p1 v16, v13;
	v16 =	vshll.u32 @!p1 v17, $0x6;
	v17 =	vsel @!p1 vm2, $0x3F800000, v5  }
0x1fb: {  	v5 =	vsel @!p1 vm0, $0x3F800000, v5;
	[tilespmem:s23+$0x4F0] =	vst @!p1 v9;
	v9 =	vshll.u32 @!p1 v10, $0x6;
	v16 =	vadd.s32 @!p1 v3, v16  }
0x1fc: {  	v15 =	vmul.f32 @!p1 v15, v7;
	v5 =	vmul.f32 @!p1 v5, v6;
	v6 =	vadd.s32 @!p1 v3, v9;
	[tilespmem:s23+$0x4E0] =	vst @!p1 v16  }
0x1fd: {  	v8 =	vadd.s32 @!p1 v14, v8;
	v12 =	vmul.f32 @!p1 v17, v12;
	v11 =	vmul.f32 @!p1 v13, v7;
	[tilespmem:s23+$0x500] =	vst @!p1 v6  }
0x1fe: {  	v6 =	vshll.u32 @!p1 v8, $0x6;
	[tilespmem:s23+$0x8E0] =	vst @!p1 v15  }
0x1ff: {  	v9 =	vmul.f32 @!p1 v12, v7;
	v6 =	vadd.s32 @!p1 v3, v6;
	[tilespmem:s23+$0x8F0] =	vst @!p1 v11  }
0x200: {  	v5 =	vmul.f32 @!p1 v5, v7;
	[tilespmem:s23+$0x510] =	vst @!p1 v6  }
0x201: {  	s25 =	simm.s32 @!p1 $0x80;
	s22 =	sshll.u32 @!p1 s20, $0xE;
	[tilespmem:s23+$0x900] =	vst @!p1 v9  }
0x202: {  	s20 =	sadd.s32 @!p1 $0x1, s20;
	s24 =	sor.u32 @!p1 $0xB20, s22;
	s21 =	sadd.s32 @!p1 $0x320, s23;
	[tilespmem:s23+$0x910] =	vst @!p1 v5  }
0x203: {  	[tilespmem:s24], [sflag:s20] =	stream.indirect.gather @!p1 [hbm4b:s6+s25], $0x20, s21, s25, $0xb8;
	[tilespmem:$0x8D20] =	vst v63  }
0x204: {  	s21 =	sadd.s32 @!p1 $0x3A0, s23;
	s24 =	sor.u32 @!p1 $0x1B20, s22  }
0x205: {  	[tilespmem:s24], [sflag:s20] =	stream.indirect.gather @!p1 [hbm4b:s6+s25], $0x20, s21, s25, $0xb8;
	[tilespmem:$0x8D20] =	vst v63  }
0x206: {  	s21 =	sor.u32 @!p1 $0x420, s23;
	s24 =	sor.u32 @!p1 $0x2B20, s22  }
0x207: {  	[tilespmem:s24], [sflag:s20] =	stream.indirect.gather @!p1 [hbm4b:s7+s25], $0x20, s21, s25, $0xb8;
	[tilespmem:$0x8D20] =	vst v63  }
0x208: {  	p2 =	seq.s32 @!p1 s19, $0x0;
	s22 =	sor.u32 @!p1 $0x3B20, s22;
	s21 =	sor.u32 @!p1 $0x4A0, s23  }
0x209: {  	[tilespmem:s22], [sflag:s20] =	stream.indirect.gather @!p1 [hbm4b:s7+s25], $0x20, s21, s25, $0xb8;
	[tilespmem:$0x8D20] =	vst v63  }
0x20a: {  	p1 =	por p1, !p2  }
.Ltmp4:
0x20b: {  	_ = 	snop;
	(pc) =	sbr.rel @!p1 .LBB2_6-.Ltmp4, $1  }
0x20c: {  	_ =	sdelay $0x3  }
0x20d: {  	s21 =	sadd.s32 $0xFFFFFFFF, s19  }
0x20e: {  	s20 =	sand.u32 $0x1, s21  }
0x20f: {  	s22 =	sadd.s32 $0x1, s20  }
0x210: {  	_ =	swait.ge [sflag:s22], $0x1000  }
0x211: {  	[sflag:s22] =	ssyncset.done $0x0  }
0x212: {  	[sflag:s22] =	ssyncadd.s32 $0xFFFFF000  }
0x213: {  	_ =	swait.ge [sflag:s22], $0x1000  }
0x214: {  	[sflag:s22] =	ssyncset.done $0x0  }
0x215: {  	[sflag:s22] =	ssyncadd.s32 $0xFFFFF000  }
0x216: {  	_ =	swait.ge [sflag:s22], $0x1000  }
0x217: {  	[sflag:s22] =	ssyncset.done $0x0  }
0x218: {  	[sflag:s22] =	ssyncadd.s32 $0xFFFFF000  }
0x219: {  	s23 =	simm.s32 $0x1;
	p1 =	slt.u32 s19, $0x3;
	_ =	swait.ge [sflag:s22], $0x1000  }
0x21a: {  	s23 =	simm.s32 @!p0 $0x0;
	s24 =	sshll.u32 s20, $0x9;
	[sflag:s22] =	ssyncset.done $0x0  }
0x21b: {  	s25 =	sshll.u32 s23, $0x8;
	s26 =	sadd.s32 @!p1 $0x5, s20;
	v5 =	vmov s24;
	[sflag:s22] =	ssyncadd.s32 $0xFFFFF000  }
0x21c: {  	s23 =	sshll.u32 s23, $0xE;
	s31 =	sshll.u32 s20, $0x8;
	v6 =	vor.u32 $0x1, v5;
	_ =	swait.ge @!p1 [sflag:s26], $0x100  }
0x21d: {  	s23 =	sor.u32 $0xF20, s23;
	s24 =	sadd.s32 $0x8B20, s31;
	v7 =	vor.u32 $0x2, v5;
	v8 =	vor.u32 $0x3, v5;
	v9 =	vor.u32 $0x4, v5;
	[sflag:s26] =	ssyncset.done @!p1 $0x0  }
0x21e: {  	v10 =	vor.u32 $0x5, v5;
	v11 =	vor.u32 $0x6, v5;
	v12 =	vor.u32 $0x7, v5;
	s22 =	sadd.s32 $0x8B30, s25;
	s25 =	simm.s32 $0x3F;
	[sflag:s26] =	ssyncadd.s32 @!p1 $0xFFFFFF00  }
.LBB2_4:
0x21f: {  	v17 =	vld [tilespmem:s23+$0xFFFFFC00]  }
0x220: {  	s26 =	sadd.s32 $0xFFFFFFC1, s25;
	s30 =	sadd.s32 $0xFFFFFFC2, s25;
	s31 =	sadd.s32 $0xFFFFFFC3, s25;
	v18 =	vld [tilespmem:s23+$0xFFFFFC10];
	v33 =	vmov s25  }
0x221: {  	s28 =	sadd.s32 $0xFFFFFFC4, s25;
	s29 =	sadd.s32 $0xFFFFFFC5, s25;
	v20 =	vld [tilespmem:s23+$0xFFFFFC20];
	v13 =	vmov s26;
	v14 =	vmov s30;
	v15 =	vmov s31  }
0x222: {  	v21 =	vld [tilespmem:s23+$0xFFFFFC30];
	v16 =	vmov s28;
	v19 =	vmov s29;
	v13 =	vshrl.u32 v13, $0x3  }
0x223: {  	v23 =	vld [tilespmem:s23+$0xFFFFFC40];
	s30 =	sadd.s32 $0xFFFFFFC6, s25;
	s31 =	sadd.s32 $0xFFFFFFC7, s25;
	v14 =	vshrl.u32 v14, $0x3;
	v15 =	vshrl.u32 v15, $0x3;
	v16 =	vshrl.u32 v16, $0x3  }
0x224: {  	v24 =	vld [tilespmem:s23+$0xFFFFFC50];
	s28 =	sadd.s32 $0xFFFFFFC8, s25;
	s29 =	sadd.s32 $0xFFFFFFC9, s25;
	v19 =	vshrl.u32 v19, $0x3;
	v22 =	vmov s30;
	v25 =	vmov s31  }
0x225: {  	v26 =	vld [tilespmem:s23+$0xFFFFFC60];
	v28 =	vmov s28;
	v30 =	vmov s29;
	v13 =	vshll.u32 v13, v4  }
0x226: {  	v27 =	vld [tilespmem:s23+$0xFFFFFC70];
	v14 =	vshll.u32 v14, v4;
	v15 =	vshll.u32 v15, v4;
	v16 =	vshll.u32 v16, v4  }
0x227: {  	v29 =	vld [tilespmem:s23+$0xFFFFFC80];
	s30 =	sadd.s32 $0xFFFFFFCA, s25;
	v19 =	vshll.u32 v19, v4;
	v22 =	vshrl.u32 v22, $0x3;
	v25 =	vshrl.u32 v25, $0x3  }
0x228: {  	v57 =	vld [tilespmem:s23+$0xFFFFFC90];
	s31 =	sadd.s32 $0xFFFFFFCB, s25;
	s28 =	sadd.s32 $0xFFFFFFCC, s25;
	s29 =	sadd.s32 $0xFFFFFFCD, s25;
	v28 =	vshrl.u32 v28, $0x3;
	v30 =	vshrl.u32 v30, $0x3;
	v32 =	vmov s30  }
0x229: {  	v31 =	vld [tilespmem:s23+$0xFFFFFCA0];
	v36 =	vmov s31;
	v42 =	vmov s28;
	v48 =	vmov s29  }
0x22a: {  	v58 =	vld [tilespmem:s23+$0xFFFFFCB0];
	v13 =	vadd.s32 v5, v13;
	v14 =	vadd.s32 v14, v6;
	v15 =	vadd.s32 v15, v7  }
0x22b: {  	v62 =	vld [tilespmem:s23+$0xFFFFFCC0];
	v16 =	vadd.s32 v16, v8;
	v19 =	vadd.s32 v19, v9;
	v13 =	vbroadcast v13, $0x0  }
0x22c: {  	v63 =	vld [tilespmem:s23+$0xFFFFFCD0];
	v22 =	vshll.u32 v22, v4;
	v25 =	vshll.u32 v25, v4;
	v28 =	vshll.u32 v28, v4  }
0x22d: {  	v40 =	vld [tilespmem:s23+$0xFFFFFCE0];
	v30 =	vshll.u32 v30, v4;
	v61 =	vshrl.u32 v32, $0x3;
	v14 =	vbroadcast v14, $0x0  }
0x22e: {  	v41 =	vld [tilespmem:s23+$0xFFFFFCF0];
	v39 =	vshrl.u32 v36, $0x3;
	v44 =	vshrl.u32 v42, $0x3;
	v30 =	vadd.s32 v5, v30  }
0x22f: {  	v46 =	vld [tilespmem:s23+$0xFFFFFD00];
	v19 =	vbroadcast v19, $0x0;
	v60 =	vbroadcast v30, $0x0;
	v30 =	vshll.u32 v61, v4  }
0x230: {  	v47 =	vld [tilespmem:s23+$0xFFFFFD10];
	v15 =	vbroadcast v15, $0x0;
	v22 =	vadd.s32 v22, v10;
	v30 =	vadd.s32 v30, v6  }
0x231: {  	v22 =	vbroadcast v22, $0x0;
	v38 =	vbroadcast v30, $0x0;
	v30 =	vshll.u32 v39, v4;
	v13 =	vld.idx.msk [tilespmem:v13+s17+$0x0], $0xffff  }
0x232: {  	v52 =	vld [tilespmem:s23+$0xFFFFFD20];
	v50 =	vshrl.u32 v48, $0x3;
	v16 =	vbroadcast v16, $0x0;
	v30 =	vadd.s32 v30, v7  }
0x233: {  	v25 =	vadd.s32 v25, v11;
	v43 =	vbroadcast v30, $0x0;
	v30 =	vshll.u32 v44, v4;
	v14 =	vld.idx.msk [tilespmem:v14+s17+$0x0], $0xffff  }
0x234: {  	v53 =	vld [tilespmem:s23+$0xFFFFFD30];
	v28 =	vadd.s32 v28, v12;
	v25 =	vbroadcast v25, $0x0;
	v30 =	vadd.s32 v30, v8  }
0x235: {  	s30 =	sadd.s32 $0xFFFFFFCE, s25;
	v28 =	vbroadcast v28, $0x0;
	v19 =	vld.idx.msk [tilespmem:v19+s17+$0x0], $0xffff;
	v49 =	vbroadcast v30, $0x0;
	v30 =	vshll.u32 v50, v4  }
0x236: {  	v54 =	vmov s30;
	v15 =	vld.idx.msk [tilespmem:v15+s17+$0x0], $0xffff;
	v30 =	vadd.s32 v30, v9;
	v17 =	vmul.f32 v17, v13  }
0x237: {  	v56 =	vshrl.u32 v54, $0x3;
	v22 =	vld.idx.msk [tilespmem:v22+s17+$0x0], $0xffff;
	v55 =	vbroadcast v30, $0x0;
	v13 =	vmul.f32 v18, v13  }
0x238: {  	v16 =	vld.idx.msk [tilespmem:v16+s17+$0x0], $0xffff;
	v30 =	vshll.u32 v56, v4;
	v20 =	vmul.f32 v20, v14;
	v17 =	vadd.f32 $0.0e+00, v17  }
0x239: {  	v36 =	vld [tilespmem:s23+$0xFFFFFD60];
	v30 =	vadd.s32 v30, v10;
	v14 =	vmul.f32 v21, v14;
	v13 =	vadd.f32 $0.0e+00, v13  }
0x23a: {  	v59 =	vld.idx.msk [tilespmem:v25+s17+$0x0], $0xffff;
	v45 =	vmul.f32 v29, v19;
	v18 =	vmul.f32 v57, v19;
	v17 =	vadd.f32 v20, v17  }
0x23b: {  	s29 =	sadd.s32 $0xFFFFFFD1, s25;
	v37 =	vld.idx.msk [tilespmem:v28+s17+$0x0], $0xffff;
	v13 =	vadd.f32 v14, v13;
	v14 =	vmul.f32 v23, v15;
	v15 =	vmul.f32 v24, v15  }
0x23c: {  	v42 =	vld [tilespmem:s23+$0xFFFFFD80];
	v44 =	vmov s29;
	v61 =	vbroadcast v30, $0x0;
	v51 =	vmul.f32 v31, v22  }
0x23d: {  	v48 =	vld [tilespmem:s23+$0xFFFFFDA0];
	s30 =	sadd.s32 $0xFFFFFFD2, s25;
	v14 =	vadd.f32 v14, v17;
	v13 =	vadd.f32 v15, v13;
	v15 =	vmul.f32 v26, v16  }
0x23e: {  	v54 =	vld [tilespmem:s23+$0xFFFFFDC0];
	v50 =	vmov s30;
	v21 =	vmul.f32 v58, v22;
	v16 =	vmul.f32 v27, v16  }
0x23f: {  	s31 =	sadd.s32 $0xFFFFFFCF, s25;
	v57 =	vmul.f32 v62, v59;
	v58 =	vld [tilespmem:s23+$0xFFFFFD40];
	v20 =	vmul.f32 v63, v59;
	v14 =	vadd.f32 v15, v14  }
0x240: {  	v63 =	vmul.f32 v40, v37;
	v15 =	vld.idx.msk [tilespmem:v60+s17+$0x0], $0xffff;
	v13 =	vadd.f32 v16, v13;
	v60 =	vmov s31  }
0x241: {  	s28 =	sadd.s32 $0xFFFFFFD0, s25;
	v59 =	vld [tilespmem:s23+$0xFFFFFD50];
	v17 =	vmul.f32 v41, v37;
	v62 =	vshrl.u32 v60, $0x3;
	v14 =	vadd.f32 v45, v14  }
0x242: {  	v16 =	vld.idx.msk [tilespmem:v38+s17+$0x0], $0xffff;
	v38 =	vmov s28;
	v13 =	vadd.f32 v18, v13;
	v30 =	vshll.u32 v62, v4  }
0x243: {  	v40 =	vshrl.u32 v38, $0x3;
	v45 =	vld.idx.msk [tilespmem:v61+s17+$0x0], $0xffff;
	v30 =	vadd.s32 v30, v11;
	v14 =	vadd.f32 v51, v14  }
0x244: {  	v13 =	vadd.f32 v21, v13;
	v21 =	vld.idx.msk [tilespmem:v49+s17+$0x0], $0xffff;
	v39 =	vbroadcast v30, $0x0;
	v30 =	vshll.u32 v40, v4  }
0x245: {  	v49 =	vld [tilespmem:s23+$0xFFFFFDB0];
	v41 =	vmul.f32 v46, v15;
	v15 =	vmul.f32 v47, v15;
	v30 =	vadd.s32 v30, v12  }
0x246: {  	v37 =	vld [tilespmem:s23+$0xFFFFFD70];
	s31 =	sadd.s32 $0xFFFFFFD3, s25;
	v47 =	vshrl.u32 v44, $0x3;
	v14 =	vadd.f32 v57, v14;
	v13 =	vadd.f32 v20, v13  }
0x247: {  	v56 =	vmov s31;
	v18 =	vld.idx.msk [tilespmem:v43+s17+$0x0], $0xffff;
	v46 =	vbroadcast v30, $0x0;
	v30 =	vshll.u32 v47, v4  }
0x248: {  	s29 =	sadd.s32 $0xFFFFFFD5, s25;
	s28 =	sadd.s32 $0xFFFFFFD4, s25;
	v43 =	vld [tilespmem:s23+$0xFFFFFD90];
	v30 =	vadd.s32 v5, v30;
	v14 =	vadd.f32 v63, v14;
	v13 =	vadd.f32 v17, v13  }
0x249: {  	v62 =	vmov s28;
	v40 =	vmov s29;
	v20 =	vld.idx.msk [tilespmem:v55+s17+$0x0], $0xffff;
	v51 =	vbroadcast v30, $0x0  }
0x24a: {  	v60 =	vld [tilespmem:s23+$0xFFFFFDE0];
	v17 =	vmul.f32 v49, v45;
	v14 =	vadd.f32 v41, v14;
	v13 =	vadd.f32 v15, v13  }
0x24b: {  	v38 =	vld [tilespmem:s23+$0xFFFFFE00];
	v15 =	vmul.f32 v52, v16;
	v16 =	vmul.f32 v53, v16;
	v52 =	vshrl.u32 v50, $0x3  }
0x24c: {  	v61 =	vld [tilespmem:s23+$0xFFFFFDF0];
	v53 =	vmul.f32 v58, v18;
	v18 =	vmul.f32 v59, v18;
	v58 =	vshrl.u32 v56, $0x3  }
0x24d: {  	v44 =	vld [tilespmem:s23+$0xFFFFFE20];
	v59 =	vmul.f32 v36, v21;
	v21 =	vmul.f32 v37, v21;
	v36 =	vshrl.u32 v62, $0x3  }
0x24e: {  	s31 =	sadd.s32 $0xFFFFFFD7, s25;
	v55 =	vld [tilespmem:s23+$0xFFFFFDD0];
	v30 =	vshll.u32 v52, v4;
	v37 =	vmul.f32 v42, v20;
	v19 =	vmul.f32 v43, v20  }
0x24f: {  	v50 =	vld [tilespmem:s23+$0xFFFFFE40];
	v42 =	vshrl.u32 v40, $0x3;
	v43 =	vmul.f32 v48, v45;
	v52 =	vmov s31  }
0x250: {  	s30 =	sadd.s32 $0xFFFFFFD6, s25;
	v14 =	vadd.f32 v15, v14;
	v15 =	vld.idx.msk [tilespmem:v39+s17+$0x0], $0xffff;
	v13 =	vadd.f32 v16, v13;
	v30 =	vadd.s32 v30, v6  }
0x251: {  	v16 =	vld.idx.msk [tilespmem:v46+s17+$0x0], $0xffff;
	v46 =	vmov s30;
	v57 =	vbroadcast v30, $0x0;
	v30 =	vshll.u32 v58, v4  }
0x252: {  	v56 =	vld [tilespmem:s23+$0xFFFFFE60];
	v48 =	vshrl.u32 v46, $0x3;
	v14 =	vadd.f32 v53, v14;
	v30 =	vadd.s32 v30, v7  }
0x253: {  	s28 =	sadd.s32 $0xFFFFFFD8, s25;
	s29 =	sadd.s32 $0xFFFFFFD9, s25;
	v62 =	vld [tilespmem:s23+$0xFFFFFE80];
	v13 =	vadd.f32 v18, v13;
	v63 =	vbroadcast v30, $0x0;
	v30 =	vshll.u32 v36, v4  }
0x254: {  	v45 =	vld [tilespmem:s23+$0xFFFFFE30];
	v58 =	vmov s28;
	v36 =	vmov s29;
	v30 =	vadd.s32 v30, v8  }
0x255: {  	v40 =	vld [tilespmem:s23+$0xFFFFFEA0];
	v14 =	vadd.f32 v59, v14;
	v13 =	vadd.f32 v21, v13;
	v41 =	vbroadcast v30, $0x0  }
0x256: {  	v39 =	vld [tilespmem:s23+$0xFFFFFE10];
	v30 =	vshll.u32 v42, v4;
	v49 =	vmul.f32 v54, v15;
	v15 =	vmul.f32 v55, v15  }
0x257: {  	v46 =	vld [tilespmem:s23+$0xFFFFFEC0];
	v14 =	vadd.f32 v37, v14;
	v13 =	vadd.f32 v19, v13;
	v30 =	vadd.s32 v30, v9  }
0x258: {  	v18 =	vld.idx.msk [tilespmem:v51+s17+$0x0], $0xffff;
	v55 =	vshrl.u32 v52, $0x3;
	v47 =	vbroadcast v30, $0x0;
	v30 =	vshll.u32 v48, v4  }
0x259: {  	s31 =	sadd.s32 $0xFFFFFFDB, s25;
	s30 =	sadd.s32 $0xFFFFFFDA, s25;
	v51 =	vld [tilespmem:s23+$0xFFFFFE50];
	v14 =	vadd.f32 v43, v14;
	v13 =	vadd.f32 v17, v13;
	v30 =	vadd.s32 v30, v10  }
0x25a: {  	v42 =	vmov s30;
	v52 =	vld [tilespmem:s23+$0xFFFFFEE0];
	v48 =	vmov s31;
	v54 =	vbroadcast v30, $0x0  }
0x25b: {  	v21 =	vld.idx.msk [tilespmem:v57+s17+$0x0], $0xffff;
	v30 =	vshll.u32 v55, v4;
	v14 =	vadd.f32 v49, v14;
	v13 =	vadd.f32 v15, v13  }
0x25c: {  	v57 =	vld [tilespmem:s23+$0xFFFFFE70];
	v15 =	vmul.f32 v60, v16;
	v16 =	vmul.f32 v61, v16;
	v30 =	vadd.s32 v30, v11  }
0x25d: {  	v19 =	vld.idx.msk [tilespmem:v63+s17+$0x0], $0xffff;
	v60 =	vshrl.u32 v58, $0x3;
	v61 =	vmul.f32 v38, v18;
	v18 =	vmul.f32 v39, v18  }
0x25e: {  	v63 =	vld [tilespmem:s23+$0xFFFFFE90];
	v38 =	vshrl.u32 v36, $0x3;
	v59 =	vbroadcast v30, $0x0;
	v30 =	vshll.u32 v60, v4  }
0x25f: {  	v36 =	vld [tilespmem:s23+$0xFFFFFF20];
	v14 =	vadd.f32 v15, v14;
	v13 =	vadd.f32 v16, v13;
	v30 =	vadd.s32 v30, v12  }
0x260: {  	s30 =	sadd.s32 $0xFFFFFFDE, s25;
	v53 =	vld.idx.msk [tilespmem:v41+s17+$0x0], $0xffff;
	v39 =	vmul.f32 v44, v21;
	v21 =	vmul.f32 v45, v21;
	v44 =	vshrl.u32 v42, $0x3  }
0x261: {  	v41 =	vld [tilespmem:s23+$0xFFFFFEB0];
	v37 =	vbroadcast v30, $0x0;
	v30 =	vshll.u32 v38, v4;
	v38 =	vmov s30  }
0x262: {  	v60 =	vld [tilespmem:s23+$0xFFFFFF10];
	v14 =	vadd.f32 v61, v14;
	v13 =	vadd.f32 v18, v13;
	v30 =	vadd.s32 v5, v30  }
0x263: {  	s29 =	sadd.s32 $0xFFFFFFDD, s25;
	v42 =	vld [tilespmem:s23+$0xFFFFFF40];
	v45 =	vmul.f32 v50, v19;
	v19 =	vmul.f32 v51, v19;
	v50 =	vshrl.u32 v48, $0x3  }
0x264: {  	s28 =	sadd.s32 $0xFFFFFFDC, s25;
	s31 =	sadd.s32 $0xFFFFFFDF, s25;
	v15 =	vld.idx.msk [tilespmem:v47+s17+$0x0], $0xffff;
	v61 =	vmov s29;
	v43 =	vbroadcast v30, $0x0;
	v30 =	vshll.u32 v44, v4  }
0x265: {  	v16 =	vld.idx.msk [tilespmem:v54+s17+$0x0], $0xffff;
	v54 =	vmov s28;
	v35 =	vshrl.u32 v61, $0x3;
	v44 =	vmov s31  }
0x266: {  	v47 =	vld [tilespmem:s23+$0xFFFFFED0];
	v14 =	vadd.f32 v39, v14;
	v13 =	vadd.f32 v21, v13;
	v30 =	vadd.s32 v30, v6  }
0x267: {  	v48 =	vld [tilespmem:s23+$0xFFFFFF60];
	v51 =	vmul.f32 v56, v53;
	v17 =	vmul.f32 v57, v53;
	v57 =	vshrl.u32 v54, $0x3  }
0x268: {  	v61 =	vld [tilespmem:s23+$0xFFFFFFB0];
	v49 =	vbroadcast v30, $0x0;
	v30 =	vshll.u32 v50, v4;
	v14 =	vadd.f32 v45, v14  }
0x269: {  	v53 =	vld [tilespmem:s23+$0xFFFFFEF0];
	v13 =	vadd.f32 v19, v13;
	v30 =	vadd.s32 v30, v7;
	v58 =	vmul.f32 v62, v15  }
0x26a: {  	v18 =	vld.idx.msk [tilespmem:v59+s17+$0x0], $0xffff;
	v15 =	vmul.f32 v63, v15;
	v56 =	vbroadcast v30, $0x0;
	v30 =	vshll.u32 v57, v4  }
0x26b: {  	s28 =	sadd.s32 $0xFFFFFFE0, s25;
	v54 =	vld [tilespmem:s23+$0xFFFFFF80];
	v14 =	vadd.f32 v51, v14;
	v13 =	vadd.f32 v17, v13;
	v30 =	vadd.s32 v30, v8  }
0x26c: {  	v59 =	vld [tilespmem:s23+$0xFFFFFF00];
	v50 =	vmov s28;
	v63 =	vbroadcast v30, $0x0;
	v30 =	vshll.u32 v35, v4  }
0x26d: {  	v21 =	vld.idx.msk [tilespmem:v37+s17+$0x0], $0xffff;
	v14 =	vadd.f32 v58, v14;
	v13 =	vadd.f32 v15, v13;
	v15 =	vmul.f32 v40, v16  }
0x26e: {  	v37 =	vld [tilespmem:s23+$0xFFFFFF30];
	v16 =	vmul.f32 v41, v16;
	v30 =	vadd.s32 v30, v9;
	v40 =	vshrl.u32 v38, $0x3  }
0x26f: {  	s31 =	sadd.s32 $0xFFFFFFE3, s25;
	v55 =	vld.idx.msk [tilespmem:v43+s17+$0x0], $0xffff;
	v41 =	vmul.f32 v46, v18;
	v18 =	vmul.f32 v47, v18;
	v46 =	vshrl.u32 v44, $0x3  }
0x270: {  	v43 =	vld [tilespmem:s23+$0xFFFFFF50];
	v39 =	vbroadcast v30, $0x0;
	v30 =	vshll.u32 v40, v4;
	v40 =	vmov s31  }
0x271: {  	v38 =	vld [tilespmem:s23+$0xFFFFFFC0];
	v14 =	vadd.f32 v15, v14;
	v13 =	vadd.f32 v16, v13;
	v30 =	vadd.s32 v30, v10  }
0x272: {  	s29 =	sadd.s32 $0xFFFFFFE1, s25;
	v62 =	vld.idx.msk [tilespmem:v49+s17+$0x0], $0xffff;
	v47 =	vmul.f32 v52, v21;
	v21 =	vmul.f32 v53, v21;
	v52 =	vshrl.u32 v50, $0x3  }
0x273: {  	s28 =	sadd.s32 $0xFFFFFFE4, s25;
	v15 =	vld.idx.msk [tilespmem:v56+s17+$0x0], $0xffff;
	v45 =	vbroadcast v30, $0x0;
	v30 =	vshll.u32 v46, v4;
	v56 =	vmov s29  }
0x274: {  	v44 =	vld [tilespmem:s23+$0xFFFFFFE0];
	v46 =	vmov s28;
	v14 =	vadd.f32 v41, v14;
	v13 =	vadd.f32 v18, v13  }
0x275: {  	v49 =	vld [tilespmem:s23+$0xFFFFFF70];
	v30 =	vadd.s32 v30, v11;
	v53 =	vmul.f32 v59, v55;
	v19 =	vmul.f32 v60, v55  }
0x276: {  	v50 =	vld [tilespmem:s23+$0x0];
	s29 =	sadd.s32 $0xFFFFFFE5, s25;
	v58 =	vshrl.u32 v56, $0x3;
	v51 =	vbroadcast v30, $0x0;
	v30 =	vshll.u32 v52, v4  }
0x277: {  	v55 =	vld [tilespmem:s23+$0xFFFFFF90];
	v52 =	vmov s29;
	v14 =	vadd.f32 v47, v14;
	v13 =	vadd.f32 v21, v13  }
0x278: {  	s30 =	sadd.s32 $0xFFFFFFE2, s25;
	v60 =	vld [tilespmem:s23+$0xFFFFFFA0];
	v30 =	vadd.s32 v30, v12;
	v59 =	vmul.f32 v36, v62;
	v17 =	vmul.f32 v37, v62  }
0x279: {  	v56 =	vld [tilespmem:s23+$0x20];
	v62 =	vmov s30;
	s30 =	sadd.s32 $0xFFFFFFE6, s25;
	v57 =	vbroadcast v30, $0x0;
	v30 =	vshll.u32 v58, v4  }
0x27a: {  	v16 =	vld.idx.msk [tilespmem:v63+s17+$0x0], $0xffff;
	v36 =	vshrl.u32 v62, $0x3;
	v58 =	vmov s30;
	v14 =	vadd.f32 v53, v14  }
0x27b: {  	v18 =	vld.idx.msk [tilespmem:v39+s17+$0x0], $0xffff;
	v13 =	vadd.f32 v19, v13;
	v30 =	vadd.s32 v5, v30;
	v37 =	vmul.f32 v42, v15  }
0x27c: {  	v39 =	vld [tilespmem:s23+$0xFFFFFFD0];
	v15 =	vmul.f32 v43, v15;
	v63 =	vbroadcast v30, $0x0;
	v30 =	vshll.u32 v36, v4  }
0x27d: {  	s31 =	sadd.s32 $0xFFFFFFE7, s25;
	v62 =	vld [tilespmem:s23+$0x40];
	v14 =	vadd.f32 v59, v14;
	v13 =	vadd.f32 v17, v13;
	v30 =	vadd.s32 v30, v6  }
0x27e: {  	v43 =	vshrl.u32 v40, $0x3;
	v40 =	vld [tilespmem:s23+$0x60];
	v36 =	vmov s31;
	v42 =	vbroadcast v30, $0x0  }
0x27f: {  	v21 =	vld.idx.msk [tilespmem:v45+s17+$0x0], $0xffff;
	v30 =	vshll.u32 v43, v4;
	v14 =	vadd.f32 v37, v14;
	v13 =	vadd.f32 v15, v13  }
0x280: {  	v45 =	vld [tilespmem:s23+$0xFFFFFFF0];
	v15 =	vmul.f32 v48, v16;
	v16 =	vmul.f32 v49, v16;
	v30 =	vadd.s32 v30, v7  }
0x281: {  	v19 =	vld.idx.msk [tilespmem:v51+s17+$0x0], $0xffff;
	v48 =	vshrl.u32 v46, $0x3;
	v49 =	vmul.f32 v54, v18;
	v18 =	vmul.f32 v55, v18  }
0x282: {  	s29 =	sadd.s32 $0xFFFFFFE9, s25;
	v51 =	vld [tilespmem:s23+$0x10];
	v54 =	vshrl.u32 v52, $0x3;
	v47 =	vbroadcast v30, $0x0;
	v30 =	vshll.u32 v48, v4  }
0x283: {  	v46 =	vld [tilespmem:s23+$0x80];
	v48 =	vmov s29;
	v14 =	vadd.f32 v15, v14;
	v13 =	vadd.f32 v16, v13  }
0x284: {  	v52 =	vld [tilespmem:s23+$0xA0];
	v30 =	vadd.s32 v30, v8;
	v55 =	vmul.f32 v60, v21;
	v21 =	vmul.f32 v61, v21  }
0x285: {  	s30 =	sadd.s32 $0xFFFFFFEA, s25;
	v41 =	vld.idx.msk [tilespmem:v57+s17+$0x0], $0xffff;
	v60 =	vshrl.u32 v58, $0x3;
	v53 =	vbroadcast v30, $0x0;
	v30 =	vshll.u32 v54, v4  }
0x286: {  	v57 =	vld [tilespmem:s23+$0x30];
	v54 =	vmov s30;
	v14 =	vadd.f32 v49, v14;
	v13 =	vadd.f32 v18, v13  }
0x287: {  	v58 =	vld [tilespmem:s23+$0xC0];
	v30 =	vadd.s32 v30, v9;
	v61 =	vmul.f32 v38, v19;
	v19 =	vmul.f32 v39, v19  }
0x288: {  	s28 =	sadd.s32 $0xFFFFFFE8, s25;
	s31 =	sadd.s32 $0xFFFFFFEB, s25;
	v15 =	vld.idx.msk [tilespmem:v63+s17+$0x0], $0xffff;
	v38 =	vshrl.u32 v36, $0x3;
	v59 =	vbroadcast v30, $0x0;
	v30 =	vshll.u32 v60, v4  }
0x289: {  	v16 =	vld.idx.msk [tilespmem:v42+s17+$0x0], $0xffff;
	v42 =	vmov s28;
	v60 =	vmov s31;
	v14 =	vadd.f32 v55, v14  }
0x28a: {  	v63 =	vld [tilespmem:s23+$0x50];
	v13 =	vadd.f32 v21, v13;
	v30 =	vadd.s32 v30, v10;
	v39 =	vmul.f32 v44, v41  }
0x28b: {  	v36 =	vld [tilespmem:s23+$0xE0];
	s28 =	sadd.s32 $0xFFFFFFEC, s25;
	v17 =	vmul.f32 v45, v41;
	v44 =	vshrl.u32 v42, $0x3;
	v37 =	vbroadcast v30, $0x0  }
0x28c: {  	v41 =	vld [tilespmem:s23+$0x70];
	v30 =	vshll.u32 v38, v4;
	v38 =	vmov s28;
	v14 =	vadd.f32 v61, v14  }
0x28d: {  	v42 =	vld [tilespmem:s23+$0x100];
	v13 =	vadd.f32 v19, v13;
	v30 =	vadd.s32 v30, v11;
	v45 =	vmul.f32 v50, v15  }
0x28e: {  	v18 =	vld.idx.msk [tilespmem:v47+s17+$0x0], $0xffff;
	v15 =	vmul.f32 v51, v15;
	v43 =	vbroadcast v30, $0x0;
	v30 =	vshll.u32 v44, v4  }
0x28f: {  	s29 =	sadd.s32 $0xFFFFFFED, s25;
	v47 =	vld [tilespmem:s23+$0x90];
	v14 =	vadd.f32 v39, v14;
	v13 =	vadd.f32 v17, v13;
	v30 =	vadd.s32 v30, v12  }
0x290: {  	v51 =	vshrl.u32 v48, $0x3;
	v48 =	vld [tilespmem:s23+$0x120];
	v44 =	vmov s29;
	v50 =	vbroadcast v30, $0x0  }
0x291: {  	v21 =	vld.idx.msk [tilespmem:v53+s17+$0x0], $0xffff;
	v30 =	vshll.u32 v51, v4;
	v14 =	vadd.f32 v45, v14;
	v13 =	vadd.f32 v15, v13  }
0x292: {  	v53 =	vld [tilespmem:s23+$0xB0];
	v15 =	vmul.f32 v56, v16;
	v16 =	vmul.f32 v57, v16;
	v30 =	vadd.s32 v5, v30  }
0x293: {  	v19 =	vld.idx.msk [tilespmem:v59+s17+$0x0], $0xffff;
	v56 =	vshrl.u32 v54, $0x3;
	v57 =	vmul.f32 v62, v18;
	v18 =	vmul.f32 v63, v18  }
0x294: {  	v59 =	vld [tilespmem:s23+$0xD0];
	v62 =	vshrl.u32 v60, $0x3;
	v55 =	vbroadcast v30, $0x0;
	v30 =	vshll.u32 v56, v4  }
0x295: {  	v60 =	vld [tilespmem:s23+$0x160];
	v14 =	vadd.f32 v15, v14;
	v13 =	vadd.f32 v16, v13;
	v30 =	vadd.s32 v30, v6  }
0x296: {  	s28 =	sadd.s32 $0xFFFFFFF0, s25;
	v49 =	vld.idx.msk [tilespmem:v37+s17+$0x0], $0xffff;
	v63 =	vmul.f32 v40, v21;
	v21 =	vmul.f32 v41, v21;
	v40 =	vshrl.u32 v38, $0x3  }
0x297: {  	v37 =	vld [tilespmem:s23+$0xF0];
	v61 =	vbroadcast v30, $0x0;
	v30 =	vshll.u32 v62, v4;
	v62 =	vmov s28  }
0x298: {  	v56 =	vld [tilespmem:s23+$0x150];
	v14 =	vadd.f32 v57, v14;
	v13 =	vadd.f32 v18, v13;
	v30 =	vadd.s32 v30, v7  }
0x299: {  	s31 =	sadd.s32 $0xFFFFFFEF, s25;
	v38 =	vld [tilespmem:s23+$0x180];
	v41 =	vmul.f32 v46, v19;
	v19 =	vmul.f32 v47, v19;
	v46 =	vshrl.u32 v44, $0x3  }
0x29a: {  	s30 =	sadd.s32 $0xFFFFFFEE, s25;
	s29 =	sadd.s32 $0xFFFFFFF1, s25;
	v15 =	vld.idx.msk [tilespmem:v43+s17+$0x0], $0xffff;
	v57 =	vmov s31;
	v39 =	vbroadcast v30, $0x0;
	v30 =	vshll.u32 v40, v4  }
0x29b: {  	v16 =	vld.idx.msk [tilespmem:v50+s17+$0x0], $0xffff;
	v50 =	vmov s30;
	v40 =	vmov s29;
	v14 =	vadd.f32 v63, v14  }
0x29c: {  	v43 =	vld [tilespmem:s23+$0x110];
	v13 =	vadd.f32 v21, v13;
	v30 =	vadd.s32 v30, v8;
	v47 =	vmul.f32 v52, v49  }
0x29d: {  	v44 =	vld [tilespmem:s23+$0x1A0];
	v17 =	vmul.f32 v53, v49;
	v53 =	vshrl.u32 v50, $0x3;
	v45 =	vbroadcast v30, $0x0  }
0x29e: {  	v49 =	vld [tilespmem:s23+$0x130];
	v30 =	vshll.u32 v46, v4;
	v14 =	vadd.f32 v41, v14;
	v13 =	vadd.f32 v19, v13  }
0x29f: {  	v50 =	vld [tilespmem:s23+$0x1C0];
	v30 =	vadd.s32 v30, v9;
	v54 =	vmul.f32 v58, v15;
	v15 =	vmul.f32 v59, v15  }
0x2a0: {  	v18 =	vld.idx.msk [tilespmem:v55+s17+$0x0], $0xffff;
	v59 =	vshrl.u32 v57, $0x3;
	v52 =	vbroadcast v30, $0x0;
	v30 =	vshll.u32 v53, v4  }
0x2a1: {  	s30 =	sadd.s32 $0xFFFFFFF2, s25;
	v55 =	vld [tilespmem:s23+$0x140];
	v14 =	vadd.f32 v47, v14;
	v13 =	vadd.f32 v17, v13;
	v30 =	vadd.s32 v30, v10  }
0x2a2: {  	s28 =	sadd.s32 $0xFFFFFFF4, s25;
	v46 =	vmov s30;
	v57 =	vld [tilespmem:s23+$0x1E0];
	v58 =	vbroadcast v30, $0x0;
	v30 =	vshll.u32 v59, v4  }
0x2a3: {  	v21 =	vld.idx.msk [tilespmem:v61+s17+$0x0], $0xffff;
	v59 =	vmov s28;
	v14 =	vadd.f32 v54, v14;
	v13 =	vadd.f32 v15, v13  }
0x2a4: {  	v61 =	vld [tilespmem:s23+$0x170];
	v15 =	vmul.f32 v36, v16;
	v16 =	vmul.f32 v37, v16;
	v30 =	vadd.s32 v30, v11  }
0x2a5: {  	v51 =	vld.idx.msk [tilespmem:v39+s17+$0x0], $0xffff;
	v36 =	vshrl.u32 v62, $0x3;
	v37 =	vmul.f32 v42, v18;
	v18 =	vmul.f32 v43, v18  }
0x2a6: {  	v39 =	vld [tilespmem:s23+$0x190];
	v42 =	vshrl.u32 v40, $0x3;
	v63 =	vbroadcast v30, $0x0;
	v30 =	vshll.u32 v36, v4  }
0x2a7: {  	v40 =	vld [tilespmem:s23+$0x220];
	v14 =	vadd.f32 v15, v14;
	v13 =	vadd.f32 v16, v13;
	v30 =	vadd.s32 v30, v12  }
0x2a8: {  	s31 =	sadd.s32 $0xFFFFFFF3, s25;
	v17 =	vld.idx.msk [tilespmem:v45+s17+$0x0], $0xffff;
	v43 =	vmul.f32 v48, v21;
	v21 =	vmul.f32 v49, v21;
	v48 =	vshrl.u32 v46, $0x3  }
0x2a9: {  	s30 =	sadd.s32 $0xFFFFFFF6, s25;
	v15 =	vld.idx.msk [tilespmem:v52+s17+$0x0], $0xffff;
	v41 =	vbroadcast v30, $0x0;
	v30 =	vshll.u32 v42, v4;
	v52 =	vmov s31  }
0x2aa: {  	v45 =	vld [tilespmem:s23+$0x1B0];
	v42 =	vmov s30;
	v14 =	vadd.f32 v37, v14;
	v13 =	vadd.f32 v18, v13  }
0x2ab: {  	s29 =	sadd.s32 $0xFFFFFFF5, s25;
	v36 =	vld [tilespmem:s23+$0x210];
	v30 =	vadd.s32 v5, v30;
	v49 =	vmul.f32 v55, v51;
	v19 =	vmul.f32 v56, v51  }
0x2ac: {  	v46 =	vld [tilespmem:s23+$0x240];
	s31 =	sadd.s32 $0xFFFFFFF7, s25;
	v55 =	vshrl.u32 v52, $0x3;
	v37 =	vmov s29;
	v47 =	vbroadcast v30, $0x0  }
0x2ad: {  	v51 =	vld [tilespmem:s23+$0x1D0];
	v30 =	vshll.u32 v48, v4;
	v48 =	vmov s31;
	v14 =	vadd.f32 v43, v14  }
0x2ae: {  	v52 =	vld [tilespmem:s23+$0x260];
	v13 =	vadd.f32 v21, v13;
	v30 =	vadd.s32 v30, v6;
	v56 =	vmul.f32 v60, v17  }
0x2af: {  	v16 =	vld.idx.msk [tilespmem:v58+s17+$0x0], $0xffff;
	v17 =	vmul.f32 v61, v17;
	v61 =	vshrl.u32 v59, $0x3;
	v54 =	vbroadcast v30, $0x0  }
0x2b0: {  	v58 =	vld [tilespmem:s23+$0x1F0];
	v30 =	vshll.u32 v55, v4;
	v14 =	vadd.f32 v49, v14;
	v13 =	vadd.f32 v19, v13  }
0x2b1: {  	v59 =	vld [tilespmem:s23+$0x280];
	v30 =	vadd.s32 v30, v7;
	v62 =	vmul.f32 v38, v15;
	v15 =	vmul.f32 v39, v15  }
0x2b2: {  	s29 =	sadd.s32 $0xFFFFFFF9, s25;
	v18 =	vld.idx.msk [tilespmem:v63+s17+$0x0], $0xffff;
	v39 =	vshrl.u32 v37, $0x3;
	v60 =	vbroadcast v30, $0x0;
	v30 =	vshll.u32 v61, v4  }
0x2b3: {  	v63 =	vld [tilespmem:s23+$0x200];
	v61 =	vmov s29;
	v14 =	vadd.f32 v56, v14;
	v30 =	vadd.s32 v30, v8  }
0x2b4: {  	s30 =	sadd.s32 $0xFFFFFFFA, s25;
	v37 =	vld [tilespmem:s23+$0x2A0];
	v13 =	vadd.f32 v17, v13;
	v35 =	vshrl.u32 v61, $0x3;
	v38 =	vbroadcast v30, $0x0  }
0x2b5: {  	v53 =	vld.idx.msk [tilespmem:v41+s17+$0x0], $0xffff;
	v30 =	vshll.u32 v39, v4;
	v39 =	vmov s30;
	v14 =	vadd.f32 v62, v14  }
0x2b6: {  	v41 =	vld [tilespmem:s23+$0x230];
	v13 =	vadd.f32 v15, v13;
	v15 =	vmul.f32 v44, v16;
	v16 =	vmul.f32 v45, v16  }
0x2b7: {  	v61 =	vld [tilespmem:s23+$0x320];
	v30 =	vadd.s32 v30, v9;
	v44 =	vshrl.u32 v42, $0x3;
	v45 =	vmul.f32 v50, v18  }
0x2b8: {  	s28 =	sadd.s32 $0xFFFFFFF8, s25;
	v19 =	vld.idx.msk [tilespmem:v47+s17+$0x0], $0xffff;
	v18 =	vmul.f32 v51, v18;
	v50 =	vshrl.u32 v48, $0x3;
	v43 =	vbroadcast v30, $0x0  }
0x2b9: {  	v17 =	vld.idx.msk [tilespmem:v54+s17+$0x0], $0xffff;
	v30 =	vshll.u32 v44, v4;
	v54 =	vmov s28;
	v14 =	vadd.f32 v15, v14  }
0x2ba: {  	v47 =	vld [tilespmem:s23+$0x250];
	v13 =	vadd.f32 v16, v13;
	v30 =	vadd.s32 v30, v10;
	v51 =	vmul.f32 v57, v53  }
0x2bb: {  	v48 =	vld [tilespmem:s23+$0x2E0];
	s28 =	sadd.s32 $0xFFFFFFFC, s25;
	v21 =	vmul.f32 v58, v53;
	v57 =	vshrl.u32 v54, $0x3;
	v49 =	vbroadcast v30, $0x0  }
0x2bc: {  	v44 =	vld [tilespmem:s23+$0x2D0];
	v30 =	vshll.u32 v50, v4;
	v50 =	vmov s28;
	v14 =	vadd.f32 v45, v14  }
0x2bd: {  	s31 =	sadd.s32 $0xFFFFFFFB, s25;
	v53 =	vld [tilespmem:s23+$0x270];
	v13 =	vadd.f32 v18, v13;
	v30 =	vadd.s32 v30, v11;
	v58 =	vmul.f32 v63, v19  }
0x2be: {  	v15 =	vld.idx.msk [tilespmem:v60+s17+$0x0], $0xffff;
	v19 =	vmul.f32 v36, v19;
	v45 =	vmov s31;
	v56 =	vbroadcast v30, $0x0  }
0x2bf: {  	v54 =	vld [tilespmem:s23+$0x300];
	v30 =	vshll.u32 v57, v4;
	v14 =	vadd.f32 v51, v14;
	v13 =	vadd.f32 v21, v13  }
0x2c0: {  	v60 =	vld [tilespmem:s23+$0x290];
	v30 =	vadd.s32 v30, v12;
	v36 =	vmul.f32 v40, v17;
	v17 =	vmul.f32 v41, v17  }
0x2c1: {  	v16 =	vld.idx.msk [tilespmem:v38+s17+$0x0], $0xffff;
	v41 =	vshrl.u32 v39, $0x3;
	v63 =	vbroadcast v30, $0x0;
	v30 =	vshll.u32 v35, v4  }
0x2c2: {  	v38 =	vld [tilespmem:s23+$0x2B0];
	v14 =	vadd.f32 v58, v14;
	v13 =	vadd.f32 v19, v13;
	v30 =	vadd.s32 v5, v30  }
0x2c3: {  	v55 =	vld.idx.msk [tilespmem:v43+s17+$0x0], $0xffff;
	v42 =	vmul.f32 v46, v15;
	v40 =	vbroadcast v30, $0x0;
	v30 =	vshll.u32 v41, v4  }
0x2c4: {  	v43 =	vld [tilespmem:s23+$0x2C0];
	v15 =	vmul.f32 v47, v15;
	v14 =	vadd.f32 v36, v14;
	v30 =	vadd.s32 v30, v6  }
0x2c5: {  	s29 =	sadd.s32 $0xFFFFFFFD, s25;
	v47 =	vshrl.u32 v45, $0x3;
	v45 =	vld [tilespmem:s23+$0x370];
	v13 =	vadd.f32 v17, v13;
	v46 =	vbroadcast v30, $0x0  }
0x2c6: {  	v19 =	vld.idx.msk [tilespmem:v56+s17+$0x0], $0xffff;
	v30 =	vshll.u32 v47, v4;
	v56 =	vmov s29;
	v14 =	vadd.f32 v42, v14  }
0x2c7: {  	v62 =	vld.idx.msk [tilespmem:v49+s17+$0x0], $0xffff;
	v13 =	vadd.f32 v15, v13;
	v15 =	vmul.f32 v52, v16;
	v16 =	vmul.f32 v53, v16  }
0x2c8: {  	s31 =	sadd.s32 $0xFFFFFFFF, s25;
	v49 =	vld [tilespmem:s23+$0x2F0];
	v30 =	vadd.s32 v30, v7;
	v52 =	vshrl.u32 v50, $0x3;
	v53 =	vmul.f32 v59, v55  }
0x2c9: {  	s30 =	sadd.s32 $0xFFFFFFFE, s25;
	v41 =	vld [tilespmem:s23+$0x350];
	v18 =	vmul.f32 v60, v55;
	v59 =	vshrl.u32 v56, $0x3;
	v42 =	vmov s31  }
0x2ca: {  	v17 =	vld.idx.msk [tilespmem:v63+s17+$0x0], $0xffff;
	v51 =	vbroadcast v30, $0x0;
	v30 =	vshll.u32 v52, v4;
	v63 =	vmov s30  }
0x2cb: {  	v55 =	vld [tilespmem:s23+$0x310];
	v32 =	vshrl.u32 v42, $0x3;
	v14 =	vadd.f32 v15, v14;
	v13 =	vadd.f32 v16, v13  }
0x2cc: {  	v30 =	vadd.s32 v30, v8;
	v60 =	vmul.f32 v37, v62;
	v21 =	vmul.f32 v38, v62;
	v62 =	vld [tilespmem:s23+$0x330]  }
0x2cd: {  	v38 =	vshrl.u32 v63, $0x3;
	v15 =	vld.idx.msk [tilespmem:v40+s17+$0x0], $0xffff;
	v58 =	vbroadcast v30, $0x0;
	v30 =	vshll.u32 v59, v4  }
0x2ce: {  	v40 =	vld [tilespmem:s23+$0x340];
	v14 =	vadd.f32 v53, v14;
	v13 =	vadd.f32 v18, v13;
	v30 =	vadd.s32 v30, v9  }
0x2cf: {  	v39 =	vmul.f32 v43, v19;
	v19 =	vmul.f32 v44, v19;
	v43 =	vld [tilespmem:s23+$0x360];
	v44 =	vshll.u32 v32, v4  }
0x2d0: {  	v53 =	vld [tilespmem:s23+$0x3A0];
	v37 =	vbroadcast v30, $0x0;
	v30 =	vshll.u32 v38, v4;
	v14 =	vadd.f32 v60, v14  }
0x2d1: {  	v57 =	vld.idx.msk [tilespmem:v46+s17+$0x0], $0xffff;
	v46 =	vshrl.u32 v33, $0x3;
	v13 =	vadd.f32 v21, v13;
	v30 =	vadd.s32 v30, v10  }
0x2d2: {  	v26 =	vmul.f32 v48, v17;
	v21 =	vadd.s32 v44, v11;
	v48 =	vld [tilespmem:s23+$0x380];
	v14 =	vadd.f32 v39, v14  }
0x2d3: {  	v17 =	vmul.f32 v49, v17;
	v36 =	vld.idx.msk [tilespmem:v51+s17+$0x0], $0xffff;
	v30 =	vbroadcast v30, $0x0;
	v13 =	vadd.f32 v19, v13  }
0x2d4: {  	v27 =	vshll.u32 v46, v4;
	v49 =	vld [tilespmem:s23+$0x390];
	v47 =	vmul.f32 v54, v15;
	v14 =	vadd.f32 v26, v14  }
0x2d5: {  	v21 =	vbroadcast v21, $0x0;
	v15 =	vmul.f32 v55, v15;
	v28 =	vld.idx.msk [tilespmem:v58+s17+$0x0], $0xffff;
	v13 =	vadd.f32 v17, v13  }
0x2d6: {  	v60 =	vld [tilespmem:s23+$0x3E0];
	v50 =	vadd.s32 v27, v12;
	v51 =	vmul.f32 v61, v57;
	v14 =	vadd.f32 v47, v14  }
0x2d7: {  	v20 =	vbroadcast v50, $0x0;
	v25 =	vld.idx.msk [tilespmem:v37+s17+$0x0], $0xffff;
	v13 =	vadd.f32 v15, v13;
	v15 =	vmul.f32 v62, v57  }
0x2d8: {  	v55 =	vld [tilespmem:s23+$0x3B0];
	v54 =	vmul.f32 v40, v36;
	v14 =	vadd.f32 v51, v14  }
0x2d9: {  	v52 =	vld.idx.msk [tilespmem:v30+s17+$0x0], $0xffff;
	v13 =	vadd.f32 v15, v13;
	v15 =	vmul.f32 v41, v36  }
0x2da: {  	v57 =	vld [tilespmem:s23+$0x3C0];
	v19 =	vmul.f32 v43, v28;
	v14 =	vadd.f32 v54, v14  }
0x2db: {  	v56 =	vld.idx.msk [tilespmem:v21+s17+$0x0], $0xffff;
	v13 =	vadd.f32 v15, v13;
	v15 =	vmul.f32 v45, v28  }
0x2dc: {  	v58 =	vld [tilespmem:s23+$0x3D0];
	v59 =	vmul.f32 v48, v25;
	v14 =	vadd.f32 v19, v14  }
0x2dd: {  	v20 =	vld.idx.msk [tilespmem:v20+s17+$0x0], $0xffff;
	v13 =	vadd.f32 v15, v13;
	v15 =	vmul.f32 v49, v25  }
0x2de: {  	v61 =	vld [tilespmem:s23+$0x3F0];
	v16 =	vmul.f32 v53, v52;
	v14 =	vadd.f32 v59, v14  }
0x2df: {  	v13 =	vadd.f32 v15, v13;
	v15 =	vmul.f32 v55, v52  }
0x2e0: {  	v62 =	vmul.f32 v57, v56;
	v14 =	vadd.f32 v16, v14  }
0x2e1: {  	v13 =	vadd.f32 v15, v13;
	v15 =	vmul.f32 v58, v56  }
0x2e2: {  	p1 =	sne.s32 s25, $0x1FF;
	v63 =	vmul.f32 v60, v20;
	v14 =	vadd.f32 v62, v14  }
.Ltmp5:
0x2e3: {  	v13 =	vadd.f32 v15, v13;
	v15 =	vmul.f32 v61, v20;
	(pc) =	sbr.rel @p1 .LBB2_4-.Ltmp5, $4  }
0x2e4: {  	v14 =	vadd.f32 v63, v14  }
0x2e5: {  	v13 =	vadd.f32 v15, v13  }
0x2e6: {  	[tilespmem:s22+$0xFFFFFFF0] =	vst v14  }
0x2e7: {  	s25 =	sadd.s32 $0x40, s25;
	s23 =	sadd.s32 $0x800, s23;
	[tilespmem:s22+$0x0] =	vst v13;
	s22 =	sadd.s32 $0x20, s22  }
.Ltmp6:
0x2e8: {  	s21 =	sshll.u32 s21, $0x8;
	(pc) =	sbr.rel .LBB2_6-.Ltmp6, $4  }
0x2e9: {  	s21 =	sadd.s32 s12, s21  }
0x2ea: {  	s21 =	sshrl.u32 s21, $0x3  }
0x2eb: {  	s20 =	sadd.s32 $0x5, s20;
	s21 =	sadd.s32 s1, s21  }
0x2ec: {  	[hbm4b:s21+s3] =	stream.linear.scatter [tilespmem:s24], [sflag:s20], $0x100, $0x38;
	[tilespmem:$0x8D20] =	vst v63  }
.LBB2_8:
0x2ed: {  	_ =	sfence.sel $0x180000  }
0x2ee: {  	[bflag:$0x0] =	sbarrier.arrive $0xFFFF  }
0x2ef: {  	p0 =	sne.s32 s2, $0x0;
	_ =	strace $0x90000047  }
0x2f0: {  	s0 =	sadd.s32 @!p0 $0x100000, s0;
	[bflag:$0x2] =	sbarrier.arrive $0xFFFF  }
0x2f1: {  	[sflag:s0] =	ssyncadd.tile.s32 @!p0 $0x1;
	_ =	shalt  }
.Lfunc_end2:
_tile_overlayer_lowered:
.L_overlay_start_2:
0x2f2: {  	(tag) =	ssettag $0x2  }
0x2f3: {  	s0 =	rddreg [dreg:$0x0];
	s2 =	stileid.u32  }
0x2f4: {  	s1 =	rddreg [dreg:$0x1];
	p0 =	sne.s32 s2, $0x0  }
0x2f5: {  	s3 =	rddreg [dreg:$0x2];
	[bflag:$0x3] =	sbarrier.arrive $0xFFFF;
	s2 =	simm.s32 @!p0 $0x1C07  }
0x2f6: {  	[timem:s3], [sflag:s2] =	dma.local @!p0 [hbm:s0], s1  }
0x2f7: {  	s0 =	simm.s32 @!p0 $0x7  }
0x2f8: {  	_ =	swait.ge @!p0 [sflag:s0], s1  }
0x2f9: {  	s1 =	ssub.s32 @!p0 $0x0, s1;
	[sflag:s0] =	ssyncset.done @!p0 $0x0  }
0x2fa: {  	[sflag:s0] =	ssyncadd.s32 @!p0 s1  }
0x2fb: {  	[bflag:$0x3] =	sbarrier.arrive $0xFFFF  }
0x2fc: {  	_ =	shalt  }

</sc_bundles>
